<compile_context>
chip_gen: v7x
topology: tpu7x:2x2x1
jax: 0.10.2.dev20260603
libtpu: 0.0.44.dev20260713+nightly
codegen_flags: <defaults>
</compile_context>

<pallas_src>
import functools

import jax
import jax.numpy as jnp
from jax import lax
from jax.experimental import pallas as pl
from jax.experimental.pallas import tpu as pltpu
from jax.experimental.pallas import tpu_sc as plsc

_NC = 2
_NS = 16
_K = 80
_DW = 8
_G2 = 25


def _pad_rows(n):
  q = _NS * 8
  return ((n + q - 1) // q) * q


def _make_sc_agg(n, e, d, with_deg, group=1):
  nw = _NC * _NS
  chunks = e // (nw * _K)
  assert chunks * nw * _K == e
  steps = chunks // group
  assert steps * group == chunks
  np_ = _pad_rows(n)
  rows_pt = np_ // _NS

  mesh = plsc.VectorSubcoreMesh(core_axis_name="c", subcore_axis_name="s")

  out_type = [jax.ShapeDtypeStruct((_NC, np_, d), jnp.float32)]
  scratch = [
      pltpu.VMEM((steps, group * _K), jnp.int32),
      pltpu.VMEM((chunks, _K), jnp.int32),
      pltpu.VMEM((group * _K, d), jnp.float32),
      pltpu.VMEM((group * _K, d), jnp.float32),
      pltpu.VMEM_SHARED((np_, d), jnp.float32),
      pltpu.SemaphoreType.DMA,
      pltpu.SemaphoreType.DMA,
  ]
  if with_deg:
    out_type.append(jax.ShapeDtypeStruct((_NC, np_, _DW), jnp.float32))
    scratch += [
        pltpu.VMEM((_K, _DW), jnp.float32),
        pltpu.VMEM_SHARED((np_, _DW), jnp.float32),
        pltpu.SemaphoreType.DMA,
    ]

  @functools.partial(
      pl.kernel, mesh=mesh, out_type=out_type, scratch_types=scratch,
      compiler_params=pltpu.CompilerParams(use_tc_tiling_on_sc=False))
  def body(table, esrc, edst, zacc, zdeg, ones, *refs):
    if with_deg:
      (agg_out, deg_out, srcs_v, dsts_v, rows0_v, rows1_v, acc_sh,
       gsem0, gsem1, ones_v, deg_sh, osem) = refs
    else:
      (agg_out, srcs_v, dsts_v, rows0_v, rows1_v, acc_sh, gsem0, gsem1) = refs
    bufs = ((rows0_v, gsem0, None), (rows1_v, gsem1, None))
    cid = lax.axis_index("c")
    sid = lax.axis_index("s")
    wid = cid * _NS + sid

    r0 = sid * rows_pt
    init = [(esrc.at[wid], srcs_v), (edst.at[wid], dsts_v),
            (zacc, acc_sh.at[pl.ds(r0, rows_pt)])]
    if with_deg:
      init += [(zdeg, deg_sh.at[pl.ds(r0, rows_pt)]), (ones, ones_v)]
    for src, dst in init:
      pltpu.make_async_copy(src, dst, gsem0).start()
    for src, dst in init:
      pltpu.make_async_copy(src, dst, gsem0).wait()
    plsc.subcore_barrier()

    def gather(j, b):
      rows_v, gsem, _ = bufs[b]
      pltpu.make_async_copy(table.at[srcs_v.at[j]], rows_v, gsem).start()

    def wait_scatter(j, b):
      rows_v, gsem, _ = bufs[b]
      pltpu.make_async_copy(table.at[srcs_v.at[j]], rows_v, gsem).wait()
      for k in range(group):
        rv = rows_v if group == 1 else rows_v.at[pl.ds(_K * k, _K)]
        pltpu.sync_copy(rv, acc_sh.at[dsts_v.at[group * j + k]], add=True)
        if with_deg:
          pltpu.async_copy(ones_v, deg_sh.at[dsts_v.at[group * j + k]], osem,
                           add=True)

    gather(0, 0)

    def pair(i, carry):
      j0 = 2 * i
      gather(j0 + 1, 1)
      wait_scatter(j0, 0)

      @pl.when(j0 + 2 < steps)
      def _():
        gather(j0 + 2, 0)

      wait_scatter(j0 + 1, 1)
      return carry

    lax.fori_loop(0, steps // 2, pair, 0)
    if steps % 2:
      wait_scatter(steps - 1, 0)
    if with_deg:
      def drain(j, carry):
        pltpu.make_async_copy(ones_v, deg_sh.at[dsts_v.at[j]], osem).wait()
        return carry
      lax.fori_loop(0, chunks, drain, 0)
    plsc.subcore_barrier()

    pltpu.sync_copy(acc_sh.at[pl.ds(r0, rows_pt)],
                    agg_out.at[cid, pl.ds(r0, rows_pt)])
    if with_deg:
      pltpu.sync_copy(deg_sh.at[pl.ds(r0, rows_pt)],
                      deg_out.at[cid, pl.ds(r0, rows_pt)])

  return body


def _tc_layer1(x, agg, deg, w_self1, w_neigh1, b1, w_self2, w_neigh2, b2):
  n, d = x.shape
  h = w_self1.shape[0]
  c = w_self2.shape[0]
  bn = 2000
  grid = (n // bn,)

  def tcb(x_b, agg_b, deg_b, ws1, wn1, b1_b, ws2, wn2, b2_b,
          h1_b, h1r_b, p2_b, hs2_b, rdeg_b):
    degs = jnp.maximum(deg_b[0, :, 0] + deg_b[1, :, 0], 1.0)
    rdeg = 1.0 / degs
    rdeg_b[...] = jnp.broadcast_to(rdeg[:, None], rdeg_b.shape)
    mean = (agg_b[0] + agg_b[1]) * rdeg[:, None]
    dn = (((1,), (1,)), ((), ()))
    h1 = (lax.dot_general(x_b[...], ws1[...], dn,
                          preferred_element_type=jnp.float32)
          + lax.dot_general(mean, wn1[...], dn,
                            preferred_element_type=jnp.float32)
          + b1_b[...])
    h1_b[...] = h1
    h1r = jnp.maximum(h1, 0.0)
    h1r_b[...] = h1r
    p2_b[...] = lax.dot_general(h1r, wn2[...], dn,
                                preferred_element_type=jnp.float32)
    hs2_b[...] = lax.dot_general(h1r, ws2[...], dn,
                                 preferred_element_type=jnp.float32) + b2_b[...]

  return pl.pallas_call(
      tcb,
      grid=grid,
      in_specs=[
          pl.BlockSpec((bn, d), lambda i: (i, 0)),
          pl.BlockSpec((_NC, bn, d), lambda i: (0, i, 0)),
          pl.BlockSpec((_NC, bn, _DW), lambda i: (0, i, 0)),
          pl.BlockSpec((h, d), lambda i: (0, 0)),
          pl.BlockSpec((h, d), lambda i: (0, 0)),
          pl.BlockSpec((1, h), lambda i: (0, 0)),
          pl.BlockSpec((c, h), lambda i: (0, 0)),
          pl.BlockSpec((c, h), lambda i: (0, 0)),
          pl.BlockSpec((1, c), lambda i: (0, 0)),
      ],
      out_specs=[
          pl.BlockSpec((bn, h), lambda i: (i, 0)),
          pl.BlockSpec((bn, h), lambda i: (i, 0)),
          pl.BlockSpec((bn, c), lambda i: (i, 0)),
          pl.BlockSpec((bn, c), lambda i: (i, 0)),
          pl.BlockSpec((bn, 16), lambda i: (i, 0)),
      ],
      out_shape=[
          jax.ShapeDtypeStruct((n, h), jnp.float32),
          jax.ShapeDtypeStruct((n, h), jnp.float32),
          jax.ShapeDtypeStruct((n, c), jnp.float32),
          jax.ShapeDtypeStruct((n, c), jnp.float32),
          jax.ShapeDtypeStruct((n, 16), jnp.float32),
      ],
  )(x, agg, deg, w_self1, w_neigh1, b1.reshape(1, h), w_self2, w_neigh2,
    b2.reshape(1, c))


def _sc_layer2_epilogue(n, c, np_):
  nw = _NC * _NS
  main = (n // (nw * 8)) * 8
  extra = n - nw * main
  assert extra % 8 == 0 and extra >= 0
  buf = main + extra

  mesh = plsc.VectorSubcoreMesh(core_axis_name="c", subcore_axis_name="s")

  @functools.partial(
      pl.kernel, mesh=mesh,
      out_type=jax.ShapeDtypeStruct((n, c), jnp.float32),
      scratch_types=[
          pltpu.VMEM((buf, c), jnp.float32),
          pltpu.VMEM((buf, 16), jnp.float32),
          pltpu.VMEM((buf, c), jnp.float32),
          pltpu.VMEM((buf, c), jnp.float32),
          pltpu.VMEM((buf, c), jnp.float32),
      ],
      compiler_params=pltpu.CompilerParams(use_tc_tiling_on_sc=False))
  def body(hs2b, rdeg, agg2, h2, hb_v, rd_v, a0_v, a1_v, out_v):
    cid = lax.axis_index("c")
    sid = lax.axis_index("s")
    wid = cid * _NS + sid
    t0 = wid * main
    last = wid == nw - 1

    pltpu.sync_copy(hs2b.at[pl.ds(t0, main)], hb_v.at[pl.ds(0, main)])
    pltpu.sync_copy(rdeg.at[pl.ds(t0, main)], rd_v.at[pl.ds(0, main)])
    pltpu.sync_copy(agg2.at[0, pl.ds(t0, main)], a0_v.at[pl.ds(0, main)])
    pltpu.sync_copy(agg2.at[1, pl.ds(t0, main)], a1_v.at[pl.ds(0, main)])
    if extra:
      t1 = nw * main

      @pl.when(last)
      def _():
        pltpu.sync_copy(hs2b.at[pl.ds(t1, extra)], hb_v.at[pl.ds(main, extra)])
        pltpu.sync_copy(rdeg.at[pl.ds(t1, extra)], rd_v.at[pl.ds(main, extra)])
        pltpu.sync_copy(agg2.at[0, pl.ds(t1, extra)],
                        a0_v.at[pl.ds(main, extra)])
        pltpu.sync_copy(agg2.at[1, pl.ds(t1, extra)],
                        a1_v.at[pl.ds(main, extra)])

    nrows = jnp.where(last, main + extra, main)

    def row(r, carry):
      out_v[r] = hb_v[r] + (a0_v[r] + a1_v[r]) * rd_v[r]
      return carry

    lax.fori_loop(0, nrows, row, 0)

    pltpu.sync_copy(out_v.at[pl.ds(0, main)], h2.at[pl.ds(t0, main)])
    if extra:
      t1 = nw * main

      @pl.when(last)
      def _():
        pltpu.sync_copy(out_v.at[pl.ds(main, extra)], h2.at[pl.ds(t1, extra)])

  return body


def _tc_layer2(hs2, agg2, deg, b2):
  n, c = hs2.shape

  def tcc(hs2_b, agg2_b, deg_b, b2_b, h2_b):
    degs = jnp.maximum(deg_b[0, :, 0] + deg_b[1, :, 0], 1.0)
    h2_b[...] = hs2_b[...] + (agg2_b[0] + agg2_b[1]) / degs[:, None] + b2_b[...]

  return pl.pallas_call(
      tcc,
      grid=(1,),
      in_specs=[
          pl.BlockSpec((n, c), lambda i: (0, 0)),
          pl.BlockSpec((_NC, n, c), lambda i: (0, 0, 0)),
          pl.BlockSpec((_NC, n, _DW), lambda i: (0, 0, 0)),
          pl.BlockSpec((1, c), lambda i: (0, 0)),
      ],
      out_specs=pl.BlockSpec((n, c), lambda i: (0, 0)),
      out_shape=jax.ShapeDtypeStruct((n, c), jnp.float32),
  )(hs2, agg2, deg, b2.reshape(1, c))


def kernel(x, edge_index, W_self1, W_neigh1, b1, W_self2, W_neigh2, b2):
  n, d = x.shape
  e = edge_index.shape[1]
  c = W_self2.shape[0]
  rows_pt = _pad_rows(n) // _NS

  nw = _NC * _NS
  chunks = e // (nw * _K)
  esrc1 = edge_index[0].reshape(nw, chunks, _K)
  esrc2 = edge_index[0].reshape(nw, chunks // _G2, _G2 * _K)
  edst = edge_index[1].reshape(nw, chunks, _K)
  zacc = jnp.zeros((rows_pt, d), jnp.float32)
  zdeg = jnp.zeros((rows_pt, _DW), jnp.float32)
  zacc2 = jnp.zeros((rows_pt, c), jnp.float32)
  ones = jnp.ones((_K, _DW), jnp.float32)

  agg1, deg = _make_sc_agg(n, e, d, True)(x, esrc1, edst, zacc, zdeg, ones)
  h1, h1r, p2, hs2b, rdeg = _tc_layer1(x, agg1, deg, W_self1, W_neigh1, b1,
                                       W_self2, W_neigh2, b2)
  agg2 = _make_sc_agg(n, e, c, False, group=_G2)(
      p2, esrc2, edst, zacc2, zdeg, ones)[0]
  h2 = _sc_layer2_epilogue(n, c, _pad_rows(n))(hs2b, rdeg, agg2)
  return (h2, h1, h1r)

# --- scband reference (transcript-rebuilt; emitter-appended) ---
"""Pipeline reference for scband-sage-8899172237857 (READ-ONLY COPY).

The authoritative reference and input builder live on the scoring server;
editing this copy changes nothing except your own understanding.
"""

import jax, jax.numpy as jnp
import numpy as np

N = 10000
E = 320000
D = 128
H = 128
C = 16


def setup_inputs(seed: int = 0) -> dict:
    key = jax.random.key(seed)
    ks = jax.random.split(key, 8)
    x = jax.random.normal(ks[0], (N, D), dtype=jnp.float32)
    edge_index = jax.random.randint(ks[1], (2, E), 0, N, dtype=jnp.int32)
    s1 = 1.0 / np.sqrt(D)
    s2 = 1.0 / np.sqrt(H)
    W_self1 = jax.random.uniform(ks[2], (H, D), dtype=jnp.float32, minval=-s1, maxval=s1)
    W_neigh1 = jax.random.uniform(ks[3], (H, D), dtype=jnp.float32, minval=-s1, maxval=s1)
    b1 = jnp.zeros((H,), dtype=jnp.float32)
    W_self2 = jax.random.uniform(ks[4], (C, H), dtype=jnp.float32, minval=-s2, maxval=s2)
    W_neigh2 = jax.random.uniform(ks[5], (C, H), dtype=jnp.float32, minval=-s2, maxval=s2)
    b2 = jnp.zeros((C,), dtype=jnp.float32)
    return {
        "x": x,
        "edge_index": edge_index,
        "W_self1": W_self1,
        "W_neigh1": W_neigh1,
        "b1": b1,
        "W_self2": W_self2,
        "W_neigh2": W_neigh2,
        "b2": b2,
    }


def _sage_conv_mean(h, src, dst, W_self, W_neigh, b):
    # DGL SAGEConv, aggregator_type='mean':
    # h_out = fc_self(h_dst) + fc_neigh(mean_{src->dst} h_src) + bias
    msg = jnp.take(h, src, axis=0)  # gather over edges [E, d]
    agg = jax.ops.segment_sum(msg, dst, num_segments=N)  # scatter-add [N, d]
    deg = jax.ops.segment_sum(jnp.ones((src.shape[0],), dtype=h.dtype), dst, num_segments=N)
    mean = agg / jnp.clip(deg, 1.0)[:, None]
    return h @ W_self.T + mean @ W_neigh.T + b


def reference(x, edge_index, W_self1, W_neigh1, b1, W_self2, W_neigh2, b2):
    src = edge_index[0]
    dst = edge_index[1]
    h1 = _sage_conv_mean(x, src, dst, W_self1, W_neigh1, b1)
    h1r = jax.nn.relu(h1)
    h2 = _sage_conv_mean(h1r, src, dst, W_self2, W_neigh2, b2)
    # original returns (h, [h1, relu(h1), h2])
    return (h2, h1, h1r)

if __name__ == "__main__":
    import jax
    _d = setup_inputs()
    print(jax.jit(kernel)(*tuple(_d.values())))

</pallas_src>

<mosaic_0001>
#map = affine_map<(d0, d1) -> (0, 0)>
#map1 = affine_map<(d0, d1) -> (0, 0, 0)>
module attributes {stable_mosaic.version = 14 : i64} {
  func.func @body(%arg0: i32, %arg1: i32, %arg2: memref<10000x128xf32, #tpu.memory_space<hbm>>, %arg3: memref<32x125x80xi32, #tpu.memory_space<hbm>>, %arg4: memref<32x125x80xi32, #tpu.memory_space<hbm>>, %arg5: memref<632x128xf32, #tpu.memory_space<hbm>>, %arg6: memref<632x8xf32, #tpu.memory_space<hbm>>, %arg7: memref<80x8xf32, #tpu.memory_space<hbm>>, %arg8: memref<2x10112x128xf32, #tpu.memory_space<hbm>>, %arg9: memref<2x10112x8xf32, #tpu.memory_space<hbm>>, %arg10: memref<125x80xi32, #tpu.memory_space<vmem>>, %arg11: memref<125x80xi32, #tpu.memory_space<vmem>>, %arg12: memref<80x128xf32, #tpu.memory_space<vmem>>, %arg13: memref<80x128xf32, #tpu.memory_space<vmem>>, %arg14: memref<10112x128xf32, #tpu.memory_space<vmem_shared>>, %arg15: memref<!tpu.dma_semaphore, #tpu.memory_space<semaphore_mem>>, %arg16: memref<!tpu.dma_semaphore, #tpu.memory_space<semaphore_mem>>, %arg17: memref<80x8xf32, #tpu.memory_space<vmem>>, %arg18: memref<10112x8xf32, #tpu.memory_space<vmem_shared>>, %arg19: memref<!tpu.dma_semaphore, #tpu.memory_space<semaphore_mem>>) attributes {dimension_semantics = [#tpu.dimension_semantics<core_parallel>, #tpu.dimension_semantics<subcore_parallel>], iteration_bounds = array<i64: 2, 16>, scalar_prefetch = 0 : i64, scratch_operands = 10 : i64, tpu.core_type = #tpu.core_type<sc_vector_subcore>, window_params = [{transform_indices = #map}, {transform_indices = #map1}, {transform_indices = #map1}, {transform_indices = #map}, {transform_indices = #map}, {transform_indices = #map}, {transform_indices = #map1}, {transform_indices = #map1}]} {
    %mul3A = arith.constant 16 : i32
    %mul3A_0 = arith.muli %arg0, %mul3A : i32
    %add3A = arith.addi %mul3A_0, %arg1 : i32
    %mul3A_1 = arith.constant 632 : i32
    %mul3A_2 = arith.muli %arg1, %mul3A_1 : i32
    %dma_start3A = arith.constant 0 : i32
    %dma_start3A_3 = arith.constant 0 : i32
    %dma_start3A_4 = tpu.memref_slice %arg3[%add3A, %dma_start3A, %dma_start3A_3] : memref<32x125x80xi32, #tpu.memory_space<hbm>> -> memref<1x125x80xi32, #tpu.memory_space<hbm>>
    %dma_start3A_5 = tpu.memref_squeeze %dma_start3A_4 : memref<1x125x80xi32, #tpu.memory_space<hbm>> -> memref<125x80xi32, #tpu.memory_space<hbm>>
    %dma_start3A_6 = arith.constant 0 : i32
    %dma_start3A_7 = arith.constant 0 : i32
    %dma_start3A_8 = tpu.memref_slice %arg3[%add3A, %dma_start3A_6, %dma_start3A_7] : memref<32x125x80xi32, #tpu.memory_space<hbm>> -> memref<1x125x80xi32, #tpu.memory_space<hbm>>
    %dma_start3A_9 = tpu.memref_squeeze %dma_start3A_8 : memref<1x125x80xi32, #tpu.memory_space<hbm>> -> memref<125x80xi32, #tpu.memory_space<hbm>>
    tpu.enqueue_dma source(%dma_start3A_9 : memref<125x80xi32, #tpu.memory_space<hbm>>) target(%arg10 : memref<125x80xi32, #tpu.memory_space<vmem>>) target_semaphore(%arg15 : memref<!tpu.dma_semaphore, #tpu.memory_space<semaphore_mem>>)
    %dma_start3A_10 = arith.constant 0 : i32
    %dma_start3A_11 = arith.constant 0 : i32
    %dma_start3A_12 = tpu.memref_slice %arg4[%add3A, %dma_start3A_10, %dma_start3A_11] : memref<32x125x80xi32, #tpu.memory_space<hbm>> -> memref<1x125x80xi32, #tpu.memory_space<hbm>>
    %dma_start3A_13 = tpu.memref_squeeze %dma_start3A_12 : memref<1x125x80xi32, #tpu.memory_space<hbm>> -> memref<125x80xi32, #tpu.memory_space<hbm>>
    %dma_start3A_14 = arith.constant 0 : i32
    %dma_start3A_15 = arith.constant 0 : i32
    %dma_start3A_16 = tpu.memref_slice %arg4[%add3A, %dma_start3A_14, %dma_start3A_15] : memref<32x125x80xi32, #tpu.memory_space<hbm>> -> memref<1x125x80xi32, #tpu.memory_space<hbm>>
    %dma_start3A_17 = tpu.memref_squeeze %dma_start3A_16 : memref<1x125x80xi32, #tpu.memory_space<hbm>> -> memref<125x80xi32, #tpu.memory_space<hbm>>
    tpu.enqueue_dma source(%dma_start3A_17 : memref<125x80xi32, #tpu.memory_space<hbm>>) target(%arg11 : memref<125x80xi32, #tpu.memory_space<vmem>>) target_semaphore(%arg15 : memref<!tpu.dma_semaphore, #tpu.memory_space<semaphore_mem>>)
    %dma_start3A_18 = arith.constant 0 : i32
    %dma_start3A_19 = tpu.memref_slice %arg14[%mul3A_2, %dma_start3A_18] : memref<10112x128xf32, #tpu.memory_space<vmem_shared>> -> memref<632x128xf32, #tpu.memory_space<vmem_shared>>
    tpu.enqueue_dma source(%arg5 : memref<632x128xf32, #tpu.memory_space<hbm>>) target(%dma_start3A_19 : memref<632x128xf32, #tpu.memory_space<vmem_shared>>) target_semaphore(%arg15 : memref<!tpu.dma_semaphore, #tpu.memory_space<semaphore_mem>>)
    %dma_start3A_20 = arith.constant 0 : i32
    %dma_start3A_21 = tpu.memref_slice %arg18[%mul3A_2, %dma_start3A_20] : memref<10112x8xf32, #tpu.memory_space<vmem_shared>> -> memref<632x8xf32, #tpu.memory_space<vmem_shared>>
    tpu.enqueue_dma source(%arg6 : memref<632x8xf32, #tpu.memory_space<hbm>>) target(%dma_start3A_21 : memref<632x8xf32, #tpu.memory_space<vmem_shared>>) target_semaphore(%arg15 : memref<!tpu.dma_semaphore, #tpu.memory_space<semaphore_mem>>)
    tpu.enqueue_dma source(%arg7 : memref<80x8xf32, #tpu.memory_space<hbm>>) target(%arg17 : memref<80x8xf32, #tpu.memory_space<vmem>>) target_semaphore(%arg15 : memref<!tpu.dma_semaphore, #tpu.memory_space<semaphore_mem>>)
    %dma_wait3A = arith.constant 0 : i32
    %dma_wait3A_22 = arith.constant 0 : i32
    %dma_wait3A_23 = tpu.memref_slice %arg3[%add3A, %dma_wait3A, %dma_wait3A_22] : memref<32x125x80xi32, #tpu.memory_space<hbm>> -> memref<1x125x80xi32, #tpu.memory_space<hbm>>
    %dma_wait3A_24 = tpu.memref_squeeze %dma_wait3A_23 : memref<1x125x80xi32, #tpu.memory_space<hbm>> -> memref<125x80xi32, #tpu.memory_space<hbm>>
    %dma_wait3A_25 = arith.constant 0 : i32
    %dma_wait3A_26 = arith.constant 0 : i32
    %dma_wait3A_27 = tpu.memref_slice %arg3[%add3A, %dma_wait3A_25, %dma_wait3A_26] : memref<32x125x80xi32, #tpu.memory_space<hbm>> -> memref<1x125x80xi32, #tpu.memory_space<hbm>>
    %dma_wait3A_28 = tpu.memref_squeeze %dma_wait3A_27 : memref<1x125x80xi32, #tpu.memory_space<hbm>> -> memref<125x80xi32, #tpu.memory_space<hbm>>
    tpu.wait_dma2 semaphore(%arg15 : memref<!tpu.dma_semaphore, #tpu.memory_space<semaphore_mem>>) src(%dma_wait3A_28 : memref<125x80xi32, #tpu.memory_space<hbm>>) dst(%arg10 : memref<125x80xi32, #tpu.memory_space<vmem>>)
    %dma_wait3A_29 = arith.constant 0 : i32
    %dma_wait3A_30 = arith.constant 0 : i32
    %dma_wait3A_31 = tpu.memref_slice %arg4[%add3A, %dma_wait3A_29, %dma_wait3A_30] : memref<32x125x80xi32, #tpu.memory_space<hbm>> -> memref<1x125x80xi32, #tpu.memory_space<hbm>>
    %dma_wait3A_32 = tpu.memref_squeeze %dma_wait3A_31 : memref<1x125x80xi32, #tpu.memory_space<hbm>> -> memref<125x80xi32, #tpu.memory_space<hbm>>
    %dma_wait3A_33 = arith.constant 0 : i32
    %dma_wait3A_34 = arith.constant 0 : i32
    %dma_wait3A_35 = tpu.memref_slice %arg4[%add3A, %dma_wait3A_33, %dma_wait3A_34] : memref<32x125x80xi32, #tpu.memory_space<hbm>> -> memref<1x125x80xi32, #tpu.memory_space<hbm>>
    %dma_wait3A_36 = tpu.memref_squeeze %dma_wait3A_35 : memref<1x125x80xi32, #tpu.memory_space<hbm>> -> memref<125x80xi32, #tpu.memory_space<hbm>>
    tpu.wait_dma2 semaphore(%arg15 : memref<!tpu.dma_semaphore, #tpu.memory_space<semaphore_mem>>) src(%dma_wait3A_36 : memref<125x80xi32, #tpu.memory_space<hbm>>) dst(%arg11 : memref<125x80xi32, #tpu.memory_space<vmem>>)
    %dma_wait3A_37 = arith.constant 0 : i32
    %dma_wait3A_38 = tpu.memref_slice %arg14[%mul3A_2, %dma_wait3A_37] : memref<10112x128xf32, #tpu.memory_space<vmem_shared>> -> memref<632x128xf32, #tpu.memory_space<vmem_shared>>
    tpu.wait_dma2 semaphore(%arg15 : memref<!tpu.dma_semaphore, #tpu.memory_space<semaphore_mem>>) src(%arg5 : memref<632x128xf32, #tpu.memory_space<hbm>>) dst(%dma_wait3A_38 : memref<632x128xf32, #tpu.memory_space<vmem_shared>>)
    %dma_wait3A_39 = arith.constant 0 : i32
    %dma_wait3A_40 = tpu.memref_slice %arg18[%mul3A_2, %dma_wait3A_39] : memref<10112x8xf32, #tpu.memory_space<vmem_shared>> -> memref<632x8xf32, #tpu.memory_space<vmem_shared>>
    tpu.wait_dma2 semaphore(%arg15 : memref<!tpu.dma_semaphore, #tpu.memory_space<semaphore_mem>>) src(%arg6 : memref<632x8xf32, #tpu.memory_space<hbm>>) dst(%dma_wait3A_40 : memref<632x8xf32, #tpu.memory_space<vmem_shared>>)
    tpu.wait_dma2 semaphore(%arg15 : memref<!tpu.dma_semaphore, #tpu.memory_space<semaphore_mem>>) src(%arg7 : memref<80x8xf32, #tpu.memory_space<hbm>>) dst(%arg17 : memref<80x8xf32, #tpu.memory_space<vmem>>)
    %barrier3A = arith.constant 0 : index
    tpu.barrier barrier_id(%barrier3A)
    %dma_start3A_41 = arith.constant 0 : i32
    %dma_start3A_42 = arith.constant 0 : i32
    %dma_start3A_43 = tpu.memref_slice %arg10[%dma_start3A_41, %dma_start3A_42] : memref<125x80xi32, #tpu.memory_space<vmem>> -> memref<1x80xi32, #tpu.memory_space<vmem>>
    %dma_start3A_44 = tpu.memref_squeeze %dma_start3A_43 : memref<1x80xi32, #tpu.memory_space<vmem>> -> memref<80xi32, #tpu.memory_space<vmem>>
    %dma_start3A_45 = arith.constant 0 : i32
    %dma_start3A_46 = arith.constant 0 : i32
    %dma_start3A_47 = tpu.memref_slice %arg2[%dma_start3A_45, %dma_start3A_46] : memref<10000x128xf32, #tpu.memory_space<hbm>> -> memref<10000x128xf32, #tpu.memory_space<hbm>>
    tpu.enqueue_indirect_dma source(%dma_start3A_47 : memref<10000x128xf32, #tpu.memory_space<hbm>>) target(%arg12 : memref<80x128xf32, #tpu.memory_space<vmem>>) offsets(%dma_start3A_44 : memref<80xi32, #tpu.memory_space<vmem>>) semaphore(%arg15 : memref<!tpu.dma_semaphore, #tpu.memory_space<semaphore_mem>>)
    %scan3A = arith.constant 0 : i32
    %scan3A_48 = arith.constant 0 : i32
    %scan3A_49 = arith.constant 62 : i32
    %scan3A_50 = arith.addi %scan3A_48, %scan3A_49 : i32
    %scan3A_51 = arith.constant 1 : i32
    scf.for %scan3A_74 = %scan3A_48 to %scan3A_50 step %scan3A_51  : i32 {
      %mul3A_75 = arith.constant 2 : i32
      %mul3A_76 = arith.muli %mul3A_75, %scan3A_74 : i32
      %add3A_77 = arith.constant 1 : i32
      %add3A_78 = arith.addi %mul3A_76, %add3A_77 : i32
      %dma_start3A_79 = arith.constant 0 : i32
      %dma_start3A_80 = tpu.memref_slice %arg10[%add3A_78, %dma_start3A_79] : memref<125x80xi32, #tpu.memory_space<vmem>> -> memref<1x80xi32, #tpu.memory_space<vmem>>
      %dma_start3A_81 = tpu.memref_squeeze %dma_start3A_80 : memref<1x80xi32, #tpu.memory_space<vmem>> -> memref<80xi32, #tpu.memory_space<vmem>>
      %dma_start3A_82 = arith.constant 0 : i32
      %dma_start3A_83 = arith.constant 0 : i32
      %dma_start3A_84 = tpu.memref_slice %arg2[%dma_start3A_82, %dma_start3A_83] : memref<10000x128xf32, #tpu.memory_space<hbm>> -> memref<10000x128xf32, #tpu.memory_space<hbm>>
      tpu.enqueue_indirect_dma source(%dma_start3A_84 : memref<10000x128xf32, #tpu.memory_space<hbm>>) target(%arg13 : memref<80x128xf32, #tpu.memory_space<vmem>>) offsets(%dma_start3A_81 : memref<80xi32, #tpu.memory_space<vmem>>) semaphore(%arg16 : memref<!tpu.dma_semaphore, #tpu.memory_space<semaphore_mem>>)
      %dma_wait3A_85 = arith.constant 0 : i32
      %dma_wait3A_86 = tpu.memref_slice %arg10[%mul3A_76, %dma_wait3A_85] : memref<125x80xi32, #tpu.memory_space<vmem>> -> memref<1x80xi32, #tpu.memory_space<vmem>>
      %dma_wait3A_87 = tpu.memref_squeeze %dma_wait3A_86 : memref<1x80xi32, #tpu.memory_space<vmem>> -> memref<80xi32, #tpu.memory_space<vmem>>
      %dma_wait3A_88 = arith.constant 0 : i32
      %dma_wait3A_89 = arith.constant 0 : i32
      %dma_wait3A_90 = tpu.memref_slice %arg2[%dma_wait3A_88, %dma_wait3A_89] : memref<10000x128xf32, #tpu.memory_space<hbm>> -> memref<10000x128xf32, #tpu.memory_space<hbm>>
      tpu.wait_indirect_dma semaphore(%arg15 : memref<!tpu.dma_semaphore, #tpu.memory_space<semaphore_mem>>) src(%dma_wait3A_90 : memref<10000x128xf32, #tpu.memory_space<hbm>>) dst(%arg12 : memref<80x128xf32, #tpu.memory_space<vmem>>)
      %mul3A_91 = arith.constant 1 : i32
      %mul3A_92 = arith.muli %mul3A_91, %mul3A_76 : i32
      %add3A_93 = arith.constant 0 : i32
      %add3A_94 = arith.addi %mul3A_92, %add3A_93 : i32
      "tpu.region"() ({
        %run_scoped3A_131 = tpu.sem_alloc : memref<!tpu.dma_semaphore, #tpu.memory_space<semaphore_mem>>
        %dma_start3A_132 = arith.constant 0 : i32
        %dma_start3A_133 = tpu.memref_slice %arg11[%add3A_94, %dma_start3A_132] : memref<125x80xi32, #tpu.memory_space<vmem>> -> memref<1x80xi32, #tpu.memory_space<vmem>>
        %dma_start3A_134 = tpu.memref_squeeze %dma_start3A_133 : memref<1x80xi32, #tpu.memory_space<vmem>> -> memref<80xi32, #tpu.memory_space<vmem>>
        %dma_start3A_135 = arith.constant 0 : i32
        %dma_start3A_136 = arith.constant 0 : i32
        %dma_start3A_137 = tpu.memref_slice %arg14[%dma_start3A_135, %dma_start3A_136] : memref<10112x128xf32, #tpu.memory_space<vmem_shared>> -> memref<10112x128xf32, #tpu.memory_space<vmem_shared>>
        tpu.enqueue_indirect_dma source(%arg12 : memref<80x128xf32, #tpu.memory_space<vmem>>) target(%dma_start3A_137 : memref<10112x128xf32, #tpu.memory_space<vmem_shared>>) offsets(%dma_start3A_134 : memref<80xi32, #tpu.memory_space<vmem>>) semaphore(%run_scoped3A_131 : memref<!tpu.dma_semaphore, #tpu.memory_space<semaphore_mem>>) {add = true}
        %dma_wait3A_138 = arith.constant 0 : i32
        %dma_wait3A_139 = tpu.memref_slice %arg11[%add3A_94, %dma_wait3A_138] : memref<125x80xi32, #tpu.memory_space<vmem>> -> memref<1x80xi32, #tpu.memory_space<vmem>>
        %dma_wait3A_140 = tpu.memref_squeeze %dma_wait3A_139 : memref<1x80xi32, #tpu.memory_space<vmem>> -> memref<80xi32, #tpu.memory_space<vmem>>
        %dma_wait3A_141 = arith.constant 0 : i32
        %dma_wait3A_142 = arith.constant 0 : i32
        %dma_wait3A_143 = tpu.memref_slice %arg14[%dma_wait3A_141, %dma_wait3A_142] : memref<10112x128xf32, #tpu.memory_space<vmem_shared>> -> memref<10112x128xf32, #tpu.memory_space<vmem_shared>>
        tpu.wait_indirect_dma semaphore(%run_scoped3A_131 : memref<!tpu.dma_semaphore, #tpu.memory_space<semaphore_mem>>) src(%arg12 : memref<80x128xf32, #tpu.memory_space<vmem>>) dst(%dma_wait3A_143 : memref<10112x128xf32, #tpu.memory_space<vmem_shared>>)
        tpu.yield
      }) : () -> ()
      %mul3A_95 = arith.constant 1 : i32
      %mul3A_96 = arith.muli %mul3A_95, %mul3A_76 : i32
      %add3A_97 = arith.constant 0 : i32
      %add3A_98 = arith.addi %mul3A_96, %add3A_97 : i32
      %dma_start3A_99 = arith.constant 0 : i32
      %dma_start3A_100 = tpu.memref_slice %arg11[%add3A_98, %dma_start3A_99] : memref<125x80xi32, #tpu.memory_space<vmem>> -> memref<1x80xi32, #tpu.memory_space<vmem>>
      %dma_start3A_101 = tpu.memref_squeeze %dma_start3A_100 : memref<1x80xi32, #tpu.memory_space<vmem>> -> memref<80xi32, #tpu.memory_space<vmem>>
      %dma_start3A_102 = arith.constant 0 : i32
      %dma_start3A_103 = arith.constant 0 : i32
      %dma_start3A_104 = tpu.memref_slice %arg18[%dma_start3A_102, %dma_start3A_103] : memref<10112x8xf32, #tpu.memory_space<vmem_shared>> -> memref<10112x8xf32, #tpu.memory_space<vmem_shared>>
      tpu.enqueue_indirect_dma source(%arg17 : memref<80x8xf32, #tpu.memory_space<vmem>>) target(%dma_start3A_104 : memref<10112x8xf32, #tpu.memory_space<vmem_shared>>) offsets(%dma_start3A_101 : memref<80xi32, #tpu.memory_space<vmem>>) semaphore(%arg19 : memref<!tpu.dma_semaphore, #tpu.memory_space<semaphore_mem>>) {add = true}
      %add3A_105 = arith.constant 2 : i32
      %add3A_106 = arith.addi %mul3A_76, %add3A_105 : i32
      %lt3A = arith.constant 125 : i32
      %lt3A_107 = arith.cmpi slt, %add3A_106, %lt3A : i32
      %convert_element_type3A = arith.extui %lt3A_107 : i1 to i32
      %cond3A = arith.constant 0 : i32
      %cond3A_108 = arith.cmpi ne, %convert_element_type3A, %cond3A : i32
      scf.if %cond3A_108 {
        %add3A_131 = arith.constant 2 : i32
        %add3A_132 = arith.addi %mul3A_76, %add3A_131 : i32
        %dma_start3A_133 = arith.constant 0 : i32
        %dma_start3A_134 = tpu.memref_slice %arg10[%add3A_132, %dma_start3A_133] : memref<125x80xi32, #tpu.memory_space<vmem>> -> memref<1x80xi32, #tpu.memory_space<vmem>>
        %dma_start3A_135 = tpu.memref_squeeze %dma_start3A_134 : memref<1x80xi32, #tpu.memory_space<vmem>> -> memref<80xi32, #tpu.memory_space<vmem>>
        %dma_start3A_136 = arith.constant 0 : i32
        %dma_start3A_137 = arith.constant 0 : i32
        %dma_start3A_138 = tpu.memref_slice %arg2[%dma_start3A_136, %dma_start3A_137] : memref<10000x128xf32, #tpu.memory_space<hbm>> -> memref<10000x128xf32, #tpu.memory_space<hbm>>
        tpu.enqueue_indirect_dma source(%dma_start3A_138 : memref<10000x128xf32, #tpu.memory_space<hbm>>) target(%arg12 : memref<80x128xf32, #tpu.memory_space<vmem>>) offsets(%dma_start3A_135 : memref<80xi32, #tpu.memory_space<vmem>>) semaphore(%arg15 : memref<!tpu.dma_semaphore, #tpu.memory_space<semaphore_mem>>)
      } else {
      }
      %add3A_109 = arith.constant 1 : i32
      %add3A_110 = arith.addi %mul3A_76, %add3A_109 : i32
      %dma_wait3A_111 = arith.constant 0 : i32
      %dma_wait3A_112 = tpu.memref_slice %arg10[%add3A_110, %dma_wait3A_111] : memref<125x80xi32, #tpu.memory_space<vmem>> -> memref<1x80xi32, #tpu.memory_space<vmem>>
      %dma_wait3A_113 = tpu.memref_squeeze %dma_wait3A_112 : memref<1x80xi32, #tpu.memory_space<vmem>> -> memref<80xi32, #tpu.memory_space<vmem>>
      %dma_wait3A_114 = arith.constant 0 : i32
      %dma_wait3A_115 = arith.constant 0 : i32
      %dma_wait3A_116 = tpu.memref_slice %arg2[%dma_wait3A_114, %dma_wait3A_115] : memref<10000x128xf32, #tpu.memory_space<hbm>> -> memref<10000x128xf32, #tpu.memory_space<hbm>>
      tpu.wait_indirect_dma semaphore(%arg16 : memref<!tpu.dma_semaphore, #tpu.memory_space<semaphore_mem>>) src(%dma_wait3A_116 : memref<10000x128xf32, #tpu.memory_space<hbm>>) dst(%arg13 : memref<80x128xf32, #tpu.memory_space<vmem>>)
      %mul3A_117 = arith.constant 1 : i32
      %mul3A_118 = arith.muli %mul3A_117, %add3A_110 : i32
      %add3A_119 = arith.constant 0 : i32
      %add3A_120 = arith.addi %mul3A_118, %add3A_119 : i32
      "tpu.region"() ({
        %run_scoped3A_131 = tpu.sem_alloc : memref<!tpu.dma_semaphore, #tpu.memory_space<semaphore_mem>>
        %dma_start3A_132 = arith.constant 0 : i32
        %dma_start3A_133 = tpu.memref_slice %arg11[%add3A_120, %dma_start3A_132] : memref<125x80xi32, #tpu.memory_space<vmem>> -> memref<1x80xi32, #tpu.memory_space<vmem>>
        %dma_start3A_134 = tpu.memref_squeeze %dma_start3A_133 : memref<1x80xi32, #tpu.memory_space<vmem>> -> memref<80xi32, #tpu.memory_space<vmem>>
        %dma_start3A_135 = arith.constant 0 : i32
        %dma_start3A_136 = arith.constant 0 : i32
        %dma_start3A_137 = tpu.memref_slice %arg14[%dma_start3A_135, %dma_start3A_136] : memref<10112x128xf32, #tpu.memory_space<vmem_shared>> -> memref<10112x128xf32, #tpu.memory_space<vmem_shared>>
        tpu.enqueue_indirect_dma source(%arg13 : memref<80x128xf32, #tpu.memory_space<vmem>>) target(%dma_start3A_137 : memref<10112x128xf32, #tpu.memory_space<vmem_shared>>) offsets(%dma_start3A_134 : memref<80xi32, #tpu.memory_space<vmem>>) semaphore(%run_scoped3A_131 : memref<!tpu.dma_semaphore, #tpu.memory_space<semaphore_mem>>) {add = true}
        %dma_wait3A_138 = arith.constant 0 : i32
        %dma_wait3A_139 = tpu.memref_slice %arg11[%add3A_120, %dma_wait3A_138] : memref<125x80xi32, #tpu.memory_space<vmem>> -> memref<1x80xi32, #tpu.memory_space<vmem>>
        %dma_wait3A_140 = tpu.memref_squeeze %dma_wait3A_139 : memref<1x80xi32, #tpu.memory_space<vmem>> -> memref<80xi32, #tpu.memory_space<vmem>>
        %dma_wait3A_141 = arith.constant 0 : i32
        %dma_wait3A_142 = arith.constant 0 : i32
        %dma_wait3A_143 = tpu.memref_slice %arg14[%dma_wait3A_141, %dma_wait3A_142] : memref<10112x128xf32, #tpu.memory_space<vmem_shared>> -> memref<10112x128xf32, #tpu.memory_space<vmem_shared>>
        tpu.wait_indirect_dma semaphore(%run_scoped3A_131 : memref<!tpu.dma_semaphore, #tpu.memory_space<semaphore_mem>>) src(%arg13 : memref<80x128xf32, #tpu.memory_space<vmem>>) dst(%dma_wait3A_143 : memref<10112x128xf32, #tpu.memory_space<vmem_shared>>)
        tpu.yield
      }) : () -> ()
      %mul3A_121 = arith.constant 1 : i32
      %mul3A_122 = arith.muli %mul3A_121, %add3A_110 : i32
      %add3A_123 = arith.constant 0 : i32
      %add3A_124 = arith.addi %mul3A_122, %add3A_123 : i32
      %dma_start3A_125 = arith.constant 0 : i32
      %dma_start3A_126 = tpu.memref_slice %arg11[%add3A_124, %dma_start3A_125] : memref<125x80xi32, #tpu.memory_space<vmem>> -> memref<1x80xi32, #tpu.memory_space<vmem>>
      %dma_start3A_127 = tpu.memref_squeeze %dma_start3A_126 : memref<1x80xi32, #tpu.memory_space<vmem>> -> memref<80xi32, #tpu.memory_space<vmem>>
      %dma_start3A_128 = arith.constant 0 : i32
      %dma_start3A_129 = arith.constant 0 : i32
      %dma_start3A_130 = tpu.memref_slice %arg18[%dma_start3A_128, %dma_start3A_129] : memref<10112x8xf32, #tpu.memory_space<vmem_shared>> -> memref<10112x8xf32, #tpu.memory_space<vmem_shared>>
      tpu.enqueue_indirect_dma source(%arg17 : memref<80x8xf32, #tpu.memory_space<vmem>>) target(%dma_start3A_130 : memref<10112x8xf32, #tpu.memory_space<vmem_shared>>) offsets(%dma_start3A_127 : memref<80xi32, #tpu.memory_space<vmem>>) semaphore(%arg19 : memref<!tpu.dma_semaphore, #tpu.memory_space<semaphore_mem>>) {add = true}
    }
    %scan3A_52 = arith.constant 62 : i32
    %dma_wait3A_53 = arith.constant 124 : i32
    %dma_wait3A_54 = arith.constant 0 : i32
    %dma_wait3A_55 = tpu.memref_slice %arg10[%dma_wait3A_53, %dma_wait3A_54] : memref<125x80xi32, #tpu.memory_space<vmem>> -> memref<1x80xi32, #tpu.memory_space<vmem>>
    %dma_wait3A_56 = tpu.memref_squeeze %dma_wait3A_55 : memref<1x80xi32, #tpu.memory_space<vmem>> -> memref<80xi32, #tpu.memory_space<vmem>>
    %dma_wait3A_57 = arith.constant 0 : i32
    %dma_wait3A_58 = arith.constant 0 : i32
    %dma_wait3A_59 = tpu.memref_slice %arg2[%dma_wait3A_57, %dma_wait3A_58] : memref<10000x128xf32, #tpu.memory_space<hbm>> -> memref<10000x128xf32, #tpu.memory_space<hbm>>
    tpu.wait_indirect_dma semaphore(%arg15 : memref<!tpu.dma_semaphore, #tpu.memory_space<semaphore_mem>>) src(%dma_wait3A_59 : memref<10000x128xf32, #tpu.memory_space<hbm>>) dst(%arg12 : memref<80x128xf32, #tpu.memory_space<vmem>>)
    %run_scoped3A = arith.constant 124 : i32
    "tpu.region"() ({
      %run_scoped3A_74 = tpu.sem_alloc : memref<!tpu.dma_semaphore, #tpu.memory_space<semaphore_mem>>
      %dma_start3A_75 = arith.constant 0 : i32
      %dma_start3A_76 = tpu.memref_slice %arg11[%run_scoped3A, %dma_start3A_75] : memref<125x80xi32, #tpu.memory_space<vmem>> -> memref<1x80xi32, #tpu.memory_space<vmem>>
      %dma_start3A_77 = tpu.memref_squeeze %dma_start3A_76 : memref<1x80xi32, #tpu.memory_space<vmem>> -> memref<80xi32, #tpu.memory_space<vmem>>
      %dma_start3A_78 = arith.constant 0 : i32
      %dma_start3A_79 = arith.constant 0 : i32
      %dma_start3A_80 = tpu.memref_slice %arg14[%dma_start3A_78, %dma_start3A_79] : memref<10112x128xf32, #tpu.memory_space<vmem_shared>> -> memref<10112x128xf32, #tpu.memory_space<vmem_shared>>
      tpu.enqueue_indirect_dma source(%arg12 : memref<80x128xf32, #tpu.memory_space<vmem>>) target(%dma_start3A_80 : memref<10112x128xf32, #tpu.memory_space<vmem_shared>>) offsets(%dma_start3A_77 : memref<80xi32, #tpu.memory_space<vmem>>) semaphore(%run_scoped3A_74 : memref<!tpu.dma_semaphore, #tpu.memory_space<semaphore_mem>>) {add = true}
      %dma_wait3A_81 = arith.constant 0 : i32
      %dma_wait3A_82 = tpu.memref_slice %arg11[%run_scoped3A, %dma_wait3A_81] : memref<125x80xi32, #tpu.memory_space<vmem>> -> memref<1x80xi32, #tpu.memory_space<vmem>>
      %dma_wait3A_83 = tpu.memref_squeeze %dma_wait3A_82 : memref<1x80xi32, #tpu.memory_space<vmem>> -> memref<80xi32, #tpu.memory_space<vmem>>
      %dma_wait3A_84 = arith.constant 0 : i32
      %dma_wait3A_85 = arith.constant 0 : i32
      %dma_wait3A_86 = tpu.memref_slice %arg14[%dma_wait3A_84, %dma_wait3A_85] : memref<10112x128xf32, #tpu.memory_space<vmem_shared>> -> memref<10112x128xf32, #tpu.memory_space<vmem_shared>>
      tpu.wait_indirect_dma semaphore(%run_scoped3A_74 : memref<!tpu.dma_semaphore, #tpu.memory_space<semaphore_mem>>) src(%arg12 : memref<80x128xf32, #tpu.memory_space<vmem>>) dst(%dma_wait3A_86 : memref<10112x128xf32, #tpu.memory_space<vmem_shared>>)
      tpu.yield
    }) : () -> ()
    %dma_start3A_60 = arith.constant 124 : i32
    %dma_start3A_61 = arith.constant 0 : i32
    %dma_start3A_62 = tpu.memref_slice %arg11[%dma_start3A_60, %dma_start3A_61] : memref<125x80xi32, #tpu.memory_space<vmem>> -> memref<1x80xi32, #tpu.memory_space<vmem>>
    %dma_start3A_63 = tpu.memref_squeeze %dma_start3A_62 : memref<1x80xi32, #tpu.memory_space<vmem>> -> memref<80xi32, #tpu.memory_space<vmem>>
    %dma_start3A_64 = arith.constant 0 : i32
    %dma_start3A_65 = arith.constant 0 : i32
    %dma_start3A_66 = tpu.memref_slice %arg18[%dma_start3A_64, %dma_start3A_65] : memref<10112x8xf32, #tpu.memory_space<vmem_shared>> -> memref<10112x8xf32, #tpu.memory_space<vmem_shared>>
    tpu.enqueue_indirect_dma source(%arg17 : memref<80x8xf32, #tpu.memory_space<vmem>>) target(%dma_start3A_66 : memref<10112x8xf32, #tpu.memory_space<vmem_shared>>) offsets(%dma_start3A_63 : memref<80xi32, #tpu.memory_space<vmem>>) semaphore(%arg19 : memref<!tpu.dma_semaphore, #tpu.memory_space<semaphore_mem>>) {add = true}
    %scan3A_67 = arith.constant 0 : i32
    %scan3A_68 = arith.constant 0 : i32
    %scan3A_69 = arith.constant 125 : i32
    %scan3A_70 = arith.addi %scan3A_68, %scan3A_69 : i32
    %scan3A_71 = arith.constant 1 : i32
    scf.for %scan3A_74 = %scan3A_68 to %scan3A_70 step %scan3A_71  : i32 {
      %dma_wait3A_75 = arith.constant 0 : i32
      %dma_wait3A_76 = tpu.memref_slice %arg11[%scan3A_74, %dma_wait3A_75] : memref<125x80xi32, #tpu.memory_space<vmem>> -> memref<1x80xi32, #tpu.memory_space<vmem>>
      %dma_wait3A_77 = tpu.memref_squeeze %dma_wait3A_76 : memref<1x80xi32, #tpu.memory_space<vmem>> -> memref<80xi32, #tpu.memory_space<vmem>>
      %dma_wait3A_78 = arith.constant 0 : i32
      %dma_wait3A_79 = arith.constant 0 : i32
      %dma_wait3A_80 = tpu.memref_slice %arg18[%dma_wait3A_78, %dma_wait3A_79] : memref<10112x8xf32, #tpu.memory_space<vmem_shared>> -> memref<10112x8xf32, #tpu.memory_space<vmem_shared>>
      tpu.wait_indirect_dma semaphore(%arg19 : memref<!tpu.dma_semaphore, #tpu.memory_space<semaphore_mem>>) src(%arg17 : memref<80x8xf32, #tpu.memory_space<vmem>>) dst(%dma_wait3A_80 : memref<10112x8xf32, #tpu.memory_space<vmem_shared>>)
    }
    %scan3A_72 = arith.constant 125 : i32
    %barrier3A_73 = arith.constant 0 : index
    tpu.barrier barrier_id(%barrier3A_73)
    "tpu.region"() ({
      %run_scoped3A_74 = tpu.sem_alloc : memref<!tpu.dma_semaphore, #tpu.memory_space<semaphore_mem>>
      %dma_start3A_75 = arith.constant 0 : i32
      %dma_start3A_76 = tpu.memref_slice %arg8[%arg0, %mul3A_2, %dma_start3A_75] : memref<2x10112x128xf32, #tpu.memory_space<hbm>> -> memref<1x632x128xf32, #tpu.memory_space<hbm>>
      %dma_start3A_77 = tpu.memref_squeeze %dma_start3A_76 : memref<1x632x128xf32, #tpu.memory_space<hbm>> -> memref<632x128xf32, #tpu.memory_space<hbm>>
      %dma_start3A_78 = arith.constant 0 : i32
      %dma_start3A_79 = tpu.memref_slice %arg14[%mul3A_2, %dma_start3A_78] : memref<10112x128xf32, #tpu.memory_space<vmem_shared>> -> memref<632x128xf32, #tpu.memory_space<vmem_shared>>
      tpu.enqueue_dma source(%dma_start3A_79 : memref<632x128xf32, #tpu.memory_space<vmem_shared>>) target(%dma_start3A_77 : memref<632x128xf32, #tpu.memory_space<hbm>>) target_semaphore(%run_scoped3A_74 : memref<!tpu.dma_semaphore, #tpu.memory_space<semaphore_mem>>)
      %dma_wait3A_80 = arith.constant 0 : i32
      %dma_wait3A_81 = tpu.memref_slice %arg8[%arg0, %mul3A_2, %dma_wait3A_80] : memref<2x10112x128xf32, #tpu.memory_space<hbm>> -> memref<1x632x128xf32, #tpu.memory_space<hbm>>
      %dma_wait3A_82 = tpu.memref_squeeze %dma_wait3A_81 : memref<1x632x128xf32, #tpu.memory_space<hbm>> -> memref<632x128xf32, #tpu.memory_space<hbm>>
      %dma_wait3A_83 = arith.constant 0 : i32
      %dma_wait3A_84 = tpu.memref_slice %arg14[%mul3A_2, %dma_wait3A_83] : memref<10112x128xf32, #tpu.memory_space<vmem_shared>> -> memref<632x128xf32, #tpu.memory_space<vmem_shared>>
      tpu.wait_dma2 semaphore(%run_scoped3A_74 : memref<!tpu.dma_semaphore, #tpu.memory_space<semaphore_mem>>) src(%dma_wait3A_84 : memref<632x128xf32, #tpu.memory_space<vmem_shared>>) dst(%dma_wait3A_82 : memref<632x128xf32, #tpu.memory_space<hbm>>)
      tpu.yield
    }) : () -> ()
    "tpu.region"() ({
      %run_scoped3A_74 = tpu.sem_alloc : memref<!tpu.dma_semaphore, #tpu.memory_space<semaphore_mem>>
      %dma_start3A_75 = arith.constant 0 : i32
      %dma_start3A_76 = tpu.memref_slice %arg9[%arg0, %mul3A_2, %dma_start3A_75] : memref<2x10112x8xf32, #tpu.memory_space<hbm>> -> memref<1x632x8xf32, #tpu.memory_space<hbm>>
      %dma_start3A_77 = tpu.memref_squeeze %dma_start3A_76 : memref<1x632x8xf32, #tpu.memory_space<hbm>> -> memref<632x8xf32, #tpu.memory_space<hbm>>
      %dma_start3A_78 = arith.constant 0 : i32
      %dma_start3A_79 = tpu.memref_slice %arg18[%mul3A_2, %dma_start3A_78] : memref<10112x8xf32, #tpu.memory_space<vmem_shared>> -> memref<632x8xf32, #tpu.memory_space<vmem_shared>>
      tpu.enqueue_dma source(%dma_start3A_79 : memref<632x8xf32, #tpu.memory_space<vmem_shared>>) target(%dma_start3A_77 : memref<632x8xf32, #tpu.memory_space<hbm>>) target_semaphore(%run_scoped3A_74 : memref<!tpu.dma_semaphore, #tpu.memory_space<semaphore_mem>>)
      %dma_wait3A_80 = arith.constant 0 : i32
      %dma_wait3A_81 = tpu.memref_slice %arg9[%arg0, %mul3A_2, %dma_wait3A_80] : memref<2x10112x8xf32, #tpu.memory_space<hbm>> -> memref<1x632x8xf32, #tpu.memory_space<hbm>>
      %dma_wait3A_82 = tpu.memref_squeeze %dma_wait3A_81 : memref<1x632x8xf32, #tpu.memory_space<hbm>> -> memref<632x8xf32, #tpu.memory_space<hbm>>
      %dma_wait3A_83 = arith.constant 0 : i32
      %dma_wait3A_84 = tpu.memref_slice %arg18[%mul3A_2, %dma_wait3A_83] : memref<10112x8xf32, #tpu.memory_space<vmem_shared>> -> memref<632x8xf32, #tpu.memory_space<vmem_shared>>
      tpu.wait_dma2 semaphore(%run_scoped3A_74 : memref<!tpu.dma_semaphore, #tpu.memory_space<semaphore_mem>>) src(%dma_wait3A_84 : memref<632x8xf32, #tpu.memory_space<vmem_shared>>) dst(%dma_wait3A_82 : memref<632x8xf32, #tpu.memory_space<hbm>>)
      tpu.yield
    }) : () -> ()
    return
  }
}

#map = affine_map<(d0, d1) -> (0, 0)>
#map1 = affine_map<(d0, d1) -> (0, 0, 0)>
module attributes {stable_mosaic.version = 14 : i64} {
  func.func @body(%arg0: i32, %arg1: i32, %arg2: memref<10000x16xf32, #tpu.memory_space<hbm>>, %arg3: memref<32x5x2000xi32, #tpu.memory_space<hbm>>, %arg4: memref<32x125x80xi32, #tpu.memory_space<hbm>>, %arg5: memref<632x16xf32, #tpu.memory_space<hbm>>, %arg6: memref<632x8xf32, #tpu.memory_space<hbm>>, %arg7: memref<80x8xf32, #tpu.memory_space<hbm>>, %arg8: memref<2x10112x16xf32, #tpu.memory_space<hbm>>, %arg9: memref<5x2000xi32, #tpu.memory_space<vmem>>, %arg10: memref<125x80xi32, #tpu.memory_space<vmem>>, %arg11: memref<2000x16xf32, #tpu.memory_space<vmem>>, %arg12: memref<2000x16xf32, #tpu.memory_space<vmem>>, %arg13: memref<10112x16xf32, #tpu.memory_space<vmem_shared>>, %arg14: memref<!tpu.dma_semaphore, #tpu.memory_space<semaphore_mem>>, %arg15: memref<!tpu.dma_semaphore, #tpu.memory_space<semaphore_mem>>) attributes {dimension_semantics = [#tpu.dimension_semantics<core_parallel>, #tpu.dimension_semantics<subcore_parallel>], iteration_bounds = array<i64: 2, 16>, scalar_prefetch = 0 : i64, scratch_operands = 7 : i64, tpu.core_type = #tpu.core_type<sc_vector_subcore>, window_params = [{transform_indices = #map}, {transform_indices = #map1}, {transform_indices = #map1}, {transform_indices = #map}, {transform_indices = #map}, {transform_indices = #map}, {transform_indices = #map1}]} {
    %mul3A = arith.constant 16 : i32
    %mul3A_0 = arith.muli %arg0, %mul3A : i32
    %add3A = arith.addi %mul3A_0, %arg1 : i32
    %mul3A_1 = arith.constant 632 : i32
    %mul3A_2 = arith.muli %arg1, %mul3A_1 : i32
    %dma_start3A = arith.constant 0 : i32
    %dma_start3A_3 = arith.constant 0 : i32
    %dma_start3A_4 = tpu.memref_slice %arg3[%add3A, %dma_start3A, %dma_start3A_3] : memref<32x5x2000xi32, #tpu.memory_space<hbm>> -> memref<1x5x2000xi32, #tpu.memory_space<hbm>>
    %dma_start3A_5 = tpu.memref_squeeze %dma_start3A_4 : memref<1x5x2000xi32, #tpu.memory_space<hbm>> -> memref<5x2000xi32, #tpu.memory_space<hbm>>
    %dma_start3A_6 = arith.constant 0 : i32
    %dma_start3A_7 = arith.constant 0 : i32
    %dma_start3A_8 = tpu.memref_slice %arg3[%add3A, %dma_start3A_6, %dma_start3A_7] : memref<32x5x2000xi32, #tpu.memory_space<hbm>> -> memref<1x5x2000xi32, #tpu.memory_space<hbm>>
    %dma_start3A_9 = tpu.memref_squeeze %dma_start3A_8 : memref<1x5x2000xi32, #tpu.memory_space<hbm>> -> memref<5x2000xi32, #tpu.memory_space<hbm>>
    tpu.enqueue_dma source(%dma_start3A_9 : memref<5x2000xi32, #tpu.memory_space<hbm>>) target(%arg9 : memref<5x2000xi32, #tpu.memory_space<vmem>>) target_semaphore(%arg14 : memref<!tpu.dma_semaphore, #tpu.memory_space<semaphore_mem>>)
    %dma_start3A_10 = arith.constant 0 : i32
    %dma_start3A_11 = arith.constant 0 : i32
    %dma_start3A_12 = tpu.memref_slice %arg4[%add3A, %dma_start3A_10, %dma_start3A_11] : memref<32x125x80xi32, #tpu.memory_space<hbm>> -> memref<1x125x80xi32, #tpu.memory_space<hbm>>
    %dma_start3A_13 = tpu.memref_squeeze %dma_start3A_12 : memref<1x125x80xi32, #tpu.memory_space<hbm>> -> memref<125x80xi32, #tpu.memory_space<hbm>>
    %dma_start3A_14 = arith.constant 0 : i32
    %dma_start3A_15 = arith.constant 0 : i32
    %dma_start3A_16 = tpu.memref_slice %arg4[%add3A, %dma_start3A_14, %dma_start3A_15] : memref<32x125x80xi32, #tpu.memory_space<hbm>> -> memref<1x125x80xi32, #tpu.memory_space<hbm>>
    %dma_start3A_17 = tpu.memref_squeeze %dma_start3A_16 : memref<1x125x80xi32, #tpu.memory_space<hbm>> -> memref<125x80xi32, #tpu.memory_space<hbm>>
    tpu.enqueue_dma source(%dma_start3A_17 : memref<125x80xi32, #tpu.memory_space<hbm>>) target(%arg10 : memref<125x80xi32, #tpu.memory_space<vmem>>) target_semaphore(%arg14 : memref<!tpu.dma_semaphore, #tpu.memory_space<semaphore_mem>>)
    %dma_start3A_18 = arith.constant 0 : i32
    %dma_start3A_19 = tpu.memref_slice %arg13[%mul3A_2, %dma_start3A_18] : memref<10112x16xf32, #tpu.memory_space<vmem_shared>> -> memref<632x16xf32, #tpu.memory_space<vmem_shared>>
    tpu.enqueue_dma source(%arg5 : memref<632x16xf32, #tpu.memory_space<hbm>>) target(%dma_start3A_19 : memref<632x16xf32, #tpu.memory_space<vmem_shared>>) target_semaphore(%arg14 : memref<!tpu.dma_semaphore, #tpu.memory_space<semaphore_mem>>)
    %dma_wait3A = arith.constant 0 : i32
    %dma_wait3A_20 = arith.constant 0 : i32
    %dma_wait3A_21 = tpu.memref_slice %arg3[%add3A, %dma_wait3A, %dma_wait3A_20] : memref<32x5x2000xi32, #tpu.memory_space<hbm>> -> memref<1x5x2000xi32, #tpu.memory_space<hbm>>
    %dma_wait3A_22 = tpu.memref_squeeze %dma_wait3A_21 : memref<1x5x2000xi32, #tpu.memory_space<hbm>> -> memref<5x2000xi32, #tpu.memory_space<hbm>>
    %dma_wait3A_23 = arith.constant 0 : i32
    %dma_wait3A_24 = arith.constant 0 : i32
    %dma_wait3A_25 = tpu.memref_slice %arg3[%add3A, %dma_wait3A_23, %dma_wait3A_24] : memref<32x5x2000xi32, #tpu.memory_space<hbm>> -> memref<1x5x2000xi32, #tpu.memory_space<hbm>>
    %dma_wait3A_26 = tpu.memref_squeeze %dma_wait3A_25 : memref<1x5x2000xi32, #tpu.memory_space<hbm>> -> memref<5x2000xi32, #tpu.memory_space<hbm>>
    tpu.wait_dma2 semaphore(%arg14 : memref<!tpu.dma_semaphore, #tpu.memory_space<semaphore_mem>>) src(%dma_wait3A_26 : memref<5x2000xi32, #tpu.memory_space<hbm>>) dst(%arg9 : memref<5x2000xi32, #tpu.memory_space<vmem>>)
    %dma_wait3A_27 = arith.constant 0 : i32
    %dma_wait3A_28 = arith.constant 0 : i32
    %dma_wait3A_29 = tpu.memref_slice %arg4[%add3A, %dma_wait3A_27, %dma_wait3A_28] : memref<32x125x80xi32, #tpu.memory_space<hbm>> -> memref<1x125x80xi32, #tpu.memory_space<hbm>>
    %dma_wait3A_30 = tpu.memref_squeeze %dma_wait3A_29 : memref<1x125x80xi32, #tpu.memory_space<hbm>> -> memref<125x80xi32, #tpu.memory_space<hbm>>
    %dma_wait3A_31 = arith.constant 0 : i32
    %dma_wait3A_32 = arith.constant 0 : i32
    %dma_wait3A_33 = tpu.memref_slice %arg4[%add3A, %dma_wait3A_31, %dma_wait3A_32] : memref<32x125x80xi32, #tpu.memory_space<hbm>> -> memref<1x125x80xi32, #tpu.memory_space<hbm>>
    %dma_wait3A_34 = tpu.memref_squeeze %dma_wait3A_33 : memref<1x125x80xi32, #tpu.memory_space<hbm>> -> memref<125x80xi32, #tpu.memory_space<hbm>>
    tpu.wait_dma2 semaphore(%arg14 : memref<!tpu.dma_semaphore, #tpu.memory_space<semaphore_mem>>) src(%dma_wait3A_34 : memref<125x80xi32, #tpu.memory_space<hbm>>) dst(%arg10 : memref<125x80xi32, #tpu.memory_space<vmem>>)
    %dma_wait3A_35 = arith.constant 0 : i32
    %dma_wait3A_36 = tpu.memref_slice %arg13[%mul3A_2, %dma_wait3A_35] : memref<10112x16xf32, #tpu.memory_space<vmem_shared>> -> memref<632x16xf32, #tpu.memory_space<vmem_shared>>
    tpu.wait_dma2 semaphore(%arg14 : memref<!tpu.dma_semaphore, #tpu.memory_space<semaphore_mem>>) src(%arg5 : memref<632x16xf32, #tpu.memory_space<hbm>>) dst(%dma_wait3A_36 : memref<632x16xf32, #tpu.memory_space<vmem_shared>>)
    %barrier3A = arith.constant 0 : index
    tpu.barrier barrier_id(%barrier3A)
    %dma_start3A_37 = arith.constant 0 : i32
    %dma_start3A_38 = arith.constant 0 : i32
    %dma_start3A_39 = tpu.memref_slice %arg9[%dma_start3A_37, %dma_start3A_38] : memref<5x2000xi32, #tpu.memory_space<vmem>> -> memref<1x2000xi32, #tpu.memory_space<vmem>>
    %dma_start3A_40 = tpu.memref_squeeze %dma_start3A_39 : memref<1x2000xi32, #tpu.memory_space<vmem>> -> memref<2000xi32, #tpu.memory_space<vmem>>
    %dma_start3A_41 = arith.constant 0 : i32
    %dma_start3A_42 = arith.constant 0 : i32
    %dma_start3A_43 = tpu.memref_slice %arg2[%dma_start3A_41, %dma_start3A_42] : memref<10000x16xf32, #tpu.memory_space<hbm>> -> memref<10000x16xf32, #tpu.memory_space<hbm>>
    tpu.enqueue_indirect_dma source(%dma_start3A_43 : memref<10000x16xf32, #tpu.memory_space<hbm>>) target(%arg11 : memref<2000x16xf32, #tpu.memory_space<vmem>>) offsets(%dma_start3A_40 : memref<2000xi32, #tpu.memory_space<vmem>>) semaphore(%arg14 : memref<!tpu.dma_semaphore, #tpu.memory_space<semaphore_mem>>)
    %scan3A = arith.constant 0 : i32
    %scan3A_44 = arith.constant 0 : i32
    %scan3A_45 = arith.constant 2 : i32
    %scan3A_46 = arith.addi %scan3A_44, %scan3A_45 : i32
    %scan3A_47 = arith.constant 1 : i32
    scf.for %scan3A_81 = %scan3A_44 to %scan3A_46 step %scan3A_47  : i32 {
      %mul3A_82 = arith.constant 2 : i32
      %mul3A_83 = arith.muli %mul3A_82, %scan3A_81 : i32
      %add3A_84 = arith.constant 1 : i32
      %add3A_85 = arith.addi %mul3A_83, %add3A_84 : i32
      %dma_start3A_86 = arith.constant 0 : i32
      %dma_start3A_87 = tpu.memref_slice %arg9[%add3A_85, %dma_start3A_86] : memref<5x2000xi32, #tpu.memory_space<vmem>> -> memref<1x2000xi32, #tpu.memory_space<vmem>>
      %dma_start3A_88 = tpu.memref_squeeze %dma_start3A_87 : memref<1x2000xi32, #tpu.memory_space<vmem>> -> memref<2000xi32, #tpu.memory_space<vmem>>
      %dma_start3A_89 = arith.constant 0 : i32
      %dma_start3A_90 = arith.constant 0 : i32
      %dma_start3A_91 = tpu.memref_slice %arg2[%dma_start3A_89, %dma_start3A_90] : memref<10000x16xf32, #tpu.memory_space<hbm>> -> memref<10000x16xf32, #tpu.memory_space<hbm>>
      tpu.enqueue_indirect_dma source(%dma_start3A_91 : memref<10000x16xf32, #tpu.memory_space<hbm>>) target(%arg12 : memref<2000x16xf32, #tpu.memory_space<vmem>>) offsets(%dma_start3A_88 : memref<2000xi32, #tpu.memory_space<vmem>>) semaphore(%arg15 : memref<!tpu.dma_semaphore, #tpu.memory_space<semaphore_mem>>)
      %dma_wait3A_92 = arith.constant 0 : i32
      %dma_wait3A_93 = tpu.memref_slice %arg9[%mul3A_83, %dma_wait3A_92] : memref<5x2000xi32, #tpu.memory_space<vmem>> -> memref<1x2000xi32, #tpu.memory_space<vmem>>
      %dma_wait3A_94 = tpu.memref_squeeze %dma_wait3A_93 : memref<1x2000xi32, #tpu.memory_space<vmem>> -> memref<2000xi32, #tpu.memory_space<vmem>>
      %dma_wait3A_95 = arith.constant 0 : i32
      %dma_wait3A_96 = arith.constant 0 : i32
      %dma_wait3A_97 = tpu.memref_slice %arg2[%dma_wait3A_95, %dma_wait3A_96] : memref<10000x16xf32, #tpu.memory_space<hbm>> -> memref<10000x16xf32, #tpu.memory_space<hbm>>
      tpu.wait_indirect_dma semaphore(%arg14 : memref<!tpu.dma_semaphore, #tpu.memory_space<semaphore_mem>>) src(%dma_wait3A_97 : memref<10000x16xf32, #tpu.memory_space<hbm>>) dst(%arg11 : memref<2000x16xf32, #tpu.memory_space<vmem>>)
      %mul3A_98 = arith.constant 25 : i32
      %mul3A_99 = arith.muli %mul3A_98, %mul3A_83 : i32
      %add3A_100 = arith.constant 0 : i32
      %add3A_101 = arith.addi %mul3A_99, %add3A_100 : i32
      "tpu.region"() ({
        %run_scoped3A_310 = tpu.sem_alloc : memref<!tpu.dma_semaphore, #tpu.memory_space<semaphore_mem>>
        %dma_start3A_311 = arith.constant 0 : i32
        %dma_start3A_312 = arith.constant 0 : i32
        %dma_start3A_313 = tpu.memref_slice %arg11[%dma_start3A_311, %dma_start3A_312] : memref<2000x16xf32, #tpu.memory_space<vmem>> -> memref<80x16xf32, #tpu.memory_space<vmem>>
        %dma_start3A_314 = arith.constant 0 : i32
        %dma_start3A_315 = tpu.memref_slice %arg10[%add3A_101, %dma_start3A_314] : memref<125x80xi32, #tpu.memory_space<vmem>> -> memref<1x80xi32, #tpu.memory_space<vmem>>
        %dma_start3A_316 = tpu.memref_squeeze %dma_start3A_315 : memref<1x80xi32, #tpu.memory_space<vmem>> -> memref<80xi32, #tpu.memory_space<vmem>>
        %dma_start3A_317 = arith.constant 0 : i32
        %dma_start3A_318 = arith.constant 0 : i32
        %dma_start3A_319 = tpu.memref_slice %arg13[%dma_start3A_317, %dma_start3A_318] : memref<10112x16xf32, #tpu.memory_space<vmem_shared>> -> memref<10112x16xf32, #tpu.memory_space<vmem_shared>>
        tpu.enqueue_indirect_dma source(%dma_start3A_313 : memref<80x16xf32, #tpu.memory_space<vmem>>) target(%dma_start3A_319 : memref<10112x16xf32, #tpu.memory_space<vmem_shared>>) offsets(%dma_start3A_316 : memref<80xi32, #tpu.memory_space<vmem>>) semaphore(%run_scoped3A_310 : memref<!tpu.dma_semaphore, #tpu.memory_space<semaphore_mem>>) {add = true}
        %dma_wait3A_320 = arith.constant 0 : i32
        %dma_wait3A_321 = arith.constant 0 : i32
        %dma_wait3A_322 = tpu.memref_slice %arg11[%dma_wait3A_320, %dma_wait3A_321] : memref<2000x16xf32, #tpu.memory_space<vmem>> -> memref<80x16xf32, #tpu.memory_space<vmem>>
        %dma_wait3A_323 = arith.constant 0 : i32
        %dma_wait3A_324 = tpu.memref_slice %arg10[%add3A_101, %dma_wait3A_323] : memref<125x80xi32, #tpu.memory_space<vmem>> -> memref<1x80xi32, #tpu.memory_space<vmem>>
        %dma_wait3A_325 = tpu.memref_squeeze %dma_wait3A_324 : memref<1x80xi32, #tpu.memory_space<vmem>> -> memref<80xi32, #tpu.memory_space<vmem>>
        %dma_wait3A_326 = arith.constant 0 : i32
        %dma_wait3A_327 = arith.constant 0 : i32
        %dma_wait3A_328 = tpu.memref_slice %arg13[%dma_wait3A_326, %dma_wait3A_327] : memref<10112x16xf32, #tpu.memory_space<vmem_shared>> -> memref<10112x16xf32, #tpu.memory_space<vmem_shared>>
        tpu.wait_indirect_dma semaphore(%run_scoped3A_310 : memref<!tpu.dma_semaphore, #tpu.memory_space<semaphore_mem>>) src(%dma_wait3A_322 : memref<80x16xf32, #tpu.memory_space<vmem>>) dst(%dma_wait3A_328 : memref<10112x16xf32, #tpu.memory_space<vmem_shared>>)
        tpu.yield
      }) : () -> ()
      %mul3A_102 = arith.constant 25 : i32
      %mul3A_103 = arith.muli %mul3A_102, %mul3A_83 : i32
      %add3A_104 = arith.constant 1 : i32
      %add3A_105 = arith.addi %mul3A_103, %add3A_104 : i32
      "tpu.region"() ({
        %run_scoped3A_310 = tpu.sem_alloc : memref<!tpu.dma_semaphore, #tpu.memory_space<semaphore_mem>>
        %dma_start3A_311 = arith.constant 80 : i32
        %dma_start3A_312 = arith.constant 0 : i32
        %dma_start3A_313 = tpu.memref_slice %arg11[%dma_start3A_311, %dma_start3A_312] : memref<2000x16xf32, #tpu.memory_space<vmem>> -> memref<80x16xf32, #tpu.memory_space<vmem>>
        %dma_start3A_314 = arith.constant 0 : i32
        %dma_start3A_315 = tpu.memref_slice %arg10[%add3A_105, %dma_start3A_314] : memref<125x80xi32, #tpu.memory_space<vmem>> -> memref<1x80xi32, #tpu.memory_space<vmem>>
        %dma_start3A_316 = tpu.memref_squeeze %dma_start3A_315 : memref<1x80xi32, #tpu.memory_space<vmem>> -> memref<80xi32, #tpu.memory_space<vmem>>
        %dma_start3A_317 = arith.constant 0 : i32
        %dma_start3A_318 = arith.constant 0 : i32
        %dma_start3A_319 = tpu.memref_slice %arg13[%dma_start3A_317, %dma_start3A_318] : memref<10112x16xf32, #tpu.memory_space<vmem_shared>> -> memref<10112x16xf32, #tpu.memory_space<vmem_shared>>
        tpu.enqueue_indirect_dma source(%dma_start3A_313 : memref<80x16xf32, #tpu.memory_space<vmem>>) target(%dma_start3A_319 : memref<10112x16xf32, #tpu.memory_space<vmem_shared>>) offsets(%dma_start3A_316 : memref<80xi32, #tpu.memory_space<vmem>>) semaphore(%run_scoped3A_310 : memref<!tpu.dma_semaphore, #tpu.memory_space<semaphore_mem>>) {add = true}
        %dma_wait3A_320 = arith.constant 80 : i32
        %dma_wait3A_321 = arith.constant 0 : i32
        %dma_wait3A_322 = tpu.memref_slice %arg11[%dma_wait3A_320, %dma_wait3A_321] : memref<2000x16xf32, #tpu.memory_space<vmem>> -> memref<80x16xf32, #tpu.memory_space<vmem>>
        %dma_wait3A_323 = arith.constant 0 : i32
        %dma_wait3A_324 = tpu.memref_slice %arg10[%add3A_105, %dma_wait3A_323] : memref<125x80xi32, #tpu.memory_space<vmem>> -> memref<1x80xi32, #tpu.memory_space<vmem>>
        %dma_wait3A_325 = tpu.memref_squeeze %dma_wait3A_324 : memref<1x80xi32, #tpu.memory_space<vmem>> -> memref<80xi32, #tpu.memory_space<vmem>>
        %dma_wait3A_326 = arith.constant 0 : i32
        %dma_wait3A_327 = arith.constant 0 : i32
        %dma_wait3A_328 = tpu.memref_slice %arg13[%dma_wait3A_326, %dma_wait3A_327] : memref<10112x16xf32, #tpu.memory_space<vmem_shared>> -> memref<10112x16xf32, #tpu.memory_space<vmem_shared>>
        tpu.wait_indirect_dma semaphore(%run_scoped3A_310 : memref<!tpu.dma_semaphore, #tpu.memory_space<semaphore_mem>>) src(%dma_wait3A_322 : memref<80x16xf32, #tpu.memory_space<vmem>>) dst(%dma_wait3A_328 : memref<10112x16xf32, #tpu.memory_space<vmem_shared>>)
        tpu.yield
      }) : () -> ()
      %mul3A_106 = arith.constant 25 : i32
      %mul3A_107 = arith.muli %mul3A_106, %mul3A_83 : i32
      %add3A_108 = arith.constant 2 : i32
      %add3A_109 = arith.addi %mul3A_107, %add3A_108 : i32
      "tpu.region"() ({
        %run_scoped3A_310 = tpu.sem_alloc : memref<!tpu.dma_semaphore, #tpu.memory_space<semaphore_mem>>
        %dma_start3A_311 = arith.constant 160 : i32
        %dma_start3A_312 = arith.constant 0 : i32
        %dma_start3A_313 = tpu.memref_slice %arg11[%dma_start3A_311, %dma_start3A_312] : memref<2000x16xf32, #tpu.memory_space<vmem>> -> memref<80x16xf32, #tpu.memory_space<vmem>>
        %dma_start3A_314 = arith.constant 0 : i32
        %dma_start3A_315 = tpu.memref_slice %arg10[%add3A_109, %dma_start3A_314] : memref<125x80xi32, #tpu.memory_space<vmem>> -> memref<1x80xi32, #tpu.memory_space<vmem>>
        %dma_start3A_316 = tpu.memref_squeeze %dma_start3A_315 : memref<1x80xi32, #tpu.memory_space<vmem>> -> memref<80xi32, #tpu.memory_space<vmem>>
        %dma_start3A_317 = arith.constant 0 : i32
        %dma_start3A_318 = arith.constant 0 : i32
        %dma_start3A_319 = tpu.memref_slice %arg13[%dma_start3A_317, %dma_start3A_318] : memref<10112x16xf32, #tpu.memory_space<vmem_shared>> -> memref<10112x16xf32, #tpu.memory_space<vmem_shared>>
        tpu.enqueue_indirect_dma source(%dma_start3A_313 : memref<80x16xf32, #tpu.memory_space<vmem>>) target(%dma_start3A_319 : memref<10112x16xf32, #tpu.memory_space<vmem_shared>>) offsets(%dma_start3A_316 : memref<80xi32, #tpu.memory_space<vmem>>) semaphore(%run_scoped3A_310 : memref<!tpu.dma_semaphore, #tpu.memory_space<semaphore_mem>>) {add = true}
        %dma_wait3A_320 = arith.constant 160 : i32
        %dma_wait3A_321 = arith.constant 0 : i32
        %dma_wait3A_322 = tpu.memref_slice %arg11[%dma_wait3A_320, %dma_wait3A_321] : memref<2000x16xf32, #tpu.memory_space<vmem>> -> memref<80x16xf32, #tpu.memory_space<vmem>>
        %dma_wait3A_323 = arith.constant 0 : i32
        %dma_wait3A_324 = tpu.memref_slice %arg10[%add3A_109, %dma_wait3A_323] : memref<125x80xi32, #tpu.memory_space<vmem>> -> memref<1x80xi32, #tpu.memory_space<vmem>>
        %dma_wait3A_325 = tpu.memref_squeeze %dma_wait3A_324 : memref<1x80xi32, #tpu.memory_space<vmem>> -> memref<80xi32, #tpu.memory_space<vmem>>
        %dma_wait3A_326 = arith.constant 0 : i32
        %dma_wait3A_327 = arith.constant 0 : i32
        %dma_wait3A_328 = tpu.memref_slice %arg13[%dma_wait3A_326, %dma_wait3A_327] : memref<10112x16xf32, #tpu.memory_space<vmem_shared>> -> memref<10112x16xf32, #tpu.memory_space<vmem_shared>>
        tpu.wait_indirect_dma semaphore(%run_scoped3A_310 : memref<!tpu.dma_semaphore, #tpu.memory_space<semaphore_mem>>) src(%dma_wait3A_322 : memref<80x16xf32, #tpu.memory_space<vmem>>) dst(%dma_wait3A_328 : memref<10112x16xf32, #tpu.memory_space<vmem_shared>>)
        tpu.yield
      }) : () -> ()
      %mul3A_110 = arith.constant 25 : i32
      %mul3A_111 = arith.muli %mul3A_110, %mul3A_83 : i32
      %add3A_112 = arith.constant 3 : i32
      %add3A_113 = arith.addi %mul3A_111, %add3A_112 : i32
      "tpu.region"() ({
        %run_scoped3A_310 = tpu.sem_alloc : memref<!tpu.dma_semaphore, #tpu.memory_space<semaphore_mem>>
        %dma_start3A_311 = arith.constant 240 : i32
        %dma_start3A_312 = arith.constant 0 : i32
        %dma_start3A_313 = tpu.memref_slice %arg11[%dma_start3A_311, %dma_start3A_312] : memref<2000x16xf32, #tpu.memory_space<vmem>> -> memref<80x16xf32, #tpu.memory_space<vmem>>
        %dma_start3A_314 = arith.constant 0 : i32
        %dma_start3A_315 = tpu.memref_slice %arg10[%add3A_113, %dma_start3A_314] : memref<125x80xi32, #tpu.memory_space<vmem>> -> memref<1x80xi32, #tpu.memory_space<vmem>>
        %dma_start3A_316 = tpu.memref_squeeze %dma_start3A_315 : memref<1x80xi32, #tpu.memory_space<vmem>> -> memref<80xi32, #tpu.memory_space<vmem>>
        %dma_start3A_317 = arith.constant 0 : i32
        %dma_start3A_318 = arith.constant 0 : i32
        %dma_start3A_319 = tpu.memref_slice %arg13[%dma_start3A_317, %dma_start3A_318] : memref<10112x16xf32, #tpu.memory_space<vmem_shared>> -> memref<10112x16xf32, #tpu.memory_space<vmem_shared>>
        tpu.enqueue_indirect_dma source(%dma_start3A_313 : memref<80x16xf32, #tpu.memory_space<vmem>>) target(%dma_start3A_319 : memref<10112x16xf32, #tpu.memory_space<vmem_shared>>) offsets(%dma_start3A_316 : memref<80xi32, #tpu.memory_space<vmem>>) semaphore(%run_scoped3A_310 : memref<!tpu.dma_semaphore, #tpu.memory_space<semaphore_mem>>) {add = true}
        %dma_wait3A_320 = arith.constant 240 : i32
        %dma_wait3A_321 = arith.constant 0 : i32
        %dma_wait3A_322 = tpu.memref_slice %arg11[%dma_wait3A_320, %dma_wait3A_321] : memref<2000x16xf32, #tpu.memory_space<vmem>> -> memref<80x16xf32, #tpu.memory_space<vmem>>
        %dma_wait3A_323 = arith.constant 0 : i32
        %dma_wait3A_324 = tpu.memref_slice %arg10[%add3A_113, %dma_wait3A_323] : memref<125x80xi32, #tpu.memory_space<vmem>> -> memref<1x80xi32, #tpu.memory_space<vmem>>
        %dma_wait3A_325 = tpu.memref_squeeze %dma_wait3A_324 : memref<1x80xi32, #tpu.memory_space<vmem>> -> memref<80xi32, #tpu.memory_space<vmem>>
        %dma_wait3A_326 = arith.constant 0 : i32
        %dma_wait3A_327 = arith.constant 0 : i32
        %dma_wait3A_328 = tpu.memref_slice %arg13[%dma_wait3A_326, %dma_wait3A_327] : memref<10112x16xf32, #tpu.memory_space<vmem_shared>> -> memref<10112x16xf32, #tpu.memory_space<vmem_shared>>
        tpu.wait_indirect_dma semaphore(%run_scoped3A_310 : memref<!tpu.dma_semaphore, #tpu.memory_space<semaphore_mem>>) src(%dma_wait3A_322 : memref<80x16xf32, #tpu.memory_space<vmem>>) dst(%dma_wait3A_328 : memref<10112x16xf32, #tpu.memory_space<vmem_shared>>)
        tpu.yield
      }) : () -> ()
      %mul3A_114 = arith.constant 25 : i32
      %mul3A_115 = arith.muli %mul3A_114, %mul3A_83 : i32
      %add3A_116 = arith.constant 4 : i32
      %add3A_117 = arith.addi %mul3A_115, %add3A_116 : i32
      "tpu.region"() ({
        %run_scoped3A_310 = tpu.sem_alloc : memref<!tpu.dma_semaphore, #tpu.memory_space<semaphore_mem>>
        %dma_start3A_311 = arith.constant 320 : i32
        %dma_start3A_312 = arith.constant 0 : i32
        %dma_start3A_313 = tpu.memref_slice %arg11[%dma_start3A_311, %dma_start3A_312] : memref<2000x16xf32, #tpu.memory_space<vmem>> -> memref<80x16xf32, #tpu.memory_space<vmem>>
        %dma_start3A_314 = arith.constant 0 : i32
        %dma_start3A_315 = tpu.memref_slice %arg10[%add3A_117, %dma_start3A_314] : memref<125x80xi32, #tpu.memory_space<vmem>> -> memref<1x80xi32, #tpu.memory_space<vmem>>
        %dma_start3A_316 = tpu.memref_squeeze %dma_start3A_315 : memref<1x80xi32, #tpu.memory_space<vmem>> -> memref<80xi32, #tpu.memory_space<vmem>>
        %dma_start3A_317 = arith.constant 0 : i32
        %dma_start3A_318 = arith.constant 0 : i32
        %dma_start3A_319 = tpu.memref_slice %arg13[%dma_start3A_317, %dma_start3A_318] : memref<10112x16xf32, #tpu.memory_space<vmem_shared>> -> memref<10112x16xf32, #tpu.memory_space<vmem_shared>>
        tpu.enqueue_indirect_dma source(%dma_start3A_313 : memref<80x16xf32, #tpu.memory_space<vmem>>) target(%dma_start3A_319 : memref<10112x16xf32, #tpu.memory_space<vmem_shared>>) offsets(%dma_start3A_316 : memref<80xi32, #tpu.memory_space<vmem>>) semaphore(%run_scoped3A_310 : memref<!tpu.dma_semaphore, #tpu.memory_space<semaphore_mem>>) {add = true}
        %dma_wait3A_320 = arith.constant 320 : i32
        %dma_wait3A_321 = arith.constant 0 : i32
        %dma_wait3A_322 = tpu.memref_slice %arg11[%dma_wait3A_320, %dma_wait3A_321] : memref<2000x16xf32, #tpu.memory_space<vmem>> -> memref<80x16xf32, #tpu.memory_space<vmem>>
        %dma_wait3A_323 = arith.constant 0 : i32
        %dma_wait3A_324 = tpu.memref_slice %arg10[%add3A_117, %dma_wait3A_323] : memref<125x80xi32, #tpu.memory_space<vmem>> -> memref<1x80xi32, #tpu.memory_space<vmem>>
        %dma_wait3A_325 = tpu.memref_squeeze %dma_wait3A_324 : memref<1x80xi32, #tpu.memory_space<vmem>> -> memref<80xi32, #tpu.memory_space<vmem>>
        %dma_wait3A_326 = arith.constant 0 : i32
        %dma_wait3A_327 = arith.constant 0 : i32
        %dma_wait3A_328 = tpu.memref_slice %arg13[%dma_wait3A_326, %dma_wait3A_327] : memref<10112x16xf32, #tpu.memory_space<vmem_shared>> -> memref<10112x16xf32, #tpu.memory_space<vmem_shared>>
        tpu.wait_indirect_dma semaphore(%run_scoped3A_310 : memref<!tpu.dma_semaphore, #tpu.memory_space<semaphore_mem>>) src(%dma_wait3A_322 : memref<80x16xf32, #tpu.memory_space<vmem>>) dst(%dma_wait3A_328 : memref<10112x16xf32, #tpu.memory_space<vmem_shared>>)
        tpu.yield
      }) : () -> ()
      %mul3A_118 = arith.constant 25 : i32
      %mul3A_119 = arith.muli %mul3A_118, %mul3A_83 : i32
      %add3A_120 = arith.constant 5 : i32
      %add3A_121 = arith.addi %mul3A_119, %add3A_120 : i32
      "tpu.region"() ({
        %run_scoped3A_310 = tpu.sem_alloc : memref<!tpu.dma_semaphore, #tpu.memory_space<semaphore_mem>>
        %dma_start3A_311 = arith.constant 400 : i32
        %dma_start3A_312 = arith.constant 0 : i32
        %dma_start3A_313 = tpu.memref_slice %arg11[%dma_start3A_311, %dma_start3A_312] : memref<2000x16xf32, #tpu.memory_space<vmem>> -> memref<80x16xf32, #tpu.memory_space<vmem>>
        %dma_start3A_314 = arith.constant 0 : i32
        %dma_start3A_315 = tpu.memref_slice %arg10[%add3A_121, %dma_start3A_314] : memref<125x80xi32, #tpu.memory_space<vmem>> -> memref<1x80xi32, #tpu.memory_space<vmem>>
        %dma_start3A_316 = tpu.memref_squeeze %dma_start3A_315 : memref<1x80xi32, #tpu.memory_space<vmem>> -> memref<80xi32, #tpu.memory_space<vmem>>
        %dma_start3A_317 = arith.constant 0 : i32
        %dma_start3A_318 = arith.constant 0 : i32
        %dma_start3A_319 = tpu.memref_slice %arg13[%dma_start3A_317, %dma_start3A_318] : memref<10112x16xf32, #tpu.memory_space<vmem_shared>> -> memref<10112x16xf32, #tpu.memory_space<vmem_shared>>
        tpu.enqueue_indirect_dma source(%dma_start3A_313 : memref<80x16xf32, #tpu.memory_space<vmem>>) target(%dma_start3A_319 : memref<10112x16xf32, #tpu.memory_space<vmem_shared>>) offsets(%dma_start3A_316 : memref<80xi32, #tpu.memory_space<vmem>>) semaphore(%run_scoped3A_310 : memref<!tpu.dma_semaphore, #tpu.memory_space<semaphore_mem>>) {add = true}
        %dma_wait3A_320 = arith.constant 400 : i32
        %dma_wait3A_321 = arith.constant 0 : i32
        %dma_wait3A_322 = tpu.memref_slice %arg11[%dma_wait3A_320, %dma_wait3A_321] : memref<2000x16xf32, #tpu.memory_space<vmem>> -> memref<80x16xf32, #tpu.memory_space<vmem>>
        %dma_wait3A_323 = arith.constant 0 : i32
        %dma_wait3A_324 = tpu.memref_slice %arg10[%add3A_121, %dma_wait3A_323] : memref<125x80xi32, #tpu.memory_space<vmem>> -> memref<1x80xi32, #tpu.memory_space<vmem>>
        %dma_wait3A_325 = tpu.memref_squeeze %dma_wait3A_324 : memref<1x80xi32, #tpu.memory_space<vmem>> -> memref<80xi32, #tpu.memory_space<vmem>>
        %dma_wait3A_326 = arith.constant 0 : i32
        %dma_wait3A_327 = arith.constant 0 : i32
        %dma_wait3A_328 = tpu.memref_slice %arg13[%dma_wait3A_326, %dma_wait3A_327] : memref<10112x16xf32, #tpu.memory_space<vmem_shared>> -> memref<10112x16xf32, #tpu.memory_space<vmem_shared>>
        tpu.wait_indirect_dma semaphore(%run_scoped3A_310 : memref<!tpu.dma_semaphore, #tpu.memory_space<semaphore_mem>>) src(%dma_wait3A_322 : memref<80x16xf32, #tpu.memory_space<vmem>>) dst(%dma_wait3A_328 : memref<10112x16xf32, #tpu.memory_space<vmem_shared>>)
        tpu.yield
      }) : () -> ()
      %mul3A_122 = arith.constant 25 : i32
      %mul3A_123 = arith.muli %mul3A_122, %mul3A_83 : i32
      %add3A_124 = arith.constant 6 : i32
      %add3A_125 = arith.addi %mul3A_123, %add3A_124 : i32
      "tpu.region"() ({
        %run_scoped3A_310 = tpu.sem_alloc : memref<!tpu.dma_semaphore, #tpu.memory_space<semaphore_mem>>
        %dma_start3A_311 = arith.constant 480 : i32
        %dma_start3A_312 = arith.constant 0 : i32
        %dma_start3A_313 = tpu.memref_slice %arg11[%dma_start3A_311, %dma_start3A_312] : memref<2000x16xf32, #tpu.memory_space<vmem>> -> memref<80x16xf32, #tpu.memory_space<vmem>>
        %dma_start3A_314 = arith.constant 0 : i32
        %dma_start3A_315 = tpu.memref_slice %arg10[%add3A_125, %dma_start3A_314] : memref<125x80xi32, #tpu.memory_space<vmem>> -> memref<1x80xi32, #tpu.memory_space<vmem>>
        %dma_start3A_316 = tpu.memref_squeeze %dma_start3A_315 : memref<1x80xi32, #tpu.memory_space<vmem>> -> memref<80xi32, #tpu.memory_space<vmem>>
        %dma_start3A_317 = arith.constant 0 : i32
        %dma_start3A_318 = arith.constant 0 : i32
        %dma_start3A_319 = tpu.memref_slice %arg13[%dma_start3A_317, %dma_start3A_318] : memref<10112x16xf32, #tpu.memory_space<vmem_shared>> -> memref<10112x16xf32, #tpu.memory_space<vmem_shared>>
        tpu.enqueue_indirect_dma source(%dma_start3A_313 : memref<80x16xf32, #tpu.memory_space<vmem>>) target(%dma_start3A_319 : memref<10112x16xf32, #tpu.memory_space<vmem_shared>>) offsets(%dma_start3A_316 : memref<80xi32, #tpu.memory_space<vmem>>) semaphore(%run_scoped3A_310 : memref<!tpu.dma_semaphore, #tpu.memory_space<semaphore_mem>>) {add = true}
        %dma_wait3A_320 = arith.constant 480 : i32
        %dma_wait3A_321 = arith.constant 0 : i32
        %dma_wait3A_322 = tpu.memref_slice %arg11[%dma_wait3A_320, %dma_wait3A_321] : memref<2000x16xf32, #tpu.memory_space<vmem>> -> memref<80x16xf32, #tpu.memory_space<vmem>>
        %dma_wait3A_323 = arith.constant 0 : i32
        %dma_wait3A_324 = tpu.memref_slice %arg10[%add3A_125, %dma_wait3A_323] : memref<125x80xi32, #tpu.memory_space<vmem>> -> memref<1x80xi32, #tpu.memory_space<vmem>>
        %dma_wait3A_325 = tpu.memref_squeeze %dma_wait3A_324 : memref<1x80xi32, #tpu.memory_space<vmem>> -> memref<80xi32, #tpu.memory_space<vmem>>
        %dma_wait3A_326 = arith.constant 0 : i32
        %dma_wait3A_327 = arith.constant 0 : i32
        %dma_wait3A_328 = tpu.memref_slice %arg13[%dma_wait3A_326, %dma_wait3A_327] : memref<10112x16xf32, #tpu.memory_space<vmem_shared>> -> memref<10112x16xf32, #tpu.memory_space<vmem_shared>>
        tpu.wait_indirect_dma semaphore(%run_scoped3A_310 : memref<!tpu.dma_semaphore, #tpu.memory_space<semaphore_mem>>) src(%dma_wait3A_322 : memref<80x16xf32, #tpu.memory_space<vmem>>) dst(%dma_wait3A_328 : memref<10112x16xf32, #tpu.memory_space<vmem_shared>>)
        tpu.yield
      }) : () -> ()
      %mul3A_126 = arith.constant 25 : i32
      %mul3A_127 = arith.muli %mul3A_126, %mul3A_83 : i32
      %add3A_128 = arith.constant 7 : i32
      %add3A_129 = arith.addi %mul3A_127, %add3A_128 : i32
      "tpu.region"() ({
        %run_scoped3A_310 = tpu.sem_alloc : memref<!tpu.dma_semaphore, #tpu.memory_space<semaphore_mem>>
        %dma_start3A_311 = arith.constant 560 : i32
        %dma_start3A_312 = arith.constant 0 : i32
        %dma_start3A_313 = tpu.memref_slice %arg11[%dma_start3A_311, %dma_start3A_312] : memref<2000x16xf32, #tpu.memory_space<vmem>> -> memref<80x16xf32, #tpu.memory_space<vmem>>
        %dma_start3A_314 = arith.constant 0 : i32
        %dma_start3A_315 = tpu.memref_slice %arg10[%add3A_129, %dma_start3A_314] : memref<125x80xi32, #tpu.memory_space<vmem>> -> memref<1x80xi32, #tpu.memory_space<vmem>>
        %dma_start3A_316 = tpu.memref_squeeze %dma_start3A_315 : memref<1x80xi32, #tpu.memory_space<vmem>> -> memref<80xi32, #tpu.memory_space<vmem>>
        %dma_start3A_317 = arith.constant 0 : i32
        %dma_start3A_318 = arith.constant 0 : i32
        %dma_start3A_319 = tpu.memref_slice %arg13[%dma_start3A_317, %dma_start3A_318] : memref<10112x16xf32, #tpu.memory_space<vmem_shared>> -> memref<10112x16xf32, #tpu.memory_space<vmem_shared>>
        tpu.enqueue_indirect_dma source(%dma_start3A_313 : memref<80x16xf32, #tpu.memory_space<vmem>>) target(%dma_start3A_319 : memref<10112x16xf32, #tpu.memory_space<vmem_shared>>) offsets(%dma_start3A_316 : memref<80xi32, #tpu.memory_space<vmem>>) semaphore(%run_scoped3A_310 : memref<!tpu.dma_semaphore, #tpu.memory_space<semaphore_mem>>) {add = true}
        %dma_wait3A_320 = arith.constant 560 : i32
        %dma_wait3A_321 = arith.constant 0 : i32
        %dma_wait3A_322 = tpu.memref_slice %arg11[%dma_wait3A_320, %dma_wait3A_321] : memref<2000x16xf32, #tpu.memory_space<vmem>> -> memref<80x16xf32, #tpu.memory_space<vmem>>
        %dma_wait3A_323 = arith.constant 0 : i32
        %dma_wait3A_324 = tpu.memref_slice %arg10[%add3A_129, %dma_wait3A_323] : memref<125x80xi32, #tpu.memory_space<vmem>> -> memref<1x80xi32, #tpu.memory_space<vmem>>
        %dma_wait3A_325 = tpu.memref_squeeze %dma_wait3A_324 : memref<1x80xi32, #tpu.memory_space<vmem>> -> memref<80xi32, #tpu.memory_space<vmem>>
        %dma_wait3A_326 = arith.constant 0 : i32
        %dma_wait3A_327 = arith.constant 0 : i32
        %dma_wait3A_328 = tpu.memref_slice %arg13[%dma_wait3A_326, %dma_wait3A_327] : memref<10112x16xf32, #tpu.memory_space<vmem_shared>> -> memref<10112x16xf32, #tpu.memory_space<vmem_shared>>
        tpu.wait_indirect_dma semaphore(%run_scoped3A_310 : memref<!tpu.dma_semaphore, #tpu.memory_space<semaphore_mem>>) src(%dma_wait3A_322 : memref<80x16xf32, #tpu.memory_space<vmem>>) dst(%dma_wait3A_328 : memref<10112x16xf32, #tpu.memory_space<vmem_shared>>)
        tpu.yield
      }) : () -> ()
      %mul3A_130 = arith.constant 25 : i32
      %mul3A_131 = arith.muli %mul3A_130, %mul3A_83 : i32
      %add3A_132 = arith.constant 8 : i32
      %add3A_133 = arith.addi %mul3A_131, %add3A_132 : i32
      "tpu.region"() ({
        %run_scoped3A_310 = tpu.sem_alloc : memref<!tpu.dma_semaphore, #tpu.memory_space<semaphore_mem>>
        %dma_start3A_311 = arith.constant 640 : i32
        %dma_start3A_312 = arith.constant 0 : i32
        %dma_start3A_313 = tpu.memref_slice %arg11[%dma_start3A_311, %dma_start3A_312] : memref<2000x16xf32, #tpu.memory_space<vmem>> -> memref<80x16xf32, #tpu.memory_space<vmem>>
        %dma_start3A_314 = arith.constant 0 : i32
        %dma_start3A_315 = tpu.memref_slice %arg10[%add3A_133, %dma_start3A_314] : memref<125x80xi32, #tpu.memory_space<vmem>> -> memref<1x80xi32, #tpu.memory_space<vmem>>
        %dma_start3A_316 = tpu.memref_squeeze %dma_start3A_315 : memref<1x80xi32, #tpu.memory_space<vmem>> -> memref<80xi32, #tpu.memory_space<vmem>>
        %dma_start3A_317 = arith.constant 0 : i32
        %dma_start3A_318 = arith.constant 0 : i32
        %dma_start3A_319 = tpu.memref_slice %arg13[%dma_start3A_317, %dma_start3A_318] : memref<10112x16xf32, #tpu.memory_space<vmem_shared>> -> memref<10112x16xf32, #tpu.memory_space<vmem_shared>>
        tpu.enqueue_indirect_dma source(%dma_start3A_313 : memref<80x16xf32, #tpu.memory_space<vmem>>) target(%dma_start3A_319 : memref<10112x16xf32, #tpu.memory_space<vmem_shared>>) offsets(%dma_start3A_316 : memref<80xi32, #tpu.memory_space<vmem>>) semaphore(%run_scoped3A_310 : memref<!tpu.dma_semaphore, #tpu.memory_space<semaphore_mem>>) {add = true}
        %dma_wait3A_320 = arith.constant 640 : i32
        %dma_wait3A_321 = arith.constant 0 : i32
        %dma_wait3A_322 = tpu.memref_slice %arg11[%dma_wait3A_320, %dma_wait3A_321] : memref<2000x16xf32, #tpu.memory_space<vmem>> -> memref<80x16xf32, #tpu.memory_space<vmem>>
        %dma_wait3A_323 = arith.constant 0 : i32
        %dma_wait3A_324 = tpu.memref_slice %arg10[%add3A_133, %dma_wait3A_323] : memref<125x80xi32, #tpu.memory_space<vmem>> -> memref<1x80xi32, #tpu.memory_space<vmem>>
        %dma_wait3A_325 = tpu.memref_squeeze %dma_wait3A_324 : memref<1x80xi32, #tpu.memory_space<vmem>> -> memref<80xi32, #tpu.memory_space<vmem>>
        %dma_wait3A_326 = arith.constant 0 : i32
        %dma_wait3A_327 = arith.constant 0 : i32
        %dma_wait3A_328 = tpu.memref_slice %arg13[%dma_wait3A_326, %dma_wait3A_327] : memref<10112x16xf32, #tpu.memory_space<vmem_shared>> -> memref<10112x16xf32, #tpu.memory_space<vmem_shared>>
        tpu.wait_indirect_dma semaphore(%run_scoped3A_310 : memref<!tpu.dma_semaphore, #tpu.memory_space<semaphore_mem>>) src(%dma_wait3A_322 : memref<80x16xf32, #tpu.memory_space<vmem>>) dst(%dma_wait3A_328 : memref<10112x16xf32, #tpu.memory_space<vmem_shared>>)
        tpu.yield
      }) : () -> ()
      %mul3A_134 = arith.constant 25 : i32
      %mul3A_135 = arith.muli %mul3A_134, %mul3A_83 : i32
      %add3A_136 = arith.constant 9 : i32
      %add3A_137 = arith.addi %mul3A_135, %add3A_136 : i32
      "tpu.region"() ({
        %run_scoped3A_310 = tpu.sem_alloc : memref<!tpu.dma_semaphore, #tpu.memory_space<semaphore_mem>>
        %dma_start3A_311 = arith.constant 720 : i32
        %dma_start3A_312 = arith.constant 0 : i32
        %dma_start3A_313 = tpu.memref_slice %arg11[%dma_start3A_311, %dma_start3A_312] : memref<2000x16xf32, #tpu.memory_space<vmem>> -> memref<80x16xf32, #tpu.memory_space<vmem>>
        %dma_start3A_314 = arith.constant 0 : i32
        %dma_start3A_315 = tpu.memref_slice %arg10[%add3A_137, %dma_start3A_314] : memref<125x80xi32, #tpu.memory_space<vmem>> -> memref<1x80xi32, #tpu.memory_space<vmem>>
        %dma_start3A_316 = tpu.memref_squeeze %dma_start3A_315 : memref<1x80xi32, #tpu.memory_space<vmem>> -> memref<80xi32, #tpu.memory_space<vmem>>
        %dma_start3A_317 = arith.constant 0 : i32
        %dma_start3A_318 = arith.constant 0 : i32
        %dma_start3A_319 = tpu.memref_slice %arg13[%dma_start3A_317, %dma_start3A_318] : memref<10112x16xf32, #tpu.memory_space<vmem_shared>> -> memref<10112x16xf32, #tpu.memory_space<vmem_shared>>
        tpu.enqueue_indirect_dma source(%dma_start3A_313 : memref<80x16xf32, #tpu.memory_space<vmem>>) target(%dma_start3A_319 : memref<10112x16xf32, #tpu.memory_space<vmem_shared>>) offsets(%dma_start3A_316 : memref<80xi32, #tpu.memory_space<vmem>>) semaphore(%run_scoped3A_310 : memref<!tpu.dma_semaphore, #tpu.memory_space<semaphore_mem>>) {add = true}
        %dma_wait3A_320 = arith.constant 720 : i32
        %dma_wait3A_321 = arith.constant 0 : i32
        %dma_wait3A_322 = tpu.memref_slice %arg11[%dma_wait3A_320, %dma_wait3A_321] : memref<2000x16xf32, #tpu.memory_space<vmem>> -> memref<80x16xf32, #tpu.memory_space<vmem>>
        %dma_wait3A_323 = arith.constant 0 : i32
        %dma_wait3A_324 = tpu.memref_slice %arg10[%add3A_137, %dma_wait3A_323] : memref<125x80xi32, #tpu.memory_space<vmem>> -> memref<1x80xi32, #tpu.memory_space<vmem>>
        %dma_wait3A_325 = tpu.memref_squeeze %dma_wait3A_324 : memref<1x80xi32, #tpu.memory_space<vmem>> -> memref<80xi32, #tpu.memory_space<vmem>>
        %dma_wait3A_326 = arith.constant 0 : i32
        %dma_wait3A_327 = arith.constant 0 : i32
        %dma_wait3A_328 = tpu.memref_slice %arg13[%dma_wait3A_326, %dma_wait3A_327] : memref<10112x16xf32, #tpu.memory_space<vmem_shared>> -> memref<10112x16xf32, #tpu.memory_space<vmem_shared>>
        tpu.wait_indirect_dma semaphore(%run_scoped3A_310 : memref<!tpu.dma_semaphore, #tpu.memory_space<semaphore_mem>>) src(%dma_wait3A_322 : memref<80x16xf32, #tpu.memory_space<vmem>>) dst(%dma_wait3A_328 : memref<10112x16xf32, #tpu.memory_space<vmem_shared>>)
        tpu.yield
      }) : () -> ()
      %mul3A_138 = arith.constant 25 : i32
      %mul3A_139 = arith.muli %mul3A_138, %mul3A_83 : i32
      %add3A_140 = arith.constant 10 : i32
      %add3A_141 = arith.addi %mul3A_139, %add3A_140 : i32
      "tpu.region"() ({
        %run_scoped3A_310 = tpu.sem_alloc : memref<!tpu.dma_semaphore, #tpu.memory_space<semaphore_mem>>
        %dma_start3A_311 = arith.constant 800 : i32
        %dma_start3A_312 = arith.constant 0 : i32
        %dma_start3A_313 = tpu.memref_slice %arg11[%dma_start3A_311, %dma_start3A_312] : memref<2000x16xf32, #tpu.memory_space<vmem>> -> memref<80x16xf32, #tpu.memory_space<vmem>>
        %dma_start3A_314 = arith.constant 0 : i32
        %dma_start3A_315 = tpu.memref_slice %arg10[%add3A_141, %dma_start3A_314] : memref<125x80xi32, #tpu.memory_space<vmem>> -> memref<1x80xi32, #tpu.memory_space<vmem>>
        %dma_start3A_316 = tpu.memref_squeeze %dma_start3A_315 : memref<1x80xi32, #tpu.memory_space<vmem>> -> memref<80xi32, #tpu.memory_space<vmem>>
        %dma_start3A_317 = arith.constant 0 : i32
        %dma_start3A_318 = arith.constant 0 : i32
        %dma_start3A_319 = tpu.memref_slice %arg13[%dma_start3A_317, %dma_start3A_318] : memref<10112x16xf32, #tpu.memory_space<vmem_shared>> -> memref<10112x16xf32, #tpu.memory_space<vmem_shared>>
        tpu.enqueue_indirect_dma source(%dma_start3A_313 : memref<80x16xf32, #tpu.memory_space<vmem>>) target(%dma_start3A_319 : memref<10112x16xf32, #tpu.memory_space<vmem_shared>>) offsets(%dma_start3A_316 : memref<80xi32, #tpu.memory_space<vmem>>) semaphore(%run_scoped3A_310 : memref<!tpu.dma_semaphore, #tpu.memory_space<semaphore_mem>>) {add = true}
        %dma_wait3A_320 = arith.constant 800 : i32
        %dma_wait3A_321 = arith.constant 0 : i32
        %dma_wait3A_322 = tpu.memref_slice %arg11[%dma_wait3A_320, %dma_wait3A_321] : memref<2000x16xf32, #tpu.memory_space<vmem>> -> memref<80x16xf32, #tpu.memory_space<vmem>>
        %dma_wait3A_323 = arith.constant 0 : i32
        %dma_wait3A_324 = tpu.memref_slice %arg10[%add3A_141, %dma_wait3A_323] : memref<125x80xi32, #tpu.memory_space<vmem>> -> memref<1x80xi32, #tpu.memory_space<vmem>>
        %dma_wait3A_325 = tpu.memref_squeeze %dma_wait3A_324 : memref<1x80xi32, #tpu.memory_space<vmem>> -> memref<80xi32, #tpu.memory_space<vmem>>
        %dma_wait3A_326 = arith.constant 0 : i32
        %dma_wait3A_327 = arith.constant 0 : i32
        %dma_wait3A_328 = tpu.memref_slice %arg13[%dma_wait3A_326, %dma_wait3A_327] : memref<10112x16xf32, #tpu.memory_space<vmem_shared>> -> memref<10112x16xf32, #tpu.memory_space<vmem_shared>>
        tpu.wait_indirect_dma semaphore(%run_scoped3A_310 : memref<!tpu.dma_semaphore, #tpu.memory_space<semaphore_mem>>) src(%dma_wait3A_322 : memref<80x16xf32, #tpu.memory_space<vmem>>) dst(%dma_wait3A_328 : memref<10112x16xf32, #tpu.memory_space<vmem_shared>>)
        tpu.yield
      }) : () -> ()
      %mul3A_142 = arith.constant 25 : i32
      %mul3A_143 = arith.muli %mul3A_142, %mul3A_83 : i32
      %add3A_144 = arith.constant 11 : i32
      %add3A_145 = arith.addi %mul3A_143, %add3A_144 : i32
      "tpu.region"() ({
        %run_scoped3A_310 = tpu.sem_alloc : memref<!tpu.dma_semaphore, #tpu.memory_space<semaphore_mem>>
        %dma_start3A_311 = arith.constant 880 : i32
        %dma_start3A_312 = arith.constant 0 : i32
        %dma_start3A_313 = tpu.memref_slice %arg11[%dma_start3A_311, %dma_start3A_312] : memref<2000x16xf32, #tpu.memory_space<vmem>> -> memref<80x16xf32, #tpu.memory_space<vmem>>
        %dma_start3A_314 = arith.constant 0 : i32
        %dma_start3A_315 = tpu.memref_slice %arg10[%add3A_145, %dma_start3A_314] : memref<125x80xi32, #tpu.memory_space<vmem>> -> memref<1x80xi32, #tpu.memory_space<vmem>>
        %dma_start3A_316 = tpu.memref_squeeze %dma_start3A_315 : memref<1x80xi32, #tpu.memory_space<vmem>> -> memref<80xi32, #tpu.memory_space<vmem>>
        %dma_start3A_317 = arith.constant 0 : i32
        %dma_start3A_318 = arith.constant 0 : i32
        %dma_start3A_319 = tpu.memref_slice %arg13[%dma_start3A_317, %dma_start3A_318] : memref<10112x16xf32, #tpu.memory_space<vmem_shared>> -> memref<10112x16xf32, #tpu.memory_space<vmem_shared>>
        tpu.enqueue_indirect_dma source(%dma_start3A_313 : memref<80x16xf32, #tpu.memory_space<vmem>>) target(%dma_start3A_319 : memref<10112x16xf32, #tpu.memory_space<vmem_shared>>) offsets(%dma_start3A_316 : memref<80xi32, #tpu.memory_space<vmem>>) semaphore(%run_scoped3A_310 : memref<!tpu.dma_semaphore, #tpu.memory_space<semaphore_mem>>) {add = true}
        %dma_wait3A_320 = arith.constant 880 : i32
        %dma_wait3A_321 = arith.constant 0 : i32
        %dma_wait3A_322 = tpu.memref_slice %arg11[%dma_wait3A_320, %dma_wait3A_321] : memref<2000x16xf32, #tpu.memory_space<vmem>> -> memref<80x16xf32, #tpu.memory_space<vmem>>
        %dma_wait3A_323 = arith.constant 0 : i32
        %dma_wait3A_324 = tpu.memref_slice %arg10[%add3A_145, %dma_wait3A_323] : memref<125x80xi32, #tpu.memory_space<vmem>> -> memref<1x80xi32, #tpu.memory_space<vmem>>
        %dma_wait3A_325 = tpu.memref_squeeze %dma_wait3A_324 : memref<1x80xi32, #tpu.memory_space<vmem>> -> memref<80xi32, #tpu.memory_space<vmem>>
        %dma_wait3A_326 = arith.constant 0 : i32
        %dma_wait3A_327 = arith.constant 0 : i32
        %dma_wait3A_328 = tpu.memref_slice %arg13[%dma_wait3A_326, %dma_wait3A_327] : memref<10112x16xf32, #tpu.memory_space<vmem_shared>> -> memref<10112x16xf32, #tpu.memory_space<vmem_shared>>
        tpu.wait_indirect_dma semaphore(%run_scoped3A_310 : memref<!tpu.dma_semaphore, #tpu.memory_space<semaphore_mem>>) src(%dma_wait3A_322 : memref<80x16xf32, #tpu.memory_space<vmem>>) dst(%dma_wait3A_328 : memref<10112x16xf32, #tpu.memory_space<vmem_shared>>)
        tpu.yield
      }) : () -> ()
      %mul3A_146 = arith.constant 25 : i32
      %mul3A_147 = arith.muli %mul3A_146, %mul3A_83 : i32
      %add3A_148 = arith.constant 12 : i32
      %add3A_149 = arith.addi %mul3A_147, %add3A_148 : i32
      "tpu.region"() ({
        %run_scoped3A_310 = tpu.sem_alloc : memref<!tpu.dma_semaphore, #tpu.memory_space<semaphore_mem>>
        %dma_start3A_311 = arith.constant 960 : i32
        %dma_start3A_312 = arith.constant 0 : i32
        %dma_start3A_313 = tpu.memref_slice %arg11[%dma_start3A_311, %dma_start3A_312] : memref<2000x16xf32, #tpu.memory_space<vmem>> -> memref<80x16xf32, #tpu.memory_space<vmem>>
        %dma_start3A_314 = arith.constant 0 : i32
        %dma_start3A_315 = tpu.memref_slice %arg10[%add3A_149, %dma_start3A_314] : memref<125x80xi32, #tpu.memory_space<vmem>> -> memref<1x80xi32, #tpu.memory_space<vmem>>
        %dma_start3A_316 = tpu.memref_squeeze %dma_start3A_315 : memref<1x80xi32, #tpu.memory_space<vmem>> -> memref<80xi32, #tpu.memory_space<vmem>>
        %dma_start3A_317 = arith.constant 0 : i32
        %dma_start3A_318 = arith.constant 0 : i32
        %dma_start3A_319 = tpu.memref_slice %arg13[%dma_start3A_317, %dma_start3A_318] : memref<10112x16xf32, #tpu.memory_space<vmem_shared>> -> memref<10112x16xf32, #tpu.memory_space<vmem_shared>>
        tpu.enqueue_indirect_dma source(%dma_start3A_313 : memref<80x16xf32, #tpu.memory_space<vmem>>) target(%dma_start3A_319 : memref<10112x16xf32, #tpu.memory_space<vmem_shared>>) offsets(%dma_start3A_316 : memref<80xi32, #tpu.memory_space<vmem>>) semaphore(%run_scoped3A_310 : memref<!tpu.dma_semaphore, #tpu.memory_space<semaphore_mem>>) {add = true}
        %dma_wait3A_320 = arith.constant 960 : i32
        %dma_wait3A_321 = arith.constant 0 : i32
        %dma_wait3A_322 = tpu.memref_slice %arg11[%dma_wait3A_320, %dma_wait3A_321] : memref<2000x16xf32, #tpu.memory_space<vmem>> -> memref<80x16xf32, #tpu.memory_space<vmem>>
        %dma_wait3A_323 = arith.constant 0 : i32
        %dma_wait3A_324 = tpu.memref_slice %arg10[%add3A_149, %dma_wait3A_323] : memref<125x80xi32, #tpu.memory_space<vmem>> -> memref<1x80xi32, #tpu.memory_space<vmem>>
        %dma_wait3A_325 = tpu.memref_squeeze %dma_wait3A_324 : memref<1x80xi32, #tpu.memory_space<vmem>> -> memref<80xi32, #tpu.memory_space<vmem>>
        %dma_wait3A_326 = arith.constant 0 : i32
        %dma_wait3A_327 = arith.constant 0 : i32
        %dma_wait3A_328 = tpu.memref_slice %arg13[%dma_wait3A_326, %dma_wait3A_327] : memref<10112x16xf32, #tpu.memory_space<vmem_shared>> -> memref<10112x16xf32, #tpu.memory_space<vmem_shared>>
        tpu.wait_indirect_dma semaphore(%run_scoped3A_310 : memref<!tpu.dma_semaphore, #tpu.memory_space<semaphore_mem>>) src(%dma_wait3A_322 : memref<80x16xf32, #tpu.memory_space<vmem>>) dst(%dma_wait3A_328 : memref<10112x16xf32, #tpu.memory_space<vmem_shared>>)
        tpu.yield
      }) : () -> ()
      %mul3A_150 = arith.constant 25 : i32
      %mul3A_151 = arith.muli %mul3A_150, %mul3A_83 : i32
      %add3A_152 = arith.constant 13 : i32
      %add3A_153 = arith.addi %mul3A_151, %add3A_152 : i32
      "tpu.region"() ({
        %run_scoped3A_310 = tpu.sem_alloc : memref<!tpu.dma_semaphore, #tpu.memory_space<semaphore_mem>>
        %dma_start3A_311 = arith.constant 1040 : i32
        %dma_start3A_312 = arith.constant 0 : i32
        %dma_start3A_313 = tpu.memref_slice %arg11[%dma_start3A_311, %dma_start3A_312] : memref<2000x16xf32, #tpu.memory_space<vmem>> -> memref<80x16xf32, #tpu.memory_space<vmem>>
        %dma_start3A_314 = arith.constant 0 : i32
        %dma_start3A_315 = tpu.memref_slice %arg10[%add3A_153, %dma_start3A_314] : memref<125x80xi32, #tpu.memory_space<vmem>> -> memref<1x80xi32, #tpu.memory_space<vmem>>
        %dma_start3A_316 = tpu.memref_squeeze %dma_start3A_315 : memref<1x80xi32, #tpu.memory_space<vmem>> -> memref<80xi32, #tpu.memory_space<vmem>>
        %dma_start3A_317 = arith.constant 0 : i32
        %dma_start3A_318 = arith.constant 0 : i32
        %dma_start3A_319 = tpu.memref_slice %arg13[%dma_start3A_317, %dma_start3A_318] : memref<10112x16xf32, #tpu.memory_space<vmem_shared>> -> memref<10112x16xf32, #tpu.memory_space<vmem_shared>>
        tpu.enqueue_indirect_dma source(%dma_start3A_313 : memref<80x16xf32, #tpu.memory_space<vmem>>) target(%dma_start3A_319 : memref<10112x16xf32, #tpu.memory_space<vmem_shared>>) offsets(%dma_start3A_316 : memref<80xi32, #tpu.memory_space<vmem>>) semaphore(%run_scoped3A_310 : memref<!tpu.dma_semaphore, #tpu.memory_space<semaphore_mem>>) {add = true}
        %dma_wait3A_320 = arith.constant 1040 : i32
        %dma_wait3A_321 = arith.constant 0 : i32
        %dma_wait3A_322 = tpu.memref_slice %arg11[%dma_wait3A_320, %dma_wait3A_321] : memref<2000x16xf32, #tpu.memory_space<vmem>> -> memref<80x16xf32, #tpu.memory_space<vmem>>
        %dma_wait3A_323 = arith.constant 0 : i32
        %dma_wait3A_324 = tpu.memref_slice %arg10[%add3A_153, %dma_wait3A_323] : memref<125x80xi32, #tpu.memory_space<vmem>> -> memref<1x80xi32, #tpu.memory_space<vmem>>
        %dma_wait3A_325 = tpu.memref_squeeze %dma_wait3A_324 : memref<1x80xi32, #tpu.memory_space<vmem>> -> memref<80xi32, #tpu.memory_space<vmem>>
        %dma_wait3A_326 = arith.constant 0 : i32
        %dma_wait3A_327 = arith.constant 0 : i32
        %dma_wait3A_328 = tpu.memref_slice %arg13[%dma_wait3A_326, %dma_wait3A_327] : memref<10112x16xf32, #tpu.memory_space<vmem_shared>> -> memref<10112x16xf32, #tpu.memory_space<vmem_shared>>
        tpu.wait_indirect_dma semaphore(%run_scoped3A_310 : memref<!tpu.dma_semaphore, #tpu.memory_space<semaphore_mem>>) src(%dma_wait3A_322 : memref<80x16xf32, #tpu.memory_space<vmem>>) dst(%dma_wait3A_328 : memref<10112x16xf32, #tpu.memory_space<vmem_shared>>)
        tpu.yield
      }) : () -> ()
      %mul3A_154 = arith.constant 25 : i32
      %mul3A_155 = arith.muli %mul3A_154, %mul3A_83 : i32
      %add3A_156 = arith.constant 14 : i32
      %add3A_157 = arith.addi %mul3A_155, %add3A_156 : i32
      "tpu.region"() ({
        %run_scoped3A_310 = tpu.sem_alloc : memref<!tpu.dma_semaphore, #tpu.memory_space<semaphore_mem>>
        %dma_start3A_311 = arith.constant 1120 : i32
        %dma_start3A_312 = arith.constant 0 : i32
        %dma_start3A_313 = tpu.memref_slice %arg11[%dma_start3A_311, %dma_start3A_312] : memref<2000x16xf32, #tpu.memory_space<vmem>> -> memref<80x16xf32, #tpu.memory_space<vmem>>
        %dma_start3A_314 = arith.constant 0 : i32
        %dma_start3A_315 = tpu.memref_slice %arg10[%add3A_157, %dma_start3A_314] : memref<125x80xi32, #tpu.memory_space<vmem>> -> memref<1x80xi32, #tpu.memory_space<vmem>>
        %dma_start3A_316 = tpu.memref_squeeze %dma_start3A_315 : memref<1x80xi32, #tpu.memory_space<vmem>> -> memref<80xi32, #tpu.memory_space<vmem>>
        %dma_start3A_317 = arith.constant 0 : i32
        %dma_start3A_318 = arith.constant 0 : i32
        %dma_start3A_319 = tpu.memref_slice %arg13[%dma_start3A_317, %dma_start3A_318] : memref<10112x16xf32, #tpu.memory_space<vmem_shared>> -> memref<10112x16xf32, #tpu.memory_space<vmem_shared>>
        tpu.enqueue_indirect_dma source(%dma_start3A_313 : memref<80x16xf32, #tpu.memory_space<vmem>>) target(%dma_start3A_319 : memref<10112x16xf32, #tpu.memory_space<vmem_shared>>) offsets(%dma_start3A_316 : memref<80xi32, #tpu.memory_space<vmem>>) semaphore(%run_scoped3A_310 : memref<!tpu.dma_semaphore, #tpu.memory_space<semaphore_mem>>) {add = true}
        %dma_wait3A_320 = arith.constant 1120 : i32
        %dma_wait3A_321 = arith.constant 0 : i32
        %dma_wait3A_322 = tpu.memref_slice %arg11[%dma_wait3A_320, %dma_wait3A_321] : memref<2000x16xf32, #tpu.memory_space<vmem>> -> memref<80x16xf32, #tpu.memory_space<vmem>>
        %dma_wait3A_323 = arith.constant 0 : i32
        %dma_wait3A_324 = tpu.memref_slice %arg10[%add3A_157, %dma_wait3A_323] : memref<125x80xi32, #tpu.memory_space<vmem>> -> memref<1x80xi32, #tpu.memory_space<vmem>>
        %dma_wait3A_325 = tpu.memref_squeeze %dma_wait3A_324 : memref<1x80xi32, #tpu.memory_space<vmem>> -> memref<80xi32, #tpu.memory_space<vmem>>
        %dma_wait3A_326 = arith.constant 0 : i32
        %dma_wait3A_327 = arith.constant 0 : i32
        %dma_wait3A_328 = tpu.memref_slice %arg13[%dma_wait3A_326, %dma_wait3A_327] : memref<10112x16xf32, #tpu.memory_space<vmem_shared>> -> memref<10112x16xf32, #tpu.memory_space<vmem_shared>>
        tpu.wait_indirect_dma semaphore(%run_scoped3A_310 : memref<!tpu.dma_semaphore, #tpu.memory_space<semaphore_mem>>) src(%dma_wait3A_322 : memref<80x16xf32, #tpu.memory_space<vmem>>) dst(%dma_wait3A_328 : memref<10112x16xf32, #tpu.memory_space<vmem_shared>>)
        tpu.yield
      }) : () -> ()
      %mul3A_158 = arith.constant 25 : i32
      %mul3A_159 = arith.muli %mul3A_158, %mul3A_83 : i32
      %add3A_160 = arith.constant 15 : i32
      %add3A_161 = arith.addi %mul3A_159, %add3A_160 : i32
      "tpu.region"() ({
        %run_scoped3A_310 = tpu.sem_alloc : memref<!tpu.dma_semaphore, #tpu.memory_space<semaphore_mem>>
        %dma_start3A_311 = arith.constant 1200 : i32
        %dma_start3A_312 = arith.constant 0 : i32
        %dma_start3A_313 = tpu.memref_slice %arg11[%dma_start3A_311, %dma_start3A_312] : memref<2000x16xf32, #tpu.memory_space<vmem>> -> memref<80x16xf32, #tpu.memory_space<vmem>>
        %dma_start3A_314 = arith.constant 0 : i32
        %dma_start3A_315 = tpu.memref_slice %arg10[%add3A_161, %dma_start3A_314] : memref<125x80xi32, #tpu.memory_space<vmem>> -> memref<1x80xi32, #tpu.memory_space<vmem>>
        %dma_start3A_316 = tpu.memref_squeeze %dma_start3A_315 : memref<1x80xi32, #tpu.memory_space<vmem>> -> memref<80xi32, #tpu.memory_space<vmem>>
        %dma_start3A_317 = arith.constant 0 : i32
        %dma_start3A_318 = arith.constant 0 : i32
        %dma_start3A_319 = tpu.memref_slice %arg13[%dma_start3A_317, %dma_start3A_318] : memref<10112x16xf32, #tpu.memory_space<vmem_shared>> -> memref<10112x16xf32, #tpu.memory_space<vmem_shared>>
        tpu.enqueue_indirect_dma source(%dma_start3A_313 : memref<80x16xf32, #tpu.memory_space<vmem>>) target(%dma_start3A_319 : memref<10112x16xf32, #tpu.memory_space<vmem_shared>>) offsets(%dma_start3A_316 : memref<80xi32, #tpu.memory_space<vmem>>) semaphore(%run_scoped3A_310 : memref<!tpu.dma_semaphore, #tpu.memory_space<semaphore_mem>>) {add = true}
        %dma_wait3A_320 = arith.constant 1200 : i32
        %dma_wait3A_321 = arith.constant 0 : i32
        %dma_wait3A_322 = tpu.memref_slice %arg11[%dma_wait3A_320, %dma_wait3A_321] : memref<2000x16xf32, #tpu.memory_space<vmem>> -> memref<80x16xf32, #tpu.memory_space<vmem>>
        %dma_wait3A_323 = arith.constant 0 : i32
        %dma_wait3A_324 = tpu.memref_slice %arg10[%add3A_161, %dma_wait3A_323] : memref<125x80xi32, #tpu.memory_space<vmem>> -> memref<1x80xi32, #tpu.memory_space<vmem>>
        %dma_wait3A_325 = tpu.memref_squeeze %dma_wait3A_324 : memref<1x80xi32, #tpu.memory_space<vmem>> -> memref<80xi32, #tpu.memory_space<vmem>>
        %dma_wait3A_326 = arith.constant 0 : i32
        %dma_wait3A_327 = arith.constant 0 : i32
        %dma_wait3A_328 = tpu.memref_slice %arg13[%dma_wait3A_326, %dma_wait3A_327] : memref<10112x16xf32, #tpu.memory_space<vmem_shared>> -> memref<10112x16xf32, #tpu.memory_space<vmem_shared>>
        tpu.wait_indirect_dma semaphore(%run_scoped3A_310 : memref<!tpu.dma_semaphore, #tpu.memory_space<semaphore_mem>>) src(%dma_wait3A_322 : memref<80x16xf32, #tpu.memory_space<vmem>>) dst(%dma_wait3A_328 : memref<10112x16xf32, #tpu.memory_space<vmem_shared>>)
        tpu.yield
      }) : () -> ()
      %mul3A_162 = arith.constant 25 : i32
      %mul3A_163 = arith.muli %mul3A_162, %mul3A_83 : i32
      %add3A_164 = arith.constant 16 : i32
      %add3A_165 = arith.addi %mul3A_163, %add3A_164 : i32
      "tpu.region"() ({
        %run_scoped3A_310 = tpu.sem_alloc : memref<!tpu.dma_semaphore, #tpu.memory_space<semaphore_mem>>
        %dma_start3A_311 = arith.constant 1280 : i32
        %dma_start3A_312 = arith.constant 0 : i32
        %dma_start3A_313 = tpu.memref_slice %arg11[%dma_start3A_311, %dma_start3A_312] : memref<2000x16xf32, #tpu.memory_space<vmem>> -> memref<80x16xf32, #tpu.memory_space<vmem>>
        %dma_start3A_314 = arith.constant 0 : i32
        %dma_start3A_315 = tpu.memref_slice %arg10[%add3A_165, %dma_start3A_314] : memref<125x80xi32, #tpu.memory_space<vmem>> -> memref<1x80xi32, #tpu.memory_space<vmem>>
        %dma_start3A_316 = tpu.memref_squeeze %dma_start3A_315 : memref<1x80xi32, #tpu.memory_space<vmem>> -> memref<80xi32, #tpu.memory_space<vmem>>
        %dma_start3A_317 = arith.constant 0 : i32
        %dma_start3A_318 = arith.constant 0 : i32
        %dma_start3A_319 = tpu.memref_slice %arg13[%dma_start3A_317, %dma_start3A_318] : memref<10112x16xf32, #tpu.memory_space<vmem_shared>> -> memref<10112x16xf32, #tpu.memory_space<vmem_shared>>
        tpu.enqueue_indirect_dma source(%dma_start3A_313 : memref<80x16xf32, #tpu.memory_space<vmem>>) target(%dma_start3A_319 : memref<10112x16xf32, #tpu.memory_space<vmem_shared>>) offsets(%dma_start3A_316 : memref<80xi32, #tpu.memory_space<vmem>>) semaphore(%run_scoped3A_310 : memref<!tpu.dma_semaphore, #tpu.memory_space<semaphore_mem>>) {add = true}
        %dma_wait3A_320 = arith.constant 1280 : i32
        %dma_wait3A_321 = arith.constant 0 : i32
        %dma_wait3A_322 = tpu.memref_slice %arg11[%dma_wait3A_320, %dma_wait3A_321] : memref<2000x16xf32, #tpu.memory_space<vmem>> -> memref<80x16xf32, #tpu.memory_space<vmem>>
        %dma_wait3A_323 = arith.constant 0 : i32
        %dma_wait3A_324 = tpu.memref_slice %arg10[%add3A_165, %dma_wait3A_323] : memref<125x80xi32, #tpu.memory_space<vmem>> -> memref<1x80xi32, #tpu.memory_space<vmem>>
        %dma_wait3A_325 = tpu.memref_squeeze %dma_wait3A_324 : memref<1x80xi32, #tpu.memory_space<vmem>> -> memref<80xi32, #tpu.memory_space<vmem>>
        %dma_wait3A_326 = arith.constant 0 : i32
        %dma_wait3A_327 = arith.constant 0 : i32
        %dma_wait3A_328 = tpu.memref_slice %arg13[%dma_wait3A_326, %dma_wait3A_327] : memref<10112x16xf32, #tpu.memory_space<vmem_shared>> -> memref<10112x16xf32, #tpu.memory_space<vmem_shared>>
        tpu.wait_indirect_dma semaphore(%run_scoped3A_310 : memref<!tpu.dma_semaphore, #tpu.memory_space<semaphore_mem>>) src(%dma_wait3A_322 : memref<80x16xf32, #tpu.memory_space<vmem>>) dst(%dma_wait3A_328 : memref<10112x16xf32, #tpu.memory_space<vmem_shared>>)
        tpu.yield
      }) : () -> ()
      %mul3A_166 = arith.constant 25 : i32
      %mul3A_167 = arith.muli %mul3A_166, %mul3A_83 : i32
      %add3A_168 = arith.constant 17 : i32
      %add3A_169 = arith.addi %mul3A_167, %add3A_168 : i32
      "tpu.region"() ({
        %run_scoped3A_310 = tpu.sem_alloc : memref<!tpu.dma_semaphore, #tpu.memory_space<semaphore_mem>>
        %dma_start3A_311 = arith.constant 1360 : i32
        %dma_start3A_312 = arith.constant 0 : i32
        %dma_start3A_313 = tpu.memref_slice %arg11[%dma_start3A_311, %dma_start3A_312] : memref<2000x16xf32, #tpu.memory_space<vmem>> -> memref<80x16xf32, #tpu.memory_space<vmem>>
        %dma_start3A_314 = arith.constant 0 : i32
        %dma_start3A_315 = tpu.memref_slice %arg10[%add3A_169, %dma_start3A_314] : memref<125x80xi32, #tpu.memory_space<vmem>> -> memref<1x80xi32, #tpu.memory_space<vmem>>
        %dma_start3A_316 = tpu.memref_squeeze %dma_start3A_315 : memref<1x80xi32, #tpu.memory_space<vmem>> -> memref<80xi32, #tpu.memory_space<vmem>>
        %dma_start3A_317 = arith.constant 0 : i32
        %dma_start3A_318 = arith.constant 0 : i32
        %dma_start3A_319 = tpu.memref_slice %arg13[%dma_start3A_317, %dma_start3A_318] : memref<10112x16xf32, #tpu.memory_space<vmem_shared>> -> memref<10112x16xf32, #tpu.memory_space<vmem_shared>>
        tpu.enqueue_indirect_dma source(%dma_start3A_313 : memref<80x16xf32, #tpu.memory_space<vmem>>) target(%dma_start3A_319 : memref<10112x16xf32, #tpu.memory_space<vmem_shared>>) offsets(%dma_start3A_316 : memref<80xi32, #tpu.memory_space<vmem>>) semaphore(%run_scoped3A_310 : memref<!tpu.dma_semaphore, #tpu.memory_space<semaphore_mem>>) {add = true}
        %dma_wait3A_320 = arith.constant 1360 : i32
        %dma_wait3A_321 = arith.constant 0 : i32
        %dma_wait3A_322 = tpu.memref_slice %arg11[%dma_wait3A_320, %dma_wait3A_321] : memref<2000x16xf32, #tpu.memory_space<vmem>> -> memref<80x16xf32, #tpu.memory_space<vmem>>
        %dma_wait3A_323 = arith.constant 0 : i32
        %dma_wait3A_324 = tpu.memref_slice %arg10[%add3A_169, %dma_wait3A_323] : memref<125x80xi32, #tpu.memory_space<vmem>> -> memref<1x80xi32, #tpu.memory_space<vmem>>
        %dma_wait3A_325 = tpu.memref_squeeze %dma_wait3A_324 : memref<1x80xi32, #tpu.memory_space<vmem>> -> memref<80xi32, #tpu.memory_space<vmem>>
        %dma_wait3A_326 = arith.constant 0 : i32
        %dma_wait3A_327 = arith.constant 0 : i32
        %dma_wait3A_328 = tpu.memref_slice %arg13[%dma_wait3A_326, %dma_wait3A_327] : memref<10112x16xf32, #tpu.memory_space<vmem_shared>> -> memref<10112x16xf32, #tpu.memory_space<vmem_shared>>
        tpu.wait_indirect_dma semaphore(%run_scoped3A_310 : memref<!tpu.dma_semaphore, #tpu.memory_space<semaphore_mem>>) src(%dma_wait3A_322 : memref<80x16xf32, #tpu.memory_space<vmem>>) dst(%dma_wait3A_328 : memref<10112x16xf32, #tpu.memory_space<vmem_shared>>)
        tpu.yield
      }) : () -> ()
      %mul3A_170 = arith.constant 25 : i32
      %mul3A_171 = arith.muli %mul3A_170, %mul3A_83 : i32
      %add3A_172 = arith.constant 18 : i32
      %add3A_173 = arith.addi %mul3A_171, %add3A_172 : i32
      "tpu.region"() ({
        %run_scoped3A_310 = tpu.sem_alloc : memref<!tpu.dma_semaphore, #tpu.memory_space<semaphore_mem>>
        %dma_start3A_311 = arith.constant 1440 : i32
        %dma_start3A_312 = arith.constant 0 : i32
        %dma_start3A_313 = tpu.memref_slice %arg11[%dma_start3A_311, %dma_start3A_312] : memref<2000x16xf32, #tpu.memory_space<vmem>> -> memref<80x16xf32, #tpu.memory_space<vmem>>
        %dma_start3A_314 = arith.constant 0 : i32
        %dma_start3A_315 = tpu.memref_slice %arg10[%add3A_173, %dma_start3A_314] : memref<125x80xi32, #tpu.memory_space<vmem>> -> memref<1x80xi32, #tpu.memory_space<vmem>>
        %dma_start3A_316 = tpu.memref_squeeze %dma_start3A_315 : memref<1x80xi32, #tpu.memory_space<vmem>> -> memref<80xi32, #tpu.memory_space<vmem>>
        %dma_start3A_317 = arith.constant 0 : i32
        %dma_start3A_318 = arith.constant 0 : i32
        %dma_start3A_319 = tpu.memref_slice %arg13[%dma_start3A_317, %dma_start3A_318] : memref<10112x16xf32, #tpu.memory_space<vmem_shared>> -> memref<10112x16xf32, #tpu.memory_space<vmem_shared>>
        tpu.enqueue_indirect_dma source(%dma_start3A_313 : memref<80x16xf32, #tpu.memory_space<vmem>>) target(%dma_start3A_319 : memref<10112x16xf32, #tpu.memory_space<vmem_shared>>) offsets(%dma_start3A_316 : memref<80xi32, #tpu.memory_space<vmem>>) semaphore(%run_scoped3A_310 : memref<!tpu.dma_semaphore, #tpu.memory_space<semaphore_mem>>) {add = true}
        %dma_wait3A_320 = arith.constant 1440 : i32
        %dma_wait3A_321 = arith.constant 0 : i32
        %dma_wait3A_322 = tpu.memref_slice %arg11[%dma_wait3A_320, %dma_wait3A_321] : memref<2000x16xf32, #tpu.memory_space<vmem>> -> memref<80x16xf32, #tpu.memory_space<vmem>>
        %dma_wait3A_323 = arith.constant 0 : i32
        %dma_wait3A_324 = tpu.memref_slice %arg10[%add3A_173, %dma_wait3A_323] : memref<125x80xi32, #tpu.memory_space<vmem>> -> memref<1x80xi32, #tpu.memory_space<vmem>>
        %dma_wait3A_325 = tpu.memref_squeeze %dma_wait3A_324 : memref<1x80xi32, #tpu.memory_space<vmem>> -> memref<80xi32, #tpu.memory_space<vmem>>
        %dma_wait3A_326 = arith.constant 0 : i32
        %dma_wait3A_327 = arith.constant 0 : i32
        %dma_wait3A_328 = tpu.memref_slice %arg13[%dma_wait3A_326, %dma_wait3A_327] : memref<10112x16xf32, #tpu.memory_space<vmem_shared>> -> memref<10112x16xf32, #tpu.memory_space<vmem_shared>>
        tpu.wait_indirect_dma semaphore(%run_scoped3A_310 : memref<!tpu.dma_semaphore, #tpu.memory_space<semaphore_mem>>) src(%dma_wait3A_322 : memref<80x16xf32, #tpu.memory_space<vmem>>) dst(%dma_wait3A_328 : memref<10112x16xf32, #tpu.memory_space<vmem_shared>>)
        tpu.yield
      }) : () -> ()
      %mul3A_174 = arith.constant 25 : i32
      %mul3A_175 = arith.muli %mul3A_174, %mul3A_83 : i32
      %add3A_176 = arith.constant 19 : i32
      %add3A_177 = arith.addi %mul3A_175, %add3A_176 : i32
      "tpu.region"() ({
        %run_scoped3A_310 = tpu.sem_alloc : memref<!tpu.dma_semaphore, #tpu.memory_space<semaphore_mem>>
        %dma_start3A_311 = arith.constant 1520 : i32
        %dma_start3A_312 = arith.constant 0 : i32
        %dma_start3A_313 = tpu.memref_slice %arg11[%dma_start3A_311, %dma_start3A_312] : memref<2000x16xf32, #tpu.memory_space<vmem>> -> memref<80x16xf32, #tpu.memory_space<vmem>>
        %dma_start3A_314 = arith.constant 0 : i32
        %dma_start3A_315 = tpu.memref_slice %arg10[%add3A_177, %dma_start3A_314] : memref<125x80xi32, #tpu.memory_space<vmem>> -> memref<1x80xi32, #tpu.memory_space<vmem>>
        %dma_start3A_316 = tpu.memref_squeeze %dma_start3A_315 : memref<1x80xi32, #tpu.memory_space<vmem>> -> memref<80xi32, #tpu.memory_space<vmem>>
        %dma_start3A_317 = arith.constant 0 : i32
        %dma_start3A_318 = arith.constant 0 : i32
        %dma_start3A_319 = tpu.memref_slice %arg13[%dma_start3A_317, %dma_start3A_318] : memref<10112x16xf32, #tpu.memory_space<vmem_shared>> -> memref<10112x16xf32, #tpu.memory_space<vmem_shared>>
        tpu.enqueue_indirect_dma source(%dma_start3A_313 : memref<80x16xf32, #tpu.memory_space<vmem>>) target(%dma_start3A_319 : memref<10112x16xf32, #tpu.memory_space<vmem_shared>>) offsets(%dma_start3A_316 : memref<80xi32, #tpu.memory_space<vmem>>) semaphore(%run_scoped3A_310 : memref<!tpu.dma_semaphore, #tpu.memory_space<semaphore_mem>>) {add = true}
        %dma_wait3A_320 = arith.constant 1520 : i32
        %dma_wait3A_321 = arith.constant 0 : i32
        %dma_wait3A_322 = tpu.memref_slice %arg11[%dma_wait3A_320, %dma_wait3A_321] : memref<2000x16xf32, #tpu.memory_space<vmem>> -> memref<80x16xf32, #tpu.memory_space<vmem>>
        %dma_wait3A_323 = arith.constant 0 : i32
        %dma_wait3A_324 = tpu.memref_slice %arg10[%add3A_177, %dma_wait3A_323] : memref<125x80xi32, #tpu.memory_space<vmem>> -> memref<1x80xi32, #tpu.memory_space<vmem>>
        %dma_wait3A_325 = tpu.memref_squeeze %dma_wait3A_324 : memref<1x80xi32, #tpu.memory_space<vmem>> -> memref<80xi32, #tpu.memory_space<vmem>>
        %dma_wait3A_326 = arith.constant 0 : i32
        %dma_wait3A_327 = arith.constant 0 : i32
        %dma_wait3A_328 = tpu.memref_slice %arg13[%dma_wait3A_326, %dma_wait3A_327] : memref<10112x16xf32, #tpu.memory_space<vmem_shared>> -> memref<10112x16xf32, #tpu.memory_space<vmem_shared>>
        tpu.wait_indirect_dma semaphore(%run_scoped3A_310 : memref<!tpu.dma_semaphore, #tpu.memory_space<semaphore_mem>>) src(%dma_wait3A_322 : memref<80x16xf32, #tpu.memory_space<vmem>>) dst(%dma_wait3A_328 : memref<10112x16xf32, #tpu.memory_space<vmem_shared>>)
        tpu.yield
      }) : () -> ()
      %mul3A_178 = arith.constant 25 : i32
      %mul3A_179 = arith.muli %mul3A_178, %mul3A_83 : i32
      %add3A_180 = arith.constant 20 : i32
      %add3A_181 = arith.addi %mul3A_179, %add3A_180 : i32
      "tpu.region"() ({
        %run_scoped3A_310 = tpu.sem_alloc : memref<!tpu.dma_semaphore, #tpu.memory_space<semaphore_mem>>
        %dma_start3A_311 = arith.constant 1600 : i32
        %dma_start3A_312 = arith.constant 0 : i32
        %dma_start3A_313 = tpu.memref_slice %arg11[%dma_start3A_311, %dma_start3A_312] : memref<2000x16xf32, #tpu.memory_space<vmem>> -> memref<80x16xf32, #tpu.memory_space<vmem>>
        %dma_start3A_314 = arith.constant 0 : i32
        %dma_start3A_315 = tpu.memref_slice %arg10[%add3A_181, %dma_start3A_314] : memref<125x80xi32, #tpu.memory_space<vmem>> -> memref<1x80xi32, #tpu.memory_space<vmem>>
        %dma_start3A_316 = tpu.memref_squeeze %dma_start3A_315 : memref<1x80xi32, #tpu.memory_space<vmem>> -> memref<80xi32, #tpu.memory_space<vmem>>
        %dma_start3A_317 = arith.constant 0 : i32
        %dma_start3A_318 = arith.constant 0 : i32
        %dma_start3A_319 = tpu.memref_slice %arg13[%dma_start3A_317, %dma_start3A_318] : memref<10112x16xf32, #tpu.memory_space<vmem_shared>> -> memref<10112x16xf32, #tpu.memory_space<vmem_shared>>
        tpu.enqueue_indirect_dma source(%dma_start3A_313 : memref<80x16xf32, #tpu.memory_space<vmem>>) target(%dma_start3A_319 : memref<10112x16xf32, #tpu.memory_space<vmem_shared>>) offsets(%dma_start3A_316 : memref<80xi32, #tpu.memory_space<vmem>>) semaphore(%run_scoped3A_310 : memref<!tpu.dma_semaphore, #tpu.memory_space<semaphore_mem>>) {add = true}
        %dma_wait3A_320 = arith.constant 1600 : i32
        %dma_wait3A_321 = arith.constant 0 : i32
        %dma_wait3A_322 = tpu.memref_slice %arg11[%dma_wait3A_320, %dma_wait3A_321] : memref<2000x16xf32, #tpu.memory_space<vmem>> -> memref<80x16xf32, #tpu.memory_space<vmem>>
        %dma_wait3A_323 = arith.constant 0 : i32
        %dma_wait3A_324 = tpu.memref_slice %arg10[%add3A_181, %dma_wait3A_323] : memref<125x80xi32, #tpu.memory_space<vmem>> -> memref<1x80xi32, #tpu.memory_space<vmem>>
        %dma_wait3A_325 = tpu.memref_squeeze %dma_wait3A_324 : memref<1x80xi32, #tpu.memory_space<vmem>> -> memref<80xi32, #tpu.memory_space<vmem>>
        %dma_wait3A_326 = arith.constant 0 : i32
        %dma_wait3A_327 = arith.constant 0 : i32
        %dma_wait3A_328 = tpu.memref_slice %arg13[%dma_wait3A_326, %dma_wait3A_327] : memref<10112x16xf32, #tpu.memory_space<vmem_shared>> -> memref<10112x16xf32, #tpu.memory_space<vmem_shared>>
        tpu.wait_indirect_dma semaphore(%run_scoped3A_310 : memref<!tpu.dma_semaphore, #tpu.memory_space<semaphore_mem>>) src(%dma_wait3A_322 : memref<80x16xf32, #tpu.memory_space<vmem>>) dst(%dma_wait3A_328 : memref<10112x16xf32, #tpu.memory_space<vmem_shared>>)
        tpu.yield
      }) : () -> ()
      %mul3A_182 = arith.constant 25 : i32
      %mul3A_183 = arith.muli %mul3A_182, %mul3A_83 : i32
      %add3A_184 = arith.constant 21 : i32
      %add3A_185 = arith.addi %mul3A_183, %add3A_184 : i32
      "tpu.region"() ({
        %run_scoped3A_310 = tpu.sem_alloc : memref<!tpu.dma_semaphore, #tpu.memory_space<semaphore_mem>>
        %dma_start3A_311 = arith.constant 1680 : i32
        %dma_start3A_312 = arith.constant 0 : i32
        %dma_start3A_313 = tpu.memref_slice %arg11[%dma_start3A_311, %dma_start3A_312] : memref<2000x16xf32, #tpu.memory_space<vmem>> -> memref<80x16xf32, #tpu.memory_space<vmem>>
        %dma_start3A_314 = arith.constant 0 : i32
        %dma_start3A_315 = tpu.memref_slice %arg10[%add3A_185, %dma_start3A_314] : memref<125x80xi32, #tpu.memory_space<vmem>> -> memref<1x80xi32, #tpu.memory_space<vmem>>
        %dma_start3A_316 = tpu.memref_squeeze %dma_start3A_315 : memref<1x80xi32, #tpu.memory_space<vmem>> -> memref<80xi32, #tpu.memory_space<vmem>>
        %dma_start3A_317 = arith.constant 0 : i32
        %dma_start3A_318 = arith.constant 0 : i32
        %dma_start3A_319 = tpu.memref_slice %arg13[%dma_start3A_317, %dma_start3A_318] : memref<10112x16xf32, #tpu.memory_space<vmem_shared>> -> memref<10112x16xf32, #tpu.memory_space<vmem_shared>>
        tpu.enqueue_indirect_dma source(%dma_start3A_313 : memref<80x16xf32, #tpu.memory_space<vmem>>) target(%dma_start3A_319 : memref<10112x16xf32, #tpu.memory_space<vmem_shared>>) offsets(%dma_start3A_316 : memref<80xi32, #tpu.memory_space<vmem>>) semaphore(%run_scoped3A_310 : memref<!tpu.dma_semaphore, #tpu.memory_space<semaphore_mem>>) {add = true}
        %dma_wait3A_320 = arith.constant 1680 : i32
        %dma_wait3A_321 = arith.constant 0 : i32
        %dma_wait3A_322 = tpu.memref_slice %arg11[%dma_wait3A_320, %dma_wait3A_321] : memref<2000x16xf32, #tpu.memory_space<vmem>> -> memref<80x16xf32, #tpu.memory_space<vmem>>
        %dma_wait3A_323 = arith.constant 0 : i32
        %dma_wait3A_324 = tpu.memref_slice %arg10[%add3A_185, %dma_wait3A_323] : memref<125x80xi32, #tpu.memory_space<vmem>> -> memref<1x80xi32, #tpu.memory_space<vmem>>
        %dma_wait3A_325 = tpu.memref_squeeze %dma_wait3A_324 : memref<1x80xi32, #tpu.memory_space<vmem>> -> memref<80xi32, #tpu.memory_space<vmem>>
        %dma_wait3A_326 = arith.constant 0 : i32
        %dma_wait3A_327 = arith.constant 0 : i32
        %dma_wait3A_328 = tpu.memref_slice %arg13[%dma_wait3A_326, %dma_wait3A_327] : memref<10112x16xf32, #tpu.memory_space<vmem_shared>> -> memref<10112x16xf32, #tpu.memory_space<vmem_shared>>
        tpu.wait_indirect_dma semaphore(%run_scoped3A_310 : memref<!tpu.dma_semaphore, #tpu.memory_space<semaphore_mem>>) src(%dma_wait3A_322 : memref<80x16xf32, #tpu.memory_space<vmem>>) dst(%dma_wait3A_328 : memref<10112x16xf32, #tpu.memory_space<vmem_shared>>)
        tpu.yield
      }) : () -> ()
      %mul3A_186 = arith.constant 25 : i32
      %mul3A_187 = arith.muli %mul3A_186, %mul3A_83 : i32
      %add3A_188 = arith.constant 22 : i32
      %add3A_189 = arith.addi %mul3A_187, %add3A_188 : i32
      "tpu.region"() ({
        %run_scoped3A_310 = tpu.sem_alloc : memref<!tpu.dma_semaphore, #tpu.memory_space<semaphore_mem>>
        %dma_start3A_311 = arith.constant 1760 : i32
        %dma_start3A_312 = arith.constant 0 : i32
        %dma_start3A_313 = tpu.memref_slice %arg11[%dma_start3A_311, %dma_start3A_312] : memref<2000x16xf32, #tpu.memory_space<vmem>> -> memref<80x16xf32, #tpu.memory_space<vmem>>
        %dma_start3A_314 = arith.constant 0 : i32
        %dma_start3A_315 = tpu.memref_slice %arg10[%add3A_189, %dma_start3A_314] : memref<125x80xi32, #tpu.memory_space<vmem>> -> memref<1x80xi32, #tpu.memory_space<vmem>>
        %dma_start3A_316 = tpu.memref_squeeze %dma_start3A_315 : memref<1x80xi32, #tpu.memory_space<vmem>> -> memref<80xi32, #tpu.memory_space<vmem>>
        %dma_start3A_317 = arith.constant 0 : i32
        %dma_start3A_318 = arith.constant 0 : i32
        %dma_start3A_319 = tpu.memref_slice %arg13[%dma_start3A_317, %dma_start3A_318] : memref<10112x16xf32, #tpu.memory_space<vmem_shared>> -> memref<10112x16xf32, #tpu.memory_space<vmem_shared>>
        tpu.enqueue_indirect_dma source(%dma_start3A_313 : memref<80x16xf32, #tpu.memory_space<vmem>>) target(%dma_start3A_319 : memref<10112x16xf32, #tpu.memory_space<vmem_shared>>) offsets(%dma_start3A_316 : memref<80xi32, #tpu.memory_space<vmem>>) semaphore(%run_scoped3A_310 : memref<!tpu.dma_semaphore, #tpu.memory_space<semaphore_mem>>) {add = true}
        %dma_wait3A_320 = arith.constant 1760 : i32
        %dma_wait3A_321 = arith.constant 0 : i32
        %dma_wait3A_322 = tpu.memref_slice %arg11[%dma_wait3A_320, %dma_wait3A_321] : memref<2000x16xf32, #tpu.memory_space<vmem>> -> memref<80x16xf32, #tpu.memory_space<vmem>>
        %dma_wait3A_323 = arith.constant 0 : i32
        %dma_wait3A_324 = tpu.memref_slice %arg10[%add3A_189, %dma_wait3A_323] : memref<125x80xi32, #tpu.memory_space<vmem>> -> memref<1x80xi32, #tpu.memory_space<vmem>>
        %dma_wait3A_325 = tpu.memref_squeeze %dma_wait3A_324 : memref<1x80xi32, #tpu.memory_space<vmem>> -> memref<80xi32, #tpu.memory_space<vmem>>
        %dma_wait3A_326 = arith.constant 0 : i32
        %dma_wait3A_327 = arith.constant 0 : i32
        %dma_wait3A_328 = tpu.memref_slice %arg13[%dma_wait3A_326, %dma_wait3A_327] : memref<10112x16xf32, #tpu.memory_space<vmem_shared>> -> memref<10112x16xf32, #tpu.memory_space<vmem_shared>>
        tpu.wait_indirect_dma semaphore(%run_scoped3A_310 : memref<!tpu.dma_semaphore, #tpu.memory_space<semaphore_mem>>) src(%dma_wait3A_322 : memref<80x16xf32, #tpu.memory_space<vmem>>) dst(%dma_wait3A_328 : memref<10112x16xf32, #tpu.memory_space<vmem_shared>>)
        tpu.yield
      }) : () -> ()
      %mul3A_190 = arith.constant 25 : i32
      %mul3A_191 = arith.muli %mul3A_190, %mul3A_83 : i32
      %add3A_192 = arith.constant 23 : i32
      %add3A_193 = arith.addi %mul3A_191, %add3A_192 : i32
      "tpu.region"() ({
        %run_scoped3A_310 = tpu.sem_alloc : memref<!tpu.dma_semaphore, #tpu.memory_space<semaphore_mem>>
        %dma_start3A_311 = arith.constant 1840 : i32
        %dma_start3A_312 = arith.constant 0 : i32
        %dma_start3A_313 = tpu.memref_slice %arg11[%dma_start3A_311, %dma_start3A_312] : memref<2000x16xf32, #tpu.memory_space<vmem>> -> memref<80x16xf32, #tpu.memory_space<vmem>>
        %dma_start3A_314 = arith.constant 0 : i32
        %dma_start3A_315 = tpu.memref_slice %arg10[%add3A_193, %dma_start3A_314] : memref<125x80xi32, #tpu.memory_space<vmem>> -> memref<1x80xi32, #tpu.memory_space<vmem>>
        %dma_start3A_316 = tpu.memref_squeeze %dma_start3A_315 : memref<1x80xi32, #tpu.memory_space<vmem>> -> memref<80xi32, #tpu.memory_space<vmem>>
        %dma_start3A_317 = arith.constant 0 : i32
        %dma_start3A_318 = arith.constant 0 : i32
        %dma_start3A_319 = tpu.memref_slice %arg13[%dma_start3A_317, %dma_start3A_318] : memref<10112x16xf32, #tpu.memory_space<vmem_shared>> -> memref<10112x16xf32, #tpu.memory_space<vmem_shared>>
        tpu.enqueue_indirect_dma source(%dma_start3A_313 : memref<80x16xf32, #tpu.memory_space<vmem>>) target(%dma_start3A_319 : memref<10112x16xf32, #tpu.memory_space<vmem_shared>>) offsets(%dma_start3A_316 : memref<80xi32, #tpu.memory_space<vmem>>) semaphore(%run_scoped3A_310 : memref<!tpu.dma_semaphore, #tpu.memory_space<semaphore_mem>>) {add = true}
        %dma_wait3A_320 = arith.constant 1840 : i32
        %dma_wait3A_321 = arith.constant 0 : i32
        %dma_wait3A_322 = tpu.memref_slice %arg11[%dma_wait3A_320, %dma_wait3A_321] : memref<2000x16xf32, #tpu.memory_space<vmem>> -> memref<80x16xf32, #tpu.memory_space<vmem>>
        %dma_wait3A_323 = arith.constant 0 : i32
        %dma_wait3A_324 = tpu.memref_slice %arg10[%add3A_193, %dma_wait3A_323] : memref<125x80xi32, #tpu.memory_space<vmem>> -> memref<1x80xi32, #tpu.memory_space<vmem>>
        %dma_wait3A_325 = tpu.memref_squeeze %dma_wait3A_324 : memref<1x80xi32, #tpu.memory_space<vmem>> -> memref<80xi32, #tpu.memory_space<vmem>>
        %dma_wait3A_326 = arith.constant 0 : i32
        %dma_wait3A_327 = arith.constant 0 : i32
        %dma_wait3A_328 = tpu.memref_slice %arg13[%dma_wait3A_326, %dma_wait3A_327] : memref<10112x16xf32, #tpu.memory_space<vmem_shared>> -> memref<10112x16xf32, #tpu.memory_space<vmem_shared>>
        tpu.wait_indirect_dma semaphore(%run_scoped3A_310 : memref<!tpu.dma_semaphore, #tpu.memory_space<semaphore_mem>>) src(%dma_wait3A_322 : memref<80x16xf32, #tpu.memory_space<vmem>>) dst(%dma_wait3A_328 : memref<10112x16xf32, #tpu.memory_space<vmem_shared>>)
        tpu.yield
      }) : () -> ()
      %mul3A_194 = arith.constant 25 : i32
      %mul3A_195 = arith.muli %mul3A_194, %mul3A_83 : i32
      %add3A_196 = arith.constant 24 : i32
      %add3A_197 = arith.addi %mul3A_195, %add3A_196 : i32
      "tpu.region"() ({
        %run_scoped3A_310 = tpu.sem_alloc : memref<!tpu.dma_semaphore, #tpu.memory_space<semaphore_mem>>
        %dma_start3A_311 = arith.constant 1920 : i32
        %dma_start3A_312 = arith.constant 0 : i32
        %dma_start3A_313 = tpu.memref_slice %arg11[%dma_start3A_311, %dma_start3A_312] : memref<2000x16xf32, #tpu.memory_space<vmem>> -> memref<80x16xf32, #tpu.memory_space<vmem>>
        %dma_start3A_314 = arith.constant 0 : i32
        %dma_start3A_315 = tpu.memref_slice %arg10[%add3A_197, %dma_start3A_314] : memref<125x80xi32, #tpu.memory_space<vmem>> -> memref<1x80xi32, #tpu.memory_space<vmem>>
        %dma_start3A_316 = tpu.memref_squeeze %dma_start3A_315 : memref<1x80xi32, #tpu.memory_space<vmem>> -> memref<80xi32, #tpu.memory_space<vmem>>
        %dma_start3A_317 = arith.constant 0 : i32
        %dma_start3A_318 = arith.constant 0 : i32
        %dma_start3A_319 = tpu.memref_slice %arg13[%dma_start3A_317, %dma_start3A_318] : memref<10112x16xf32, #tpu.memory_space<vmem_shared>> -> memref<10112x16xf32, #tpu.memory_space<vmem_shared>>
        tpu.enqueue_indirect_dma source(%dma_start3A_313 : memref<80x16xf32, #tpu.memory_space<vmem>>) target(%dma_start3A_319 : memref<10112x16xf32, #tpu.memory_space<vmem_shared>>) offsets(%dma_start3A_316 : memref<80xi32, #tpu.memory_space<vmem>>) semaphore(%run_scoped3A_310 : memref<!tpu.dma_semaphore, #tpu.memory_space<semaphore_mem>>) {add = true}
        %dma_wait3A_320 = arith.constant 1920 : i32
        %dma_wait3A_321 = arith.constant 0 : i32
        %dma_wait3A_322 = tpu.memref_slice %arg11[%dma_wait3A_320, %dma_wait3A_321] : memref<2000x16xf32, #tpu.memory_space<vmem>> -> memref<80x16xf32, #tpu.memory_space<vmem>>
        %dma_wait3A_323 = arith.constant 0 : i32
        %dma_wait3A_324 = tpu.memref_slice %arg10[%add3A_197, %dma_wait3A_323] : memref<125x80xi32, #tpu.memory_space<vmem>> -> memref<1x80xi32, #tpu.memory_space<vmem>>
        %dma_wait3A_325 = tpu.memref_squeeze %dma_wait3A_324 : memref<1x80xi32, #tpu.memory_space<vmem>> -> memref<80xi32, #tpu.memory_space<vmem>>
        %dma_wait3A_326 = arith.constant 0 : i32
        %dma_wait3A_327 = arith.constant 0 : i32
        %dma_wait3A_328 = tpu.memref_slice %arg13[%dma_wait3A_326, %dma_wait3A_327] : memref<10112x16xf32, #tpu.memory_space<vmem_shared>> -> memref<10112x16xf32, #tpu.memory_space<vmem_shared>>
        tpu.wait_indirect_dma semaphore(%run_scoped3A_310 : memref<!tpu.dma_semaphore, #tpu.memory_space<semaphore_mem>>) src(%dma_wait3A_322 : memref<80x16xf32, #tpu.memory_space<vmem>>) dst(%dma_wait3A_328 : memref<10112x16xf32, #tpu.memory_space<vmem_shared>>)
        tpu.yield
      }) : () -> ()
      %add3A_198 = arith.constant 2 : i32
      %add3A_199 = arith.addi %mul3A_83, %add3A_198 : i32
      %lt3A = arith.constant 5 : i32
      %lt3A_200 = arith.cmpi slt, %add3A_199, %lt3A : i32
      %convert_element_type3A = arith.extui %lt3A_200 : i1 to i32
      %cond3A = arith.constant 0 : i32
      %cond3A_201 = arith.cmpi ne, %convert_element_type3A, %cond3A : i32
      scf.if %cond3A_201 {
        %add3A_310 = arith.constant 2 : i32
        %add3A_311 = arith.addi %mul3A_83, %add3A_310 : i32
        %dma_start3A_312 = arith.constant 0 : i32
        %dma_start3A_313 = tpu.memref_slice %arg9[%add3A_311, %dma_start3A_312] : memref<5x2000xi32, #tpu.memory_space<vmem>> -> memref<1x2000xi32, #tpu.memory_space<vmem>>
        %dma_start3A_314 = tpu.memref_squeeze %dma_start3A_313 : memref<1x2000xi32, #tpu.memory_space<vmem>> -> memref<2000xi32, #tpu.memory_space<vmem>>
        %dma_start3A_315 = arith.constant 0 : i32
        %dma_start3A_316 = arith.constant 0 : i32
        %dma_start3A_317 = tpu.memref_slice %arg2[%dma_start3A_315, %dma_start3A_316] : memref<10000x16xf32, #tpu.memory_space<hbm>> -> memref<10000x16xf32, #tpu.memory_space<hbm>>
        tpu.enqueue_indirect_dma source(%dma_start3A_317 : memref<10000x16xf32, #tpu.memory_space<hbm>>) target(%arg11 : memref<2000x16xf32, #tpu.memory_space<vmem>>) offsets(%dma_start3A_314 : memref<2000xi32, #tpu.memory_space<vmem>>) semaphore(%arg14 : memref<!tpu.dma_semaphore, #tpu.memory_space<semaphore_mem>>)
      } else {
      }
      %add3A_202 = arith.constant 1 : i32
      %add3A_203 = arith.addi %mul3A_83, %add3A_202 : i32
      %dma_wait3A_204 = arith.constant 0 : i32
      %dma_wait3A_205 = tpu.memref_slice %arg9[%add3A_203, %dma_wait3A_204] : memref<5x2000xi32, #tpu.memory_space<vmem>> -> memref<1x2000xi32, #tpu.memory_space<vmem>>
      %dma_wait3A_206 = tpu.memref_squeeze %dma_wait3A_205 : memref<1x2000xi32, #tpu.memory_space<vmem>> -> memref<2000xi32, #tpu.memory_space<vmem>>
      %dma_wait3A_207 = arith.constant 0 : i32
      %dma_wait3A_208 = arith.constant 0 : i32
      %dma_wait3A_209 = tpu.memref_slice %arg2[%dma_wait3A_207, %dma_wait3A_208] : memref<10000x16xf32, #tpu.memory_space<hbm>> -> memref<10000x16xf32, #tpu.memory_space<hbm>>
      tpu.wait_indirect_dma semaphore(%arg15 : memref<!tpu.dma_semaphore, #tpu.memory_space<semaphore_mem>>) src(%dma_wait3A_209 : memref<10000x16xf32, #tpu.memory_space<hbm>>) dst(%arg12 : memref<2000x16xf32, #tpu.memory_space<vmem>>)
      %mul3A_210 = arith.constant 25 : i32
      %mul3A_211 = arith.muli %mul3A_210, %add3A_203 : i32
      %add3A_212 = arith.constant 0 : i32
      %add3A_213 = arith.addi %mul3A_211, %add3A_212 : i32
      "tpu.region"() ({
        %run_scoped3A_310 = tpu.sem_alloc : memref<!tpu.dma_semaphore, #tpu.memory_space<semaphore_mem>>
        %dma_start3A_311 = arith.constant 0 : i32
        %dma_start3A_312 = arith.constant 0 : i32
        %dma_start3A_313 = tpu.memref_slice %arg12[%dma_start3A_311, %dma_start3A_312] : memref<2000x16xf32, #tpu.memory_space<vmem>> -> memref<80x16xf32, #tpu.memory_space<vmem>>
        %dma_start3A_314 = arith.constant 0 : i32
        %dma_start3A_315 = tpu.memref_slice %arg10[%add3A_213, %dma_start3A_314] : memref<125x80xi32, #tpu.memory_space<vmem>> -> memref<1x80xi32, #tpu.memory_space<vmem>>
        %dma_start3A_316 = tpu.memref_squeeze %dma_start3A_315 : memref<1x80xi32, #tpu.memory_space<vmem>> -> memref<80xi32, #tpu.memory_space<vmem>>
        %dma_start3A_317 = arith.constant 0 : i32
        %dma_start3A_318 = arith.constant 0 : i32
        %dma_start3A_319 = tpu.memref_slice %arg13[%dma_start3A_317, %dma_start3A_318] : memref<10112x16xf32, #tpu.memory_space<vmem_shared>> -> memref<10112x16xf32, #tpu.memory_space<vmem_shared>>
        tpu.enqueue_indirect_dma source(%dma_start3A_313 : memref<80x16xf32, #tpu.memory_space<vmem>>) target(%dma_start3A_319 : memref<10112x16xf32, #tpu.memory_space<vmem_shared>>) offsets(%dma_start3A_316 : memref<80xi32, #tpu.memory_space<vmem>>) semaphore(%run_scoped3A_310 : memref<!tpu.dma_semaphore, #tpu.memory_space<semaphore_mem>>) {add = true}
        %dma_wait3A_320 = arith.constant 0 : i32
        %dma_wait3A_321 = arith.constant 0 : i32
        %dma_wait3A_322 = tpu.memref_slice %arg12[%dma_wait3A_320, %dma_wait3A_321] : memref<2000x16xf32, #tpu.memory_space<vmem>> -> memref<80x16xf32, #tpu.memory_space<vmem>>
        %dma_wait3A_323 = arith.constant 0 : i32
        %dma_wait3A_324 = tpu.memref_slice %arg10[%add3A_213, %dma_wait3A_323] : memref<125x80xi32, #tpu.memory_space<vmem>> -> memref<1x80xi32, #tpu.memory_space<vmem>>
        %dma_wait3A_325 = tpu.memref_squeeze %dma_wait3A_324 : memref<1x80xi32, #tpu.memory_space<vmem>> -> memref<80xi32, #tpu.memory_space<vmem>>
        %dma_wait3A_326 = arith.constant 0 : i32
        %dma_wait3A_327 = arith.constant 0 : i32
        %dma_wait3A_328 = tpu.memref_slice %arg13[%dma_wait3A_326, %dma_wait3A_327] : memref<10112x16xf32, #tpu.memory_space<vmem_shared>> -> memref<10112x16xf32, #tpu.memory_space<vmem_shared>>
        tpu.wait_indirect_dma semaphore(%run_scoped3A_310 : memref<!tpu.dma_semaphore, #tpu.memory_space<semaphore_mem>>) src(%dma_wait3A_322 : memref<80x16xf32, #tpu.memory_space<vmem>>) dst(%dma_wait3A_328 : memref<10112x16xf32, #tpu.memory_space<vmem_shared>>)
        tpu.yield
      }) : () -> ()
      %mul3A_214 = arith.constant 25 : i32
      %mul3A_215 = arith.muli %mul3A_214, %add3A_203 : i32
      %add3A_216 = arith.constant 1 : i32
      %add3A_217 = arith.addi %mul3A_215, %add3A_216 : i32
      "tpu.region"() ({
        %run_scoped3A_310 = tpu.sem_alloc : memref<!tpu.dma_semaphore, #tpu.memory_space<semaphore_mem>>
        %dma_start3A_311 = arith.constant 80 : i32
        %dma_start3A_312 = arith.constant 0 : i32
        %dma_start3A_313 = tpu.memref_slice %arg12[%dma_start3A_311, %dma_start3A_312] : memref<2000x16xf32, #tpu.memory_space<vmem>> -> memref<80x16xf32, #tpu.memory_space<vmem>>
        %dma_start3A_314 = arith.constant 0 : i32
        %dma_start3A_315 = tpu.memref_slice %arg10[%add3A_217, %dma_start3A_314] : memref<125x80xi32, #tpu.memory_space<vmem>> -> memref<1x80xi32, #tpu.memory_space<vmem>>
        %dma_start3A_316 = tpu.memref_squeeze %dma_start3A_315 : memref<1x80xi32, #tpu.memory_space<vmem>> -> memref<80xi32, #tpu.memory_space<vmem>>
        %dma_start3A_317 = arith.constant 0 : i32
        %dma_start3A_318 = arith.constant 0 : i32
        %dma_start3A_319 = tpu.memref_slice %arg13[%dma_start3A_317, %dma_start3A_318] : memref<10112x16xf32, #tpu.memory_space<vmem_shared>> -> memref<10112x16xf32, #tpu.memory_space<vmem_shared>>
        tpu.enqueue_indirect_dma source(%dma_start3A_313 : memref<80x16xf32, #tpu.memory_space<vmem>>) target(%dma_start3A_319 : memref<10112x16xf32, #tpu.memory_space<vmem_shared>>) offsets(%dma_start3A_316 : memref<80xi32, #tpu.memory_space<vmem>>) semaphore(%run_scoped3A_310 : memref<!tpu.dma_semaphore, #tpu.memory_space<semaphore_mem>>) {add = true}
        %dma_wait3A_320 = arith.constant 80 : i32
        %dma_wait3A_321 = arith.constant 0 : i32
        %dma_wait3A_322 = tpu.memref_slice %arg12[%dma_wait3A_320, %dma_wait3A_321] : memref<2000x16xf32, #tpu.memory_space<vmem>> -> memref<80x16xf32, #tpu.memory_space<vmem>>
        %dma_wait3A_323 = arith.constant 0 : i32
        %dma_wait3A_324 = tpu.memref_slice %arg10[%add3A_217, %dma_wait3A_323] : memref<125x80xi32, #tpu.memory_space<vmem>> -> memref<1x80xi32, #tpu.memory_space<vmem>>
        %dma_wait3A_325 = tpu.memref_squeeze %dma_wait3A_324 : memref<1x80xi32, #tpu.memory_space<vmem>> -> memref<80xi32, #tpu.memory_space<vmem>>
        %dma_wait3A_326 = arith.constant 0 : i32
        %dma_wait3A_327 = arith.constant 0 : i32
        %dma_wait3A_328 = tpu.memref_slice %arg13[%dma_wait3A_326, %dma_wait3A_327] : memref<10112x16xf32, #tpu.memory_space<vmem_shared>> -> memref<10112x16xf32, #tpu.memory_space<vmem_shared>>
        tpu.wait_indirect_dma semaphore(%run_scoped3A_310 : memref<!tpu.dma_semaphore, #tpu.memory_space<semaphore_mem>>) src(%dma_wait3A_322 : memref<80x16xf32, #tpu.memory_space<vmem>>) dst(%dma_wait3A_328 : memref<10112x16xf32, #tpu.memory_space<vmem_shared>>)
        tpu.yield
      }) : () -> ()
      %mul3A_218 = arith.constant 25 : i32
      %mul3A_219 = arith.muli %mul3A_218, %add3A_203 : i32
      %add3A_220 = arith.constant 2 : i32
      %add3A_221 = arith.addi %mul3A_219, %add3A_220 : i32
      "tpu.region"() ({
        %run_scoped3A_310 = tpu.sem_alloc : memref<!tpu.dma_semaphore, #tpu.memory_space<semaphore_mem>>
        %dma_start3A_311 = arith.constant 160 : i32
        %dma_start3A_312 = arith.constant 0 : i32
        %dma_start3A_313 = tpu.memref_slice %arg12[%dma_start3A_311, %dma_start3A_312] : memref<2000x16xf32, #tpu.memory_space<vmem>> -> memref<80x16xf32, #tpu.memory_space<vmem>>
        %dma_start3A_314 = arith.constant 0 : i32
        %dma_start3A_315 = tpu.memref_slice %arg10[%add3A_221, %dma_start3A_314] : memref<125x80xi32, #tpu.memory_space<vmem>> -> memref<1x80xi32, #tpu.memory_space<vmem>>
        %dma_start3A_316 = tpu.memref_squeeze %dma_start3A_315 : memref<1x80xi32, #tpu.memory_space<vmem>> -> memref<80xi32, #tpu.memory_space<vmem>>
        %dma_start3A_317 = arith.constant 0 : i32
        %dma_start3A_318 = arith.constant 0 : i32
        %dma_start3A_319 = tpu.memref_slice %arg13[%dma_start3A_317, %dma_start3A_318] : memref<10112x16xf32, #tpu.memory_space<vmem_shared>> -> memref<10112x16xf32, #tpu.memory_space<vmem_shared>>
        tpu.enqueue_indirect_dma source(%dma_start3A_313 : memref<80x16xf32, #tpu.memory_space<vmem>>) target(%dma_start3A_319 : memref<10112x16xf32, #tpu.memory_space<vmem_shared>>) offsets(%dma_start3A_316 : memref<80xi32, #tpu.memory_space<vmem>>) semaphore(%run_scoped3A_310 : memref<!tpu.dma_semaphore, #tpu.memory_space<semaphore_mem>>) {add = true}
        %dma_wait3A_320 = arith.constant 160 : i32
        %dma_wait3A_321 = arith.constant 0 : i32
        %dma_wait3A_322 = tpu.memref_slice %arg12[%dma_wait3A_320, %dma_wait3A_321] : memref<2000x16xf32, #tpu.memory_space<vmem>> -> memref<80x16xf32, #tpu.memory_space<vmem>>
        %dma_wait3A_323 = arith.constant 0 : i32
        %dma_wait3A_324 = tpu.memref_slice %arg10[%add3A_221, %dma_wait3A_323] : memref<125x80xi32, #tpu.memory_space<vmem>> -> memref<1x80xi32, #tpu.memory_space<vmem>>
        %dma_wait3A_325 = tpu.memref_squeeze %dma_wait3A_324 : memref<1x80xi32, #tpu.memory_space<vmem>> -> memref<80xi32, #tpu.memory_space<vmem>>
        %dma_wait3A_326 = arith.constant 0 : i32
        %dma_wait3A_327 = arith.constant 0 : i32
        %dma_wait3A_328 = tpu.memref_slice %arg13[%dma_wait3A_326, %dma_wait3A_327] : memref<10112x16xf32, #tpu.memory_space<vmem_shared>> -> memref<10112x16xf32, #tpu.memory_space<vmem_shared>>
        tpu.wait_indirect_dma semaphore(%run_scoped3A_310 : memref<!tpu.dma_semaphore, #tpu.memory_space<semaphore_mem>>) src(%dma_wait3A_322 : memref<80x16xf32, #tpu.memory_space<vmem>>) dst(%dma_wait3A_328 : memref<10112x16xf32, #tpu.memory_space<vmem_shared>>)
        tpu.yield
      }) : () -> ()
      %mul3A_222 = arith.constant 25 : i32
      %mul3A_223 = arith.muli %mul3A_222, %add3A_203 : i32
      %add3A_224 = arith.constant 3 : i32
      %add3A_225 = arith.addi %mul3A_223, %add3A_224 : i32
      "tpu.region"() ({
        %run_scoped3A_310 = tpu.sem_alloc : memref<!tpu.dma_semaphore, #tpu.memory_space<semaphore_mem>>
        %dma_start3A_311 = arith.constant 240 : i32
        %dma_start3A_312 = arith.constant 0 : i32
        %dma_start3A_313 = tpu.memref_slice %arg12[%dma_start3A_311, %dma_start3A_312] : memref<2000x16xf32, #tpu.memory_space<vmem>> -> memref<80x16xf32, #tpu.memory_space<vmem>>
        %dma_start3A_314 = arith.constant 0 : i32
        %dma_start3A_315 = tpu.memref_slice %arg10[%add3A_225, %dma_start3A_314] : memref<125x80xi32, #tpu.memory_space<vmem>> -> memref<1x80xi32, #tpu.memory_space<vmem>>
        %dma_start3A_316 = tpu.memref_squeeze %dma_start3A_315 : memref<1x80xi32, #tpu.memory_space<vmem>> -> memref<80xi32, #tpu.memory_space<vmem>>
        %dma_start3A_317 = arith.constant 0 : i32
        %dma_start3A_318 = arith.constant 0 : i32
        %dma_start3A_319 = tpu.memref_slice %arg13[%dma_start3A_317, %dma_start3A_318] : memref<10112x16xf32, #tpu.memory_space<vmem_shared>> -> memref<10112x16xf32, #tpu.memory_space<vmem_shared>>
        tpu.enqueue_indirect_dma source(%dma_start3A_313 : memref<80x16xf32, #tpu.memory_space<vmem>>) target(%dma_start3A_319 : memref<10112x16xf32, #tpu.memory_space<vmem_shared>>) offsets(%dma_start3A_316 : memref<80xi32, #tpu.memory_space<vmem>>) semaphore(%run_scoped3A_310 : memref<!tpu.dma_semaphore, #tpu.memory_space<semaphore_mem>>) {add = true}
        %dma_wait3A_320 = arith.constant 240 : i32
        %dma_wait3A_321 = arith.constant 0 : i32
        %dma_wait3A_322 = tpu.memref_slice %arg12[%dma_wait3A_320, %dma_wait3A_321] : memref<2000x16xf32, #tpu.memory_space<vmem>> -> memref<80x16xf32, #tpu.memory_space<vmem>>
        %dma_wait3A_323 = arith.constant 0 : i32
        %dma_wait3A_324 = tpu.memref_slice %arg10[%add3A_225, %dma_wait3A_323] : memref<125x80xi32, #tpu.memory_space<vmem>> -> memref<1x80xi32, #tpu.memory_space<vmem>>
        %dma_wait3A_325 = tpu.memref_squeeze %dma_wait3A_324 : memref<1x80xi32, #tpu.memory_space<vmem>> -> memref<80xi32, #tpu.memory_space<vmem>>
        %dma_wait3A_326 = arith.constant 0 : i32
        %dma_wait3A_327 = arith.constant 0 : i32
        %dma_wait3A_328 = tpu.memref_slice %arg13[%dma_wait3A_326, %dma_wait3A_327] : memref<10112x16xf32, #tpu.memory_space<vmem_shared>> -> memref<10112x16xf32, #tpu.memory_space<vmem_shared>>
        tpu.wait_indirect_dma semaphore(%run_scoped3A_310 : memref<!tpu.dma_semaphore, #tpu.memory_space<semaphore_mem>>) src(%dma_wait3A_322 : memref<80x16xf32, #tpu.memory_space<vmem>>) dst(%dma_wait3A_328 : memref<10112x16xf32, #tpu.memory_space<vmem_shared>>)
        tpu.yield
      }) : () -> ()
      %mul3A_226 = arith.constant 25 : i32
      %mul3A_227 = arith.muli %mul3A_226, %add3A_203 : i32
      %add3A_228 = arith.constant 4 : i32
      %add3A_229 = arith.addi %mul3A_227, %add3A_228 : i32
      "tpu.region"() ({
        %run_scoped3A_310 = tpu.sem_alloc : memref<!tpu.dma_semaphore, #tpu.memory_space<semaphore_mem>>
        %dma_start3A_311 = arith.constant 320 : i32
        %dma_start3A_312 = arith.constant 0 : i32
        %dma_start3A_313 = tpu.memref_slice %arg12[%dma_start3A_311, %dma_start3A_312] : memref<2000x16xf32, #tpu.memory_space<vmem>> -> memref<80x16xf32, #tpu.memory_space<vmem>>
        %dma_start3A_314 = arith.constant 0 : i32
        %dma_start3A_315 = tpu.memref_slice %arg10[%add3A_229, %dma_start3A_314] : memref<125x80xi32, #tpu.memory_space<vmem>> -> memref<1x80xi32, #tpu.memory_space<vmem>>
        %dma_start3A_316 = tpu.memref_squeeze %dma_start3A_315 : memref<1x80xi32, #tpu.memory_space<vmem>> -> memref<80xi32, #tpu.memory_space<vmem>>
        %dma_start3A_317 = arith.constant 0 : i32
        %dma_start3A_318 = arith.constant 0 : i32
        %dma_start3A_319 = tpu.memref_slice %arg13[%dma_start3A_317, %dma_start3A_318] : memref<10112x16xf32, #tpu.memory_space<vmem_shared>> -> memref<10112x16xf32, #tpu.memory_space<vmem_shared>>
        tpu.enqueue_indirect_dma source(%dma_start3A_313 : memref<80x16xf32, #tpu.memory_space<vmem>>) target(%dma_start3A_319 : memref<10112x16xf32, #tpu.memory_space<vmem_shared>>) offsets(%dma_start3A_316 : memref<80xi32, #tpu.memory_space<vmem>>) semaphore(%run_scoped3A_310 : memref<!tpu.dma_semaphore, #tpu.memory_space<semaphore_mem>>) {add = true}
        %dma_wait3A_320 = arith.constant 320 : i32
        %dma_wait3A_321 = arith.constant 0 : i32
        %dma_wait3A_322 = tpu.memref_slice %arg12[%dma_wait3A_320, %dma_wait3A_321] : memref<2000x16xf32, #tpu.memory_space<vmem>> -> memref<80x16xf32, #tpu.memory_space<vmem>>
        %dma_wait3A_323 = arith.constant 0 : i32
        %dma_wait3A_324 = tpu.memref_slice %arg10[%add3A_229, %dma_wait3A_323] : memref<125x80xi32, #tpu.memory_space<vmem>> -> memref<1x80xi32, #tpu.memory_space<vmem>>
        %dma_wait3A_325 = tpu.memref_squeeze %dma_wait3A_324 : memref<1x80xi32, #tpu.memory_space<vmem>> -> memref<80xi32, #tpu.memory_space<vmem>>
        %dma_wait3A_326 = arith.constant 0 : i32
        %dma_wait3A_327 = arith.constant 0 : i32
        %dma_wait3A_328 = tpu.memref_slice %arg13[%dma_wait3A_326, %dma_wait3A_327] : memref<10112x16xf32, #tpu.memory_space<vmem_shared>> -> memref<10112x16xf32, #tpu.memory_space<vmem_shared>>
        tpu.wait_indirect_dma semaphore(%run_scoped3A_310 : memref<!tpu.dma_semaphore, #tpu.memory_space<semaphore_mem>>) src(%dma_wait3A_322 : memref<80x16xf32, #tpu.memory_space<vmem>>) dst(%dma_wait3A_328 : memref<10112x16xf32, #tpu.memory_space<vmem_shared>>)
        tpu.yield
      }) : () -> ()
      %mul3A_230 = arith.constant 25 : i32
      %mul3A_231 = arith.muli %mul3A_230, %add3A_203 : i32
      %add3A_232 = arith.constant 5 : i32
      %add3A_233 = arith.addi %mul3A_231, %add3A_232 : i32
      "tpu.region"() ({
        %run_scoped3A_310 = tpu.sem_alloc : memref<!tpu.dma_semaphore, #tpu.memory_space<semaphore_mem>>
        %dma_start3A_311 = arith.constant 400 : i32
        %dma_start3A_312 = arith.constant 0 : i32
        %dma_start3A_313 = tpu.memref_slice %arg12[%dma_start3A_311, %dma_start3A_312] : memref<2000x16xf32, #tpu.memory_space<vmem>> -> memref<80x16xf32, #tpu.memory_space<vmem>>
        %dma_start3A_314 = arith.constant 0 : i32
        %dma_start3A_315 = tpu.memref_slice %arg10[%add3A_233, %dma_start3A_314] : memref<125x80xi32, #tpu.memory_space<vmem>> -> memref<1x80xi32, #tpu.memory_space<vmem>>
        %dma_start3A_316 = tpu.memref_squeeze %dma_start3A_315 : memref<1x80xi32, #tpu.memory_space<vmem>> -> memref<80xi32, #tpu.memory_space<vmem>>
        %dma_start3A_317 = arith.constant 0 : i32
        %dma_start3A_318 = arith.constant 0 : i32
        %dma_start3A_319 = tpu.memref_slice %arg13[%dma_start3A_317, %dma_start3A_318] : memref<10112x16xf32, #tpu.memory_space<vmem_shared>> -> memref<10112x16xf32, #tpu.memory_space<vmem_shared>>
        tpu.enqueue_indirect_dma source(%dma_start3A_313 : memref<80x16xf32, #tpu.memory_space<vmem>>) target(%dma_start3A_319 : memref<10112x16xf32, #tpu.memory_space<vmem_shared>>) offsets(%dma_start3A_316 : memref<80xi32, #tpu.memory_space<vmem>>) semaphore(%run_scoped3A_310 : memref<!tpu.dma_semaphore, #tpu.memory_space<semaphore_mem>>) {add = true}
        %dma_wait3A_320 = arith.constant 400 : i32
        %dma_wait3A_321 = arith.constant 0 : i32
        %dma_wait3A_322 = tpu.memref_slice %arg12[%dma_wait3A_320, %dma_wait3A_321] : memref<2000x16xf32, #tpu.memory_space<vmem>> -> memref<80x16xf32, #tpu.memory_space<vmem>>
        %dma_wait3A_323 = arith.constant 0 : i32
        %dma_wait3A_324 = tpu.memref_slice %arg10[%add3A_233, %dma_wait3A_323] : memref<125x80xi32, #tpu.memory_space<vmem>> -> memref<1x80xi32, #tpu.memory_space<vmem>>
        %dma_wait3A_325 = tpu.memref_squeeze %dma_wait3A_324 : memref<1x80xi32, #tpu.memory_space<vmem>> -> memref<80xi32, #tpu.memory_space<vmem>>
        %dma_wait3A_326 = arith.constant 0 : i32
        %dma_wait3A_327 = arith.constant 0 : i32
        %dma_wait3A_328 = tpu.memref_slice %arg13[%dma_wait3A_326, %dma_wait3A_327] : memref<10112x16xf32, #tpu.memory_space<vmem_shared>> -> memref<10112x16xf32, #tpu.memory_space<vmem_shared>>
        tpu.wait_indirect_dma semaphore(%run_scoped3A_310 : memref<!tpu.dma_semaphore, #tpu.memory_space<semaphore_mem>>) src(%dma_wait3A_322 : memref<80x16xf32, #tpu.memory_space<vmem>>) dst(%dma_wait3A_328 : memref<10112x16xf32, #tpu.memory_space<vmem_shared>>)
        tpu.yield
      }) : () -> ()
      %mul3A_234 = arith.constant 25 : i32
      %mul3A_235 = arith.muli %mul3A_234, %add3A_203 : i32
      %add3A_236 = arith.constant 6 : i32
      %add3A_237 = arith.addi %mul3A_235, %add3A_236 : i32
      "tpu.region"() ({
        %run_scoped3A_310 = tpu.sem_alloc : memref<!tpu.dma_semaphore, #tpu.memory_space<semaphore_mem>>
        %dma_start3A_311 = arith.constant 480 : i32
        %dma_start3A_312 = arith.constant 0 : i32
        %dma_start3A_313 = tpu.memref_slice %arg12[%dma_start3A_311, %dma_start3A_312] : memref<2000x16xf32, #tpu.memory_space<vmem>> -> memref<80x16xf32, #tpu.memory_space<vmem>>
        %dma_start3A_314 = arith.constant 0 : i32
        %dma_start3A_315 = tpu.memref_slice %arg10[%add3A_237, %dma_start3A_314] : memref<125x80xi32, #tpu.memory_space<vmem>> -> memref<1x80xi32, #tpu.memory_space<vmem>>
        %dma_start3A_316 = tpu.memref_squeeze %dma_start3A_315 : memref<1x80xi32, #tpu.memory_space<vmem>> -> memref<80xi32, #tpu.memory_space<vmem>>
        %dma_start3A_317 = arith.constant 0 : i32
        %dma_start3A_318 = arith.constant 0 : i32
        %dma_start3A_319 = tpu.memref_slice %arg13[%dma_start3A_317, %dma_start3A_318] : memref<10112x16xf32, #tpu.memory_space<vmem_shared>> -> memref<10112x16xf32, #tpu.memory_space<vmem_shared>>
        tpu.enqueue_indirect_dma source(%dma_start3A_313 : memref<80x16xf32, #tpu.memory_space<vmem>>) target(%dma_start3A_319 : memref<10112x16xf32, #tpu.memory_space<vmem_shared>>) offsets(%dma_start3A_316 : memref<80xi32, #tpu.memory_space<vmem>>) semaphore(%run_scoped3A_310 : memref<!tpu.dma_semaphore, #tpu.memory_space<semaphore_mem>>) {add = true}
        %dma_wait3A_320 = arith.constant 480 : i32
        %dma_wait3A_321 = arith.constant 0 : i32
        %dma_wait3A_322 = tpu.memref_slice %arg12[%dma_wait3A_320, %dma_wait3A_321] : memref<2000x16xf32, #tpu.memory_space<vmem>> -> memref<80x16xf32, #tpu.memory_space<vmem>>
        %dma_wait3A_323 = arith.constant 0 : i32
        %dma_wait3A_324 = tpu.memref_slice %arg10[%add3A_237, %dma_wait3A_323] : memref<125x80xi32, #tpu.memory_space<vmem>> -> memref<1x80xi32, #tpu.memory_space<vmem>>
        %dma_wait3A_325 = tpu.memref_squeeze %dma_wait3A_324 : memref<1x80xi32, #tpu.memory_space<vmem>> -> memref<80xi32, #tpu.memory_space<vmem>>
        %dma_wait3A_326 = arith.constant 0 : i32
        %dma_wait3A_327 = arith.constant 0 : i32
        %dma_wait3A_328 = tpu.memref_slice %arg13[%dma_wait3A_326, %dma_wait3A_327] : memref<10112x16xf32, #tpu.memory_space<vmem_shared>> -> memref<10112x16xf32, #tpu.memory_space<vmem_shared>>
        tpu.wait_indirect_dma semaphore(%run_scoped3A_310 : memref<!tpu.dma_semaphore, #tpu.memory_space<semaphore_mem>>) src(%dma_wait3A_322 : memref<80x16xf32, #tpu.memory_space<vmem>>) dst(%dma_wait3A_328 : memref<10112x16xf32, #tpu.memory_space<vmem_shared>>)
        tpu.yield
      }) : () -> ()
      %mul3A_238 = arith.constant 25 : i32
      %mul3A_239 = arith.muli %mul3A_238, %add3A_203 : i32
      %add3A_240 = arith.constant 7 : i32
      %add3A_241 = arith.addi %mul3A_239, %add3A_240 : i32
      "tpu.region"() ({
        %run_scoped3A_310 = tpu.sem_alloc : memref<!tpu.dma_semaphore, #tpu.memory_space<semaphore_mem>>
        %dma_start3A_311 = arith.constant 560 : i32
        %dma_start3A_312 = arith.constant 0 : i32
        %dma_start3A_313 = tpu.memref_slice %arg12[%dma_start3A_311, %dma_start3A_312] : memref<2000x16xf32, #tpu.memory_space<vmem>> -> memref<80x16xf32, #tpu.memory_space<vmem>>
        %dma_start3A_314 = arith.constant 0 : i32
        %dma_start3A_315 = tpu.memref_slice %arg10[%add3A_241, %dma_start3A_314] : memref<125x80xi32, #tpu.memory_space<vmem>> -> memref<1x80xi32, #tpu.memory_space<vmem>>
        %dma_start3A_316 = tpu.memref_squeeze %dma_start3A_315 : memref<1x80xi32, #tpu.memory_space<vmem>> -> memref<80xi32, #tpu.memory_space<vmem>>
        %dma_start3A_317 = arith.constant 0 : i32
        %dma_start3A_318 = arith.constant 0 : i32
        %dma_start3A_319 = tpu.memref_slice %arg13[%dma_start3A_317, %dma_start3A_318] : memref<10112x16xf32, #tpu.memory_space<vmem_shared>> -> memref<10112x16xf32, #tpu.memory_space<vmem_shared>>
        tpu.enqueue_indirect_dma source(%dma_start3A_313 : memref<80x16xf32, #tpu.memory_space<vmem>>) target(%dma_start3A_319 : memref<10112x16xf32, #tpu.memory_space<vmem_shared>>) offsets(%dma_start3A_316 : memref<80xi32, #tpu.memory_space<vmem>>) semaphore(%run_scoped3A_310 : memref<!tpu.dma_semaphore, #tpu.memory_space<semaphore_mem>>) {add = true}
        %dma_wait3A_320 = arith.constant 560 : i32
        %dma_wait3A_321 = arith.constant 0 : i32
        %dma_wait3A_322 = tpu.memref_slice %arg12[%dma_wait3A_320, %dma_wait3A_321] : memref<2000x16xf32, #tpu.memory_space<vmem>> -> memref<80x16xf32, #tpu.memory_space<vmem>>
        %dma_wait3A_323 = arith.constant 0 : i32
        %dma_wait3A_324 = tpu.memref_slice %arg10[%add3A_241, %dma_wait3A_323] : memref<125x80xi32, #tpu.memory_space<vmem>> -> memref<1x80xi32, #tpu.memory_space<vmem>>
        %dma_wait3A_325 = tpu.memref_squeeze %dma_wait3A_324 : memref<1x80xi32, #tpu.memory_space<vmem>> -> memref<80xi32, #tpu.memory_space<vmem>>
        %dma_wait3A_326 = arith.constant 0 : i32
        %dma_wait3A_327 = arith.constant 0 : i32
        %dma_wait3A_328 = tpu.memref_slice %arg13[%dma_wait3A_326, %dma_wait3A_327] : memref<10112x16xf32, #tpu.memory_space<vmem_shared>> -> memref<10112x16xf32, #tpu.memory_space<vmem_shared>>
        tpu.wait_indirect_dma semaphore(%run_scoped3A_310 : memref<!tpu.dma_semaphore, #tpu.memory_space<semaphore_mem>>) src(%dma_wait3A_322 : memref<80x16xf32, #tpu.memory_space<vmem>>) dst(%dma_wait3A_328 : memref<10112x16xf32, #tpu.memory_space<vmem_shared>>)
        tpu.yield
      }) : () -> ()
      %mul3A_242 = arith.constant 25 : i32
      %mul3A_243 = arith.muli %mul3A_242, %add3A_203 : i32
      %add3A_244 = arith.constant 8 : i32
      %add3A_245 = arith.addi %mul3A_243, %add3A_244 : i32
      "tpu.region"() ({
        %run_scoped3A_310 = tpu.sem_alloc : memref<!tpu.dma_semaphore, #tpu.memory_space<semaphore_mem>>
        %dma_start3A_311 = arith.constant 640 : i32
        %dma_start3A_312 = arith.constant 0 : i32
        %dma_start3A_313 = tpu.memref_slice %arg12[%dma_start3A_311, %dma_start3A_312] : memref<2000x16xf32, #tpu.memory_space<vmem>> -> memref<80x16xf32, #tpu.memory_space<vmem>>
        %dma_start3A_314 = arith.constant 0 : i32
        %dma_start3A_315 = tpu.memref_slice %arg10[%add3A_245, %dma_start3A_314] : memref<125x80xi32, #tpu.memory_space<vmem>> -> memref<1x80xi32, #tpu.memory_space<vmem>>
        %dma_start3A_316 = tpu.memref_squeeze %dma_start3A_315 : memref<1x80xi32, #tpu.memory_space<vmem>> -> memref<80xi32, #tpu.memory_space<vmem>>
        %dma_start3A_317 = arith.constant 0 : i32
        %dma_start3A_318 = arith.constant 0 : i32
        %dma_start3A_319 = tpu.memref_slice %arg13[%dma_start3A_317, %dma_start3A_318] : memref<10112x16xf32, #tpu.memory_space<vmem_shared>> -> memref<10112x16xf32, #tpu.memory_space<vmem_shared>>
        tpu.enqueue_indirect_dma source(%dma_start3A_313 : memref<80x16xf32, #tpu.memory_space<vmem>>) target(%dma_start3A_319 : memref<10112x16xf32, #tpu.memory_space<vmem_shared>>) offsets(%dma_start3A_316 : memref<80xi32, #tpu.memory_space<vmem>>) semaphore(%run_scoped3A_310 : memref<!tpu.dma_semaphore, #tpu.memory_space<semaphore_mem>>) {add = true}
        %dma_wait3A_320 = arith.constant 640 : i32
        %dma_wait3A_321 = arith.constant 0 : i32
        %dma_wait3A_322 = tpu.memref_slice %arg12[%dma_wait3A_320, %dma_wait3A_321] : memref<2000x16xf32, #tpu.memory_space<vmem>> -> memref<80x16xf32, #tpu.memory_space<vmem>>
        %dma_wait3A_323 = arith.constant 0 : i32
        %dma_wait3A_324 = tpu.memref_slice %arg10[%add3A_245, %dma_wait3A_323] : memref<125x80xi32, #tpu.memory_space<vmem>> -> memref<1x80xi32, #tpu.memory_space<vmem>>
        %dma_wait3A_325 = tpu.memref_squeeze %dma_wait3A_324 : memref<1x80xi32, #tpu.memory_space<vmem>> -> memref<80xi32, #tpu.memory_space<vmem>>
        %dma_wait3A_326 = arith.constant 0 : i32
        %dma_wait3A_327 = arith.constant 0 : i32
        %dma_wait3A_328 = tpu.memref_slice %arg13[%dma_wait3A_326, %dma_wait3A_327] : memref<10112x16xf32, #tpu.memory_space<vmem_shared>> -> memref<10112x16xf32, #tpu.memory_space<vmem_shared>>
        tpu.wait_indirect_dma semaphore(%run_scoped3A_310 : memref<!tpu.dma_semaphore, #tpu.memory_space<semaphore_mem>>) src(%dma_wait3A_322 : memref<80x16xf32, #tpu.memory_space<vmem>>) dst(%dma_wait3A_328 : memref<10112x16xf32, #tpu.memory_space<vmem_shared>>)
        tpu.yield
      }) : () -> ()
      %mul3A_246 = arith.constant 25 : i32
      %mul3A_247 = arith.muli %mul3A_246, %add3A_203 : i32
      %add3A_248 = arith.constant 9 : i32
      %add3A_249 = arith.addi %mul3A_247, %add3A_248 : i32
      "tpu.region"() ({
        %run_scoped3A_310 = tpu.sem_alloc : memref<!tpu.dma_semaphore, #tpu.memory_space<semaphore_mem>>
        %dma_start3A_311 = arith.constant 720 : i32
        %dma_start3A_312 = arith.constant 0 : i32
        %dma_start3A_313 = tpu.memref_slice %arg12[%dma_start3A_311, %dma_start3A_312] : memref<2000x16xf32, #tpu.memory_space<vmem>> -> memref<80x16xf32, #tpu.memory_space<vmem>>
        %dma_start3A_314 = arith.constant 0 : i32
        %dma_start3A_315 = tpu.memref_slice %arg10[%add3A_249, %dma_start3A_314] : memref<125x80xi32, #tpu.memory_space<vmem>> -> memref<1x80xi32, #tpu.memory_space<vmem>>
        %dma_start3A_316 = tpu.memref_squeeze %dma_start3A_315 : memref<1x80xi32, #tpu.memory_space<vmem>> -> memref<80xi32, #tpu.memory_space<vmem>>
        %dma_start3A_317 = arith.constant 0 : i32
        %dma_start3A_318 = arith.constant 0 : i32
        %dma_start3A_319 = tpu.memref_slice %arg13[%dma_start3A_317, %dma_start3A_318] : memref<10112x16xf32, #tpu.memory_space<vmem_shared>> -> memref<10112x16xf32, #tpu.memory_space<vmem_shared>>
        tpu.enqueue_indirect_dma source(%dma_start3A_313 : memref<80x16xf32, #tpu.memory_space<vmem>>) target(%dma_start3A_319 : memref<10112x16xf32, #tpu.memory_space<vmem_shared>>) offsets(%dma_start3A_316 : memref<80xi32, #tpu.memory_space<vmem>>) semaphore(%run_scoped3A_310 : memref<!tpu.dma_semaphore, #tpu.memory_space<semaphore_mem>>) {add = true}
        %dma_wait3A_320 = arith.constant 720 : i32
        %dma_wait3A_321 = arith.constant 0 : i32
        %dma_wait3A_322 = tpu.memref_slice %arg12[%dma_wait3A_320, %dma_wait3A_321] : memref<2000x16xf32, #tpu.memory_space<vmem>> -> memref<80x16xf32, #tpu.memory_space<vmem>>
        %dma_wait3A_323 = arith.constant 0 : i32
        %dma_wait3A_324 = tpu.memref_slice %arg10[%add3A_249, %dma_wait3A_323] : memref<125x80xi32, #tpu.memory_space<vmem>> -> memref<1x80xi32, #tpu.memory_space<vmem>>
        %dma_wait3A_325 = tpu.memref_squeeze %dma_wait3A_324 : memref<1x80xi32, #tpu.memory_space<vmem>> -> memref<80xi32, #tpu.memory_space<vmem>>
        %dma_wait3A_326 = arith.constant 0 : i32
        %dma_wait3A_327 = arith.constant 0 : i32
        %dma_wait3A_328 = tpu.memref_slice %arg13[%dma_wait3A_326, %dma_wait3A_327] : memref<10112x16xf32, #tpu.memory_space<vmem_shared>> -> memref<10112x16xf32, #tpu.memory_space<vmem_shared>>
        tpu.wait_indirect_dma semaphore(%run_scoped3A_310 : memref<!tpu.dma_semaphore, #tpu.memory_space<semaphore_mem>>) src(%dma_wait3A_322 : memref<80x16xf32, #tpu.memory_space<vmem>>) dst(%dma_wait3A_328 : memref<10112x16xf32, #tpu.memory_space<vmem_shared>>)
        tpu.yield
      }) : () -> ()
      %mul3A_250 = arith.constant 25 : i32
      %mul3A_251 = arith.muli %mul3A_250, %add3A_203 : i32
      %add3A_252 = arith.constant 10 : i32
      %add3A_253 = arith.addi %mul3A_251, %add3A_252 : i32
      "tpu.region"() ({
        %run_scoped3A_310 = tpu.sem_alloc : memref<!tpu.dma_semaphore, #tpu.memory_space<semaphore_mem>>
        %dma_start3A_311 = arith.constant 800 : i32
        %dma_start3A_312 = arith.constant 0 : i32
        %dma_start3A_313 = tpu.memref_slice %arg12[%dma_start3A_311, %dma_start3A_312] : memref<2000x16xf32, #tpu.memory_space<vmem>> -> memref<80x16xf32, #tpu.memory_space<vmem>>
        %dma_start3A_314 = arith.constant 0 : i32
        %dma_start3A_315 = tpu.memref_slice %arg10[%add3A_253, %dma_start3A_314] : memref<125x80xi32, #tpu.memory_space<vmem>> -> memref<1x80xi32, #tpu.memory_space<vmem>>
        %dma_start3A_316 = tpu.memref_squeeze %dma_start3A_315 : memref<1x80xi32, #tpu.memory_space<vmem>> -> memref<80xi32, #tpu.memory_space<vmem>>
        %dma_start3A_317 = arith.constant 0 : i32
        %dma_start3A_318 = arith.constant 0 : i32
        %dma_start3A_319 = tpu.memref_slice %arg13[%dma_start3A_317, %dma_start3A_318] : memref<10112x16xf32, #tpu.memory_space<vmem_shared>> -> memref<10112x16xf32, #tpu.memory_space<vmem_shared>>
        tpu.enqueue_indirect_dma source(%dma_start3A_313 : memref<80x16xf32, #tpu.memory_space<vmem>>) target(%dma_start3A_319 : memref<10112x16xf32, #tpu.memory_space<vmem_shared>>) offsets(%dma_start3A_316 : memref<80xi32, #tpu.memory_space<vmem>>) semaphore(%run_scoped3A_310 : memref<!tpu.dma_semaphore, #tpu.memory_space<semaphore_mem>>) {add = true}
        %dma_wait3A_320 = arith.constant 800 : i32
        %dma_wait3A_321 = arith.constant 0 : i32
        %dma_wait3A_322 = tpu.memref_slice %arg12[%dma_wait3A_320, %dma_wait3A_321] : memref<2000x16xf32, #tpu.memory_space<vmem>> -> memref<80x16xf32, #tpu.memory_space<vmem>>
        %dma_wait3A_323 = arith.constant 0 : i32
        %dma_wait3A_324 = tpu.memref_slice %arg10[%add3A_253, %dma_wait3A_323] : memref<125x80xi32, #tpu.memory_space<vmem>> -> memref<1x80xi32, #tpu.memory_space<vmem>>
        %dma_wait3A_325 = tpu.memref_squeeze %dma_wait3A_324 : memref<1x80xi32, #tpu.memory_space<vmem>> -> memref<80xi32, #tpu.memory_space<vmem>>
        %dma_wait3A_326 = arith.constant 0 : i32
        %dma_wait3A_327 = arith.constant 0 : i32
        %dma_wait3A_328 = tpu.memref_slice %arg13[%dma_wait3A_326, %dma_wait3A_327] : memref<10112x16xf32, #tpu.memory_space<vmem_shared>> -> memref<10112x16xf32, #tpu.memory_space<vmem_shared>>
        tpu.wait_indirect_dma semaphore(%run_scoped3A_310 : memref<!tpu.dma_semaphore, #tpu.memory_space<semaphore_mem>>) src(%dma_wait3A_322 : memref<80x16xf32, #tpu.memory_space<vmem>>) dst(%dma_wait3A_328 : memref<10112x16xf32, #tpu.memory_space<vmem_shared>>)
        tpu.yield
      }) : () -> ()
      %mul3A_254 = arith.constant 25 : i32
      %mul3A_255 = arith.muli %mul3A_254, %add3A_203 : i32
      %add3A_256 = arith.constant 11 : i32
      %add3A_257 = arith.addi %mul3A_255, %add3A_256 : i32
      "tpu.region"() ({
        %run_scoped3A_310 = tpu.sem_alloc : memref<!tpu.dma_semaphore, #tpu.memory_space<semaphore_mem>>
        %dma_start3A_311 = arith.constant 880 : i32
        %dma_start3A_312 = arith.constant 0 : i32
        %dma_start3A_313 = tpu.memref_slice %arg12[%dma_start3A_311, %dma_start3A_312] : memref<2000x16xf32, #tpu.memory_space<vmem>> -> memref<80x16xf32, #tpu.memory_space<vmem>>
        %dma_start3A_314 = arith.constant 0 : i32
        %dma_start3A_315 = tpu.memref_slice %arg10[%add3A_257, %dma_start3A_314] : memref<125x80xi32, #tpu.memory_space<vmem>> -> memref<1x80xi32, #tpu.memory_space<vmem>>
        %dma_start3A_316 = tpu.memref_squeeze %dma_start3A_315 : memref<1x80xi32, #tpu.memory_space<vmem>> -> memref<80xi32, #tpu.memory_space<vmem>>
        %dma_start3A_317 = arith.constant 0 : i32
        %dma_start3A_318 = arith.constant 0 : i32
        %dma_start3A_319 = tpu.memref_slice %arg13[%dma_start3A_317, %dma_start3A_318] : memref<10112x16xf32, #tpu.memory_space<vmem_shared>> -> memref<10112x16xf32, #tpu.memory_space<vmem_shared>>
        tpu.enqueue_indirect_dma source(%dma_start3A_313 : memref<80x16xf32, #tpu.memory_space<vmem>>) target(%dma_start3A_319 : memref<10112x16xf32, #tpu.memory_space<vmem_shared>>) offsets(%dma_start3A_316 : memref<80xi32, #tpu.memory_space<vmem>>) semaphore(%run_scoped3A_310 : memref<!tpu.dma_semaphore, #tpu.memory_space<semaphore_mem>>) {add = true}
        %dma_wait3A_320 = arith.constant 880 : i32
        %dma_wait3A_321 = arith.constant 0 : i32
        %dma_wait3A_322 = tpu.memref_slice %arg12[%dma_wait3A_320, %dma_wait3A_321] : memref<2000x16xf32, #tpu.memory_space<vmem>> -> memref<80x16xf32, #tpu.memory_space<vmem>>
        %dma_wait3A_323 = arith.constant 0 : i32
        %dma_wait3A_324 = tpu.memref_slice %arg10[%add3A_257, %dma_wait3A_323] : memref<125x80xi32, #tpu.memory_space<vmem>> -> memref<1x80xi32, #tpu.memory_space<vmem>>
        %dma_wait3A_325 = tpu.memref_squeeze %dma_wait3A_324 : memref<1x80xi32, #tpu.memory_space<vmem>> -> memref<80xi32, #tpu.memory_space<vmem>>
        %dma_wait3A_326 = arith.constant 0 : i32
        %dma_wait3A_327 = arith.constant 0 : i32
        %dma_wait3A_328 = tpu.memref_slice %arg13[%dma_wait3A_326, %dma_wait3A_327] : memref<10112x16xf32, #tpu.memory_space<vmem_shared>> -> memref<10112x16xf32, #tpu.memory_space<vmem_shared>>
        tpu.wait_indirect_dma semaphore(%run_scoped3A_310 : memref<!tpu.dma_semaphore, #tpu.memory_space<semaphore_mem>>) src(%dma_wait3A_322 : memref<80x16xf32, #tpu.memory_space<vmem>>) dst(%dma_wait3A_328 : memref<10112x16xf32, #tpu.memory_space<vmem_shared>>)
        tpu.yield
      }) : () -> ()
      %mul3A_258 = arith.constant 25 : i32
      %mul3A_259 = arith.muli %mul3A_258, %add3A_203 : i32
      %add3A_260 = arith.constant 12 : i32
      %add3A_261 = arith.addi %mul3A_259, %add3A_260 : i32
      "tpu.region"() ({
        %run_scoped3A_310 = tpu.sem_alloc : memref<!tpu.dma_semaphore, #tpu.memory_space<semaphore_mem>>
        %dma_start3A_311 = arith.constant 960 : i32
        %dma_start3A_312 = arith.constant 0 : i32
        %dma_start3A_313 = tpu.memref_slice %arg12[%dma_start3A_311, %dma_start3A_312] : memref<2000x16xf32, #tpu.memory_space<vmem>> -> memref<80x16xf32, #tpu.memory_space<vmem>>
        %dma_start3A_314 = arith.constant 0 : i32
        %dma_start3A_315 = tpu.memref_slice %arg10[%add3A_261, %dma_start3A_314] : memref<125x80xi32, #tpu.memory_space<vmem>> -> memref<1x80xi32, #tpu.memory_space<vmem>>
        %dma_start3A_316 = tpu.memref_squeeze %dma_start3A_315 : memref<1x80xi32, #tpu.memory_space<vmem>> -> memref<80xi32, #tpu.memory_space<vmem>>
        %dma_start3A_317 = arith.constant 0 : i32
        %dma_start3A_318 = arith.constant 0 : i32
        %dma_start3A_319 = tpu.memref_slice %arg13[%dma_start3A_317, %dma_start3A_318] : memref<10112x16xf32, #tpu.memory_space<vmem_shared>> -> memref<10112x16xf32, #tpu.memory_space<vmem_shared>>
        tpu.enqueue_indirect_dma source(%dma_start3A_313 : memref<80x16xf32, #tpu.memory_space<vmem>>) target(%dma_start3A_319 : memref<10112x16xf32, #tpu.memory_space<vmem_shared>>) offsets(%dma_start3A_316 : memref<80xi32, #tpu.memory_space<vmem>>) semaphore(%run_scoped3A_310 : memref<!tpu.dma_semaphore, #tpu.memory_space<semaphore_mem>>) {add = true}
        %dma_wait3A_320 = arith.constant 960 : i32
        %dma_wait3A_321 = arith.constant 0 : i32
        %dma_wait3A_322 = tpu.memref_slice %arg12[%dma_wait3A_320, %dma_wait3A_321] : memref<2000x16xf32, #tpu.memory_space<vmem>> -> memref<80x16xf32, #tpu.memory_space<vmem>>
        %dma_wait3A_323 = arith.constant 0 : i32
        %dma_wait3A_324 = tpu.memref_slice %arg10[%add3A_261, %dma_wait3A_323] : memref<125x80xi32, #tpu.memory_space<vmem>> -> memref<1x80xi32, #tpu.memory_space<vmem>>
        %dma_wait3A_325 = tpu.memref_squeeze %dma_wait3A_324 : memref<1x80xi32, #tpu.memory_space<vmem>> -> memref<80xi32, #tpu.memory_space<vmem>>
        %dma_wait3A_326 = arith.constant 0 : i32
        %dma_wait3A_327 = arith.constant 0 : i32
        %dma_wait3A_328 = tpu.memref_slice %arg13[%dma_wait3A_326, %dma_wait3A_327] : memref<10112x16xf32, #tpu.memory_space<vmem_shared>> -> memref<10112x16xf32, #tpu.memory_space<vmem_shared>>
        tpu.wait_indirect_dma semaphore(%run_scoped3A_310 : memref<!tpu.dma_semaphore, #tpu.memory_space<semaphore_mem>>) src(%dma_wait3A_322 : memref<80x16xf32, #tpu.memory_space<vmem>>) dst(%dma_wait3A_328 : memref<10112x16xf32, #tpu.memory_space<vmem_shared>>)
        tpu.yield
      }) : () -> ()
      %mul3A_262 = arith.constant 25 : i32
      %mul3A_263 = arith.muli %mul3A_262, %add3A_203 : i32
      %add3A_264 = arith.constant 13 : i32
      %add3A_265 = arith.addi %mul3A_263, %add3A_264 : i32
      "tpu.region"() ({
        %run_scoped3A_310 = tpu.sem_alloc : memref<!tpu.dma_semaphore, #tpu.memory_space<semaphore_mem>>
        %dma_start3A_311 = arith.constant 1040 : i32
        %dma_start3A_312 = arith.constant 0 : i32
        %dma_start3A_313 = tpu.memref_slice %arg12[%dma_start3A_311, %dma_start3A_312] : memref<2000x16xf32, #tpu.memory_space<vmem>> -> memref<80x16xf32, #tpu.memory_space<vmem>>
        %dma_start3A_314 = arith.constant 0 : i32
        %dma_start3A_315 = tpu.memref_slice %arg10[%add3A_265, %dma_start3A_314] : memref<125x80xi32, #tpu.memory_space<vmem>> -> memref<1x80xi32, #tpu.memory_space<vmem>>
        %dma_start3A_316 = tpu.memref_squeeze %dma_start3A_315 : memref<1x80xi32, #tpu.memory_space<vmem>> -> memref<80xi32, #tpu.memory_space<vmem>>
        %dma_start3A_317 = arith.constant 0 : i32
        %dma_start3A_318 = arith.constant 0 : i32
        %dma_start3A_319 = tpu.memref_slice %arg13[%dma_start3A_317, %dma_start3A_318] : memref<10112x16xf32, #tpu.memory_space<vmem_shared>> -> memref<10112x16xf32, #tpu.memory_space<vmem_shared>>
        tpu.enqueue_indirect_dma source(%dma_start3A_313 : memref<80x16xf32, #tpu.memory_space<vmem>>) target(%dma_start3A_319 : memref<10112x16xf32, #tpu.memory_space<vmem_shared>>) offsets(%dma_start3A_316 : memref<80xi32, #tpu.memory_space<vmem>>) semaphore(%run_scoped3A_310 : memref<!tpu.dma_semaphore, #tpu.memory_space<semaphore_mem>>) {add = true}
        %dma_wait3A_320 = arith.constant 1040 : i32
        %dma_wait3A_321 = arith.constant 0 : i32
        %dma_wait3A_322 = tpu.memref_slice %arg12[%dma_wait3A_320, %dma_wait3A_321] : memref<2000x16xf32, #tpu.memory_space<vmem>> -> memref<80x16xf32, #tpu.memory_space<vmem>>
        %dma_wait3A_323 = arith.constant 0 : i32
        %dma_wait3A_324 = tpu.memref_slice %arg10[%add3A_265, %dma_wait3A_323] : memref<125x80xi32, #tpu.memory_space<vmem>> -> memref<1x80xi32, #tpu.memory_space<vmem>>
        %dma_wait3A_325 = tpu.memref_squeeze %dma_wait3A_324 : memref<1x80xi32, #tpu.memory_space<vmem>> -> memref<80xi32, #tpu.memory_space<vmem>>
        %dma_wait3A_326 = arith.constant 0 : i32
        %dma_wait3A_327 = arith.constant 0 : i32
        %dma_wait3A_328 = tpu.memref_slice %arg13[%dma_wait3A_326, %dma_wait3A_327] : memref<10112x16xf32, #tpu.memory_space<vmem_shared>> -> memref<10112x16xf32, #tpu.memory_space<vmem_shared>>
        tpu.wait_indirect_dma semaphore(%run_scoped3A_310 : memref<!tpu.dma_semaphore, #tpu.memory_space<semaphore_mem>>) src(%dma_wait3A_322 : memref<80x16xf32, #tpu.memory_space<vmem>>) dst(%dma_wait3A_328 : memref<10112x16xf32, #tpu.memory_space<vmem_shared>>)
        tpu.yield
      }) : () -> ()
      %mul3A_266 = arith.constant 25 : i32
      %mul3A_267 = arith.muli %mul3A_266, %add3A_203 : i32
      %add3A_268 = arith.constant 14 : i32
      %add3A_269 = arith.addi %mul3A_267, %add3A_268 : i32
      "tpu.region"() ({
        %run_scoped3A_310 = tpu.sem_alloc : memref<!tpu.dma_semaphore, #tpu.memory_space<semaphore_mem>>
        %dma_start3A_311 = arith.constant 1120 : i32
        %dma_start3A_312 = arith.constant 0 : i32
        %dma_start3A_313 = tpu.memref_slice %arg12[%dma_start3A_311, %dma_start3A_312] : memref<2000x16xf32, #tpu.memory_space<vmem>> -> memref<80x16xf32, #tpu.memory_space<vmem>>
        %dma_start3A_314 = arith.constant 0 : i32
        %dma_start3A_315 = tpu.memref_slice %arg10[%add3A_269, %dma_start3A_314] : memref<125x80xi32, #tpu.memory_space<vmem>> -> memref<1x80xi32, #tpu.memory_space<vmem>>
        %dma_start3A_316 = tpu.memref_squeeze %dma_start3A_315 : memref<1x80xi32, #tpu.memory_space<vmem>> -> memref<80xi32, #tpu.memory_space<vmem>>
        %dma_start3A_317 = arith.constant 0 : i32
        %dma_start3A_318 = arith.constant 0 : i32
        %dma_start3A_319 = tpu.memref_slice %arg13[%dma_start3A_317, %dma_start3A_318] : memref<10112x16xf32, #tpu.memory_space<vmem_shared>> -> memref<10112x16xf32, #tpu.memory_space<vmem_shared>>
        tpu.enqueue_indirect_dma source(%dma_start3A_313 : memref<80x16xf32, #tpu.memory_space<vmem>>) target(%dma_start3A_319 : memref<10112x16xf32, #tpu.memory_space<vmem_shared>>) offsets(%dma_start3A_316 : memref<80xi32, #tpu.memory_space<vmem>>) semaphore(%run_scoped3A_310 : memref<!tpu.dma_semaphore, #tpu.memory_space<semaphore_mem>>) {add = true}
        %dma_wait3A_320 = arith.constant 1120 : i32
        %dma_wait3A_321 = arith.constant 0 : i32
        %dma_wait3A_322 = tpu.memref_slice %arg12[%dma_wait3A_320, %dma_wait3A_321] : memref<2000x16xf32, #tpu.memory_space<vmem>> -> memref<80x16xf32, #tpu.memory_space<vmem>>
        %dma_wait3A_323 = arith.constant 0 : i32
        %dma_wait3A_324 = tpu.memref_slice %arg10[%add3A_269, %dma_wait3A_323] : memref<125x80xi32, #tpu.memory_space<vmem>> -> memref<1x80xi32, #tpu.memory_space<vmem>>
        %dma_wait3A_325 = tpu.memref_squeeze %dma_wait3A_324 : memref<1x80xi32, #tpu.memory_space<vmem>> -> memref<80xi32, #tpu.memory_space<vmem>>
        %dma_wait3A_326 = arith.constant 0 : i32
        %dma_wait3A_327 = arith.constant 0 : i32
        %dma_wait3A_328 = tpu.memref_slice %arg13[%dma_wait3A_326, %dma_wait3A_327] : memref<10112x16xf32, #tpu.memory_space<vmem_shared>> -> memref<10112x16xf32, #tpu.memory_space<vmem_shared>>
        tpu.wait_indirect_dma semaphore(%run_scoped3A_310 : memref<!tpu.dma_semaphore, #tpu.memory_space<semaphore_mem>>) src(%dma_wait3A_322 : memref<80x16xf32, #tpu.memory_space<vmem>>) dst(%dma_wait3A_328 : memref<10112x16xf32, #tpu.memory_space<vmem_shared>>)
        tpu.yield
      }) : () -> ()
      %mul3A_270 = arith.constant 25 : i32
      %mul3A_271 = arith.muli %mul3A_270, %add3A_203 : i32
      %add3A_272 = arith.constant 15 : i32
      %add3A_273 = arith.addi %mul3A_271, %add3A_272 : i32
      "tpu.region"() ({
        %run_scoped3A_310 = tpu.sem_alloc : memref<!tpu.dma_semaphore, #tpu.memory_space<semaphore_mem>>
        %dma_start3A_311 = arith.constant 1200 : i32
        %dma_start3A_312 = arith.constant 0 : i32
        %dma_start3A_313 = tpu.memref_slice %arg12[%dma_start3A_311, %dma_start3A_312] : memref<2000x16xf32, #tpu.memory_space<vmem>> -> memref<80x16xf32, #tpu.memory_space<vmem>>
        %dma_start3A_314 = arith.constant 0 : i32
        %dma_start3A_315 = tpu.memref_slice %arg10[%add3A_273, %dma_start3A_314] : memref<125x80xi32, #tpu.memory_space<vmem>> -> memref<1x80xi32, #tpu.memory_space<vmem>>
        %dma_start3A_316 = tpu.memref_squeeze %dma_start3A_315 : memref<1x80xi32, #tpu.memory_space<vmem>> -> memref<80xi32, #tpu.memory_space<vmem>>
        %dma_start3A_317 = arith.constant 0 : i32
        %dma_start3A_318 = arith.constant 0 : i32
        %dma_start3A_319 = tpu.memref_slice %arg13[%dma_start3A_317, %dma_start3A_318] : memref<10112x16xf32, #tpu.memory_space<vmem_shared>> -> memref<10112x16xf32, #tpu.memory_space<vmem_shared>>
        tpu.enqueue_indirect_dma source(%dma_start3A_313 : memref<80x16xf32, #tpu.memory_space<vmem>>) target(%dma_start3A_319 : memref<10112x16xf32, #tpu.memory_space<vmem_shared>>) offsets(%dma_start3A_316 : memref<80xi32, #tpu.memory_space<vmem>>) semaphore(%run_scoped3A_310 : memref<!tpu.dma_semaphore, #tpu.memory_space<semaphore_mem>>) {add = true}
        %dma_wait3A_320 = arith.constant 1200 : i32
        %dma_wait3A_321 = arith.constant 0 : i32
        %dma_wait3A_322 = tpu.memref_slice %arg12[%dma_wait3A_320, %dma_wait3A_321] : memref<2000x16xf32, #tpu.memory_space<vmem>> -> memref<80x16xf32, #tpu.memory_space<vmem>>
        %dma_wait3A_323 = arith.constant 0 : i32
        %dma_wait3A_324 = tpu.memref_slice %arg10[%add3A_273, %dma_wait3A_323] : memref<125x80xi32, #tpu.memory_space<vmem>> -> memref<1x80xi32, #tpu.memory_space<vmem>>
        %dma_wait3A_325 = tpu.memref_squeeze %dma_wait3A_324 : memref<1x80xi32, #tpu.memory_space<vmem>> -> memref<80xi32, #tpu.memory_space<vmem>>
        %dma_wait3A_326 = arith.constant 0 : i32
        %dma_wait3A_327 = arith.constant 0 : i32
        %dma_wait3A_328 = tpu.memref_slice %arg13[%dma_wait3A_326, %dma_wait3A_327] : memref<10112x16xf32, #tpu.memory_space<vmem_shared>> -> memref<10112x16xf32, #tpu.memory_space<vmem_shared>>
        tpu.wait_indirect_dma semaphore(%run_scoped3A_310 : memref<!tpu.dma_semaphore, #tpu.memory_space<semaphore_mem>>) src(%dma_wait3A_322 : memref<80x16xf32, #tpu.memory_space<vmem>>) dst(%dma_wait3A_328 : memref<10112x16xf32, #tpu.memory_space<vmem_shared>>)
        tpu.yield
      }) : () -> ()
      %mul3A_274 = arith.constant 25 : i32
      %mul3A_275 = arith.muli %mul3A_274, %add3A_203 : i32
      %add3A_276 = arith.constant 16 : i32
      %add3A_277 = arith.addi %mul3A_275, %add3A_276 : i32
      "tpu.region"() ({
        %run_scoped3A_310 = tpu.sem_alloc : memref<!tpu.dma_semaphore, #tpu.memory_space<semaphore_mem>>
        %dma_start3A_311 = arith.constant 1280 : i32
        %dma_start3A_312 = arith.constant 0 : i32
        %dma_start3A_313 = tpu.memref_slice %arg12[%dma_start3A_311, %dma_start3A_312] : memref<2000x16xf32, #tpu.memory_space<vmem>> -> memref<80x16xf32, #tpu.memory_space<vmem>>
        %dma_start3A_314 = arith.constant 0 : i32
        %dma_start3A_315 = tpu.memref_slice %arg10[%add3A_277, %dma_start3A_314] : memref<125x80xi32, #tpu.memory_space<vmem>> -> memref<1x80xi32, #tpu.memory_space<vmem>>
        %dma_start3A_316 = tpu.memref_squeeze %dma_start3A_315 : memref<1x80xi32, #tpu.memory_space<vmem>> -> memref<80xi32, #tpu.memory_space<vmem>>
        %dma_start3A_317 = arith.constant 0 : i32
        %dma_start3A_318 = arith.constant 0 : i32
        %dma_start3A_319 = tpu.memref_slice %arg13[%dma_start3A_317, %dma_start3A_318] : memref<10112x16xf32, #tpu.memory_space<vmem_shared>> -> memref<10112x16xf32, #tpu.memory_space<vmem_shared>>
        tpu.enqueue_indirect_dma source(%dma_start3A_313 : memref<80x16xf32, #tpu.memory_space<vmem>>) target(%dma_start3A_319 : memref<10112x16xf32, #tpu.memory_space<vmem_shared>>) offsets(%dma_start3A_316 : memref<80xi32, #tpu.memory_space<vmem>>) semaphore(%run_scoped3A_310 : memref<!tpu.dma_semaphore, #tpu.memory_space<semaphore_mem>>) {add = true}
        %dma_wait3A_320 = arith.constant 1280 : i32
        %dma_wait3A_321 = arith.constant 0 : i32
        %dma_wait3A_322 = tpu.memref_slice %arg12[%dma_wait3A_320, %dma_wait3A_321] : memref<2000x16xf32, #tpu.memory_space<vmem>> -> memref<80x16xf32, #tpu.memory_space<vmem>>
        %dma_wait3A_323 = arith.constant 0 : i32
        %dma_wait3A_324 = tpu.memref_slice %arg10[%add3A_277, %dma_wait3A_323] : memref<125x80xi32, #tpu.memory_space<vmem>> -> memref<1x80xi32, #tpu.memory_space<vmem>>
        %dma_wait3A_325 = tpu.memref_squeeze %dma_wait3A_324 : memref<1x80xi32, #tpu.memory_space<vmem>> -> memref<80xi32, #tpu.memory_space<vmem>>
        %dma_wait3A_326 = arith.constant 0 : i32
        %dma_wait3A_327 = arith.constant 0 : i32
        %dma_wait3A_328 = tpu.memref_slice %arg13[%dma_wait3A_326, %dma_wait3A_327] : memref<10112x16xf32, #tpu.memory_space<vmem_shared>> -> memref<10112x16xf32, #tpu.memory_space<vmem_shared>>
        tpu.wait_indirect_dma semaphore(%run_scoped3A_310 : memref<!tpu.dma_semaphore, #tpu.memory_space<semaphore_mem>>) src(%dma_wait3A_322 : memref<80x16xf32, #tpu.memory_space<vmem>>) dst(%dma_wait3A_328 : memref<10112x16xf32, #tpu.memory_space<vmem_shared>>)
        tpu.yield
      }) : () -> ()
      %mul3A_278 = arith.constant 25 : i32
      %mul3A_279 = arith.muli %mul3A_278, %add3A_203 : i32
      %add3A_280 = arith.constant 17 : i32
      %add3A_281 = arith.addi %mul3A_279, %add3A_280 : i32
      "tpu.region"() ({
        %run_scoped3A_310 = tpu.sem_alloc : memref<!tpu.dma_semaphore, #tpu.memory_space<semaphore_mem>>
        %dma_start3A_311 = arith.constant 1360 : i32
        %dma_start3A_312 = arith.constant 0 : i32
        %dma_start3A_313 = tpu.memref_slice %arg12[%dma_start3A_311, %dma_start3A_312] : memref<2000x16xf32, #tpu.memory_space<vmem>> -> memref<80x16xf32, #tpu.memory_space<vmem>>
        %dma_start3A_314 = arith.constant 0 : i32
        %dma_start3A_315 = tpu.memref_slice %arg10[%add3A_281, %dma_start3A_314] : memref<125x80xi32, #tpu.memory_space<vmem>> -> memref<1x80xi32, #tpu.memory_space<vmem>>
        %dma_start3A_316 = tpu.memref_squeeze %dma_start3A_315 : memref<1x80xi32, #tpu.memory_space<vmem>> -> memref<80xi32, #tpu.memory_space<vmem>>
        %dma_start3A_317 = arith.constant 0 : i32
        %dma_start3A_318 = arith.constant 0 : i32
        %dma_start3A_319 = tpu.memref_slice %arg13[%dma_start3A_317, %dma_start3A_318] : memref<10112x16xf32, #tpu.memory_space<vmem_shared>> -> memref<10112x16xf32, #tpu.memory_space<vmem_shared>>
        tpu.enqueue_indirect_dma source(%dma_start3A_313 : memref<80x16xf32, #tpu.memory_space<vmem>>) target(%dma_start3A_319 : memref<10112x16xf32, #tpu.memory_space<vmem_shared>>) offsets(%dma_start3A_316 : memref<80xi32, #tpu.memory_space<vmem>>) semaphore(%run_scoped3A_310 : memref<!tpu.dma_semaphore, #tpu.memory_space<semaphore_mem>>) {add = true}
        %dma_wait3A_320 = arith.constant 1360 : i32
        %dma_wait3A_321 = arith.constant 0 : i32
        %dma_wait3A_322 = tpu.memref_slice %arg12[%dma_wait3A_320, %dma_wait3A_321] : memref<2000x16xf32, #tpu.memory_space<vmem>> -> memref<80x16xf32, #tpu.memory_space<vmem>>
        %dma_wait3A_323 = arith.constant 0 : i32
        %dma_wait3A_324 = tpu.memref_slice %arg10[%add3A_281, %dma_wait3A_323] : memref<125x80xi32, #tpu.memory_space<vmem>> -> memref<1x80xi32, #tpu.memory_space<vmem>>
        %dma_wait3A_325 = tpu.memref_squeeze %dma_wait3A_324 : memref<1x80xi32, #tpu.memory_space<vmem>> -> memref<80xi32, #tpu.memory_space<vmem>>
        %dma_wait3A_326 = arith.constant 0 : i32
        %dma_wait3A_327 = arith.constant 0 : i32
        %dma_wait3A_328 = tpu.memref_slice %arg13[%dma_wait3A_326, %dma_wait3A_327] : memref<10112x16xf32, #tpu.memory_space<vmem_shared>> -> memref<10112x16xf32, #tpu.memory_space<vmem_shared>>
        tpu.wait_indirect_dma semaphore(%run_scoped3A_310 : memref<!tpu.dma_semaphore, #tpu.memory_space<semaphore_mem>>) src(%dma_wait3A_322 : memref<80x16xf32, #tpu.memory_space<vmem>>) dst(%dma_wait3A_328 : memref<10112x16xf32, #tpu.memory_space<vmem_shared>>)
        tpu.yield
      }) : () -> ()
      %mul3A_282 = arith.constant 25 : i32
      %mul3A_283 = arith.muli %mul3A_282, %add3A_203 : i32
      %add3A_284 = arith.constant 18 : i32
      %add3A_285 = arith.addi %mul3A_283, %add3A_284 : i32
      "tpu.region"() ({
        %run_scoped3A_310 = tpu.sem_alloc : memref<!tpu.dma_semaphore, #tpu.memory_space<semaphore_mem>>
        %dma_start3A_311 = arith.constant 1440 : i32
        %dma_start3A_312 = arith.constant 0 : i32
        %dma_start3A_313 = tpu.memref_slice %arg12[%dma_start3A_311, %dma_start3A_312] : memref<2000x16xf32, #tpu.memory_space<vmem>> -> memref<80x16xf32, #tpu.memory_space<vmem>>
        %dma_start3A_314 = arith.constant 0 : i32
        %dma_start3A_315 = tpu.memref_slice %arg10[%add3A_285, %dma_start3A_314] : memref<125x80xi32, #tpu.memory_space<vmem>> -> memref<1x80xi32, #tpu.memory_space<vmem>>
        %dma_start3A_316 = tpu.memref_squeeze %dma_start3A_315 : memref<1x80xi32, #tpu.memory_space<vmem>> -> memref<80xi32, #tpu.memory_space<vmem>>
        %dma_start3A_317 = arith.constant 0 : i32
        %dma_start3A_318 = arith.constant 0 : i32
        %dma_start3A_319 = tpu.memref_slice %arg13[%dma_start3A_317, %dma_start3A_318] : memref<10112x16xf32, #tpu.memory_space<vmem_shared>> -> memref<10112x16xf32, #tpu.memory_space<vmem_shared>>
        tpu.enqueue_indirect_dma source(%dma_start3A_313 : memref<80x16xf32, #tpu.memory_space<vmem>>) target(%dma_start3A_319 : memref<10112x16xf32, #tpu.memory_space<vmem_shared>>) offsets(%dma_start3A_316 : memref<80xi32, #tpu.memory_space<vmem>>) semaphore(%run_scoped3A_310 : memref<!tpu.dma_semaphore, #tpu.memory_space<semaphore_mem>>) {add = true}
        %dma_wait3A_320 = arith.constant 1440 : i32
        %dma_wait3A_321 = arith.constant 0 : i32
        %dma_wait3A_322 = tpu.memref_slice %arg12[%dma_wait3A_320, %dma_wait3A_321] : memref<2000x16xf32, #tpu.memory_space<vmem>> -> memref<80x16xf32, #tpu.memory_space<vmem>>
        %dma_wait3A_323 = arith.constant 0 : i32
        %dma_wait3A_324 = tpu.memref_slice %arg10[%add3A_285, %dma_wait3A_323] : memref<125x80xi32, #tpu.memory_space<vmem>> -> memref<1x80xi32, #tpu.memory_space<vmem>>
        %dma_wait3A_325 = tpu.memref_squeeze %dma_wait3A_324 : memref<1x80xi32, #tpu.memory_space<vmem>> -> memref<80xi32, #tpu.memory_space<vmem>>
        %dma_wait3A_326 = arith.constant 0 : i32
        %dma_wait3A_327 = arith.constant 0 : i32
        %dma_wait3A_328 = tpu.memref_slice %arg13[%dma_wait3A_326, %dma_wait3A_327] : memref<10112x16xf32, #tpu.memory_space<vmem_shared>> -> memref<10112x16xf32, #tpu.memory_space<vmem_shared>>
        tpu.wait_indirect_dma semaphore(%run_scoped3A_310 : memref<!tpu.dma_semaphore, #tpu.memory_space<semaphore_mem>>) src(%dma_wait3A_322 : memref<80x16xf32, #tpu.memory_space<vmem>>) dst(%dma_wait3A_328 : memref<10112x16xf32, #tpu.memory_space<vmem_shared>>)
        tpu.yield
      }) : () -> ()
      %mul3A_286 = arith.constant 25 : i32
      %mul3A_287 = arith.muli %mul3A_286, %add3A_203 : i32
      %add3A_288 = arith.constant 19 : i32
      %add3A_289 = arith.addi %mul3A_287, %add3A_288 : i32
      "tpu.region"() ({
        %run_scoped3A_310 = tpu.sem_alloc : memref<!tpu.dma_semaphore, #tpu.memory_space<semaphore_mem>>
        %dma_start3A_311 = arith.constant 1520 : i32
        %dma_start3A_312 = arith.constant 0 : i32
        %dma_start3A_313 = tpu.memref_slice %arg12[%dma_start3A_311, %dma_start3A_312] : memref<2000x16xf32, #tpu.memory_space<vmem>> -> memref<80x16xf32, #tpu.memory_space<vmem>>
        %dma_start3A_314 = arith.constant 0 : i32
        %dma_start3A_315 = tpu.memref_slice %arg10[%add3A_289, %dma_start3A_314] : memref<125x80xi32, #tpu.memory_space<vmem>> -> memref<1x80xi32, #tpu.memory_space<vmem>>
        %dma_start3A_316 = tpu.memref_squeeze %dma_start3A_315 : memref<1x80xi32, #tpu.memory_space<vmem>> -> memref<80xi32, #tpu.memory_space<vmem>>
        %dma_start3A_317 = arith.constant 0 : i32
        %dma_start3A_318 = arith.constant 0 : i32
        %dma_start3A_319 = tpu.memref_slice %arg13[%dma_start3A_317, %dma_start3A_318] : memref<10112x16xf32, #tpu.memory_space<vmem_shared>> -> memref<10112x16xf32, #tpu.memory_space<vmem_shared>>
        tpu.enqueue_indirect_dma source(%dma_start3A_313 : memref<80x16xf32, #tpu.memory_space<vmem>>) target(%dma_start3A_319 : memref<10112x16xf32, #tpu.memory_space<vmem_shared>>) offsets(%dma_start3A_316 : memref<80xi32, #tpu.memory_space<vmem>>) semaphore(%run_scoped3A_310 : memref<!tpu.dma_semaphore, #tpu.memory_space<semaphore_mem>>) {add = true}
        %dma_wait3A_320 = arith.constant 1520 : i32
        %dma_wait3A_321 = arith.constant 0 : i32
        %dma_wait3A_322 = tpu.memref_slice %arg12[%dma_wait3A_320, %dma_wait3A_321] : memref<2000x16xf32, #tpu.memory_space<vmem>> -> memref<80x16xf32, #tpu.memory_space<vmem>>
        %dma_wait3A_323 = arith.constant 0 : i32
        %dma_wait3A_324 = tpu.memref_slice %arg10[%add3A_289, %dma_wait3A_323] : memref<125x80xi32, #tpu.memory_space<vmem>> -> memref<1x80xi32, #tpu.memory_space<vmem>>
        %dma_wait3A_325 = tpu.memref_squeeze %dma_wait3A_324 : memref<1x80xi32, #tpu.memory_space<vmem>> -> memref<80xi32, #tpu.memory_space<vmem>>
        %dma_wait3A_326 = arith.constant 0 : i32
        %dma_wait3A_327 = arith.constant 0 : i32
        %dma_wait3A_328 = tpu.memref_slice %arg13[%dma_wait3A_326, %dma_wait3A_327] : memref<10112x16xf32, #tpu.memory_space<vmem_shared>> -> memref<10112x16xf32, #tpu.memory_space<vmem_shared>>
        tpu.wait_indirect_dma semaphore(%run_scoped3A_310 : memref<!tpu.dma_semaphore, #tpu.memory_space<semaphore_mem>>) src(%dma_wait3A_322 : memref<80x16xf32, #tpu.memory_space<vmem>>) dst(%dma_wait3A_328 : memref<10112x16xf32, #tpu.memory_space<vmem_shared>>)
        tpu.yield
      }) : () -> ()
      %mul3A_290 = arith.constant 25 : i32
      %mul3A_291 = arith.muli %mul3A_290, %add3A_203 : i32
      %add3A_292 = arith.constant 20 : i32
      %add3A_293 = arith.addi %mul3A_291, %add3A_292 : i32
      "tpu.region"() ({
        %run_scoped3A_310 = tpu.sem_alloc : memref<!tpu.dma_semaphore, #tpu.memory_space<semaphore_mem>>
        %dma_start3A_311 = arith.constant 1600 : i32
        %dma_start3A_312 = arith.constant 0 : i32
        %dma_start3A_313 = tpu.memref_slice %arg12[%dma_start3A_311, %dma_start3A_312] : memref<2000x16xf32, #tpu.memory_space<vmem>> -> memref<80x16xf32, #tpu.memory_space<vmem>>
        %dma_start3A_314 = arith.constant 0 : i32
        %dma_start3A_315 = tpu.memref_slice %arg10[%add3A_293, %dma_start3A_314] : memref<125x80xi32, #tpu.memory_space<vmem>> -> memref<1x80xi32, #tpu.memory_space<vmem>>
        %dma_start3A_316 = tpu.memref_squeeze %dma_start3A_315 : memref<1x80xi32, #tpu.memory_space<vmem>> -> memref<80xi32, #tpu.memory_space<vmem>>
        %dma_start3A_317 = arith.constant 0 : i32
        %dma_start3A_318 = arith.constant 0 : i32
        %dma_start3A_319 = tpu.memref_slice %arg13[%dma_start3A_317, %dma_start3A_318] : memref<10112x16xf32, #tpu.memory_space<vmem_shared>> -> memref<10112x16xf32, #tpu.memory_space<vmem_shared>>
        tpu.enqueue_indirect_dma source(%dma_start3A_313 : memref<80x16xf32, #tpu.memory_space<vmem>>) target(%dma_start3A_319 : memref<10112x16xf32, #tpu.memory_space<vmem_shared>>) offsets(%dma_start3A_316 : memref<80xi32, #tpu.memory_space<vmem>>) semaphore(%run_scoped3A_310 : memref<!tpu.dma_semaphore, #tpu.memory_space<semaphore_mem>>) {add = true}
        %dma_wait3A_320 = arith.constant 1600 : i32
        %dma_wait3A_321 = arith.constant 0 : i32
        %dma_wait3A_322 = tpu.memref_slice %arg12[%dma_wait3A_320, %dma_wait3A_321] : memref<2000x16xf32, #tpu.memory_space<vmem>> -> memref<80x16xf32, #tpu.memory_space<vmem>>
        %dma_wait3A_323 = arith.constant 0 : i32
        %dma_wait3A_324 = tpu.memref_slice %arg10[%add3A_293, %dma_wait3A_323] : memref<125x80xi32, #tpu.memory_space<vmem>> -> memref<1x80xi32, #tpu.memory_space<vmem>>
        %dma_wait3A_325 = tpu.memref_squeeze %dma_wait3A_324 : memref<1x80xi32, #tpu.memory_space<vmem>> -> memref<80xi32, #tpu.memory_space<vmem>>
        %dma_wait3A_326 = arith.constant 0 : i32
        %dma_wait3A_327 = arith.constant 0 : i32
        %dma_wait3A_328 = tpu.memref_slice %arg13[%dma_wait3A_326, %dma_wait3A_327] : memref<10112x16xf32, #tpu.memory_space<vmem_shared>> -> memref<10112x16xf32, #tpu.memory_space<vmem_shared>>
        tpu.wait_indirect_dma semaphore(%run_scoped3A_310 : memref<!tpu.dma_semaphore, #tpu.memory_space<semaphore_mem>>) src(%dma_wait3A_322 : memref<80x16xf32, #tpu.memory_space<vmem>>) dst(%dma_wait3A_328 : memref<10112x16xf32, #tpu.memory_space<vmem_shared>>)
        tpu.yield
      }) : () -> ()
      %mul3A_294 = arith.constant 25 : i32
      %mul3A_295 = arith.muli %mul3A_294, %add3A_203 : i32
      %add3A_296 = arith.constant 21 : i32
      %add3A_297 = arith.addi %mul3A_295, %add3A_296 : i32
      "tpu.region"() ({
        %run_scoped3A_310 = tpu.sem_alloc : memref<!tpu.dma_semaphore, #tpu.memory_space<semaphore_mem>>
        %dma_start3A_311 = arith.constant 1680 : i32
        %dma_start3A_312 = arith.constant 0 : i32
        %dma_start3A_313 = tpu.memref_slice %arg12[%dma_start3A_311, %dma_start3A_312] : memref<2000x16xf32, #tpu.memory_space<vmem>> -> memref<80x16xf32, #tpu.memory_space<vmem>>
        %dma_start3A_314 = arith.constant 0 : i32
        %dma_start3A_315 = tpu.memref_slice %arg10[%add3A_297, %dma_start3A_314] : memref<125x80xi32, #tpu.memory_space<vmem>> -> memref<1x80xi32, #tpu.memory_space<vmem>>
        %dma_start3A_316 = tpu.memref_squeeze %dma_start3A_315 : memref<1x80xi32, #tpu.memory_space<vmem>> -> memref<80xi32, #tpu.memory_space<vmem>>
        %dma_start3A_317 = arith.constant 0 : i32
        %dma_start3A_318 = arith.constant 0 : i32
        %dma_start3A_319 = tpu.memref_slice %arg13[%dma_start3A_317, %dma_start3A_318] : memref<10112x16xf32, #tpu.memory_space<vmem_shared>> -> memref<10112x16xf32, #tpu.memory_space<vmem_shared>>
        tpu.enqueue_indirect_dma source(%dma_start3A_313 : memref<80x16xf32, #tpu.memory_space<vmem>>) target(%dma_start3A_319 : memref<10112x16xf32, #tpu.memory_space<vmem_shared>>) offsets(%dma_start3A_316 : memref<80xi32, #tpu.memory_space<vmem>>) semaphore(%run_scoped3A_310 : memref<!tpu.dma_semaphore, #tpu.memory_space<semaphore_mem>>) {add = true}
        %dma_wait3A_320 = arith.constant 1680 : i32
        %dma_wait3A_321 = arith.constant 0 : i32
        %dma_wait3A_322 = tpu.memref_slice %arg12[%dma_wait3A_320, %dma_wait3A_321] : memref<2000x16xf32, #tpu.memory_space<vmem>> -> memref<80x16xf32, #tpu.memory_space<vmem>>
        %dma_wait3A_323 = arith.constant 0 : i32
        %dma_wait3A_324 = tpu.memref_slice %arg10[%add3A_297, %dma_wait3A_323] : memref<125x80xi32, #tpu.memory_space<vmem>> -> memref<1x80xi32, #tpu.memory_space<vmem>>
        %dma_wait3A_325 = tpu.memref_squeeze %dma_wait3A_324 : memref<1x80xi32, #tpu.memory_space<vmem>> -> memref<80xi32, #tpu.memory_space<vmem>>
        %dma_wait3A_326 = arith.constant 0 : i32
        %dma_wait3A_327 = arith.constant 0 : i32
        %dma_wait3A_328 = tpu.memref_slice %arg13[%dma_wait3A_326, %dma_wait3A_327] : memref<10112x16xf32, #tpu.memory_space<vmem_shared>> -> memref<10112x16xf32, #tpu.memory_space<vmem_shared>>
        tpu.wait_indirect_dma semaphore(%run_scoped3A_310 : memref<!tpu.dma_semaphore, #tpu.memory_space<semaphore_mem>>) src(%dma_wait3A_322 : memref<80x16xf32, #tpu.memory_space<vmem>>) dst(%dma_wait3A_328 : memref<10112x16xf32, #tpu.memory_space<vmem_shared>>)
        tpu.yield
      }) : () -> ()
      %mul3A_298 = arith.constant 25 : i32
      %mul3A_299 = arith.muli %mul3A_298, %add3A_203 : i32
      %add3A_300 = arith.constant 22 : i32
      %add3A_301 = arith.addi %mul3A_299, %add3A_300 : i32
      "tpu.region"() ({
        %run_scoped3A_310 = tpu.sem_alloc : memref<!tpu.dma_semaphore, #tpu.memory_space<semaphore_mem>>
        %dma_start3A_311 = arith.constant 1760 : i32
        %dma_start3A_312 = arith.constant 0 : i32
        %dma_start3A_313 = tpu.memref_slice %arg12[%dma_start3A_311, %dma_start3A_312] : memref<2000x16xf32, #tpu.memory_space<vmem>> -> memref<80x16xf32, #tpu.memory_space<vmem>>
        %dma_start3A_314 = arith.constant 0 : i32
        %dma_start3A_315 = tpu.memref_slice %arg10[%add3A_301, %dma_start3A_314] : memref<125x80xi32, #tpu.memory_space<vmem>> -> memref<1x80xi32, #tpu.memory_space<vmem>>
        %dma_start3A_316 = tpu.memref_squeeze %dma_start3A_315 : memref<1x80xi32, #tpu.memory_space<vmem>> -> memref<80xi32, #tpu.memory_space<vmem>>
        %dma_start3A_317 = arith.constant 0 : i32
        %dma_start3A_318 = arith.constant 0 : i32
        %dma_start3A_319 = tpu.memref_slice %arg13[%dma_start3A_317, %dma_start3A_318] : memref<10112x16xf32, #tpu.memory_space<vmem_shared>> -> memref<10112x16xf32, #tpu.memory_space<vmem_shared>>
        tpu.enqueue_indirect_dma source(%dma_start3A_313 : memref<80x16xf32, #tpu.memory_space<vmem>>) target(%dma_start3A_319 : memref<10112x16xf32, #tpu.memory_space<vmem_shared>>) offsets(%dma_start3A_316 : memref<80xi32, #tpu.memory_space<vmem>>) semaphore(%run_scoped3A_310 : memref<!tpu.dma_semaphore, #tpu.memory_space<semaphore_mem>>) {add = true}
        %dma_wait3A_320 = arith.constant 1760 : i32
        %dma_wait3A_321 = arith.constant 0 : i32
        %dma_wait3A_322 = tpu.memref_slice %arg12[%dma_wait3A_320, %dma_wait3A_321] : memref<2000x16xf32, #tpu.memory_space<vmem>> -> memref<80x16xf32, #tpu.memory_space<vmem>>
        %dma_wait3A_323 = arith.constant 0 : i32
        %dma_wait3A_324 = tpu.memref_slice %arg10[%add3A_301, %dma_wait3A_323] : memref<125x80xi32, #tpu.memory_space<vmem>> -> memref<1x80xi32, #tpu.memory_space<vmem>>
        %dma_wait3A_325 = tpu.memref_squeeze %dma_wait3A_324 : memref<1x80xi32, #tpu.memory_space<vmem>> -> memref<80xi32, #tpu.memory_space<vmem>>
        %dma_wait3A_326 = arith.constant 0 : i32
        %dma_wait3A_327 = arith.constant 0 : i32
        %dma_wait3A_328 = tpu.memref_slice %arg13[%dma_wait3A_326, %dma_wait3A_327] : memref<10112x16xf32, #tpu.memory_space<vmem_shared>> -> memref<10112x16xf32, #tpu.memory_space<vmem_shared>>
        tpu.wait_indirect_dma semaphore(%run_scoped3A_310 : memref<!tpu.dma_semaphore, #tpu.memory_space<semaphore_mem>>) src(%dma_wait3A_322 : memref<80x16xf32, #tpu.memory_space<vmem>>) dst(%dma_wait3A_328 : memref<10112x16xf32, #tpu.memory_space<vmem_shared>>)
        tpu.yield
      }) : () -> ()
      %mul3A_302 = arith.constant 25 : i32
      %mul3A_303 = arith.muli %mul3A_302, %add3A_203 : i32
      %add3A_304 = arith.constant 23 : i32
      %add3A_305 = arith.addi %mul3A_303, %add3A_304 : i32
      "tpu.region"() ({
        %run_scoped3A_310 = tpu.sem_alloc : memref<!tpu.dma_semaphore, #tpu.memory_space<semaphore_mem>>
        %dma_start3A_311 = arith.constant 1840 : i32
        %dma_start3A_312 = arith.constant 0 : i32
        %dma_start3A_313 = tpu.memref_slice %arg12[%dma_start3A_311, %dma_start3A_312] : memref<2000x16xf32, #tpu.memory_space<vmem>> -> memref<80x16xf32, #tpu.memory_space<vmem>>
        %dma_start3A_314 = arith.constant 0 : i32
        %dma_start3A_315 = tpu.memref_slice %arg10[%add3A_305, %dma_start3A_314] : memref<125x80xi32, #tpu.memory_space<vmem>> -> memref<1x80xi32, #tpu.memory_space<vmem>>
        %dma_start3A_316 = tpu.memref_squeeze %dma_start3A_315 : memref<1x80xi32, #tpu.memory_space<vmem>> -> memref<80xi32, #tpu.memory_space<vmem>>
        %dma_start3A_317 = arith.constant 0 : i32
        %dma_start3A_318 = arith.constant 0 : i32
        %dma_start3A_319 = tpu.memref_slice %arg13[%dma_start3A_317, %dma_start3A_318] : memref<10112x16xf32, #tpu.memory_space<vmem_shared>> -> memref<10112x16xf32, #tpu.memory_space<vmem_shared>>
        tpu.enqueue_indirect_dma source(%dma_start3A_313 : memref<80x16xf32, #tpu.memory_space<vmem>>) target(%dma_start3A_319 : memref<10112x16xf32, #tpu.memory_space<vmem_shared>>) offsets(%dma_start3A_316 : memref<80xi32, #tpu.memory_space<vmem>>) semaphore(%run_scoped3A_310 : memref<!tpu.dma_semaphore, #tpu.memory_space<semaphore_mem>>) {add = true}
        %dma_wait3A_320 = arith.constant 1840 : i32
        %dma_wait3A_321 = arith.constant 0 : i32
        %dma_wait3A_322 = tpu.memref_slice %arg12[%dma_wait3A_320, %dma_wait3A_321] : memref<2000x16xf32, #tpu.memory_space<vmem>> -> memref<80x16xf32, #tpu.memory_space<vmem>>
        %dma_wait3A_323 = arith.constant 0 : i32
        %dma_wait3A_324 = tpu.memref_slice %arg10[%add3A_305, %dma_wait3A_323] : memref<125x80xi32, #tpu.memory_space<vmem>> -> memref<1x80xi32, #tpu.memory_space<vmem>>
        %dma_wait3A_325 = tpu.memref_squeeze %dma_wait3A_324 : memref<1x80xi32, #tpu.memory_space<vmem>> -> memref<80xi32, #tpu.memory_space<vmem>>
        %dma_wait3A_326 = arith.constant 0 : i32
        %dma_wait3A_327 = arith.constant 0 : i32
        %dma_wait3A_328 = tpu.memref_slice %arg13[%dma_wait3A_326, %dma_wait3A_327] : memref<10112x16xf32, #tpu.memory_space<vmem_shared>> -> memref<10112x16xf32, #tpu.memory_space<vmem_shared>>
        tpu.wait_indirect_dma semaphore(%run_scoped3A_310 : memref<!tpu.dma_semaphore, #tpu.memory_space<semaphore_mem>>) src(%dma_wait3A_322 : memref<80x16xf32, #tpu.memory_space<vmem>>) dst(%dma_wait3A_328 : memref<10112x16xf32, #tpu.memory_space<vmem_shared>>)
        tpu.yield
      }) : () -> ()
      %mul3A_306 = arith.constant 25 : i32
      %mul3A_307 = arith.muli %mul3A_306, %add3A_203 : i32
      %add3A_308 = arith.constant 24 : i32
      %add3A_309 = arith.addi %mul3A_307, %add3A_308 : i32
      "tpu.region"() ({
        %run_scoped3A_310 = tpu.sem_alloc : memref<!tpu.dma_semaphore, #tpu.memory_space<semaphore_mem>>
        %dma_start3A_311 = arith.constant 1920 : i32
        %dma_start3A_312 = arith.constant 0 : i32
        %dma_start3A_313 = tpu.memref_slice %arg12[%dma_start3A_311, %dma_start3A_312] : memref<2000x16xf32, #tpu.memory_space<vmem>> -> memref<80x16xf32, #tpu.memory_space<vmem>>
        %dma_start3A_314 = arith.constant 0 : i32
        %dma_start3A_315 = tpu.memref_slice %arg10[%add3A_309, %dma_start3A_314] : memref<125x80xi32, #tpu.memory_space<vmem>> -> memref<1x80xi32, #tpu.memory_space<vmem>>
        %dma_start3A_316 = tpu.memref_squeeze %dma_start3A_315 : memref<1x80xi32, #tpu.memory_space<vmem>> -> memref<80xi32, #tpu.memory_space<vmem>>
        %dma_start3A_317 = arith.constant 0 : i32
        %dma_start3A_318 = arith.constant 0 : i32
        %dma_start3A_319 = tpu.memref_slice %arg13[%dma_start3A_317, %dma_start3A_318] : memref<10112x16xf32, #tpu.memory_space<vmem_shared>> -> memref<10112x16xf32, #tpu.memory_space<vmem_shared>>
        tpu.enqueue_indirect_dma source(%dma_start3A_313 : memref<80x16xf32, #tpu.memory_space<vmem>>) target(%dma_start3A_319 : memref<10112x16xf32, #tpu.memory_space<vmem_shared>>) offsets(%dma_start3A_316 : memref<80xi32, #tpu.memory_space<vmem>>) semaphore(%run_scoped3A_310 : memref<!tpu.dma_semaphore, #tpu.memory_space<semaphore_mem>>) {add = true}
        %dma_wait3A_320 = arith.constant 1920 : i32
        %dma_wait3A_321 = arith.constant 0 : i32
        %dma_wait3A_322 = tpu.memref_slice %arg12[%dma_wait3A_320, %dma_wait3A_321] : memref<2000x16xf32, #tpu.memory_space<vmem>> -> memref<80x16xf32, #tpu.memory_space<vmem>>
        %dma_wait3A_323 = arith.constant 0 : i32
        %dma_wait3A_324 = tpu.memref_slice %arg10[%add3A_309, %dma_wait3A_323] : memref<125x80xi32, #tpu.memory_space<vmem>> -> memref<1x80xi32, #tpu.memory_space<vmem>>
        %dma_wait3A_325 = tpu.memref_squeeze %dma_wait3A_324 : memref<1x80xi32, #tpu.memory_space<vmem>> -> memref<80xi32, #tpu.memory_space<vmem>>
        %dma_wait3A_326 = arith.constant 0 : i32
        %dma_wait3A_327 = arith.constant 0 : i32
        %dma_wait3A_328 = tpu.memref_slice %arg13[%dma_wait3A_326, %dma_wait3A_327] : memref<10112x16xf32, #tpu.memory_space<vmem_shared>> -> memref<10112x16xf32, #tpu.memory_space<vmem_shared>>
        tpu.wait_indirect_dma semaphore(%run_scoped3A_310 : memref<!tpu.dma_semaphore, #tpu.memory_space<semaphore_mem>>) src(%dma_wait3A_322 : memref<80x16xf32, #tpu.memory_space<vmem>>) dst(%dma_wait3A_328 : memref<10112x16xf32, #tpu.memory_space<vmem_shared>>)
        tpu.yield
      }) : () -> ()
    }
    %scan3A_48 = arith.constant 2 : i32
    %dma_wait3A_49 = arith.constant 4 : i32
    %dma_wait3A_50 = arith.constant 0 : i32
    %dma_wait3A_51 = tpu.memref_slice %arg9[%dma_wait3A_49, %dma_wait3A_50] : memref<5x2000xi32, #tpu.memory_space<vmem>> -> memref<1x2000xi32, #tpu.memory_space<vmem>>
    %dma_wait3A_52 = tpu.memref_squeeze %dma_wait3A_51 : memref<1x2000xi32, #tpu.memory_space<vmem>> -> memref<2000xi32, #tpu.memory_space<vmem>>
    %dma_wait3A_53 = arith.constant 0 : i32
    %dma_wait3A_54 = arith.constant 0 : i32
    %dma_wait3A_55 = tpu.memref_slice %arg2[%dma_wait3A_53, %dma_wait3A_54] : memref<10000x16xf32, #tpu.memory_space<hbm>> -> memref<10000x16xf32, #tpu.memory_space<hbm>>
    tpu.wait_indirect_dma semaphore(%arg14 : memref<!tpu.dma_semaphore, #tpu.memory_space<semaphore_mem>>) src(%dma_wait3A_55 : memref<10000x16xf32, #tpu.memory_space<hbm>>) dst(%arg11 : memref<2000x16xf32, #tpu.memory_space<vmem>>)
    %run_scoped3A = arith.constant 100 : i32
    "tpu.region"() ({
      %run_scoped3A_81 = tpu.sem_alloc : memref<!tpu.dma_semaphore, #tpu.memory_space<semaphore_mem>>
      %dma_start3A_82 = arith.constant 0 : i32
      %dma_start3A_83 = arith.constant 0 : i32
      %dma_start3A_84 = tpu.memref_slice %arg11[%dma_start3A_82, %dma_start3A_83] : memref<2000x16xf32, #tpu.memory_space<vmem>> -> memref<80x16xf32, #tpu.memory_space<vmem>>
      %dma_start3A_85 = arith.constant 0 : i32
      %dma_start3A_86 = tpu.memref_slice %arg10[%run_scoped3A, %dma_start3A_85] : memref<125x80xi32, #tpu.memory_space<vmem>> -> memref<1x80xi32, #tpu.memory_space<vmem>>
      %dma_start3A_87 = tpu.memref_squeeze %dma_start3A_86 : memref<1x80xi32, #tpu.memory_space<vmem>> -> memref<80xi32, #tpu.memory_space<vmem>>
      %dma_start3A_88 = arith.constant 0 : i32
      %dma_start3A_89 = arith.constant 0 : i32
      %dma_start3A_90 = tpu.memref_slice %arg13[%dma_start3A_88, %dma_start3A_89] : memref<10112x16xf32, #tpu.memory_space<vmem_shared>> -> memref<10112x16xf32, #tpu.memory_space<vmem_shared>>
      tpu.enqueue_indirect_dma source(%dma_start3A_84 : memref<80x16xf32, #tpu.memory_space<vmem>>) target(%dma_start3A_90 : memref<10112x16xf32, #tpu.memory_space<vmem_shared>>) offsets(%dma_start3A_87 : memref<80xi32, #tpu.memory_space<vmem>>) semaphore(%run_scoped3A_81 : memref<!tpu.dma_semaphore, #tpu.memory_space<semaphore_mem>>) {add = true}
      %dma_wait3A_91 = arith.constant 0 : i32
      %dma_wait3A_92 = arith.constant 0 : i32
      %dma_wait3A_93 = tpu.memref_slice %arg11[%dma_wait3A_91, %dma_wait3A_92] : memref<2000x16xf32, #tpu.memory_space<vmem>> -> memref<80x16xf32, #tpu.memory_space<vmem>>
      %dma_wait3A_94 = arith.constant 0 : i32
      %dma_wait3A_95 = tpu.memref_slice %arg10[%run_scoped3A, %dma_wait3A_94] : memref<125x80xi32, #tpu.memory_space<vmem>> -> memref<1x80xi32, #tpu.memory_space<vmem>>
      %dma_wait3A_96 = tpu.memref_squeeze %dma_wait3A_95 : memref<1x80xi32, #tpu.memory_space<vmem>> -> memref<80xi32, #tpu.memory_space<vmem>>
      %dma_wait3A_97 = arith.constant 0 : i32
      %dma_wait3A_98 = arith.constant 0 : i32
      %dma_wait3A_99 = tpu.memref_slice %arg13[%dma_wait3A_97, %dma_wait3A_98] : memref<10112x16xf32, #tpu.memory_space<vmem_shared>> -> memref<10112x16xf32, #tpu.memory_space<vmem_shared>>
      tpu.wait_indirect_dma semaphore(%run_scoped3A_81 : memref<!tpu.dma_semaphore, #tpu.memory_space<semaphore_mem>>) src(%dma_wait3A_93 : memref<80x16xf32, #tpu.memory_space<vmem>>) dst(%dma_wait3A_99 : memref<10112x16xf32, #tpu.memory_space<vmem_shared>>)
      tpu.yield
    }) : () -> ()
    %run_scoped3A_56 = arith.constant 101 : i32
    "tpu.region"() ({
      %run_scoped3A_81 = tpu.sem_alloc : memref<!tpu.dma_semaphore, #tpu.memory_space<semaphore_mem>>
      %dma_start3A_82 = arith.constant 80 : i32
      %dma_start3A_83 = arith.constant 0 : i32
      %dma_start3A_84 = tpu.memref_slice %arg11[%dma_start3A_82, %dma_start3A_83] : memref<2000x16xf32, #tpu.memory_space<vmem>> -> memref<80x16xf32, #tpu.memory_space<vmem>>
      %dma_start3A_85 = arith.constant 0 : i32
      %dma_start3A_86 = tpu.memref_slice %arg10[%run_scoped3A_56, %dma_start3A_85] : memref<125x80xi32, #tpu.memory_space<vmem>> -> memref<1x80xi32, #tpu.memory_space<vmem>>
      %dma_start3A_87 = tpu.memref_squeeze %dma_start3A_86 : memref<1x80xi32, #tpu.memory_space<vmem>> -> memref<80xi32, #tpu.memory_space<vmem>>
      %dma_start3A_88 = arith.constant 0 : i32
      %dma_start3A_89 = arith.constant 0 : i32
      %dma_start3A_90 = tpu.memref_slice %arg13[%dma_start3A_88, %dma_start3A_89] : memref<10112x16xf32, #tpu.memory_space<vmem_shared>> -> memref<10112x16xf32, #tpu.memory_space<vmem_shared>>
      tpu.enqueue_indirect_dma source(%dma_start3A_84 : memref<80x16xf32, #tpu.memory_space<vmem>>) target(%dma_start3A_90 : memref<10112x16xf32, #tpu.memory_space<vmem_shared>>) offsets(%dma_start3A_87 : memref<80xi32, #tpu.memory_space<vmem>>) semaphore(%run_scoped3A_81 : memref<!tpu.dma_semaphore, #tpu.memory_space<semaphore_mem>>) {add = true}
      %dma_wait3A_91 = arith.constant 80 : i32
      %dma_wait3A_92 = arith.constant 0 : i32
      %dma_wait3A_93 = tpu.memref_slice %arg11[%dma_wait3A_91, %dma_wait3A_92] : memref<2000x16xf32, #tpu.memory_space<vmem>> -> memref<80x16xf32, #tpu.memory_space<vmem>>
      %dma_wait3A_94 = arith.constant 0 : i32
      %dma_wait3A_95 = tpu.memref_slice %arg10[%run_scoped3A_56, %dma_wait3A_94] : memref<125x80xi32, #tpu.memory_space<vmem>> -> memref<1x80xi32, #tpu.memory_space<vmem>>
      %dma_wait3A_96 = tpu.memref_squeeze %dma_wait3A_95 : memref<1x80xi32, #tpu.memory_space<vmem>> -> memref<80xi32, #tpu.memory_space<vmem>>
      %dma_wait3A_97 = arith.constant 0 : i32
      %dma_wait3A_98 = arith.constant 0 : i32
      %dma_wait3A_99 = tpu.memref_slice %arg13[%dma_wait3A_97, %dma_wait3A_98] : memref<10112x16xf32, #tpu.memory_space<vmem_shared>> -> memref<10112x16xf32, #tpu.memory_space<vmem_shared>>
      tpu.wait_indirect_dma semaphore(%run_scoped3A_81 : memref<!tpu.dma_semaphore, #tpu.memory_space<semaphore_mem>>) src(%dma_wait3A_93 : memref<80x16xf32, #tpu.memory_space<vmem>>) dst(%dma_wait3A_99 : memref<10112x16xf32, #tpu.memory_space<vmem_shared>>)
      tpu.yield
    }) : () -> ()
    %run_scoped3A_57 = arith.constant 102 : i32
    "tpu.region"() ({
      %run_scoped3A_81 = tpu.sem_alloc : memref<!tpu.dma_semaphore, #tpu.memory_space<semaphore_mem>>
      %dma_start3A_82 = arith.constant 160 : i32
      %dma_start3A_83 = arith.constant 0 : i32
      %dma_start3A_84 = tpu.memref_slice %arg11[%dma_start3A_82, %dma_start3A_83] : memref<2000x16xf32, #tpu.memory_space<vmem>> -> memref<80x16xf32, #tpu.memory_space<vmem>>
      %dma_start3A_85 = arith.constant 0 : i32
      %dma_start3A_86 = tpu.memref_slice %arg10[%run_scoped3A_57, %dma_start3A_85] : memref<125x80xi32, #tpu.memory_space<vmem>> -> memref<1x80xi32, #tpu.memory_space<vmem>>
      %dma_start3A_87 = tpu.memref_squeeze %dma_start3A_86 : memref<1x80xi32, #tpu.memory_space<vmem>> -> memref<80xi32, #tpu.memory_space<vmem>>
      %dma_start3A_88 = arith.constant 0 : i32
      %dma_start3A_89 = arith.constant 0 : i32
      %dma_start3A_90 = tpu.memref_slice %arg13[%dma_start3A_88, %dma_start3A_89] : memref<10112x16xf32, #tpu.memory_space<vmem_shared>> -> memref<10112x16xf32, #tpu.memory_space<vmem_shared>>
      tpu.enqueue_indirect_dma source(%dma_start3A_84 : memref<80x16xf32, #tpu.memory_space<vmem>>) target(%dma_start3A_90 : memref<10112x16xf32, #tpu.memory_space<vmem_shared>>) offsets(%dma_start3A_87 : memref<80xi32, #tpu.memory_space<vmem>>) semaphore(%run_scoped3A_81 : memref<!tpu.dma_semaphore, #tpu.memory_space<semaphore_mem>>) {add = true}
      %dma_wait3A_91 = arith.constant 160 : i32
      %dma_wait3A_92 = arith.constant 0 : i32
      %dma_wait3A_93 = tpu.memref_slice %arg11[%dma_wait3A_91, %dma_wait3A_92] : memref<2000x16xf32, #tpu.memory_space<vmem>> -> memref<80x16xf32, #tpu.memory_space<vmem>>
      %dma_wait3A_94 = arith.constant 0 : i32
      %dma_wait3A_95 = tpu.memref_slice %arg10[%run_scoped3A_57, %dma_wait3A_94] : memref<125x80xi32, #tpu.memory_space<vmem>> -> memref<1x80xi32, #tpu.memory_space<vmem>>
      %dma_wait3A_96 = tpu.memref_squeeze %dma_wait3A_95 : memref<1x80xi32, #tpu.memory_space<vmem>> -> memref<80xi32, #tpu.memory_space<vmem>>
      %dma_wait3A_97 = arith.constant 0 : i32
      %dma_wait3A_98 = arith.constant 0 : i32
      %dma_wait3A_99 = tpu.memref_slice %arg13[%dma_wait3A_97, %dma_wait3A_98] : memref<10112x16xf32, #tpu.memory_space<vmem_shared>> -> memref<10112x16xf32, #tpu.memory_space<vmem_shared>>
      tpu.wait_indirect_dma semaphore(%run_scoped3A_81 : memref<!tpu.dma_semaphore, #tpu.memory_space<semaphore_mem>>) src(%dma_wait3A_93 : memref<80x16xf32, #tpu.memory_space<vmem>>) dst(%dma_wait3A_99 : memref<10112x16xf32, #tpu.memory_space<vmem_shared>>)
      tpu.yield
    }) : () -> ()
    %run_scoped3A_58 = arith.constant 103 : i32
    "tpu.region"() ({
      %run_scoped3A_81 = tpu.sem_alloc : memref<!tpu.dma_semaphore, #tpu.memory_space<semaphore_mem>>
      %dma_start3A_82 = arith.constant 240 : i32
      %dma_start3A_83 = arith.constant 0 : i32
      %dma_start3A_84 = tpu.memref_slice %arg11[%dma_start3A_82, %dma_start3A_83] : memref<2000x16xf32, #tpu.memory_space<vmem>> -> memref<80x16xf32, #tpu.memory_space<vmem>>
      %dma_start3A_85 = arith.constant 0 : i32
      %dma_start3A_86 = tpu.memref_slice %arg10[%run_scoped3A_58, %dma_start3A_85] : memref<125x80xi32, #tpu.memory_space<vmem>> -> memref<1x80xi32, #tpu.memory_space<vmem>>
      %dma_start3A_87 = tpu.memref_squeeze %dma_start3A_86 : memref<1x80xi32, #tpu.memory_space<vmem>> -> memref<80xi32, #tpu.memory_space<vmem>>
      %dma_start3A_88 = arith.constant 0 : i32
      %dma_start3A_89 = arith.constant 0 : i32
      %dma_start3A_90 = tpu.memref_slice %arg13[%dma_start3A_88, %dma_start3A_89] : memref<10112x16xf32, #tpu.memory_space<vmem_shared>> -> memref<10112x16xf32, #tpu.memory_space<vmem_shared>>
      tpu.enqueue_indirect_dma source(%dma_start3A_84 : memref<80x16xf32, #tpu.memory_space<vmem>>) target(%dma_start3A_90 : memref<10112x16xf32, #tpu.memory_space<vmem_shared>>) offsets(%dma_start3A_87 : memref<80xi32, #tpu.memory_space<vmem>>) semaphore(%run_scoped3A_81 : memref<!tpu.dma_semaphore, #tpu.memory_space<semaphore_mem>>) {add = true}
      %dma_wait3A_91 = arith.constant 240 : i32
      %dma_wait3A_92 = arith.constant 0 : i32
      %dma_wait3A_93 = tpu.memref_slice %arg11[%dma_wait3A_91, %dma_wait3A_92] : memref<2000x16xf32, #tpu.memory_space<vmem>> -> memref<80x16xf32, #tpu.memory_space<vmem>>
      %dma_wait3A_94 = arith.constant 0 : i32
      %dma_wait3A_95 = tpu.memref_slice %arg10[%run_scoped3A_58, %dma_wait3A_94] : memref<125x80xi32, #tpu.memory_space<vmem>> -> memref<1x80xi32, #tpu.memory_space<vmem>>
      %dma_wait3A_96 = tpu.memref_squeeze %dma_wait3A_95 : memref<1x80xi32, #tpu.memory_space<vmem>> -> memref<80xi32, #tpu.memory_space<vmem>>
      %dma_wait3A_97 = arith.constant 0 : i32
      %dma_wait3A_98 = arith.constant 0 : i32
      %dma_wait3A_99 = tpu.memref_slice %arg13[%dma_wait3A_97, %dma_wait3A_98] : memref<10112x16xf32, #tpu.memory_space<vmem_shared>> -> memref<10112x16xf32, #tpu.memory_space<vmem_shared>>
      tpu.wait_indirect_dma semaphore(%run_scoped3A_81 : memref<!tpu.dma_semaphore, #tpu.memory_space<semaphore_mem>>) src(%dma_wait3A_93 : memref<80x16xf32, #tpu.memory_space<vmem>>) dst(%dma_wait3A_99 : memref<10112x16xf32, #tpu.memory_space<vmem_shared>>)
      tpu.yield
    }) : () -> ()
    %run_scoped3A_59 = arith.constant 104 : i32
    "tpu.region"() ({
      %run_scoped3A_81 = tpu.sem_alloc : memref<!tpu.dma_semaphore, #tpu.memory_space<semaphore_mem>>
      %dma_start3A_82 = arith.constant 320 : i32
      %dma_start3A_83 = arith.constant 0 : i32
      %dma_start3A_84 = tpu.memref_slice %arg11[%dma_start3A_82, %dma_start3A_83] : memref<2000x16xf32, #tpu.memory_space<vmem>> -> memref<80x16xf32, #tpu.memory_space<vmem>>
      %dma_start3A_85 = arith.constant 0 : i32
      %dma_start3A_86 = tpu.memref_slice %arg10[%run_scoped3A_59, %dma_start3A_85] : memref<125x80xi32, #tpu.memory_space<vmem>> -> memref<1x80xi32, #tpu.memory_space<vmem>>
      %dma_start3A_87 = tpu.memref_squeeze %dma_start3A_86 : memref<1x80xi32, #tpu.memory_space<vmem>> -> memref<80xi32, #tpu.memory_space<vmem>>
      %dma_start3A_88 = arith.constant 0 : i32
      %dma_start3A_89 = arith.constant 0 : i32
      %dma_start3A_90 = tpu.memref_slice %arg13[%dma_start3A_88, %dma_start3A_89] : memref<10112x16xf32, #tpu.memory_space<vmem_shared>> -> memref<10112x16xf32, #tpu.memory_space<vmem_shared>>
      tpu.enqueue_indirect_dma source(%dma_start3A_84 : memref<80x16xf32, #tpu.memory_space<vmem>>) target(%dma_start3A_90 : memref<10112x16xf32, #tpu.memory_space<vmem_shared>>) offsets(%dma_start3A_87 : memref<80xi32, #tpu.memory_space<vmem>>) semaphore(%run_scoped3A_81 : memref<!tpu.dma_semaphore, #tpu.memory_space<semaphore_mem>>) {add = true}
      %dma_wait3A_91 = arith.constant 320 : i32
      %dma_wait3A_92 = arith.constant 0 : i32
      %dma_wait3A_93 = tpu.memref_slice %arg11[%dma_wait3A_91, %dma_wait3A_92] : memref<2000x16xf32, #tpu.memory_space<vmem>> -> memref<80x16xf32, #tpu.memory_space<vmem>>
      %dma_wait3A_94 = arith.constant 0 : i32
      %dma_wait3A_95 = tpu.memref_slice %arg10[%run_scoped3A_59, %dma_wait3A_94] : memref<125x80xi32, #tpu.memory_space<vmem>> -> memref<1x80xi32, #tpu.memory_space<vmem>>
      %dma_wait3A_96 = tpu.memref_squeeze %dma_wait3A_95 : memref<1x80xi32, #tpu.memory_space<vmem>> -> memref<80xi32, #tpu.memory_space<vmem>>
      %dma_wait3A_97 = arith.constant 0 : i32
      %dma_wait3A_98 = arith.constant 0 : i32
      %dma_wait3A_99 = tpu.memref_slice %arg13[%dma_wait3A_97, %dma_wait3A_98] : memref<10112x16xf32, #tpu.memory_space<vmem_shared>> -> memref<10112x16xf32, #tpu.memory_space<vmem_shared>>
      tpu.wait_indirect_dma semaphore(%run_scoped3A_81 : memref<!tpu.dma_semaphore, #tpu.memory_space<semaphore_mem>>) src(%dma_wait3A_93 : memref<80x16xf32, #tpu.memory_space<vmem>>) dst(%dma_wait3A_99 : memref<10112x16xf32, #tpu.memory_space<vmem_shared>>)
      tpu.yield
    }) : () -> ()
    %run_scoped3A_60 = arith.constant 105 : i32
    "tpu.region"() ({
      %run_scoped3A_81 = tpu.sem_alloc : memref<!tpu.dma_semaphore, #tpu.memory_space<semaphore_mem>>
      %dma_start3A_82 = arith.constant 400 : i32
      %dma_start3A_83 = arith.constant 0 : i32
      %dma_start3A_84 = tpu.memref_slice %arg11[%dma_start3A_82, %dma_start3A_83] : memref<2000x16xf32, #tpu.memory_space<vmem>> -> memref<80x16xf32, #tpu.memory_space<vmem>>
      %dma_start3A_85 = arith.constant 0 : i32
      %dma_start3A_86 = tpu.memref_slice %arg10[%run_scoped3A_60, %dma_start3A_85] : memref<125x80xi32, #tpu.memory_space<vmem>> -> memref<1x80xi32, #tpu.memory_space<vmem>>
      %dma_start3A_87 = tpu.memref_squeeze %dma_start3A_86 : memref<1x80xi32, #tpu.memory_space<vmem>> -> memref<80xi32, #tpu.memory_space<vmem>>
      %dma_start3A_88 = arith.constant 0 : i32
      %dma_start3A_89 = arith.constant 0 : i32
      %dma_start3A_90 = tpu.memref_slice %arg13[%dma_start3A_88, %dma_start3A_89] : memref<10112x16xf32, #tpu.memory_space<vmem_shared>> -> memref<10112x16xf32, #tpu.memory_space<vmem_shared>>
      tpu.enqueue_indirect_dma source(%dma_start3A_84 : memref<80x16xf32, #tpu.memory_space<vmem>>) target(%dma_start3A_90 : memref<10112x16xf32, #tpu.memory_space<vmem_shared>>) offsets(%dma_start3A_87 : memref<80xi32, #tpu.memory_space<vmem>>) semaphore(%run_scoped3A_81 : memref<!tpu.dma_semaphore, #tpu.memory_space<semaphore_mem>>) {add = true}
      %dma_wait3A_91 = arith.constant 400 : i32
      %dma_wait3A_92 = arith.constant 0 : i32
      %dma_wait3A_93 = tpu.memref_slice %arg11[%dma_wait3A_91, %dma_wait3A_92] : memref<2000x16xf32, #tpu.memory_space<vmem>> -> memref<80x16xf32, #tpu.memory_space<vmem>>
      %dma_wait3A_94 = arith.constant 0 : i32
      %dma_wait3A_95 = tpu.memref_slice %arg10[%run_scoped3A_60, %dma_wait3A_94] : memref<125x80xi32, #tpu.memory_space<vmem>> -> memref<1x80xi32, #tpu.memory_space<vmem>>
      %dma_wait3A_96 = tpu.memref_squeeze %dma_wait3A_95 : memref<1x80xi32, #tpu.memory_space<vmem>> -> memref<80xi32, #tpu.memory_space<vmem>>
      %dma_wait3A_97 = arith.constant 0 : i32
      %dma_wait3A_98 = arith.constant 0 : i32
      %dma_wait3A_99 = tpu.memref_slice %arg13[%dma_wait3A_97, %dma_wait3A_98] : memref<10112x16xf32, #tpu.memory_space<vmem_shared>> -> memref<10112x16xf32, #tpu.memory_space<vmem_shared>>
      tpu.wait_indirect_dma semaphore(%run_scoped3A_81 : memref<!tpu.dma_semaphore, #tpu.memory_space<semaphore_mem>>) src(%dma_wait3A_93 : memref<80x16xf32, #tpu.memory_space<vmem>>) dst(%dma_wait3A_99 : memref<10112x16xf32, #tpu.memory_space<vmem_shared>>)
      tpu.yield
    }) : () -> ()
    %run_scoped3A_61 = arith.constant 106 : i32
    "tpu.region"() ({
      %run_scoped3A_81 = tpu.sem_alloc : memref<!tpu.dma_semaphore, #tpu.memory_space<semaphore_mem>>
      %dma_start3A_82 = arith.constant 480 : i32
      %dma_start3A_83 = arith.constant 0 : i32
      %dma_start3A_84 = tpu.memref_slice %arg11[%dma_start3A_82, %dma_start3A_83] : memref<2000x16xf32, #tpu.memory_space<vmem>> -> memref<80x16xf32, #tpu.memory_space<vmem>>
      %dma_start3A_85 = arith.constant 0 : i32
      %dma_start3A_86 = tpu.memref_slice %arg10[%run_scoped3A_61, %dma_start3A_85] : memref<125x80xi32, #tpu.memory_space<vmem>> -> memref<1x80xi32, #tpu.memory_space<vmem>>
      %dma_start3A_87 = tpu.memref_squeeze %dma_start3A_86 : memref<1x80xi32, #tpu.memory_space<vmem>> -> memref<80xi32, #tpu.memory_space<vmem>>
      %dma_start3A_88 = arith.constant 0 : i32
      %dma_start3A_89 = arith.constant 0 : i32
      %dma_start3A_90 = tpu.memref_slice %arg13[%dma_start3A_88, %dma_start3A_89] : memref<10112x16xf32, #tpu.memory_space<vmem_shared>> -> memref<10112x16xf32, #tpu.memory_space<vmem_shared>>
      tpu.enqueue_indirect_dma source(%dma_start3A_84 : memref<80x16xf32, #tpu.memory_space<vmem>>) target(%dma_start3A_90 : memref<10112x16xf32, #tpu.memory_space<vmem_shared>>) offsets(%dma_start3A_87 : memref<80xi32, #tpu.memory_space<vmem>>) semaphore(%run_scoped3A_81 : memref<!tpu.dma_semaphore, #tpu.memory_space<semaphore_mem>>) {add = true}
      %dma_wait3A_91 = arith.constant 480 : i32
      %dma_wait3A_92 = arith.constant 0 : i32
      %dma_wait3A_93 = tpu.memref_slice %arg11[%dma_wait3A_91, %dma_wait3A_92] : memref<2000x16xf32, #tpu.memory_space<vmem>> -> memref<80x16xf32, #tpu.memory_space<vmem>>
      %dma_wait3A_94 = arith.constant 0 : i32
      %dma_wait3A_95 = tpu.memref_slice %arg10[%run_scoped3A_61, %dma_wait3A_94] : memref<125x80xi32, #tpu.memory_space<vmem>> -> memref<1x80xi32, #tpu.memory_space<vmem>>
      %dma_wait3A_96 = tpu.memref_squeeze %dma_wait3A_95 : memref<1x80xi32, #tpu.memory_space<vmem>> -> memref<80xi32, #tpu.memory_space<vmem>>
      %dma_wait3A_97 = arith.constant 0 : i32
      %dma_wait3A_98 = arith.constant 0 : i32
      %dma_wait3A_99 = tpu.memref_slice %arg13[%dma_wait3A_97, %dma_wait3A_98] : memref<10112x16xf32, #tpu.memory_space<vmem_shared>> -> memref<10112x16xf32, #tpu.memory_space<vmem_shared>>
      tpu.wait_indirect_dma semaphore(%run_scoped3A_81 : memref<!tpu.dma_semaphore, #tpu.memory_space<semaphore_mem>>) src(%dma_wait3A_93 : memref<80x16xf32, #tpu.memory_space<vmem>>) dst(%dma_wait3A_99 : memref<10112x16xf32, #tpu.memory_space<vmem_shared>>)
      tpu.yield
    }) : () -> ()
    %run_scoped3A_62 = arith.constant 107 : i32
    "tpu.region"() ({
      %run_scoped3A_81 = tpu.sem_alloc : memref<!tpu.dma_semaphore, #tpu.memory_space<semaphore_mem>>
      %dma_start3A_82 = arith.constant 560 : i32
      %dma_start3A_83 = arith.constant 0 : i32
      %dma_start3A_84 = tpu.memref_slice %arg11[%dma_start3A_82, %dma_start3A_83] : memref<2000x16xf32, #tpu.memory_space<vmem>> -> memref<80x16xf32, #tpu.memory_space<vmem>>
      %dma_start3A_85 = arith.constant 0 : i32
      %dma_start3A_86 = tpu.memref_slice %arg10[%run_scoped3A_62, %dma_start3A_85] : memref<125x80xi32, #tpu.memory_space<vmem>> -> memref<1x80xi32, #tpu.memory_space<vmem>>
      %dma_start3A_87 = tpu.memref_squeeze %dma_start3A_86 : memref<1x80xi32, #tpu.memory_space<vmem>> -> memref<80xi32, #tpu.memory_space<vmem>>
      %dma_start3A_88 = arith.constant 0 : i32
      %dma_start3A_89 = arith.constant 0 : i32
      %dma_start3A_90 = tpu.memref_slice %arg13[%dma_start3A_88, %dma_start3A_89] : memref<10112x16xf32, #tpu.memory_space<vmem_shared>> -> memref<10112x16xf32, #tpu.memory_space<vmem_shared>>
      tpu.enqueue_indirect_dma source(%dma_start3A_84 : memref<80x16xf32, #tpu.memory_space<vmem>>) target(%dma_start3A_90 : memref<10112x16xf32, #tpu.memory_space<vmem_shared>>) offsets(%dma_start3A_87 : memref<80xi32, #tpu.memory_space<vmem>>) semaphore(%run_scoped3A_81 : memref<!tpu.dma_semaphore, #tpu.memory_space<semaphore_mem>>) {add = true}
      %dma_wait3A_91 = arith.constant 560 : i32
      %dma_wait3A_92 = arith.constant 0 : i32
      %dma_wait3A_93 = tpu.memref_slice %arg11[%dma_wait3A_91, %dma_wait3A_92] : memref<2000x16xf32, #tpu.memory_space<vmem>> -> memref<80x16xf32, #tpu.memory_space<vmem>>
      %dma_wait3A_94 = arith.constant 0 : i32
      %dma_wait3A_95 = tpu.memref_slice %arg10[%run_scoped3A_62, %dma_wait3A_94] : memref<125x80xi32, #tpu.memory_space<vmem>> -> memref<1x80xi32, #tpu.memory_space<vmem>>
      %dma_wait3A_96 = tpu.memref_squeeze %dma_wait3A_95 : memref<1x80xi32, #tpu.memory_space<vmem>> -> memref<80xi32, #tpu.memory_space<vmem>>
      %dma_wait3A_97 = arith.constant 0 : i32
      %dma_wait3A_98 = arith.constant 0 : i32
      %dma_wait3A_99 = tpu.memref_slice %arg13[%dma_wait3A_97, %dma_wait3A_98] : memref<10112x16xf32, #tpu.memory_space<vmem_shared>> -> memref<10112x16xf32, #tpu.memory_space<vmem_shared>>
      tpu.wait_indirect_dma semaphore(%run_scoped3A_81 : memref<!tpu.dma_semaphore, #tpu.memory_space<semaphore_mem>>) src(%dma_wait3A_93 : memref<80x16xf32, #tpu.memory_space<vmem>>) dst(%dma_wait3A_99 : memref<10112x16xf32, #tpu.memory_space<vmem_shared>>)
      tpu.yield
    }) : () -> ()
    %run_scoped3A_63 = arith.constant 108 : i32
    "tpu.region"() ({
      %run_scoped3A_81 = tpu.sem_alloc : memref<!tpu.dma_semaphore, #tpu.memory_space<semaphore_mem>>
      %dma_start3A_82 = arith.constant 640 : i32
      %dma_start3A_83 = arith.constant 0 : i32
      %dma_start3A_84 = tpu.memref_slice %arg11[%dma_start3A_82, %dma_start3A_83] : memref<2000x16xf32, #tpu.memory_space<vmem>> -> memref<80x16xf32, #tpu.memory_space<vmem>>
      %dma_start3A_85 = arith.constant 0 : i32
      %dma_start3A_86 = tpu.memref_slice %arg10[%run_scoped3A_63, %dma_start3A_85] : memref<125x80xi32, #tpu.memory_space<vmem>> -> memref<1x80xi32, #tpu.memory_space<vmem>>
      %dma_start3A_87 = tpu.memref_squeeze %dma_start3A_86 : memref<1x80xi32, #tpu.memory_space<vmem>> -> memref<80xi32, #tpu.memory_space<vmem>>
      %dma_start3A_88 = arith.constant 0 : i32
      %dma_start3A_89 = arith.constant 0 : i32
      %dma_start3A_90 = tpu.memref_slice %arg13[%dma_start3A_88, %dma_start3A_89] : memref<10112x16xf32, #tpu.memory_space<vmem_shared>> -> memref<10112x16xf32, #tpu.memory_space<vmem_shared>>
      tpu.enqueue_indirect_dma source(%dma_start3A_84 : memref<80x16xf32, #tpu.memory_space<vmem>>) target(%dma_start3A_90 : memref<10112x16xf32, #tpu.memory_space<vmem_shared>>) offsets(%dma_start3A_87 : memref<80xi32, #tpu.memory_space<vmem>>) semaphore(%run_scoped3A_81 : memref<!tpu.dma_semaphore, #tpu.memory_space<semaphore_mem>>) {add = true}
      %dma_wait3A_91 = arith.constant 640 : i32
      %dma_wait3A_92 = arith.constant 0 : i32
      %dma_wait3A_93 = tpu.memref_slice %arg11[%dma_wait3A_91, %dma_wait3A_92] : memref<2000x16xf32, #tpu.memory_space<vmem>> -> memref<80x16xf32, #tpu.memory_space<vmem>>
      %dma_wait3A_94 = arith.constant 0 : i32
      %dma_wait3A_95 = tpu.memref_slice %arg10[%run_scoped3A_63, %dma_wait3A_94] : memref<125x80xi32, #tpu.memory_space<vmem>> -> memref<1x80xi32, #tpu.memory_space<vmem>>
      %dma_wait3A_96 = tpu.memref_squeeze %dma_wait3A_95 : memref<1x80xi32, #tpu.memory_space<vmem>> -> memref<80xi32, #tpu.memory_space<vmem>>
      %dma_wait3A_97 = arith.constant 0 : i32
      %dma_wait3A_98 = arith.constant 0 : i32
      %dma_wait3A_99 = tpu.memref_slice %arg13[%dma_wait3A_97, %dma_wait3A_98] : memref<10112x16xf32, #tpu.memory_space<vmem_shared>> -> memref<10112x16xf32, #tpu.memory_space<vmem_shared>>
      tpu.wait_indirect_dma semaphore(%run_scoped3A_81 : memref<!tpu.dma_semaphore, #tpu.memory_space<semaphore_mem>>) src(%dma_wait3A_93 : memref<80x16xf32, #tpu.memory_space<vmem>>) dst(%dma_wait3A_99 : memref<10112x16xf32, #tpu.memory_space<vmem_shared>>)
      tpu.yield
    }) : () -> ()
    %run_scoped3A_64 = arith.constant 109 : i32
    "tpu.region"() ({
      %run_scoped3A_81 = tpu.sem_alloc : memref<!tpu.dma_semaphore, #tpu.memory_space<semaphore_mem>>
      %dma_start3A_82 = arith.constant 720 : i32
      %dma_start3A_83 = arith.constant 0 : i32
      %dma_start3A_84 = tpu.memref_slice %arg11[%dma_start3A_82, %dma_start3A_83] : memref<2000x16xf32, #tpu.memory_space<vmem>> -> memref<80x16xf32, #tpu.memory_space<vmem>>
      %dma_start3A_85 = arith.constant 0 : i32
      %dma_start3A_86 = tpu.memref_slice %arg10[%run_scoped3A_64, %dma_start3A_85] : memref<125x80xi32, #tpu.memory_space<vmem>> -> memref<1x80xi32, #tpu.memory_space<vmem>>
      %dma_start3A_87 = tpu.memref_squeeze %dma_start3A_86 : memref<1x80xi32, #tpu.memory_space<vmem>> -> memref<80xi32, #tpu.memory_space<vmem>>
      %dma_start3A_88 = arith.constant 0 : i32
      %dma_start3A_89 = arith.constant 0 : i32
      %dma_start3A_90 = tpu.memref_slice %arg13[%dma_start3A_88, %dma_start3A_89] : memref<10112x16xf32, #tpu.memory_space<vmem_shared>> -> memref<10112x16xf32, #tpu.memory_space<vmem_shared>>
      tpu.enqueue_indirect_dma source(%dma_start3A_84 : memref<80x16xf32, #tpu.memory_space<vmem>>) target(%dma_start3A_90 : memref<10112x16xf32, #tpu.memory_space<vmem_shared>>) offsets(%dma_start3A_87 : memref<80xi32, #tpu.memory_space<vmem>>) semaphore(%run_scoped3A_81 : memref<!tpu.dma_semaphore, #tpu.memory_space<semaphore_mem>>) {add = true}
      %dma_wait3A_91 = arith.constant 720 : i32
      %dma_wait3A_92 = arith.constant 0 : i32
      %dma_wait3A_93 = tpu.memref_slice %arg11[%dma_wait3A_91, %dma_wait3A_92] : memref<2000x16xf32, #tpu.memory_space<vmem>> -> memref<80x16xf32, #tpu.memory_space<vmem>>
      %dma_wait3A_94 = arith.constant 0 : i32
      %dma_wait3A_95 = tpu.memref_slice %arg10[%run_scoped3A_64, %dma_wait3A_94] : memref<125x80xi32, #tpu.memory_space<vmem>> -> memref<1x80xi32, #tpu.memory_space<vmem>>
      %dma_wait3A_96 = tpu.memref_squeeze %dma_wait3A_95 : memref<1x80xi32, #tpu.memory_space<vmem>> -> memref<80xi32, #tpu.memory_space<vmem>>
      %dma_wait3A_97 = arith.constant 0 : i32
      %dma_wait3A_98 = arith.constant 0 : i32
      %dma_wait3A_99 = tpu.memref_slice %arg13[%dma_wait3A_97, %dma_wait3A_98] : memref<10112x16xf32, #tpu.memory_space<vmem_shared>> -> memref<10112x16xf32, #tpu.memory_space<vmem_shared>>
      tpu.wait_indirect_dma semaphore(%run_scoped3A_81 : memref<!tpu.dma_semaphore, #tpu.memory_space<semaphore_mem>>) src(%dma_wait3A_93 : memref<80x16xf32, #tpu.memory_space<vmem>>) dst(%dma_wait3A_99 : memref<10112x16xf32, #tpu.memory_space<vmem_shared>>)
      tpu.yield
    }) : () -> ()
    %run_scoped3A_65 = arith.constant 110 : i32
    "tpu.region"() ({
      %run_scoped3A_81 = tpu.sem_alloc : memref<!tpu.dma_semaphore, #tpu.memory_space<semaphore_mem>>
      %dma_start3A_82 = arith.constant 800 : i32
      %dma_start3A_83 = arith.constant 0 : i32
      %dma_start3A_84 = tpu.memref_slice %arg11[%dma_start3A_82, %dma_start3A_83] : memref<2000x16xf32, #tpu.memory_space<vmem>> -> memref<80x16xf32, #tpu.memory_space<vmem>>
      %dma_start3A_85 = arith.constant 0 : i32
      %dma_start3A_86 = tpu.memref_slice %arg10[%run_scoped3A_65, %dma_start3A_85] : memref<125x80xi32, #tpu.memory_space<vmem>> -> memref<1x80xi32, #tpu.memory_space<vmem>>
      %dma_start3A_87 = tpu.memref_squeeze %dma_start3A_86 : memref<1x80xi32, #tpu.memory_space<vmem>> -> memref<80xi32, #tpu.memory_space<vmem>>
      %dma_start3A_88 = arith.constant 0 : i32
      %dma_start3A_89 = arith.constant 0 : i32
      %dma_start3A_90 = tpu.memref_slice %arg13[%dma_start3A_88, %dma_start3A_89] : memref<10112x16xf32, #tpu.memory_space<vmem_shared>> -> memref<10112x16xf32, #tpu.memory_space<vmem_shared>>
      tpu.enqueue_indirect_dma source(%dma_start3A_84 : memref<80x16xf32, #tpu.memory_space<vmem>>) target(%dma_start3A_90 : memref<10112x16xf32, #tpu.memory_space<vmem_shared>>) offsets(%dma_start3A_87 : memref<80xi32, #tpu.memory_space<vmem>>) semaphore(%run_scoped3A_81 : memref<!tpu.dma_semaphore, #tpu.memory_space<semaphore_mem>>) {add = true}
      %dma_wait3A_91 = arith.constant 800 : i32
      %dma_wait3A_92 = arith.constant 0 : i32
      %dma_wait3A_93 = tpu.memref_slice %arg11[%dma_wait3A_91, %dma_wait3A_92] : memref<2000x16xf32, #tpu.memory_space<vmem>> -> memref<80x16xf32, #tpu.memory_space<vmem>>
      %dma_wait3A_94 = arith.constant 0 : i32
      %dma_wait3A_95 = tpu.memref_slice %arg10[%run_scoped3A_65, %dma_wait3A_94] : memref<125x80xi32, #tpu.memory_space<vmem>> -> memref<1x80xi32, #tpu.memory_space<vmem>>
      %dma_wait3A_96 = tpu.memref_squeeze %dma_wait3A_95 : memref<1x80xi32, #tpu.memory_space<vmem>> -> memref<80xi32, #tpu.memory_space<vmem>>
      %dma_wait3A_97 = arith.constant 0 : i32
      %dma_wait3A_98 = arith.constant 0 : i32
      %dma_wait3A_99 = tpu.memref_slice %arg13[%dma_wait3A_97, %dma_wait3A_98] : memref<10112x16xf32, #tpu.memory_space<vmem_shared>> -> memref<10112x16xf32, #tpu.memory_space<vmem_shared>>
      tpu.wait_indirect_dma semaphore(%run_scoped3A_81 : memref<!tpu.dma_semaphore, #tpu.memory_space<semaphore_mem>>) src(%dma_wait3A_93 : memref<80x16xf32, #tpu.memory_space<vmem>>) dst(%dma_wait3A_99 : memref<10112x16xf32, #tpu.memory_space<vmem_shared>>)
      tpu.yield
    }) : () -> ()
    %run_scoped3A_66 = arith.constant 111 : i32
    "tpu.region"() ({
      %run_scoped3A_81 = tpu.sem_alloc : memref<!tpu.dma_semaphore, #tpu.memory_space<semaphore_mem>>
      %dma_start3A_82 = arith.constant 880 : i32
      %dma_start3A_83 = arith.constant 0 : i32
      %dma_start3A_84 = tpu.memref_slice %arg11[%dma_start3A_82, %dma_start3A_83] : memref<2000x16xf32, #tpu.memory_space<vmem>> -> memref<80x16xf32, #tpu.memory_space<vmem>>
      %dma_start3A_85 = arith.constant 0 : i32
      %dma_start3A_86 = tpu.memref_slice %arg10[%run_scoped3A_66, %dma_start3A_85] : memref<125x80xi32, #tpu.memory_space<vmem>> -> memref<1x80xi32, #tpu.memory_space<vmem>>
      %dma_start3A_87 = tpu.memref_squeeze %dma_start3A_86 : memref<1x80xi32, #tpu.memory_space<vmem>> -> memref<80xi32, #tpu.memory_space<vmem>>
      %dma_start3A_88 = arith.constant 0 : i32
      %dma_start3A_89 = arith.constant 0 : i32
      %dma_start3A_90 = tpu.memref_slice %arg13[%dma_start3A_88, %dma_start3A_89] : memref<10112x16xf32, #tpu.memory_space<vmem_shared>> -> memref<10112x16xf32, #tpu.memory_space<vmem_shared>>
      tpu.enqueue_indirect_dma source(%dma_start3A_84 : memref<80x16xf32, #tpu.memory_space<vmem>>) target(%dma_start3A_90 : memref<10112x16xf32, #tpu.memory_space<vmem_shared>>) offsets(%dma_start3A_87 : memref<80xi32, #tpu.memory_space<vmem>>) semaphore(%run_scoped3A_81 : memref<!tpu.dma_semaphore, #tpu.memory_space<semaphore_mem>>) {add = true}
      %dma_wait3A_91 = arith.constant 880 : i32
      %dma_wait3A_92 = arith.constant 0 : i32
      %dma_wait3A_93 = tpu.memref_slice %arg11[%dma_wait3A_91, %dma_wait3A_92] : memref<2000x16xf32, #tpu.memory_space<vmem>> -> memref<80x16xf32, #tpu.memory_space<vmem>>
      %dma_wait3A_94 = arith.constant 0 : i32
      %dma_wait3A_95 = tpu.memref_slice %arg10[%run_scoped3A_66, %dma_wait3A_94] : memref<125x80xi32, #tpu.memory_space<vmem>> -> memref<1x80xi32, #tpu.memory_space<vmem>>
      %dma_wait3A_96 = tpu.memref_squeeze %dma_wait3A_95 : memref<1x80xi32, #tpu.memory_space<vmem>> -> memref<80xi32, #tpu.memory_space<vmem>>
      %dma_wait3A_97 = arith.constant 0 : i32
      %dma_wait3A_98 = arith.constant 0 : i32
      %dma_wait3A_99 = tpu.memref_slice %arg13[%dma_wait3A_97, %dma_wait3A_98] : memref<10112x16xf32, #tpu.memory_space<vmem_shared>> -> memref<10112x16xf32, #tpu.memory_space<vmem_shared>>
      tpu.wait_indirect_dma semaphore(%run_scoped3A_81 : memref<!tpu.dma_semaphore, #tpu.memory_space<semaphore_mem>>) src(%dma_wait3A_93 : memref<80x16xf32, #tpu.memory_space<vmem>>) dst(%dma_wait3A_99 : memref<10112x16xf32, #tpu.memory_space<vmem_shared>>)
      tpu.yield
    }) : () -> ()
    %run_scoped3A_67 = arith.constant 112 : i32
    "tpu.region"() ({
      %run_scoped3A_81 = tpu.sem_alloc : memref<!tpu.dma_semaphore, #tpu.memory_space<semaphore_mem>>
      %dma_start3A_82 = arith.constant 960 : i32
      %dma_start3A_83 = arith.constant 0 : i32
      %dma_start3A_84 = tpu.memref_slice %arg11[%dma_start3A_82, %dma_start3A_83] : memref<2000x16xf32, #tpu.memory_space<vmem>> -> memref<80x16xf32, #tpu.memory_space<vmem>>
      %dma_start3A_85 = arith.constant 0 : i32
      %dma_start3A_86 = tpu.memref_slice %arg10[%run_scoped3A_67, %dma_start3A_85] : memref<125x80xi32, #tpu.memory_space<vmem>> -> memref<1x80xi32, #tpu.memory_space<vmem>>
      %dma_start3A_87 = tpu.memref_squeeze %dma_start3A_86 : memref<1x80xi32, #tpu.memory_space<vmem>> -> memref<80xi32, #tpu.memory_space<vmem>>
      %dma_start3A_88 = arith.constant 0 : i32
      %dma_start3A_89 = arith.constant 0 : i32
      %dma_start3A_90 = tpu.memref_slice %arg13[%dma_start3A_88, %dma_start3A_89] : memref<10112x16xf32, #tpu.memory_space<vmem_shared>> -> memref<10112x16xf32, #tpu.memory_space<vmem_shared>>
      tpu.enqueue_indirect_dma source(%dma_start3A_84 : memref<80x16xf32, #tpu.memory_space<vmem>>) target(%dma_start3A_90 : memref<10112x16xf32, #tpu.memory_space<vmem_shared>>) offsets(%dma_start3A_87 : memref<80xi32, #tpu.memory_space<vmem>>) semaphore(%run_scoped3A_81 : memref<!tpu.dma_semaphore, #tpu.memory_space<semaphore_mem>>) {add = true}
      %dma_wait3A_91 = arith.constant 960 : i32
      %dma_wait3A_92 = arith.constant 0 : i32
      %dma_wait3A_93 = tpu.memref_slice %arg11[%dma_wait3A_91, %dma_wait3A_92] : memref<2000x16xf32, #tpu.memory_space<vmem>> -> memref<80x16xf32, #tpu.memory_space<vmem>>
      %dma_wait3A_94 = arith.constant 0 : i32
      %dma_wait3A_95 = tpu.memref_slice %arg10[%run_scoped3A_67, %dma_wait3A_94] : memref<125x80xi32, #tpu.memory_space<vmem>> -> memref<1x80xi32, #tpu.memory_space<vmem>>
      %dma_wait3A_96 = tpu.memref_squeeze %dma_wait3A_95 : memref<1x80xi32, #tpu.memory_space<vmem>> -> memref<80xi32, #tpu.memory_space<vmem>>
      %dma_wait3A_97 = arith.constant 0 : i32
      %dma_wait3A_98 = arith.constant 0 : i32
      %dma_wait3A_99 = tpu.memref_slice %arg13[%dma_wait3A_97, %dma_wait3A_98] : memref<10112x16xf32, #tpu.memory_space<vmem_shared>> -> memref<10112x16xf32, #tpu.memory_space<vmem_shared>>
      tpu.wait_indirect_dma semaphore(%run_scoped3A_81 : memref<!tpu.dma_semaphore, #tpu.memory_space<semaphore_mem>>) src(%dma_wait3A_93 : memref<80x16xf32, #tpu.memory_space<vmem>>) dst(%dma_wait3A_99 : memref<10112x16xf32, #tpu.memory_space<vmem_shared>>)
      tpu.yield
    }) : () -> ()
    %run_scoped3A_68 = arith.constant 113 : i32
    "tpu.region"() ({
      %run_scoped3A_81 = tpu.sem_alloc : memref<!tpu.dma_semaphore, #tpu.memory_space<semaphore_mem>>
      %dma_start3A_82 = arith.constant 1040 : i32
      %dma_start3A_83 = arith.constant 0 : i32
      %dma_start3A_84 = tpu.memref_slice %arg11[%dma_start3A_82, %dma_start3A_83] : memref<2000x16xf32, #tpu.memory_space<vmem>> -> memref<80x16xf32, #tpu.memory_space<vmem>>
      %dma_start3A_85 = arith.constant 0 : i32
      %dma_start3A_86 = tpu.memref_slice %arg10[%run_scoped3A_68, %dma_start3A_85] : memref<125x80xi32, #tpu.memory_space<vmem>> -> memref<1x80xi32, #tpu.memory_space<vmem>>
      %dma_start3A_87 = tpu.memref_squeeze %dma_start3A_86 : memref<1x80xi32, #tpu.memory_space<vmem>> -> memref<80xi32, #tpu.memory_space<vmem>>
      %dma_start3A_88 = arith.constant 0 : i32
      %dma_start3A_89 = arith.constant 0 : i32
      %dma_start3A_90 = tpu.memref_slice %arg13[%dma_start3A_88, %dma_start3A_89] : memref<10112x16xf32, #tpu.memory_space<vmem_shared>> -> memref<10112x16xf32, #tpu.memory_space<vmem_shared>>
      tpu.enqueue_indirect_dma source(%dma_start3A_84 : memref<80x16xf32, #tpu.memory_space<vmem>>) target(%dma_start3A_90 : memref<10112x16xf32, #tpu.memory_space<vmem_shared>>) offsets(%dma_start3A_87 : memref<80xi32, #tpu.memory_space<vmem>>) semaphore(%run_scoped3A_81 : memref<!tpu.dma_semaphore, #tpu.memory_space<semaphore_mem>>) {add = true}
      %dma_wait3A_91 = arith.constant 1040 : i32
      %dma_wait3A_92 = arith.constant 0 : i32
      %dma_wait3A_93 = tpu.memref_slice %arg11[%dma_wait3A_91, %dma_wait3A_92] : memref<2000x16xf32, #tpu.memory_space<vmem>> -> memref<80x16xf32, #tpu.memory_space<vmem>>
      %dma_wait3A_94 = arith.constant 0 : i32
      %dma_wait3A_95 = tpu.memref_slice %arg10[%run_scoped3A_68, %dma_wait3A_94] : memref<125x80xi32, #tpu.memory_space<vmem>> -> memref<1x80xi32, #tpu.memory_space<vmem>>
      %dma_wait3A_96 = tpu.memref_squeeze %dma_wait3A_95 : memref<1x80xi32, #tpu.memory_space<vmem>> -> memref<80xi32, #tpu.memory_space<vmem>>
      %dma_wait3A_97 = arith.constant 0 : i32
      %dma_wait3A_98 = arith.constant 0 : i32
      %dma_wait3A_99 = tpu.memref_slice %arg13[%dma_wait3A_97, %dma_wait3A_98] : memref<10112x16xf32, #tpu.memory_space<vmem_shared>> -> memref<10112x16xf32, #tpu.memory_space<vmem_shared>>
      tpu.wait_indirect_dma semaphore(%run_scoped3A_81 : memref<!tpu.dma_semaphore, #tpu.memory_space<semaphore_mem>>) src(%dma_wait3A_93 : memref<80x16xf32, #tpu.memory_space<vmem>>) dst(%dma_wait3A_99 : memref<10112x16xf32, #tpu.memory_space<vmem_shared>>)
      tpu.yield
    }) : () -> ()
    %run_scoped3A_69 = arith.constant 114 : i32
    "tpu.region"() ({
      %run_scoped3A_81 = tpu.sem_alloc : memref<!tpu.dma_semaphore, #tpu.memory_space<semaphore_mem>>
      %dma_start3A_82 = arith.constant 1120 : i32
      %dma_start3A_83 = arith.constant 0 : i32
      %dma_start3A_84 = tpu.memref_slice %arg11[%dma_start3A_82, %dma_start3A_83] : memref<2000x16xf32, #tpu.memory_space<vmem>> -> memref<80x16xf32, #tpu.memory_space<vmem>>
      %dma_start3A_85 = arith.constant 0 : i32
      %dma_start3A_86 = tpu.memref_slice %arg10[%run_scoped3A_69, %dma_start3A_85] : memref<125x80xi32, #tpu.memory_space<vmem>> -> memref<1x80xi32, #tpu.memory_space<vmem>>
      %dma_start3A_87 = tpu.memref_squeeze %dma_start3A_86 : memref<1x80xi32, #tpu.memory_space<vmem>> -> memref<80xi32, #tpu.memory_space<vmem>>
      %dma_start3A_88 = arith.constant 0 : i32
      %dma_start3A_89 = arith.constant 0 : i32
      %dma_start3A_90 = tpu.memref_slice %arg13[%dma_start3A_88, %dma_start3A_89] : memref<10112x16xf32, #tpu.memory_space<vmem_shared>> -> memref<10112x16xf32, #tpu.memory_space<vmem_shared>>
      tpu.enqueue_indirect_dma source(%dma_start3A_84 : memref<80x16xf32, #tpu.memory_space<vmem>>) target(%dma_start3A_90 : memref<10112x16xf32, #tpu.memory_space<vmem_shared>>) offsets(%dma_start3A_87 : memref<80xi32, #tpu.memory_space<vmem>>) semaphore(%run_scoped3A_81 : memref<!tpu.dma_semaphore, #tpu.memory_space<semaphore_mem>>) {add = true}
      %dma_wait3A_91 = arith.constant 1120 : i32
      %dma_wait3A_92 = arith.constant 0 : i32
      %dma_wait3A_93 = tpu.memref_slice %arg11[%dma_wait3A_91, %dma_wait3A_92] : memref<2000x16xf32, #tpu.memory_space<vmem>> -> memref<80x16xf32, #tpu.memory_space<vmem>>
      %dma_wait3A_94 = arith.constant 0 : i32
      %dma_wait3A_95 = tpu.memref_slice %arg10[%run_scoped3A_69, %dma_wait3A_94] : memref<125x80xi32, #tpu.memory_space<vmem>> -> memref<1x80xi32, #tpu.memory_space<vmem>>
      %dma_wait3A_96 = tpu.memref_squeeze %dma_wait3A_95 : memref<1x80xi32, #tpu.memory_space<vmem>> -> memref<80xi32, #tpu.memory_space<vmem>>
      %dma_wait3A_97 = arith.constant 0 : i32
      %dma_wait3A_98 = arith.constant 0 : i32
      %dma_wait3A_99 = tpu.memref_slice %arg13[%dma_wait3A_97, %dma_wait3A_98] : memref<10112x16xf32, #tpu.memory_space<vmem_shared>> -> memref<10112x16xf32, #tpu.memory_space<vmem_shared>>
      tpu.wait_indirect_dma semaphore(%run_scoped3A_81 : memref<!tpu.dma_semaphore, #tpu.memory_space<semaphore_mem>>) src(%dma_wait3A_93 : memref<80x16xf32, #tpu.memory_space<vmem>>) dst(%dma_wait3A_99 : memref<10112x16xf32, #tpu.memory_space<vmem_shared>>)
      tpu.yield
    }) : () -> ()
    %run_scoped3A_70 = arith.constant 115 : i32
    "tpu.region"() ({
      %run_scoped3A_81 = tpu.sem_alloc : memref<!tpu.dma_semaphore, #tpu.memory_space<semaphore_mem>>
      %dma_start3A_82 = arith.constant 1200 : i32
      %dma_start3A_83 = arith.constant 0 : i32
      %dma_start3A_84 = tpu.memref_slice %arg11[%dma_start3A_82, %dma_start3A_83] : memref<2000x16xf32, #tpu.memory_space<vmem>> -> memref<80x16xf32, #tpu.memory_space<vmem>>
      %dma_start3A_85 = arith.constant 0 : i32
      %dma_start3A_86 = tpu.memref_slice %arg10[%run_scoped3A_70, %dma_start3A_85] : memref<125x80xi32, #tpu.memory_space<vmem>> -> memref<1x80xi32, #tpu.memory_space<vmem>>
      %dma_start3A_87 = tpu.memref_squeeze %dma_start3A_86 : memref<1x80xi32, #tpu.memory_space<vmem>> -> memref<80xi32, #tpu.memory_space<vmem>>
      %dma_start3A_88 = arith.constant 0 : i32
      %dma_start3A_89 = arith.constant 0 : i32
      %dma_start3A_90 = tpu.memref_slice %arg13[%dma_start3A_88, %dma_start3A_89] : memref<10112x16xf32, #tpu.memory_space<vmem_shared>> -> memref<10112x16xf32, #tpu.memory_space<vmem_shared>>
      tpu.enqueue_indirect_dma source(%dma_start3A_84 : memref<80x16xf32, #tpu.memory_space<vmem>>) target(%dma_start3A_90 : memref<10112x16xf32, #tpu.memory_space<vmem_shared>>) offsets(%dma_start3A_87 : memref<80xi32, #tpu.memory_space<vmem>>) semaphore(%run_scoped3A_81 : memref<!tpu.dma_semaphore, #tpu.memory_space<semaphore_mem>>) {add = true}
      %dma_wait3A_91 = arith.constant 1200 : i32
      %dma_wait3A_92 = arith.constant 0 : i32
      %dma_wait3A_93 = tpu.memref_slice %arg11[%dma_wait3A_91, %dma_wait3A_92] : memref<2000x16xf32, #tpu.memory_space<vmem>> -> memref<80x16xf32, #tpu.memory_space<vmem>>
      %dma_wait3A_94 = arith.constant 0 : i32
      %dma_wait3A_95 = tpu.memref_slice %arg10[%run_scoped3A_70, %dma_wait3A_94] : memref<125x80xi32, #tpu.memory_space<vmem>> -> memref<1x80xi32, #tpu.memory_space<vmem>>
      %dma_wait3A_96 = tpu.memref_squeeze %dma_wait3A_95 : memref<1x80xi32, #tpu.memory_space<vmem>> -> memref<80xi32, #tpu.memory_space<vmem>>
      %dma_wait3A_97 = arith.constant 0 : i32
      %dma_wait3A_98 = arith.constant 0 : i32
      %dma_wait3A_99 = tpu.memref_slice %arg13[%dma_wait3A_97, %dma_wait3A_98] : memref<10112x16xf32, #tpu.memory_space<vmem_shared>> -> memref<10112x16xf32, #tpu.memory_space<vmem_shared>>
      tpu.wait_indirect_dma semaphore(%run_scoped3A_81 : memref<!tpu.dma_semaphore, #tpu.memory_space<semaphore_mem>>) src(%dma_wait3A_93 : memref<80x16xf32, #tpu.memory_space<vmem>>) dst(%dma_wait3A_99 : memref<10112x16xf32, #tpu.memory_space<vmem_shared>>)
      tpu.yield
    }) : () -> ()
    %run_scoped3A_71 = arith.constant 116 : i32
    "tpu.region"() ({
      %run_scoped3A_81 = tpu.sem_alloc : memref<!tpu.dma_semaphore, #tpu.memory_space<semaphore_mem>>
      %dma_start3A_82 = arith.constant 1280 : i32
      %dma_start3A_83 = arith.constant 0 : i32
      %dma_start3A_84 = tpu.memref_slice %arg11[%dma_start3A_82, %dma_start3A_83] : memref<2000x16xf32, #tpu.memory_space<vmem>> -> memref<80x16xf32, #tpu.memory_space<vmem>>
      %dma_start3A_85 = arith.constant 0 : i32
      %dma_start3A_86 = tpu.memref_slice %arg10[%run_scoped3A_71, %dma_start3A_85] : memref<125x80xi32, #tpu.memory_space<vmem>> -> memref<1x80xi32, #tpu.memory_space<vmem>>
      %dma_start3A_87 = tpu.memref_squeeze %dma_start3A_86 : memref<1x80xi32, #tpu.memory_space<vmem>> -> memref<80xi32, #tpu.memory_space<vmem>>
      %dma_start3A_88 = arith.constant 0 : i32
      %dma_start3A_89 = arith.constant 0 : i32
      %dma_start3A_90 = tpu.memref_slice %arg13[%dma_start3A_88, %dma_start3A_89] : memref<10112x16xf32, #tpu.memory_space<vmem_shared>> -> memref<10112x16xf32, #tpu.memory_space<vmem_shared>>
      tpu.enqueue_indirect_dma source(%dma_start3A_84 : memref<80x16xf32, #tpu.memory_space<vmem>>) target(%dma_start3A_90 : memref<10112x16xf32, #tpu.memory_space<vmem_shared>>) offsets(%dma_start3A_87 : memref<80xi32, #tpu.memory_space<vmem>>) semaphore(%run_scoped3A_81 : memref<!tpu.dma_semaphore, #tpu.memory_space<semaphore_mem>>) {add = true}
      %dma_wait3A_91 = arith.constant 1280 : i32
      %dma_wait3A_92 = arith.constant 0 : i32
      %dma_wait3A_93 = tpu.memref_slice %arg11[%dma_wait3A_91, %dma_wait3A_92] : memref<2000x16xf32, #tpu.memory_space<vmem>> -> memref<80x16xf32, #tpu.memory_space<vmem>>
      %dma_wait3A_94 = arith.constant 0 : i32
      %dma_wait3A_95 = tpu.memref_slice %arg10[%run_scoped3A_71, %dma_wait3A_94] : memref<125x80xi32, #tpu.memory_space<vmem>> -> memref<1x80xi32, #tpu.memory_space<vmem>>
      %dma_wait3A_96 = tpu.memref_squeeze %dma_wait3A_95 : memref<1x80xi32, #tpu.memory_space<vmem>> -> memref<80xi32, #tpu.memory_space<vmem>>
      %dma_wait3A_97 = arith.constant 0 : i32
      %dma_wait3A_98 = arith.constant 0 : i32
      %dma_wait3A_99 = tpu.memref_slice %arg13[%dma_wait3A_97, %dma_wait3A_98] : memref<10112x16xf32, #tpu.memory_space<vmem_shared>> -> memref<10112x16xf32, #tpu.memory_space<vmem_shared>>
      tpu.wait_indirect_dma semaphore(%run_scoped3A_81 : memref<!tpu.dma_semaphore, #tpu.memory_space<semaphore_mem>>) src(%dma_wait3A_93 : memref<80x16xf32, #tpu.memory_space<vmem>>) dst(%dma_wait3A_99 : memref<10112x16xf32, #tpu.memory_space<vmem_shared>>)
      tpu.yield
    }) : () -> ()
    %run_scoped3A_72 = arith.constant 117 : i32
    "tpu.region"() ({
      %run_scoped3A_81 = tpu.sem_alloc : memref<!tpu.dma_semaphore, #tpu.memory_space<semaphore_mem>>
      %dma_start3A_82 = arith.constant 1360 : i32
      %dma_start3A_83 = arith.constant 0 : i32
      %dma_start3A_84 = tpu.memref_slice %arg11[%dma_start3A_82, %dma_start3A_83] : memref<2000x16xf32, #tpu.memory_space<vmem>> -> memref<80x16xf32, #tpu.memory_space<vmem>>
      %dma_start3A_85 = arith.constant 0 : i32
      %dma_start3A_86 = tpu.memref_slice %arg10[%run_scoped3A_72, %dma_start3A_85] : memref<125x80xi32, #tpu.memory_space<vmem>> -> memref<1x80xi32, #tpu.memory_space<vmem>>
      %dma_start3A_87 = tpu.memref_squeeze %dma_start3A_86 : memref<1x80xi32, #tpu.memory_space<vmem>> -> memref<80xi32, #tpu.memory_space<vmem>>
      %dma_start3A_88 = arith.constant 0 : i32
      %dma_start3A_89 = arith.constant 0 : i32
      %dma_start3A_90 = tpu.memref_slice %arg13[%dma_start3A_88, %dma_start3A_89] : memref<10112x16xf32, #tpu.memory_space<vmem_shared>> -> memref<10112x16xf32, #tpu.memory_space<vmem_shared>>
      tpu.enqueue_indirect_dma source(%dma_start3A_84 : memref<80x16xf32, #tpu.memory_space<vmem>>) target(%dma_start3A_90 : memref<10112x16xf32, #tpu.memory_space<vmem_shared>>) offsets(%dma_start3A_87 : memref<80xi32, #tpu.memory_space<vmem>>) semaphore(%run_scoped3A_81 : memref<!tpu.dma_semaphore, #tpu.memory_space<semaphore_mem>>) {add = true}
      %dma_wait3A_91 = arith.constant 1360 : i32
      %dma_wait3A_92 = arith.constant 0 : i32
      %dma_wait3A_93 = tpu.memref_slice %arg11[%dma_wait3A_91, %dma_wait3A_92] : memref<2000x16xf32, #tpu.memory_space<vmem>> -> memref<80x16xf32, #tpu.memory_space<vmem>>
      %dma_wait3A_94 = arith.constant 0 : i32
      %dma_wait3A_95 = tpu.memref_slice %arg10[%run_scoped3A_72, %dma_wait3A_94] : memref<125x80xi32, #tpu.memory_space<vmem>> -> memref<1x80xi32, #tpu.memory_space<vmem>>
      %dma_wait3A_96 = tpu.memref_squeeze %dma_wait3A_95 : memref<1x80xi32, #tpu.memory_space<vmem>> -> memref<80xi32, #tpu.memory_space<vmem>>
      %dma_wait3A_97 = arith.constant 0 : i32
      %dma_wait3A_98 = arith.constant 0 : i32
      %dma_wait3A_99 = tpu.memref_slice %arg13[%dma_wait3A_97, %dma_wait3A_98] : memref<10112x16xf32, #tpu.memory_space<vmem_shared>> -> memref<10112x16xf32, #tpu.memory_space<vmem_shared>>
      tpu.wait_indirect_dma semaphore(%run_scoped3A_81 : memref<!tpu.dma_semaphore, #tpu.memory_space<semaphore_mem>>) src(%dma_wait3A_93 : memref<80x16xf32, #tpu.memory_space<vmem>>) dst(%dma_wait3A_99 : memref<10112x16xf32, #tpu.memory_space<vmem_shared>>)
      tpu.yield
    }) : () -> ()
    %run_scoped3A_73 = arith.constant 118 : i32
    "tpu.region"() ({
      %run_scoped3A_81 = tpu.sem_alloc : memref<!tpu.dma_semaphore, #tpu.memory_space<semaphore_mem>>
      %dma_start3A_82 = arith.constant 1440 : i32
      %dma_start3A_83 = arith.constant 0 : i32
      %dma_start3A_84 = tpu.memref_slice %arg11[%dma_start3A_82, %dma_start3A_83] : memref<2000x16xf32, #tpu.memory_space<vmem>> -> memref<80x16xf32, #tpu.memory_space<vmem>>
      %dma_start3A_85 = arith.constant 0 : i32
      %dma_start3A_86 = tpu.memref_slice %arg10[%run_scoped3A_73, %dma_start3A_85] : memref<125x80xi32, #tpu.memory_space<vmem>> -> memref<1x80xi32, #tpu.memory_space<vmem>>
      %dma_start3A_87 = tpu.memref_squeeze %dma_start3A_86 : memref<1x80xi32, #tpu.memory_space<vmem>> -> memref<80xi32, #tpu.memory_space<vmem>>
      %dma_start3A_88 = arith.constant 0 : i32
      %dma_start3A_89 = arith.constant 0 : i32
      %dma_start3A_90 = tpu.memref_slice %arg13[%dma_start3A_88, %dma_start3A_89] : memref<10112x16xf32, #tpu.memory_space<vmem_shared>> -> memref<10112x16xf32, #tpu.memory_space<vmem_shared>>
      tpu.enqueue_indirect_dma source(%dma_start3A_84 : memref<80x16xf32, #tpu.memory_space<vmem>>) target(%dma_start3A_90 : memref<10112x16xf32, #tpu.memory_space<vmem_shared>>) offsets(%dma_start3A_87 : memref<80xi32, #tpu.memory_space<vmem>>) semaphore(%run_scoped3A_81 : memref<!tpu.dma_semaphore, #tpu.memory_space<semaphore_mem>>) {add = true}
      %dma_wait3A_91 = arith.constant 1440 : i32
      %dma_wait3A_92 = arith.constant 0 : i32
      %dma_wait3A_93 = tpu.memref_slice %arg11[%dma_wait3A_91, %dma_wait3A_92] : memref<2000x16xf32, #tpu.memory_space<vmem>> -> memref<80x16xf32, #tpu.memory_space<vmem>>
      %dma_wait3A_94 = arith.constant 0 : i32
      %dma_wait3A_95 = tpu.memref_slice %arg10[%run_scoped3A_73, %dma_wait3A_94] : memref<125x80xi32, #tpu.memory_space<vmem>> -> memref<1x80xi32, #tpu.memory_space<vmem>>
      %dma_wait3A_96 = tpu.memref_squeeze %dma_wait3A_95 : memref<1x80xi32, #tpu.memory_space<vmem>> -> memref<80xi32, #tpu.memory_space<vmem>>
      %dma_wait3A_97 = arith.constant 0 : i32
      %dma_wait3A_98 = arith.constant 0 : i32
      %dma_wait3A_99 = tpu.memref_slice %arg13[%dma_wait3A_97, %dma_wait3A_98] : memref<10112x16xf32, #tpu.memory_space<vmem_shared>> -> memref<10112x16xf32, #tpu.memory_space<vmem_shared>>
      tpu.wait_indirect_dma semaphore(%run_scoped3A_81 : memref<!tpu.dma_semaphore, #tpu.memory_space<semaphore_mem>>) src(%dma_wait3A_93 : memref<80x16xf32, #tpu.memory_space<vmem>>) dst(%dma_wait3A_99 : memref<10112x16xf32, #tpu.memory_space<vmem_shared>>)
      tpu.yield
    }) : () -> ()
    %run_scoped3A_74 = arith.constant 119 : i32
    "tpu.region"() ({
      %run_scoped3A_81 = tpu.sem_alloc : memref<!tpu.dma_semaphore, #tpu.memory_space<semaphore_mem>>
      %dma_start3A_82 = arith.constant 1520 : i32
      %dma_start3A_83 = arith.constant 0 : i32
      %dma_start3A_84 = tpu.memref_slice %arg11[%dma_start3A_82, %dma_start3A_83] : memref<2000x16xf32, #tpu.memory_space<vmem>> -> memref<80x16xf32, #tpu.memory_space<vmem>>
      %dma_start3A_85 = arith.constant 0 : i32
      %dma_start3A_86 = tpu.memref_slice %arg10[%run_scoped3A_74, %dma_start3A_85] : memref<125x80xi32, #tpu.memory_space<vmem>> -> memref<1x80xi32, #tpu.memory_space<vmem>>
      %dma_start3A_87 = tpu.memref_squeeze %dma_start3A_86 : memref<1x80xi32, #tpu.memory_space<vmem>> -> memref<80xi32, #tpu.memory_space<vmem>>
      %dma_start3A_88 = arith.constant 0 : i32
      %dma_start3A_89 = arith.constant 0 : i32
      %dma_start3A_90 = tpu.memref_slice %arg13[%dma_start3A_88, %dma_start3A_89] : memref<10112x16xf32, #tpu.memory_space<vmem_shared>> -> memref<10112x16xf32, #tpu.memory_space<vmem_shared>>
      tpu.enqueue_indirect_dma source(%dma_start3A_84 : memref<80x16xf32, #tpu.memory_space<vmem>>) target(%dma_start3A_90 : memref<10112x16xf32, #tpu.memory_space<vmem_shared>>) offsets(%dma_start3A_87 : memref<80xi32, #tpu.memory_space<vmem>>) semaphore(%run_scoped3A_81 : memref<!tpu.dma_semaphore, #tpu.memory_space<semaphore_mem>>) {add = true}
      %dma_wait3A_91 = arith.constant 1520 : i32
      %dma_wait3A_92 = arith.constant 0 : i32
      %dma_wait3A_93 = tpu.memref_slice %arg11[%dma_wait3A_91, %dma_wait3A_92] : memref<2000x16xf32, #tpu.memory_space<vmem>> -> memref<80x16xf32, #tpu.memory_space<vmem>>
      %dma_wait3A_94 = arith.constant 0 : i32
      %dma_wait3A_95 = tpu.memref_slice %arg10[%run_scoped3A_74, %dma_wait3A_94] : memref<125x80xi32, #tpu.memory_space<vmem>> -> memref<1x80xi32, #tpu.memory_space<vmem>>
      %dma_wait3A_96 = tpu.memref_squeeze %dma_wait3A_95 : memref<1x80xi32, #tpu.memory_space<vmem>> -> memref<80xi32, #tpu.memory_space<vmem>>
      %dma_wait3A_97 = arith.constant 0 : i32
      %dma_wait3A_98 = arith.constant 0 : i32
      %dma_wait3A_99 = tpu.memref_slice %arg13[%dma_wait3A_97, %dma_wait3A_98] : memref<10112x16xf32, #tpu.memory_space<vmem_shared>> -> memref<10112x16xf32, #tpu.memory_space<vmem_shared>>
      tpu.wait_indirect_dma semaphore(%run_scoped3A_81 : memref<!tpu.dma_semaphore, #tpu.memory_space<semaphore_mem>>) src(%dma_wait3A_93 : memref<80x16xf32, #tpu.memory_space<vmem>>) dst(%dma_wait3A_99 : memref<10112x16xf32, #tpu.memory_space<vmem_shared>>)
      tpu.yield
    }) : () -> ()
    %run_scoped3A_75 = arith.constant 120 : i32
    "tpu.region"() ({
      %run_scoped3A_81 = tpu.sem_alloc : memref<!tpu.dma_semaphore, #tpu.memory_space<semaphore_mem>>
      %dma_start3A_82 = arith.constant 1600 : i32
      %dma_start3A_83 = arith.constant 0 : i32
      %dma_start3A_84 = tpu.memref_slice %arg11[%dma_start3A_82, %dma_start3A_83] : memref<2000x16xf32, #tpu.memory_space<vmem>> -> memref<80x16xf32, #tpu.memory_space<vmem>>
      %dma_start3A_85 = arith.constant 0 : i32
      %dma_start3A_86 = tpu.memref_slice %arg10[%run_scoped3A_75, %dma_start3A_85] : memref<125x80xi32, #tpu.memory_space<vmem>> -> memref<1x80xi32, #tpu.memory_space<vmem>>
      %dma_start3A_87 = tpu.memref_squeeze %dma_start3A_86 : memref<1x80xi32, #tpu.memory_space<vmem>> -> memref<80xi32, #tpu.memory_space<vmem>>
      %dma_start3A_88 = arith.constant 0 : i32
      %dma_start3A_89 = arith.constant 0 : i32
      %dma_start3A_90 = tpu.memref_slice %arg13[%dma_start3A_88, %dma_start3A_89] : memref<10112x16xf32, #tpu.memory_space<vmem_shared>> -> memref<10112x16xf32, #tpu.memory_space<vmem_shared>>
      tpu.enqueue_indirect_dma source(%dma_start3A_84 : memref<80x16xf32, #tpu.memory_space<vmem>>) target(%dma_start3A_90 : memref<10112x16xf32, #tpu.memory_space<vmem_shared>>) offsets(%dma_start3A_87 : memref<80xi32, #tpu.memory_space<vmem>>) semaphore(%run_scoped3A_81 : memref<!tpu.dma_semaphore, #tpu.memory_space<semaphore_mem>>) {add = true}
      %dma_wait3A_91 = arith.constant 1600 : i32
      %dma_wait3A_92 = arith.constant 0 : i32
      %dma_wait3A_93 = tpu.memref_slice %arg11[%dma_wait3A_91, %dma_wait3A_92] : memref<2000x16xf32, #tpu.memory_space<vmem>> -> memref<80x16xf32, #tpu.memory_space<vmem>>
      %dma_wait3A_94 = arith.constant 0 : i32
      %dma_wait3A_95 = tpu.memref_slice %arg10[%run_scoped3A_75, %dma_wait3A_94] : memref<125x80xi32, #tpu.memory_space<vmem>> -> memref<1x80xi32, #tpu.memory_space<vmem>>
      %dma_wait3A_96 = tpu.memref_squeeze %dma_wait3A_95 : memref<1x80xi32, #tpu.memory_space<vmem>> -> memref<80xi32, #tpu.memory_space<vmem>>
      %dma_wait3A_97 = arith.constant 0 : i32
      %dma_wait3A_98 = arith.constant 0 : i32
      %dma_wait3A_99 = tpu.memref_slice %arg13[%dma_wait3A_97, %dma_wait3A_98] : memref<10112x16xf32, #tpu.memory_space<vmem_shared>> -> memref<10112x16xf32, #tpu.memory_space<vmem_shared>>
      tpu.wait_indirect_dma semaphore(%run_scoped3A_81 : memref<!tpu.dma_semaphore, #tpu.memory_space<semaphore_mem>>) src(%dma_wait3A_93 : memref<80x16xf32, #tpu.memory_space<vmem>>) dst(%dma_wait3A_99 : memref<10112x16xf32, #tpu.memory_space<vmem_shared>>)
      tpu.yield
    }) : () -> ()
    %run_scoped3A_76 = arith.constant 121 : i32
    "tpu.region"() ({
      %run_scoped3A_81 = tpu.sem_alloc : memref<!tpu.dma_semaphore, #tpu.memory_space<semaphore_mem>>
      %dma_start3A_82 = arith.constant 1680 : i32
      %dma_start3A_83 = arith.constant 0 : i32
      %dma_start3A_84 = tpu.memref_slice %arg11[%dma_start3A_82, %dma_start3A_83] : memref<2000x16xf32, #tpu.memory_space<vmem>> -> memref<80x16xf32, #tpu.memory_space<vmem>>
      %dma_start3A_85 = arith.constant 0 : i32
      %dma_start3A_86 = tpu.memref_slice %arg10[%run_scoped3A_76, %dma_start3A_85] : memref<125x80xi32, #tpu.memory_space<vmem>> -> memref<1x80xi32, #tpu.memory_space<vmem>>
      %dma_start3A_87 = tpu.memref_squeeze %dma_start3A_86 : memref<1x80xi32, #tpu.memory_space<vmem>> -> memref<80xi32, #tpu.memory_space<vmem>>
      %dma_start3A_88 = arith.constant 0 : i32
      %dma_start3A_89 = arith.constant 0 : i32
      %dma_start3A_90 = tpu.memref_slice %arg13[%dma_start3A_88, %dma_start3A_89] : memref<10112x16xf32, #tpu.memory_space<vmem_shared>> -> memref<10112x16xf32, #tpu.memory_space<vmem_shared>>
      tpu.enqueue_indirect_dma source(%dma_start3A_84 : memref<80x16xf32, #tpu.memory_space<vmem>>) target(%dma_start3A_90 : memref<10112x16xf32, #tpu.memory_space<vmem_shared>>) offsets(%dma_start3A_87 : memref<80xi32, #tpu.memory_space<vmem>>) semaphore(%run_scoped3A_81 : memref<!tpu.dma_semaphore, #tpu.memory_space<semaphore_mem>>) {add = true}
      %dma_wait3A_91 = arith.constant 1680 : i32
      %dma_wait3A_92 = arith.constant 0 : i32
      %dma_wait3A_93 = tpu.memref_slice %arg11[%dma_wait3A_91, %dma_wait3A_92] : memref<2000x16xf32, #tpu.memory_space<vmem>> -> memref<80x16xf32, #tpu.memory_space<vmem>>
      %dma_wait3A_94 = arith.constant 0 : i32
      %dma_wait3A_95 = tpu.memref_slice %arg10[%run_scoped3A_76, %dma_wait3A_94] : memref<125x80xi32, #tpu.memory_space<vmem>> -> memref<1x80xi32, #tpu.memory_space<vmem>>
      %dma_wait3A_96 = tpu.memref_squeeze %dma_wait3A_95 : memref<1x80xi32, #tpu.memory_space<vmem>> -> memref<80xi32, #tpu.memory_space<vmem>>
      %dma_wait3A_97 = arith.constant 0 : i32
      %dma_wait3A_98 = arith.constant 0 : i32
      %dma_wait3A_99 = tpu.memref_slice %arg13[%dma_wait3A_97, %dma_wait3A_98] : memref<10112x16xf32, #tpu.memory_space<vmem_shared>> -> memref<10112x16xf32, #tpu.memory_space<vmem_shared>>
      tpu.wait_indirect_dma semaphore(%run_scoped3A_81 : memref<!tpu.dma_semaphore, #tpu.memory_space<semaphore_mem>>) src(%dma_wait3A_93 : memref<80x16xf32, #tpu.memory_space<vmem>>) dst(%dma_wait3A_99 : memref<10112x16xf32, #tpu.memory_space<vmem_shared>>)
      tpu.yield
    }) : () -> ()
    %run_scoped3A_77 = arith.constant 122 : i32
    "tpu.region"() ({
      %run_scoped3A_81 = tpu.sem_alloc : memref<!tpu.dma_semaphore, #tpu.memory_space<semaphore_mem>>
      %dma_start3A_82 = arith.constant 1760 : i32
      %dma_start3A_83 = arith.constant 0 : i32
      %dma_start3A_84 = tpu.memref_slice %arg11[%dma_start3A_82, %dma_start3A_83] : memref<2000x16xf32, #tpu.memory_space<vmem>> -> memref<80x16xf32, #tpu.memory_space<vmem>>
      %dma_start3A_85 = arith.constant 0 : i32
      %dma_start3A_86 = tpu.memref_slice %arg10[%run_scoped3A_77, %dma_start3A_85] : memref<125x80xi32, #tpu.memory_space<vmem>> -> memref<1x80xi32, #tpu.memory_space<vmem>>
      %dma_start3A_87 = tpu.memref_squeeze %dma_start3A_86 : memref<1x80xi32, #tpu.memory_space<vmem>> -> memref<80xi32, #tpu.memory_space<vmem>>
      %dma_start3A_88 = arith.constant 0 : i32
      %dma_start3A_89 = arith.constant 0 : i32
      %dma_start3A_90 = tpu.memref_slice %arg13[%dma_start3A_88, %dma_start3A_89] : memref<10112x16xf32, #tpu.memory_space<vmem_shared>> -> memref<10112x16xf32, #tpu.memory_space<vmem_shared>>
      tpu.enqueue_indirect_dma source(%dma_start3A_84 : memref<80x16xf32, #tpu.memory_space<vmem>>) target(%dma_start3A_90 : memref<10112x16xf32, #tpu.memory_space<vmem_shared>>) offsets(%dma_start3A_87 : memref<80xi32, #tpu.memory_space<vmem>>) semaphore(%run_scoped3A_81 : memref<!tpu.dma_semaphore, #tpu.memory_space<semaphore_mem>>) {add = true}
      %dma_wait3A_91 = arith.constant 1760 : i32
      %dma_wait3A_92 = arith.constant 0 : i32
      %dma_wait3A_93 = tpu.memref_slice %arg11[%dma_wait3A_91, %dma_wait3A_92] : memref<2000x16xf32, #tpu.memory_space<vmem>> -> memref<80x16xf32, #tpu.memory_space<vmem>>
      %dma_wait3A_94 = arith.constant 0 : i32
      %dma_wait3A_95 = tpu.memref_slice %arg10[%run_scoped3A_77, %dma_wait3A_94] : memref<125x80xi32, #tpu.memory_space<vmem>> -> memref<1x80xi32, #tpu.memory_space<vmem>>
      %dma_wait3A_96 = tpu.memref_squeeze %dma_wait3A_95 : memref<1x80xi32, #tpu.memory_space<vmem>> -> memref<80xi32, #tpu.memory_space<vmem>>
      %dma_wait3A_97 = arith.constant 0 : i32
      %dma_wait3A_98 = arith.constant 0 : i32
      %dma_wait3A_99 = tpu.memref_slice %arg13[%dma_wait3A_97, %dma_wait3A_98] : memref<10112x16xf32, #tpu.memory_space<vmem_shared>> -> memref<10112x16xf32, #tpu.memory_space<vmem_shared>>
      tpu.wait_indirect_dma semaphore(%run_scoped3A_81 : memref<!tpu.dma_semaphore, #tpu.memory_space<semaphore_mem>>) src(%dma_wait3A_93 : memref<80x16xf32, #tpu.memory_space<vmem>>) dst(%dma_wait3A_99 : memref<10112x16xf32, #tpu.memory_space<vmem_shared>>)
      tpu.yield
    }) : () -> ()
    %run_scoped3A_78 = arith.constant 123 : i32
    "tpu.region"() ({
      %run_scoped3A_81 = tpu.sem_alloc : memref<!tpu.dma_semaphore, #tpu.memory_space<semaphore_mem>>
      %dma_start3A_82 = arith.constant 1840 : i32
      %dma_start3A_83 = arith.constant 0 : i32
      %dma_start3A_84 = tpu.memref_slice %arg11[%dma_start3A_82, %dma_start3A_83] : memref<2000x16xf32, #tpu.memory_space<vmem>> -> memref<80x16xf32, #tpu.memory_space<vmem>>
      %dma_start3A_85 = arith.constant 0 : i32
      %dma_start3A_86 = tpu.memref_slice %arg10[%run_scoped3A_78, %dma_start3A_85] : memref<125x80xi32, #tpu.memory_space<vmem>> -> memref<1x80xi32, #tpu.memory_space<vmem>>
      %dma_start3A_87 = tpu.memref_squeeze %dma_start3A_86 : memref<1x80xi32, #tpu.memory_space<vmem>> -> memref<80xi32, #tpu.memory_space<vmem>>
      %dma_start3A_88 = arith.constant 0 : i32
      %dma_start3A_89 = arith.constant 0 : i32
      %dma_start3A_90 = tpu.memref_slice %arg13[%dma_start3A_88, %dma_start3A_89] : memref<10112x16xf32, #tpu.memory_space<vmem_shared>> -> memref<10112x16xf32, #tpu.memory_space<vmem_shared>>
      tpu.enqueue_indirect_dma source(%dma_start3A_84 : memref<80x16xf32, #tpu.memory_space<vmem>>) target(%dma_start3A_90 : memref<10112x16xf32, #tpu.memory_space<vmem_shared>>) offsets(%dma_start3A_87 : memref<80xi32, #tpu.memory_space<vmem>>) semaphore(%run_scoped3A_81 : memref<!tpu.dma_semaphore, #tpu.memory_space<semaphore_mem>>) {add = true}
      %dma_wait3A_91 = arith.constant 1840 : i32
      %dma_wait3A_92 = arith.constant 0 : i32
      %dma_wait3A_93 = tpu.memref_slice %arg11[%dma_wait3A_91, %dma_wait3A_92] : memref<2000x16xf32, #tpu.memory_space<vmem>> -> memref<80x16xf32, #tpu.memory_space<vmem>>
      %dma_wait3A_94 = arith.constant 0 : i32
      %dma_wait3A_95 = tpu.memref_slice %arg10[%run_scoped3A_78, %dma_wait3A_94] : memref<125x80xi32, #tpu.memory_space<vmem>> -> memref<1x80xi32, #tpu.memory_space<vmem>>
      %dma_wait3A_96 = tpu.memref_squeeze %dma_wait3A_95 : memref<1x80xi32, #tpu.memory_space<vmem>> -> memref<80xi32, #tpu.memory_space<vmem>>
      %dma_wait3A_97 = arith.constant 0 : i32
      %dma_wait3A_98 = arith.constant 0 : i32
      %dma_wait3A_99 = tpu.memref_slice %arg13[%dma_wait3A_97, %dma_wait3A_98] : memref<10112x16xf32, #tpu.memory_space<vmem_shared>> -> memref<10112x16xf32, #tpu.memory_space<vmem_shared>>
      tpu.wait_indirect_dma semaphore(%run_scoped3A_81 : memref<!tpu.dma_semaphore, #tpu.memory_space<semaphore_mem>>) src(%dma_wait3A_93 : memref<80x16xf32, #tpu.memory_space<vmem>>) dst(%dma_wait3A_99 : memref<10112x16xf32, #tpu.memory_space<vmem_shared>>)
      tpu.yield
    }) : () -> ()
    %run_scoped3A_79 = arith.constant 124 : i32
    "tpu.region"() ({
      %run_scoped3A_81 = tpu.sem_alloc : memref<!tpu.dma_semaphore, #tpu.memory_space<semaphore_mem>>
      %dma_start3A_82 = arith.constant 1920 : i32
      %dma_start3A_83 = arith.constant 0 : i32
      %dma_start3A_84 = tpu.memref_slice %arg11[%dma_start3A_82, %dma_start3A_83] : memref<2000x16xf32, #tpu.memory_space<vmem>> -> memref<80x16xf32, #tpu.memory_space<vmem>>
      %dma_start3A_85 = arith.constant 0 : i32
      %dma_start3A_86 = tpu.memref_slice %arg10[%run_scoped3A_79, %dma_start3A_85] : memref<125x80xi32, #tpu.memory_space<vmem>> -> memref<1x80xi32, #tpu.memory_space<vmem>>
      %dma_start3A_87 = tpu.memref_squeeze %dma_start3A_86 : memref<1x80xi32, #tpu.memory_space<vmem>> -> memref<80xi32, #tpu.memory_space<vmem>>
      %dma_start3A_88 = arith.constant 0 : i32
      %dma_start3A_89 = arith.constant 0 : i32
      %dma_start3A_90 = tpu.memref_slice %arg13[%dma_start3A_88, %dma_start3A_89] : memref<10112x16xf32, #tpu.memory_space<vmem_shared>> -> memref<10112x16xf32, #tpu.memory_space<vmem_shared>>
      tpu.enqueue_indirect_dma source(%dma_start3A_84 : memref<80x16xf32, #tpu.memory_space<vmem>>) target(%dma_start3A_90 : memref<10112x16xf32, #tpu.memory_space<vmem_shared>>) offsets(%dma_start3A_87 : memref<80xi32, #tpu.memory_space<vmem>>) semaphore(%run_scoped3A_81 : memref<!tpu.dma_semaphore, #tpu.memory_space<semaphore_mem>>) {add = true}
      %dma_wait3A_91 = arith.constant 1920 : i32
      %dma_wait3A_92 = arith.constant 0 : i32
      %dma_wait3A_93 = tpu.memref_slice %arg11[%dma_wait3A_91, %dma_wait3A_92] : memref<2000x16xf32, #tpu.memory_space<vmem>> -> memref<80x16xf32, #tpu.memory_space<vmem>>
      %dma_wait3A_94 = arith.constant 0 : i32
      %dma_wait3A_95 = tpu.memref_slice %arg10[%run_scoped3A_79, %dma_wait3A_94] : memref<125x80xi32, #tpu.memory_space<vmem>> -> memref<1x80xi32, #tpu.memory_space<vmem>>
      %dma_wait3A_96 = tpu.memref_squeeze %dma_wait3A_95 : memref<1x80xi32, #tpu.memory_space<vmem>> -> memref<80xi32, #tpu.memory_space<vmem>>
      %dma_wait3A_97 = arith.constant 0 : i32
      %dma_wait3A_98 = arith.constant 0 : i32
      %dma_wait3A_99 = tpu.memref_slice %arg13[%dma_wait3A_97, %dma_wait3A_98] : memref<10112x16xf32, #tpu.memory_space<vmem_shared>> -> memref<10112x16xf32, #tpu.memory_space<vmem_shared>>
      tpu.wait_indirect_dma semaphore(%run_scoped3A_81 : memref<!tpu.dma_semaphore, #tpu.memory_space<semaphore_mem>>) src(%dma_wait3A_93 : memref<80x16xf32, #tpu.memory_space<vmem>>) dst(%dma_wait3A_99 : memref<10112x16xf32, #tpu.memory_space<vmem_shared>>)
      tpu.yield
    }) : () -> ()
    %barrier3A_80 = arith.constant 0 : index
    tpu.barrier barrier_id(%barrier3A_80)
    "tpu.region"() ({
      %run_scoped3A_81 = tpu.sem_alloc : memref<!tpu.dma_semaphore, #tpu.memory_space<semaphore_mem>>
      %dma_start3A_82 = arith.constant 0 : i32
      %dma_start3A_83 = tpu.memref_slice %arg8[%arg0, %mul3A_2, %dma_start3A_82] : memref<2x10112x16xf32, #tpu.memory_space<hbm>> -> memref<1x632x16xf32, #tpu.memory_space<hbm>>
      %dma_start3A_84 = tpu.memref_squeeze %dma_start3A_83 : memref<1x632x16xf32, #tpu.memory_space<hbm>> -> memref<632x16xf32, #tpu.memory_space<hbm>>
      %dma_start3A_85 = arith.constant 0 : i32
      %dma_start3A_86 = tpu.memref_slice %arg13[%mul3A_2, %dma_start3A_85] : memref<10112x16xf32, #tpu.memory_space<vmem_shared>> -> memref<632x16xf32, #tpu.memory_space<vmem_shared>>
      tpu.enqueue_dma source(%dma_start3A_86 : memref<632x16xf32, #tpu.memory_space<vmem_shared>>) target(%dma_start3A_84 : memref<632x16xf32, #tpu.memory_space<hbm>>) target_semaphore(%run_scoped3A_81 : memref<!tpu.dma_semaphore, #tpu.memory_space<semaphore_mem>>)
      %dma_wait3A_87 = arith.constant 0 : i32
      %dma_wait3A_88 = tpu.memref_slice %arg8[%arg0, %mul3A_2, %dma_wait3A_87] : memref<2x10112x16xf32, #tpu.memory_space<hbm>> -> memref<1x632x16xf32, #tpu.memory_space<hbm>>
      %dma_wait3A_89 = tpu.memref_squeeze %dma_wait3A_88 : memref<1x632x16xf32, #tpu.memory_space<hbm>> -> memref<632x16xf32, #tpu.memory_space<hbm>>
      %dma_wait3A_90 = arith.constant 0 : i32
      %dma_wait3A_91 = tpu.memref_slice %arg13[%mul3A_2, %dma_wait3A_90] : memref<10112x16xf32, #tpu.memory_space<vmem_shared>> -> memref<632x16xf32, #tpu.memory_space<vmem_shared>>
      tpu.wait_dma2 semaphore(%run_scoped3A_81 : memref<!tpu.dma_semaphore, #tpu.memory_space<semaphore_mem>>) src(%dma_wait3A_91 : memref<632x16xf32, #tpu.memory_space<vmem_shared>>) dst(%dma_wait3A_89 : memref<632x16xf32, #tpu.memory_space<hbm>>)
      tpu.yield
    }) : () -> ()
    return
  }
}

#map = affine_map<(d0, d1) -> (0, 0)>
#map1 = affine_map<(d0, d1) -> (0, 0, 0)>
module attributes {stable_mosaic.version = 14 : i64} {
  func.func @body(%arg0: i32, %arg1: i32, %arg2: memref<10000x16xf32, #tpu.memory_space<hbm>>, %arg3: memref<10000x16xf32, #tpu.memory_space<hbm>>, %arg4: memref<2x10112x16xf32, #tpu.memory_space<hbm>>, %arg5: memref<10000x16xf32, #tpu.memory_space<hbm>>, %arg6: memref<328x16xf32, #tpu.memory_space<vmem>>, %arg7: memref<328x16xf32, #tpu.memory_space<vmem>>, %arg8: memref<328x16xf32, #tpu.memory_space<vmem>>, %arg9: memref<328x16xf32, #tpu.memory_space<vmem>>, %arg10: memref<328x16xf32, #tpu.memory_space<vmem>>) attributes {dimension_semantics = [#tpu.dimension_semantics<core_parallel>, #tpu.dimension_semantics<subcore_parallel>], iteration_bounds = array<i64: 2, 16>, scalar_prefetch = 0 : i64, scratch_operands = 5 : i64, tpu.core_type = #tpu.core_type<sc_vector_subcore>, window_params = [{transform_indices = #map}, {transform_indices = #map}, {transform_indices = #map1}, {transform_indices = #map}]} {
    %mul3A = arith.constant 16 : i32
    %mul3A_0 = arith.muli %arg0, %mul3A : i32
    %add3A = arith.addi %mul3A_0, %arg1 : i32
    %mul3A_1 = arith.constant 312 : i32
    %mul3A_2 = arith.muli %add3A, %mul3A_1 : i32
    %eq3A = arith.constant 31 : i32
    %eq3A_3 = arith.cmpi eq, %add3A, %eq3A : i32
    "tpu.region"() ({
      %run_scoped3A_19 = tpu.sem_alloc : memref<!tpu.dma_semaphore, #tpu.memory_space<semaphore_mem>>
      %dma_start3A = arith.constant 0 : i32
      %dma_start3A_20 = arith.constant 0 : i32
      %dma_start3A_21 = tpu.memref_slice %arg6[%dma_start3A, %dma_start3A_20] : memref<328x16xf32, #tpu.memory_space<vmem>> -> memref<312x16xf32, #tpu.memory_space<vmem>>
      %dma_start3A_22 = arith.constant 0 : i32
      %dma_start3A_23 = tpu.memref_slice %arg2[%mul3A_2, %dma_start3A_22] : memref<10000x16xf32, #tpu.memory_space<hbm>> -> memref<312x16xf32, #tpu.memory_space<hbm>>
      %dma_start3A_24 = arith.constant 0 : i32
      %dma_start3A_25 = arith.constant 0 : i32
      %dma_start3A_26 = tpu.memref_slice %arg6[%dma_start3A_24, %dma_start3A_25] : memref<328x16xf32, #tpu.memory_space<vmem>> -> memref<312x16xf32, #tpu.memory_space<vmem>>
      %dma_start3A_27 = arith.constant 0 : i32
      %dma_start3A_28 = tpu.memref_slice %arg2[%mul3A_2, %dma_start3A_27] : memref<10000x16xf32, #tpu.memory_space<hbm>> -> memref<312x16xf32, #tpu.memory_space<hbm>>
      tpu.enqueue_dma source(%dma_start3A_28 : memref<312x16xf32, #tpu.memory_space<hbm>>) target(%dma_start3A_26 : memref<312x16xf32, #tpu.memory_space<vmem>>) target_semaphore(%run_scoped3A_19 : memref<!tpu.dma_semaphore, #tpu.memory_space<semaphore_mem>>)
      %dma_wait3A = arith.constant 0 : i32
      %dma_wait3A_29 = arith.constant 0 : i32
      %dma_wait3A_30 = tpu.memref_slice %arg6[%dma_wait3A, %dma_wait3A_29] : memref<328x16xf32, #tpu.memory_space<vmem>> -> memref<312x16xf32, #tpu.memory_space<vmem>>
      %dma_wait3A_31 = arith.constant 0 : i32
      %dma_wait3A_32 = tpu.memref_slice %arg2[%mul3A_2, %dma_wait3A_31] : memref<10000x16xf32, #tpu.memory_space<hbm>> -> memref<312x16xf32, #tpu.memory_space<hbm>>
      %dma_wait3A_33 = arith.constant 0 : i32
      %dma_wait3A_34 = arith.constant 0 : i32
      %dma_wait3A_35 = tpu.memref_slice %arg6[%dma_wait3A_33, %dma_wait3A_34] : memref<328x16xf32, #tpu.memory_space<vmem>> -> memref<312x16xf32, #tpu.memory_space<vmem>>
      %dma_wait3A_36 = arith.constant 0 : i32
      %dma_wait3A_37 = tpu.memref_slice %arg2[%mul3A_2, %dma_wait3A_36] : memref<10000x16xf32, #tpu.memory_space<hbm>> -> memref<312x16xf32, #tpu.memory_space<hbm>>
      tpu.wait_dma2 semaphore(%run_scoped3A_19 : memref<!tpu.dma_semaphore, #tpu.memory_space<semaphore_mem>>) src(%dma_wait3A_37 : memref<312x16xf32, #tpu.memory_space<hbm>>) dst(%dma_wait3A_35 : memref<312x16xf32, #tpu.memory_space<vmem>>)
      tpu.yield
    }) : () -> ()
    "tpu.region"() ({
      %run_scoped3A_19 = tpu.sem_alloc : memref<!tpu.dma_semaphore, #tpu.memory_space<semaphore_mem>>
      %dma_start3A = arith.constant 0 : i32
      %dma_start3A_20 = arith.constant 0 : i32
      %dma_start3A_21 = tpu.memref_slice %arg7[%dma_start3A, %dma_start3A_20] : memref<328x16xf32, #tpu.memory_space<vmem>> -> memref<312x16xf32, #tpu.memory_space<vmem>>
      %dma_start3A_22 = arith.constant 0 : i32
      %dma_start3A_23 = tpu.memref_slice %arg3[%mul3A_2, %dma_start3A_22] : memref<10000x16xf32, #tpu.memory_space<hbm>> -> memref<312x16xf32, #tpu.memory_space<hbm>>
      %dma_start3A_24 = arith.constant 0 : i32
      %dma_start3A_25 = arith.constant 0 : i32
      %dma_start3A_26 = tpu.memref_slice %arg7[%dma_start3A_24, %dma_start3A_25] : memref<328x16xf32, #tpu.memory_space<vmem>> -> memref<312x16xf32, #tpu.memory_space<vmem>>
      %dma_start3A_27 = arith.constant 0 : i32
      %dma_start3A_28 = tpu.memref_slice %arg3[%mul3A_2, %dma_start3A_27] : memref<10000x16xf32, #tpu.memory_space<hbm>> -> memref<312x16xf32, #tpu.memory_space<hbm>>
      tpu.enqueue_dma source(%dma_start3A_28 : memref<312x16xf32, #tpu.memory_space<hbm>>) target(%dma_start3A_26 : memref<312x16xf32, #tpu.memory_space<vmem>>) target_semaphore(%run_scoped3A_19 : memref<!tpu.dma_semaphore, #tpu.memory_space<semaphore_mem>>)
      %dma_wait3A = arith.constant 0 : i32
      %dma_wait3A_29 = arith.constant 0 : i32
      %dma_wait3A_30 = tpu.memref_slice %arg7[%dma_wait3A, %dma_wait3A_29] : memref<328x16xf32, #tpu.memory_space<vmem>> -> memref<312x16xf32, #tpu.memory_space<vmem>>
      %dma_wait3A_31 = arith.constant 0 : i32
      %dma_wait3A_32 = tpu.memref_slice %arg3[%mul3A_2, %dma_wait3A_31] : memref<10000x16xf32, #tpu.memory_space<hbm>> -> memref<312x16xf32, #tpu.memory_space<hbm>>
      %dma_wait3A_33 = arith.constant 0 : i32
      %dma_wait3A_34 = arith.constant 0 : i32
      %dma_wait3A_35 = tpu.memref_slice %arg7[%dma_wait3A_33, %dma_wait3A_34] : memref<328x16xf32, #tpu.memory_space<vmem>> -> memref<312x16xf32, #tpu.memory_space<vmem>>
      %dma_wait3A_36 = arith.constant 0 : i32
      %dma_wait3A_37 = tpu.memref_slice %arg3[%mul3A_2, %dma_wait3A_36] : memref<10000x16xf32, #tpu.memory_space<hbm>> -> memref<312x16xf32, #tpu.memory_space<hbm>>
      tpu.wait_dma2 semaphore(%run_scoped3A_19 : memref<!tpu.dma_semaphore, #tpu.memory_space<semaphore_mem>>) src(%dma_wait3A_37 : memref<312x16xf32, #tpu.memory_space<hbm>>) dst(%dma_wait3A_35 : memref<312x16xf32, #tpu.memory_space<vmem>>)
      tpu.yield
    }) : () -> ()
    %run_scoped3A = arith.constant 0 : i32
    "tpu.region"() ({
      %run_scoped3A_19 = tpu.sem_alloc : memref<!tpu.dma_semaphore, #tpu.memory_space<semaphore_mem>>
      %dma_start3A = arith.constant 0 : i32
      %dma_start3A_20 = arith.constant 0 : i32
      %dma_start3A_21 = tpu.memref_slice %arg8[%dma_start3A, %dma_start3A_20] : memref<328x16xf32, #tpu.memory_space<vmem>> -> memref<312x16xf32, #tpu.memory_space<vmem>>
      %dma_start3A_22 = arith.constant 0 : i32
      %dma_start3A_23 = tpu.memref_slice %arg4[%run_scoped3A, %mul3A_2, %dma_start3A_22] : memref<2x10112x16xf32, #tpu.memory_space<hbm>> -> memref<1x312x16xf32, #tpu.memory_space<hbm>>
      %dma_start3A_24 = tpu.memref_squeeze %dma_start3A_23 : memref<1x312x16xf32, #tpu.memory_space<hbm>> -> memref<312x16xf32, #tpu.memory_space<hbm>>
      %dma_start3A_25 = arith.constant 0 : i32
      %dma_start3A_26 = arith.constant 0 : i32
      %dma_start3A_27 = tpu.memref_slice %arg8[%dma_start3A_25, %dma_start3A_26] : memref<328x16xf32, #tpu.memory_space<vmem>> -> memref<312x16xf32, #tpu.memory_space<vmem>>
      %dma_start3A_28 = arith.constant 0 : i32
      %dma_start3A_29 = tpu.memref_slice %arg4[%run_scoped3A, %mul3A_2, %dma_start3A_28] : memref<2x10112x16xf32, #tpu.memory_space<hbm>> -> memref<1x312x16xf32, #tpu.memory_space<hbm>>
      %dma_start3A_30 = tpu.memref_squeeze %dma_start3A_29 : memref<1x312x16xf32, #tpu.memory_space<hbm>> -> memref<312x16xf32, #tpu.memory_space<hbm>>
      tpu.enqueue_dma source(%dma_start3A_30 : memref<312x16xf32, #tpu.memory_space<hbm>>) target(%dma_start3A_27 : memref<312x16xf32, #tpu.memory_space<vmem>>) target_semaphore(%run_scoped3A_19 : memref<!tpu.dma_semaphore, #tpu.memory_space<semaphore_mem>>)
      %dma_wait3A = arith.constant 0 : i32
      %dma_wait3A_31 = arith.constant 0 : i32
      %dma_wait3A_32 = tpu.memref_slice %arg8[%dma_wait3A, %dma_wait3A_31] : memref<328x16xf32, #tpu.memory_space<vmem>> -> memref<312x16xf32, #tpu.memory_space<vmem>>
      %dma_wait3A_33 = arith.constant 0 : i32
      %dma_wait3A_34 = tpu.memref_slice %arg4[%run_scoped3A, %mul3A_2, %dma_wait3A_33] : memref<2x10112x16xf32, #tpu.memory_space<hbm>> -> memref<1x312x16xf32, #tpu.memory_space<hbm>>
      %dma_wait3A_35 = tpu.memref_squeeze %dma_wait3A_34 : memref<1x312x16xf32, #tpu.memory_space<hbm>> -> memref<312x16xf32, #tpu.memory_space<hbm>>
      %dma_wait3A_36 = arith.constant 0 : i32
      %dma_wait3A_37 = arith.constant 0 : i32
      %dma_wait3A_38 = tpu.memref_slice %arg8[%dma_wait3A_36, %dma_wait3A_37] : memref<328x16xf32, #tpu.memory_space<vmem>> -> memref<312x16xf32, #tpu.memory_space<vmem>>
      %dma_wait3A_39 = arith.constant 0 : i32
      %dma_wait3A_40 = tpu.memref_slice %arg4[%run_scoped3A, %mul3A_2, %dma_wait3A_39] : memref<2x10112x16xf32, #tpu.memory_space<hbm>> -> memref<1x312x16xf32, #tpu.memory_space<hbm>>
      %dma_wait3A_41 = tpu.memref_squeeze %dma_wait3A_40 : memref<1x312x16xf32, #tpu.memory_space<hbm>> -> memref<312x16xf32, #tpu.memory_space<hbm>>
      tpu.wait_dma2 semaphore(%run_scoped3A_19 : memref<!tpu.dma_semaphore, #tpu.memory_space<semaphore_mem>>) src(%dma_wait3A_41 : memref<312x16xf32, #tpu.memory_space<hbm>>) dst(%dma_wait3A_38 : memref<312x16xf32, #tpu.memory_space<vmem>>)
      tpu.yield
    }) : () -> ()
    %run_scoped3A_4 = arith.constant 1 : i32
    "tpu.region"() ({
      %run_scoped3A_19 = tpu.sem_alloc : memref<!tpu.dma_semaphore, #tpu.memory_space<semaphore_mem>>
      %dma_start3A = arith.constant 0 : i32
      %dma_start3A_20 = arith.constant 0 : i32
      %dma_start3A_21 = tpu.memref_slice %arg9[%dma_start3A, %dma_start3A_20] : memref<328x16xf32, #tpu.memory_space<vmem>> -> memref<312x16xf32, #tpu.memory_space<vmem>>
      %dma_start3A_22 = arith.constant 0 : i32
      %dma_start3A_23 = tpu.memref_slice %arg4[%run_scoped3A_4, %mul3A_2, %dma_start3A_22] : memref<2x10112x16xf32, #tpu.memory_space<hbm>> -> memref<1x312x16xf32, #tpu.memory_space<hbm>>
      %dma_start3A_24 = tpu.memref_squeeze %dma_start3A_23 : memref<1x312x16xf32, #tpu.memory_space<hbm>> -> memref<312x16xf32, #tpu.memory_space<hbm>>
      %dma_start3A_25 = arith.constant 0 : i32
      %dma_start3A_26 = arith.constant 0 : i32
      %dma_start3A_27 = tpu.memref_slice %arg9[%dma_start3A_25, %dma_start3A_26] : memref<328x16xf32, #tpu.memory_space<vmem>> -> memref<312x16xf32, #tpu.memory_space<vmem>>
      %dma_start3A_28 = arith.constant 0 : i32
      %dma_start3A_29 = tpu.memref_slice %arg4[%run_scoped3A_4, %mul3A_2, %dma_start3A_28] : memref<2x10112x16xf32, #tpu.memory_space<hbm>> -> memref<1x312x16xf32, #tpu.memory_space<hbm>>
      %dma_start3A_30 = tpu.memref_squeeze %dma_start3A_29 : memref<1x312x16xf32, #tpu.memory_space<hbm>> -> memref<312x16xf32, #tpu.memory_space<hbm>>
      tpu.enqueue_dma source(%dma_start3A_30 : memref<312x16xf32, #tpu.memory_space<hbm>>) target(%dma_start3A_27 : memref<312x16xf32, #tpu.memory_space<vmem>>) target_semaphore(%run_scoped3A_19 : memref<!tpu.dma_semaphore, #tpu.memory_space<semaphore_mem>>)
      %dma_wait3A = arith.constant 0 : i32
      %dma_wait3A_31 = arith.constant 0 : i32
      %dma_wait3A_32 = tpu.memref_slice %arg9[%dma_wait3A, %dma_wait3A_31] : memref<328x16xf32, #tpu.memory_space<vmem>> -> memref<312x16xf32, #tpu.memory_space<vmem>>
      %dma_wait3A_33 = arith.constant 0 : i32
      %dma_wait3A_34 = tpu.memref_slice %arg4[%run_scoped3A_4, %mul3A_2, %dma_wait3A_33] : memref<2x10112x16xf32, #tpu.memory_space<hbm>> -> memref<1x312x16xf32, #tpu.memory_space<hbm>>
      %dma_wait3A_35 = tpu.memref_squeeze %dma_wait3A_34 : memref<1x312x16xf32, #tpu.memory_space<hbm>> -> memref<312x16xf32, #tpu.memory_space<hbm>>
      %dma_wait3A_36 = arith.constant 0 : i32
      %dma_wait3A_37 = arith.constant 0 : i32
      %dma_wait3A_38 = tpu.memref_slice %arg9[%dma_wait3A_36, %dma_wait3A_37] : memref<328x16xf32, #tpu.memory_space<vmem>> -> memref<312x16xf32, #tpu.memory_space<vmem>>
      %dma_wait3A_39 = arith.constant 0 : i32
      %dma_wait3A_40 = tpu.memref_slice %arg4[%run_scoped3A_4, %mul3A_2, %dma_wait3A_39] : memref<2x10112x16xf32, #tpu.memory_space<hbm>> -> memref<1x312x16xf32, #tpu.memory_space<hbm>>
      %dma_wait3A_41 = tpu.memref_squeeze %dma_wait3A_40 : memref<1x312x16xf32, #tpu.memory_space<hbm>> -> memref<312x16xf32, #tpu.memory_space<hbm>>
      tpu.wait_dma2 semaphore(%run_scoped3A_19 : memref<!tpu.dma_semaphore, #tpu.memory_space<semaphore_mem>>) src(%dma_wait3A_41 : memref<312x16xf32, #tpu.memory_space<hbm>>) dst(%dma_wait3A_38 : memref<312x16xf32, #tpu.memory_space<vmem>>)
      tpu.yield
    }) : () -> ()
    %convert_element_type3A = arith.extui %eq3A_3 : i1 to i32
    %cond3A = arith.constant 0 : i32
    %cond3A_5 = arith.cmpi ne, %convert_element_type3A, %cond3A : i32
    scf.if %cond3A_5 {
      "tpu.region"() ({
        %run_scoped3A_21 = tpu.sem_alloc : memref<!tpu.dma_semaphore, #tpu.memory_space<semaphore_mem>>
        %dma_start3A = arith.constant 312 : i32
        %dma_start3A_22 = arith.constant 0 : i32
        %dma_start3A_23 = tpu.memref_slice %arg6[%dma_start3A, %dma_start3A_22] : memref<328x16xf32, #tpu.memory_space<vmem>> -> memref<16x16xf32, #tpu.memory_space<vmem>>
        %dma_start3A_24 = arith.constant 9984 : i32
        %dma_start3A_25 = arith.constant 0 : i32
        %dma_start3A_26 = tpu.memref_slice %arg2[%dma_start3A_24, %dma_start3A_25] : memref<10000x16xf32, #tpu.memory_space<hbm>> -> memref<16x16xf32, #tpu.memory_space<hbm>>
        %dma_start3A_27 = arith.constant 312 : i32
        %dma_start3A_28 = arith.constant 0 : i32
        %dma_start3A_29 = tpu.memref_slice %arg6[%dma_start3A_27, %dma_start3A_28] : memref<328x16xf32, #tpu.memory_space<vmem>> -> memref<16x16xf32, #tpu.memory_space<vmem>>
        %dma_start3A_30 = arith.constant 9984 : i32
        %dma_start3A_31 = arith.constant 0 : i32
        %dma_start3A_32 = tpu.memref_slice %arg2[%dma_start3A_30, %dma_start3A_31] : memref<10000x16xf32, #tpu.memory_space<hbm>> -> memref<16x16xf32, #tpu.memory_space<hbm>>
        tpu.enqueue_dma source(%dma_start3A_32 : memref<16x16xf32, #tpu.memory_space<hbm>>) target(%dma_start3A_29 : memref<16x16xf32, #tpu.memory_space<vmem>>) target_semaphore(%run_scoped3A_21 : memref<!tpu.dma_semaphore, #tpu.memory_space<semaphore_mem>>)
        %dma_wait3A = arith.constant 312 : i32
        %dma_wait3A_33 = arith.constant 0 : i32
        %dma_wait3A_34 = tpu.memref_slice %arg6[%dma_wait3A, %dma_wait3A_33] : memref<328x16xf32, #tpu.memory_space<vmem>> -> memref<16x16xf32, #tpu.memory_space<vmem>>
        %dma_wait3A_35 = arith.constant 9984 : i32
        %dma_wait3A_36 = arith.constant 0 : i32
        %dma_wait3A_37 = tpu.memref_slice %arg2[%dma_wait3A_35, %dma_wait3A_36] : memref<10000x16xf32, #tpu.memory_space<hbm>> -> memref<16x16xf32, #tpu.memory_space<hbm>>
        %dma_wait3A_38 = arith.constant 312 : i32
        %dma_wait3A_39 = arith.constant 0 : i32
        %dma_wait3A_40 = tpu.memref_slice %arg6[%dma_wait3A_38, %dma_wait3A_39] : memref<328x16xf32, #tpu.memory_space<vmem>> -> memref<16x16xf32, #tpu.memory_space<vmem>>
        %dma_wait3A_41 = arith.constant 9984 : i32
        %dma_wait3A_42 = arith.constant 0 : i32
        %dma_wait3A_43 = tpu.memref_slice %arg2[%dma_wait3A_41, %dma_wait3A_42] : memref<10000x16xf32, #tpu.memory_space<hbm>> -> memref<16x16xf32, #tpu.memory_space<hbm>>
        tpu.wait_dma2 semaphore(%run_scoped3A_21 : memref<!tpu.dma_semaphore, #tpu.memory_space<semaphore_mem>>) src(%dma_wait3A_43 : memref<16x16xf32, #tpu.memory_space<hbm>>) dst(%dma_wait3A_40 : memref<16x16xf32, #tpu.memory_space<vmem>>)
        tpu.yield
      }) : () -> ()
      "tpu.region"() ({
        %run_scoped3A_21 = tpu.sem_alloc : memref<!tpu.dma_semaphore, #tpu.memory_space<semaphore_mem>>
        %dma_start3A = arith.constant 312 : i32
        %dma_start3A_22 = arith.constant 0 : i32
        %dma_start3A_23 = tpu.memref_slice %arg7[%dma_start3A, %dma_start3A_22] : memref<328x16xf32, #tpu.memory_space<vmem>> -> memref<16x16xf32, #tpu.memory_space<vmem>>
        %dma_start3A_24 = arith.constant 9984 : i32
        %dma_start3A_25 = arith.constant 0 : i32
        %dma_start3A_26 = tpu.memref_slice %arg3[%dma_start3A_24, %dma_start3A_25] : memref<10000x16xf32, #tpu.memory_space<hbm>> -> memref<16x16xf32, #tpu.memory_space<hbm>>
        %dma_start3A_27 = arith.constant 312 : i32
        %dma_start3A_28 = arith.constant 0 : i32
        %dma_start3A_29 = tpu.memref_slice %arg7[%dma_start3A_27, %dma_start3A_28] : memref<328x16xf32, #tpu.memory_space<vmem>> -> memref<16x16xf32, #tpu.memory_space<vmem>>
        %dma_start3A_30 = arith.constant 9984 : i32
        %dma_start3A_31 = arith.constant 0 : i32
        %dma_start3A_32 = tpu.memref_slice %arg3[%dma_start3A_30, %dma_start3A_31] : memref<10000x16xf32, #tpu.memory_space<hbm>> -> memref<16x16xf32, #tpu.memory_space<hbm>>
        tpu.enqueue_dma source(%dma_start3A_32 : memref<16x16xf32, #tpu.memory_space<hbm>>) target(%dma_start3A_29 : memref<16x16xf32, #tpu.memory_space<vmem>>) target_semaphore(%run_scoped3A_21 : memref<!tpu.dma_semaphore, #tpu.memory_space<semaphore_mem>>)
        %dma_wait3A = arith.constant 312 : i32
        %dma_wait3A_33 = arith.constant 0 : i32
        %dma_wait3A_34 = tpu.memref_slice %arg7[%dma_wait3A, %dma_wait3A_33] : memref<328x16xf32, #tpu.memory_space<vmem>> -> memref<16x16xf32, #tpu.memory_space<vmem>>
        %dma_wait3A_35 = arith.constant 9984 : i32
        %dma_wait3A_36 = arith.constant 0 : i32
        %dma_wait3A_37 = tpu.memref_slice %arg3[%dma_wait3A_35, %dma_wait3A_36] : memref<10000x16xf32, #tpu.memory_space<hbm>> -> memref<16x16xf32, #tpu.memory_space<hbm>>
        %dma_wait3A_38 = arith.constant 312 : i32
        %dma_wait3A_39 = arith.constant 0 : i32
        %dma_wait3A_40 = tpu.memref_slice %arg7[%dma_wait3A_38, %dma_wait3A_39] : memref<328x16xf32, #tpu.memory_space<vmem>> -> memref<16x16xf32, #tpu.memory_space<vmem>>
        %dma_wait3A_41 = arith.constant 9984 : i32
        %dma_wait3A_42 = arith.constant 0 : i32
        %dma_wait3A_43 = tpu.memref_slice %arg3[%dma_wait3A_41, %dma_wait3A_42] : memref<10000x16xf32, #tpu.memory_space<hbm>> -> memref<16x16xf32, #tpu.memory_space<hbm>>
        tpu.wait_dma2 semaphore(%run_scoped3A_21 : memref<!tpu.dma_semaphore, #tpu.memory_space<semaphore_mem>>) src(%dma_wait3A_43 : memref<16x16xf32, #tpu.memory_space<hbm>>) dst(%dma_wait3A_40 : memref<16x16xf32, #tpu.memory_space<vmem>>)
        tpu.yield
      }) : () -> ()
      %run_scoped3A_19 = arith.constant 0 : i32
      "tpu.region"() ({
        %run_scoped3A_21 = tpu.sem_alloc : memref<!tpu.dma_semaphore, #tpu.memory_space<semaphore_mem>>
        %dma_start3A = arith.constant 312 : i32
        %dma_start3A_22 = arith.constant 0 : i32
        %dma_start3A_23 = tpu.memref_slice %arg8[%dma_start3A, %dma_start3A_22] : memref<328x16xf32, #tpu.memory_space<vmem>> -> memref<16x16xf32, #tpu.memory_space<vmem>>
        %dma_start3A_24 = arith.constant 9984 : i32
        %dma_start3A_25 = arith.constant 0 : i32
        %dma_start3A_26 = tpu.memref_slice %arg4[%run_scoped3A_19, %dma_start3A_24, %dma_start3A_25] : memref<2x10112x16xf32, #tpu.memory_space<hbm>> -> memref<1x16x16xf32, #tpu.memory_space<hbm>>
        %dma_start3A_27 = tpu.memref_squeeze %dma_start3A_26 : memref<1x16x16xf32, #tpu.memory_space<hbm>> -> memref<16x16xf32, #tpu.memory_space<hbm>>
        %dma_start3A_28 = arith.constant 312 : i32
        %dma_start3A_29 = arith.constant 0 : i32
        %dma_start3A_30 = tpu.memref_slice %arg8[%dma_start3A_28, %dma_start3A_29] : memref<328x16xf32, #tpu.memory_space<vmem>> -> memref<16x16xf32, #tpu.memory_space<vmem>>
        %dma_start3A_31 = arith.constant 9984 : i32
        %dma_start3A_32 = arith.constant 0 : i32
        %dma_start3A_33 = tpu.memref_slice %arg4[%run_scoped3A_19, %dma_start3A_31, %dma_start3A_32] : memref<2x10112x16xf32, #tpu.memory_space<hbm>> -> memref<1x16x16xf32, #tpu.memory_space<hbm>>
        %dma_start3A_34 = tpu.memref_squeeze %dma_start3A_33 : memref<1x16x16xf32, #tpu.memory_space<hbm>> -> memref<16x16xf32, #tpu.memory_space<hbm>>
        tpu.enqueue_dma source(%dma_start3A_34 : memref<16x16xf32, #tpu.memory_space<hbm>>) target(%dma_start3A_30 : memref<16x16xf32, #tpu.memory_space<vmem>>) target_semaphore(%run_scoped3A_21 : memref<!tpu.dma_semaphore, #tpu.memory_space<semaphore_mem>>)
        %dma_wait3A = arith.constant 312 : i32
        %dma_wait3A_35 = arith.constant 0 : i32
        %dma_wait3A_36 = tpu.memref_slice %arg8[%dma_wait3A, %dma_wait3A_35] : memref<328x16xf32, #tpu.memory_space<vmem>> -> memref<16x16xf32, #tpu.memory_space<vmem>>
        %dma_wait3A_37 = arith.constant 9984 : i32
        %dma_wait3A_38 = arith.constant 0 : i32
        %dma_wait3A_39 = tpu.memref_slice %arg4[%run_scoped3A_19, %dma_wait3A_37, %dma_wait3A_38] : memref<2x10112x16xf32, #tpu.memory_space<hbm>> -> memref<1x16x16xf32, #tpu.memory_space<hbm>>
        %dma_wait3A_40 = tpu.memref_squeeze %dma_wait3A_39 : memref<1x16x16xf32, #tpu.memory_space<hbm>> -> memref<16x16xf32, #tpu.memory_space<hbm>>
        %dma_wait3A_41 = arith.constant 312 : i32
        %dma_wait3A_42 = arith.constant 0 : i32
        %dma_wait3A_43 = tpu.memref_slice %arg8[%dma_wait3A_41, %dma_wait3A_42] : memref<328x16xf32, #tpu.memory_space<vmem>> -> memref<16x16xf32, #tpu.memory_space<vmem>>
        %dma_wait3A_44 = arith.constant 9984 : i32
        %dma_wait3A_45 = arith.constant 0 : i32
        %dma_wait3A_46 = tpu.memref_slice %arg4[%run_scoped3A_19, %dma_wait3A_44, %dma_wait3A_45] : memref<2x10112x16xf32, #tpu.memory_space<hbm>> -> memref<1x16x16xf32, #tpu.memory_space<hbm>>
        %dma_wait3A_47 = tpu.memref_squeeze %dma_wait3A_46 : memref<1x16x16xf32, #tpu.memory_space<hbm>> -> memref<16x16xf32, #tpu.memory_space<hbm>>
        tpu.wait_dma2 semaphore(%run_scoped3A_21 : memref<!tpu.dma_semaphore, #tpu.memory_space<semaphore_mem>>) src(%dma_wait3A_47 : memref<16x16xf32, #tpu.memory_space<hbm>>) dst(%dma_wait3A_43 : memref<16x16xf32, #tpu.memory_space<vmem>>)
        tpu.yield
      }) : () -> ()
      %run_scoped3A_20 = arith.constant 1 : i32
      "tpu.region"() ({
        %run_scoped3A_21 = tpu.sem_alloc : memref<!tpu.dma_semaphore, #tpu.memory_space<semaphore_mem>>
        %dma_start3A = arith.constant 312 : i32
        %dma_start3A_22 = arith.constant 0 : i32
        %dma_start3A_23 = tpu.memref_slice %arg9[%dma_start3A, %dma_start3A_22] : memref<328x16xf32, #tpu.memory_space<vmem>> -> memref<16x16xf32, #tpu.memory_space<vmem>>
        %dma_start3A_24 = arith.constant 9984 : i32
        %dma_start3A_25 = arith.constant 0 : i32
        %dma_start3A_26 = tpu.memref_slice %arg4[%run_scoped3A_20, %dma_start3A_24, %dma_start3A_25] : memref<2x10112x16xf32, #tpu.memory_space<hbm>> -> memref<1x16x16xf32, #tpu.memory_space<hbm>>
        %dma_start3A_27 = tpu.memref_squeeze %dma_start3A_26 : memref<1x16x16xf32, #tpu.memory_space<hbm>> -> memref<16x16xf32, #tpu.memory_space<hbm>>
        %dma_start3A_28 = arith.constant 312 : i32
        %dma_start3A_29 = arith.constant 0 : i32
        %dma_start3A_30 = tpu.memref_slice %arg9[%dma_start3A_28, %dma_start3A_29] : memref<328x16xf32, #tpu.memory_space<vmem>> -> memref<16x16xf32, #tpu.memory_space<vmem>>
        %dma_start3A_31 = arith.constant 9984 : i32
        %dma_start3A_32 = arith.constant 0 : i32
        %dma_start3A_33 = tpu.memref_slice %arg4[%run_scoped3A_20, %dma_start3A_31, %dma_start3A_32] : memref<2x10112x16xf32, #tpu.memory_space<hbm>> -> memref<1x16x16xf32, #tpu.memory_space<hbm>>
        %dma_start3A_34 = tpu.memref_squeeze %dma_start3A_33 : memref<1x16x16xf32, #tpu.memory_space<hbm>> -> memref<16x16xf32, #tpu.memory_space<hbm>>
        tpu.enqueue_dma source(%dma_start3A_34 : memref<16x16xf32, #tpu.memory_space<hbm>>) target(%dma_start3A_30 : memref<16x16xf32, #tpu.memory_space<vmem>>) target_semaphore(%run_scoped3A_21 : memref<!tpu.dma_semaphore, #tpu.memory_space<semaphore_mem>>)
        %dma_wait3A = arith.constant 312 : i32
        %dma_wait3A_35 = arith.constant 0 : i32
        %dma_wait3A_36 = tpu.memref_slice %arg9[%dma_wait3A, %dma_wait3A_35] : memref<328x16xf32, #tpu.memory_space<vmem>> -> memref<16x16xf32, #tpu.memory_space<vmem>>
        %dma_wait3A_37 = arith.constant 9984 : i32
        %dma_wait3A_38 = arith.constant 0 : i32
        %dma_wait3A_39 = tpu.memref_slice %arg4[%run_scoped3A_20, %dma_wait3A_37, %dma_wait3A_38] : memref<2x10112x16xf32, #tpu.memory_space<hbm>> -> memref<1x16x16xf32, #tpu.memory_space<hbm>>
        %dma_wait3A_40 = tpu.memref_squeeze %dma_wait3A_39 : memref<1x16x16xf32, #tpu.memory_space<hbm>> -> memref<16x16xf32, #tpu.memory_space<hbm>>
        %dma_wait3A_41 = arith.constant 312 : i32
        %dma_wait3A_42 = arith.constant 0 : i32
        %dma_wait3A_43 = tpu.memref_slice %arg9[%dma_wait3A_41, %dma_wait3A_42] : memref<328x16xf32, #tpu.memory_space<vmem>> -> memref<16x16xf32, #tpu.memory_space<vmem>>
        %dma_wait3A_44 = arith.constant 9984 : i32
        %dma_wait3A_45 = arith.constant 0 : i32
        %dma_wait3A_46 = tpu.memref_slice %arg4[%run_scoped3A_20, %dma_wait3A_44, %dma_wait3A_45] : memref<2x10112x16xf32, #tpu.memory_space<hbm>> -> memref<1x16x16xf32, #tpu.memory_space<hbm>>
        %dma_wait3A_47 = tpu.memref_squeeze %dma_wait3A_46 : memref<1x16x16xf32, #tpu.memory_space<hbm>> -> memref<16x16xf32, #tpu.memory_space<hbm>>
        tpu.wait_dma2 semaphore(%run_scoped3A_21 : memref<!tpu.dma_semaphore, #tpu.memory_space<semaphore_mem>>) src(%dma_wait3A_47 : memref<16x16xf32, #tpu.memory_space<hbm>>) dst(%dma_wait3A_43 : memref<16x16xf32, #tpu.memory_space<vmem>>)
        tpu.yield
      }) : () -> ()
    } else {
    }
    %jit3A = arith.constant 328 : i32
    %jit3A_6 = arith.constant 312 : i32
    %select_n3A = arith.select %eq3A_3, %jit3A, %jit3A_6 : i32
    %while3A = arith.constant 0 : i32
    %while3A_7 = arith.constant 0 : i32
    %while3A_8 = arith.subi %select_n3A, %while3A_7 : i32
    %while3A_9 = arith.addi %while3A_7, %while3A_8 : i32
    %while3A_10 = arith.constant 1 : i32
    %while3A_11 = arith.divsi %while3A_8, %while3A_10 : i32
    %while3A_12 = arith.muli %while3A_11, %while3A_10 : i32
    %while3A_13 = arith.addi %while3A_7, %while3A_12 : i32
    %while3A_14 = arith.constant 1 : i32
    scf.for %while3A_19 = %while3A_7 to %while3A_13 step %while3A_14  : i32 {
      %get3A = arith.index_cast %while3A_19 : i32 to index
      %get3A_20 = arith.constant 0 : index
      %get3A_21 = tpu.vector_load %arg6[%get3A, %get3A_20] {strides = array<i32>} : memref<328x16xf32, #tpu.memory_space<vmem>>, vector<1x16xf32>,
      %get3A_22 = vector.shape_cast %get3A_21 : vector<1x16xf32> to vector<16xf32>
      %get3A_23 = arith.index_cast %while3A_19 : i32 to index
      %get3A_24 = arith.constant 0 : index
      %get3A_25 = tpu.vector_load %arg8[%get3A_23, %get3A_24] {strides = array<i32>} : memref<328x16xf32, #tpu.memory_space<vmem>>, vector<1x16xf32>,
      %get3A_26 = vector.shape_cast %get3A_25 : vector<1x16xf32> to vector<16xf32>
      %get3A_27 = arith.index_cast %while3A_19 : i32 to index
      %get3A_28 = arith.constant 0 : index
      %get3A_29 = tpu.vector_load %arg9[%get3A_27, %get3A_28] {strides = array<i32>} : memref<328x16xf32, #tpu.memory_space<vmem>>, vector<1x16xf32>,
      %get3A_30 = vector.shape_cast %get3A_29 : vector<1x16xf32> to vector<16xf32>
      %add3A_31 = arith.addf %get3A_26, %get3A_30 : vector<16xf32>
      %get3A_32 = arith.index_cast %while3A_19 : i32 to index
      %get3A_33 = arith.constant 0 : index
      %get3A_34 = tpu.vector_load %arg7[%get3A_32, %get3A_33] {strides = array<i32>} : memref<328x16xf32, #tpu.memory_space<vmem>>, vector<1x16xf32>,
      %get3A_35 = vector.shape_cast %get3A_34 : vector<1x16xf32> to vector<16xf32>
      %mul3A_36 = arith.mulf %add3A_31, %get3A_35 : vector<16xf32>
      %add3A_37 = arith.addf %get3A_22, %mul3A_36 : vector<16xf32>
      %swap3A = arith.index_cast %while3A_19 : i32 to index
      %swap3A_38 = arith.constant 0 : index
      %swap3A_39 = tpu.vector_load %arg10[%swap3A, %swap3A_38] {strides = array<i32>} : memref<328x16xf32, #tpu.memory_space<vmem>>, vector<1x16xf32>,
      %swap3A_40 = vector.shape_cast %swap3A_39 : vector<1x16xf32> to vector<16xf32>
      %swap3A_41 = vector.shape_cast %add3A_37 : vector<16xf32> to vector<1x16xf32>
      tpu.vector_store %arg10[%swap3A, %swap3A_38], %swap3A_41 {strides = array<i32>} : memref<328x16xf32, #tpu.memory_space<vmem>>, vector<1x16xf32>,
    }
    %while3A_15 = arith.constant 1 : i32
    scf.for %while3A_19 = %while3A_13 to %while3A_9 step %while3A_15  : i32 {
      %get3A = arith.index_cast %while3A_19 : i32 to index
      %get3A_20 = arith.constant 0 : index
      %get3A_21 = tpu.vector_load %arg6[%get3A, %get3A_20] {strides = array<i32>} : memref<328x16xf32, #tpu.memory_space<vmem>>, vector<1x16xf32>,
      %get3A_22 = vector.shape_cast %get3A_21 : vector<1x16xf32> to vector<16xf32>
      %get3A_23 = arith.index_cast %while3A_19 : i32 to index
      %get3A_24 = arith.constant 0 : index
      %get3A_25 = tpu.vector_load %arg8[%get3A_23, %get3A_24] {strides = array<i32>} : memref<328x16xf32, #tpu.memory_space<vmem>>, vector<1x16xf32>,
      %get3A_26 = vector.shape_cast %get3A_25 : vector<1x16xf32> to vector<16xf32>
      %get3A_27 = arith.index_cast %while3A_19 : i32 to index
      %get3A_28 = arith.constant 0 : index
      %get3A_29 = tpu.vector_load %arg9[%get3A_27, %get3A_28] {strides = array<i32>} : memref<328x16xf32, #tpu.memory_space<vmem>>, vector<1x16xf32>,
      %get3A_30 = vector.shape_cast %get3A_29 : vector<1x16xf32> to vector<16xf32>
      %add3A_31 = arith.addf %get3A_26, %get3A_30 : vector<16xf32>
      %get3A_32 = arith.index_cast %while3A_19 : i32 to index
      %get3A_33 = arith.constant 0 : index
      %get3A_34 = tpu.vector_load %arg7[%get3A_32, %get3A_33] {strides = array<i32>} : memref<328x16xf32, #tpu.memory_space<vmem>>, vector<1x16xf32>,
      %get3A_35 = vector.shape_cast %get3A_34 : vector<1x16xf32> to vector<16xf32>
      %mul3A_36 = arith.mulf %add3A_31, %get3A_35 : vector<16xf32>
      %add3A_37 = arith.addf %get3A_22, %mul3A_36 : vector<16xf32>
      %swap3A = arith.index_cast %while3A_19 : i32 to index
      %swap3A_38 = arith.constant 0 : index
      %swap3A_39 = tpu.vector_load %arg10[%swap3A, %swap3A_38] {strides = array<i32>} : memref<328x16xf32, #tpu.memory_space<vmem>>, vector<1x16xf32>,
      %swap3A_40 = vector.shape_cast %swap3A_39 : vector<1x16xf32> to vector<16xf32>
      %swap3A_41 = vector.shape_cast %add3A_37 : vector<16xf32> to vector<1x16xf32>
      tpu.vector_store %arg10[%swap3A, %swap3A_38], %swap3A_41 {strides = array<i32>} : memref<328x16xf32, #tpu.memory_space<vmem>>, vector<1x16xf32>,
    }
    "tpu.region"() ({
      %run_scoped3A_19 = tpu.sem_alloc : memref<!tpu.dma_semaphore, #tpu.memory_space<semaphore_mem>>
      %dma_start3A = arith.constant 0 : i32
      %dma_start3A_20 = arith.constant 0 : i32
      %dma_start3A_21 = tpu.memref_slice %arg10[%dma_start3A, %dma_start3A_20] : memref<328x16xf32, #tpu.memory_space<vmem>> -> memref<312x16xf32, #tpu.memory_space<vmem>>
      %dma_start3A_22 = arith.constant 0 : i32
      %dma_start3A_23 = tpu.memref_slice %arg5[%mul3A_2, %dma_start3A_22] : memref<10000x16xf32, #tpu.memory_space<hbm>> -> memref<312x16xf32, #tpu.memory_space<hbm>>
      %dma_start3A_24 = arith.constant 0 : i32
      %dma_start3A_25 = tpu.memref_slice %arg5[%mul3A_2, %dma_start3A_24] : memref<10000x16xf32, #tpu.memory_space<hbm>> -> memref<312x16xf32, #tpu.memory_space<hbm>>
      %dma_start3A_26 = arith.constant 0 : i32
      %dma_start3A_27 = arith.constant 0 : i32
      %dma_start3A_28 = tpu.memref_slice %arg10[%dma_start3A_26, %dma_start3A_27] : memref<328x16xf32, #tpu.memory_space<vmem>> -> memref<312x16xf32, #tpu.memory_space<vmem>>
      tpu.enqueue_dma source(%dma_start3A_28 : memref<312x16xf32, #tpu.memory_space<vmem>>) target(%dma_start3A_25 : memref<312x16xf32, #tpu.memory_space<hbm>>) target_semaphore(%run_scoped3A_19 : memref<!tpu.dma_semaphore, #tpu.memory_space<semaphore_mem>>)
      %dma_wait3A = arith.constant 0 : i32
      %dma_wait3A_29 = arith.constant 0 : i32
      %dma_wait3A_30 = tpu.memref_slice %arg10[%dma_wait3A, %dma_wait3A_29] : memref<328x16xf32, #tpu.memory_space<vmem>> -> memref<312x16xf32, #tpu.memory_space<vmem>>
      %dma_wait3A_31 = arith.constant 0 : i32
      %dma_wait3A_32 = tpu.memref_slice %arg5[%mul3A_2, %dma_wait3A_31] : memref<10000x16xf32, #tpu.memory_space<hbm>> -> memref<312x16xf32, #tpu.memory_space<hbm>>
      %dma_wait3A_33 = arith.constant 0 : i32
      %dma_wait3A_34 = tpu.memref_slice %arg5[%mul3A_2, %dma_wait3A_33] : memref<10000x16xf32, #tpu.memory_space<hbm>> -> memref<312x16xf32, #tpu.memory_space<hbm>>
      %dma_wait3A_35 = arith.constant 0 : i32
      %dma_wait3A_36 = arith.constant 0 : i32
      %dma_wait3A_37 = tpu.memref_slice %arg10[%dma_wait3A_35, %dma_wait3A_36] : memref<328x16xf32, #tpu.memory_space<vmem>> -> memref<312x16xf32, #tpu.memory_space<vmem>>
      tpu.wait_dma2 semaphore(%run_scoped3A_19 : memref<!tpu.dma_semaphore, #tpu.memory_space<semaphore_mem>>) src(%dma_wait3A_37 : memref<312x16xf32, #tpu.memory_space<vmem>>) dst(%dma_wait3A_34 : memref<312x16xf32, #tpu.memory_space<hbm>>)
      tpu.yield
    }) : () -> ()
    %convert_element_type3A_16 = arith.extui %eq3A_3 : i1 to i32
    %cond3A_17 = arith.constant 0 : i32
    %cond3A_18 = arith.cmpi ne, %convert_element_type3A_16, %cond3A_17 : i32
    scf.if %cond3A_18 {
      "tpu.region"() ({
        %run_scoped3A_19 = tpu.sem_alloc : memref<!tpu.dma_semaphore, #tpu.memory_space<semaphore_mem>>
        %dma_start3A = arith.constant 312 : i32
        %dma_start3A_20 = arith.constant 0 : i32
        %dma_start3A_21 = tpu.memref_slice %arg10[%dma_start3A, %dma_start3A_20] : memref<328x16xf32, #tpu.memory_space<vmem>> -> memref<16x16xf32, #tpu.memory_space<vmem>>
        %dma_start3A_22 = arith.constant 9984 : i32
        %dma_start3A_23 = arith.constant 0 : i32
        %dma_start3A_24 = tpu.memref_slice %arg5[%dma_start3A_22, %dma_start3A_23] : memref<10000x16xf32, #tpu.memory_space<hbm>> -> memref<16x16xf32, #tpu.memory_space<hbm>>
        %dma_start3A_25 = arith.constant 9984 : i32
        %dma_start3A_26 = arith.constant 0 : i32
        %dma_start3A_27 = tpu.memref_slice %arg5[%dma_start3A_25, %dma_start3A_26] : memref<10000x16xf32, #tpu.memory_space<hbm>> -> memref<16x16xf32, #tpu.memory_space<hbm>>
        %dma_start3A_28 = arith.constant 312 : i32
        %dma_start3A_29 = arith.constant 0 : i32
        %dma_start3A_30 = tpu.memref_slice %arg10[%dma_start3A_28, %dma_start3A_29] : memref<328x16xf32, #tpu.memory_space<vmem>> -> memref<16x16xf32, #tpu.memory_space<vmem>>
        tpu.enqueue_dma source(%dma_start3A_30 : memref<16x16xf32, #tpu.memory_space<vmem>>) target(%dma_start3A_27 : memref<16x16xf32, #tpu.memory_space<hbm>>) target_semaphore(%run_scoped3A_19 : memref<!tpu.dma_semaphore, #tpu.memory_space<semaphore_mem>>)
        %dma_wait3A = arith.constant 312 : i32
        %dma_wait3A_31 = arith.constant 0 : i32
        %dma_wait3A_32 = tpu.memref_slice %arg10[%dma_wait3A, %dma_wait3A_31] : memref<328x16xf32, #tpu.memory_space<vmem>> -> memref<16x16xf32, #tpu.memory_space<vmem>>
        %dma_wait3A_33 = arith.constant 9984 : i32
        %dma_wait3A_34 = arith.constant 0 : i32
        %dma_wait3A_35 = tpu.memref_slice %arg5[%dma_wait3A_33, %dma_wait3A_34] : memref<10000x16xf32, #tpu.memory_space<hbm>> -> memref<16x16xf32, #tpu.memory_space<hbm>>
        %dma_wait3A_36 = arith.constant 9984 : i32
        %dma_wait3A_37 = arith.constant 0 : i32
        %dma_wait3A_38 = tpu.memref_slice %arg5[%dma_wait3A_36, %dma_wait3A_37] : memref<10000x16xf32, #tpu.memory_space<hbm>> -> memref<16x16xf32, #tpu.memory_space<hbm>>
        %dma_wait3A_39 = arith.constant 312 : i32
        %dma_wait3A_40 = arith.constant 0 : i32
        %dma_wait3A_41 = tpu.memref_slice %arg10[%dma_wait3A_39, %dma_wait3A_40] : memref<328x16xf32, #tpu.memory_space<vmem>> -> memref<16x16xf32, #tpu.memory_space<vmem>>
        tpu.wait_dma2 semaphore(%run_scoped3A_19 : memref<!tpu.dma_semaphore, #tpu.memory_space<semaphore_mem>>) src(%dma_wait3A_41 : memref<16x16xf32, #tpu.memory_space<vmem>>) dst(%dma_wait3A_38 : memref<16x16xf32, #tpu.memory_space<hbm>>)
        tpu.yield
      }) : () -> ()
    } else {
    }
    return
  }
}

module attributes {stable_mosaic.version = 14 : i64} {
  func.func @tcb(%arg0: i32, %arg1: memref<2000x128xf32, #tpu.memory_space<vmem>>, %arg2: memref<2x2000x128xf32, #tpu.memory_space<vmem>>, %arg3: memref<2x2000x8xf32, #tpu.memory_space<vmem>>, %arg4: memref<128x128xf32, #tpu.memory_space<vmem>>, %arg5: memref<128x128xf32, #tpu.memory_space<vmem>>, %arg6: memref<1x128xf32, #tpu.memory_space<vmem>>, %arg7: memref<16x128xf32, #tpu.memory_space<vmem>>, %arg8: memref<16x128xf32, #tpu.memory_space<vmem>>, %arg9: memref<1x16xf32, #tpu.memory_space<vmem>>, %arg10: memref<2000x128xf32, #tpu.memory_space<vmem>>, %arg11: memref<2000x128xf32, #tpu.memory_space<vmem>>, %arg12: memref<2000x16xf32, #tpu.memory_space<vmem>>, %arg13: memref<2000x16xf32, #tpu.memory_space<vmem>>, %arg14: memref<2000x16xf32, #tpu.memory_space<vmem>>) attributes {dimension_semantics = [#tpu.dimension_semantics<arbitrary>], iteration_bounds = array<i64: 5>, scalar_prefetch = 0 : i64, scratch_operands = 0 : i64, tpu.core_type = #tpu.core_type<tc>, window_params = [{transform_indices = @transform_0, window_bounds = array<i64: 2000, 128>}, {transform_indices = @transform_1, window_bounds = array<i64: 2, 2000, 128>}, {transform_indices = @transform_2, window_bounds = array<i64: 2, 2000, 8>}, {pipeline_mode = #tpu.pipeline_mode<synchronous>, transform_indices = @transform_3, window_bounds = array<i64: 128, 128>}, {pipeline_mode = #tpu.pipeline_mode<synchronous>, transform_indices = @transform_4, window_bounds = array<i64: 128, 128>}, {pipeline_mode = #tpu.pipeline_mode<synchronous>, transform_indices = @transform_5, window_bounds = array<i64: 1, 128>}, {pipeline_mode = #tpu.pipeline_mode<synchronous>, transform_indices = @transform_6, window_bounds = array<i64: 16, 128>}, {pipeline_mode = #tpu.pipeline_mode<synchronous>, transform_indices = @transform_7, window_bounds = array<i64: 16, 128>}, {pipeline_mode = #tpu.pipeline_mode<synchronous>, transform_indices = @transform_8, window_bounds = array<i64: 1, 16>}, {transform_indices = @transform_9, window_bounds = array<i64: 2000, 128>}, {transform_indices = @transform_10, window_bounds = array<i64: 2000, 128>}, {transform_indices = @transform_11, window_bounds = array<i64: 2000, 16>}, {transform_indices = @transform_12, window_bounds = array<i64: 2000, 16>}, {transform_indices = @transform_13, window_bounds = array<i64: 2000, 16>}]} {
    %get3A = arith.constant 0 : index
    %get3A_0 = arith.constant 0 : index
    %get3A_1 = arith.constant 0 : index
    %get3A_2 = vector.load %arg3[%get3A, %get3A_0, %get3A_1] : memref<2x2000x8xf32, #tpu.memory_space<vmem>>, vector<1x2000x1xf32>
    %get3A_3 = vector.shape_cast %get3A_2 : vector<1x2000x1xf32> to vector<2000xf32>
    %get3A_4 = arith.constant 1 : index
    %get3A_5 = arith.constant 0 : index
    %get3A_6 = arith.constant 0 : index
    %get3A_7 = vector.load %arg3[%get3A_4, %get3A_5, %get3A_6] : memref<2x2000x8xf32, #tpu.memory_space<vmem>>, vector<1x2000x1xf32>
    %get3A_8 = vector.shape_cast %get3A_7 : vector<1x2000x1xf32> to vector<2000xf32>
    %add3A = arith.addf %get3A_3, %get3A_8 : vector<2000xf32>
    %max3A = arith.constant 1.000000e+00 : f32
    %max3A_9 = vector.broadcast %max3A : f32 to vector<2000xf32>
    %max3A_10 = arith.maximumf %add3A, %max3A_9 : vector<2000xf32>
    %div3A = arith.constant 1.000000e+00 : f32
    %div3A_11 = vector.broadcast %div3A : f32 to vector<2000xf32>
    %div3A_12 = arith.divf %div3A_11, %max3A_10 : vector<2000xf32>
    %broadcast_in_dim3A = vector.shape_cast %div3A_12 : vector<2000xf32> to vector<2000x1xf32>
    %broadcast_in_dim3A_13 = vector.shape_cast %broadcast_in_dim3A : vector<2000x1xf32> to vector<2000x1xf32>
    %broadcast_in_dim3A_14 = vector.broadcast %broadcast_in_dim3A_13 : vector<2000x1xf32> to vector<2000x16xf32>
    %swap3A = arith.constant 0 : index
    %swap3A_15 = arith.constant 0 : index
    %swap3A_16 = vector.load %arg14[%swap3A, %swap3A_15] : memref<2000x16xf32, #tpu.memory_space<vmem>>, vector<2000x16xf32>
    tpu.vector_store %arg14[%swap3A, %swap3A_15], %broadcast_in_dim3A_14 {strides = array<i32>} : memref<2000x16xf32, #tpu.memory_space<vmem>>, vector<2000x16xf32>,
    %get3A_17 = arith.constant 0 : index
    %get3A_18 = arith.constant 0 : index
    %get3A_19 = arith.constant 0 : index
    %get3A_20 = vector.load %arg2[%get3A_17, %get3A_18, %get3A_19] : memref<2x2000x128xf32, #tpu.memory_space<vmem>>, vector<1x2000x128xf32>
    %get3A_21 = vector.shape_cast %get3A_20 : vector<1x2000x128xf32> to vector<2000x128xf32>
    %get3A_22 = arith.constant 1 : index
    %get3A_23 = arith.constant 0 : index
    %get3A_24 = arith.constant 0 : index
    %get3A_25 = vector.load %arg2[%get3A_22, %get3A_23, %get3A_24] : memref<2x2000x128xf32, #tpu.memory_space<vmem>>, vector<1x2000x128xf32>
    %get3A_26 = vector.shape_cast %get3A_25 : vector<1x2000x128xf32> to vector<2000x128xf32>
    %add3A_27 = arith.addf %get3A_21, %get3A_26 : vector<2000x128xf32>
    %broadcast_in_dim3A_28 = vector.shape_cast %div3A_12 : vector<2000xf32> to vector<2000x1xf32>
    %mul3A = vector.broadcast %broadcast_in_dim3A_28 : vector<2000x1xf32> to vector<2000x128xf32>
    %mul3A_29 = arith.mulf %add3A_27, %mul3A : vector<2000x128xf32>
    %get3A_30 = arith.constant 0 : index
    %get3A_31 = arith.constant 0 : index
    %get3A_32 = vector.load %arg1[%get3A_30, %get3A_31] : memref<2000x128xf32, #tpu.memory_space<vmem>>, vector<2000x128xf32>
    %get3A_33 = arith.constant 0 : index
    %get3A_34 = arith.constant 0 : index
    %get3A_35 = vector.load %arg4[%get3A_33, %get3A_34] : memref<128x128xf32, #tpu.memory_space<vmem>>, vector<128x128xf32>
    %dot_general3A = arith.constant dense<0.000000e+00> : vector<2000x128xf32>
    %dot_general3A_36 = tpu.matmul %get3A_32, %get3A_35, %dot_general3A {dimension_numbers = #tpu.dot_dimension_numbers<[1], [1], [0], [0], [0, 0, 1, 0], [], []>, transpose_lhs_hint = false} : vector<2000x128xf32>, vector<128x128xf32>, vector<2000x128xf32> -> vector<2000x128xf32>
    %get3A_37 = arith.constant 0 : index
    %get3A_38 = arith.constant 0 : index
    %get3A_39 = vector.load %arg5[%get3A_37, %get3A_38] : memref<128x128xf32, #tpu.memory_space<vmem>>, vector<128x128xf32>
    %dot_general3A_40 = arith.constant dense<0.000000e+00> : vector<2000x128xf32>
    %dot_general3A_41 = tpu.matmul %mul3A_29, %get3A_39, %dot_general3A_40 {dimension_numbers = #tpu.dot_dimension_numbers<[1], [1], [0], [0], [0, 0, 1, 0], [], []>, transpose_lhs_hint = false} : vector<2000x128xf32>, vector<128x128xf32>, vector<2000x128xf32> -> vector<2000x128xf32>
    %add3A_42 = arith.addf %dot_general3A_36, %dot_general3A_41 : vector<2000x128xf32>
    %get3A_43 = arith.constant 0 : index
    %get3A_44 = arith.constant 0 : index
    %get3A_45 = vector.load %arg6[%get3A_43, %get3A_44] : memref<1x128xf32, #tpu.memory_space<vmem>>, vector<1x128xf32>
    %add3A_46 = vector.broadcast %get3A_45 : vector<1x128xf32> to vector<2000x128xf32>
    %add3A_47 = arith.addf %add3A_42, %add3A_46 : vector<2000x128xf32>
    %swap3A_48 = arith.constant 0 : index
    %swap3A_49 = arith.constant 0 : index
    %swap3A_50 = vector.load %arg10[%swap3A_48, %swap3A_49] : memref<2000x128xf32, #tpu.memory_space<vmem>>, vector<2000x128xf32>
    tpu.vector_store %arg10[%swap3A_48, %swap3A_49], %add3A_47 {strides = array<i32>} : memref<2000x128xf32, #tpu.memory_space<vmem>>, vector<2000x128xf32>,
    %max3A_51 = arith.constant 0.000000e+00 : f32
    %max3A_52 = vector.broadcast %max3A_51 : f32 to vector<2000x128xf32>
    %max3A_53 = arith.maximumf %add3A_47, %max3A_52 : vector<2000x128xf32>
    %swap3A_54 = arith.constant 0 : index
    %swap3A_55 = arith.constant 0 : index
    %swap3A_56 = vector.load %arg11[%swap3A_54, %swap3A_55] : memref<2000x128xf32, #tpu.memory_space<vmem>>, vector<2000x128xf32>
    tpu.vector_store %arg11[%swap3A_54, %swap3A_55], %max3A_53 {strides = array<i32>} : memref<2000x128xf32, #tpu.memory_space<vmem>>, vector<2000x128xf32>,
    %get3A_57 = arith.constant 0 : index
    %get3A_58 = arith.constant 0 : index
    %get3A_59 = vector.load %arg8[%get3A_57, %get3A_58] : memref<16x128xf32, #tpu.memory_space<vmem>>, vector<16x128xf32>
    %dot_general3A_60 = arith.constant dense<0.000000e+00> : vector<2000x16xf32>
    %dot_general3A_61 = tpu.matmul %max3A_53, %get3A_59, %dot_general3A_60 {dimension_numbers = #tpu.dot_dimension_numbers<[1], [1], [0], [0], [0, 0, 1, 0], [], []>, transpose_lhs_hint = false} : vector<2000x128xf32>, vector<16x128xf32>, vector<2000x16xf32> -> vector<2000x16xf32>
    %swap3A_62 = arith.constant 0 : index
    %swap3A_63 = arith.constant 0 : index
    %swap3A_64 = vector.load %arg12[%swap3A_62, %swap3A_63] : memref<2000x16xf32, #tpu.memory_space<vmem>>, vector<2000x16xf32>
    tpu.vector_store %arg12[%swap3A_62, %swap3A_63], %dot_general3A_61 {strides = array<i32>} : memref<2000x16xf32, #tpu.memory_space<vmem>>, vector<2000x16xf32>,
    %get3A_65 = arith.constant 0 : index
    %get3A_66 = arith.constant 0 : index
    %get3A_67 = vector.load %arg7[%get3A_65, %get3A_66] : memref<16x128xf32, #tpu.memory_space<vmem>>, vector<16x128xf32>
    %dot_general3A_68 = arith.constant dense<0.000000e+00> : vector<2000x16xf32>
    %dot_general3A_69 = tpu.matmul %max3A_53, %get3A_67, %dot_general3A_68 {dimension_numbers = #tpu.dot_dimension_numbers<[1], [1], [0], [0], [0, 0, 1, 0], [], []>, transpose_lhs_hint = false} : vector<2000x128xf32>, vector<16x128xf32>, vector<2000x16xf32> -> vector<2000x16xf32>
    %get3A_70 = arith.constant 0 : index
    %get3A_71 = arith.constant 0 : index
    %get3A_72 = vector.load %arg9[%get3A_70, %get3A_71] : memref<1x16xf32, #tpu.memory_space<vmem>>, vector<1x16xf32>
    %add3A_73 = vector.broadcast %get3A_72 : vector<1x16xf32> to vector<2000x16xf32>
    %add3A_74 = arith.addf %dot_general3A_69, %add3A_73 : vector<2000x16xf32>
    %swap3A_75 = arith.constant 0 : index
    %swap3A_76 = arith.constant 0 : index
    %swap3A_77 = vector.load %arg13[%swap3A_75, %swap3A_76] : memref<2000x16xf32, #tpu.memory_space<vmem>>, vector<2000x16xf32>
    tpu.vector_store %arg13[%swap3A_75, %swap3A_76], %add3A_74 {strides = array<i32>} : memref<2000x16xf32, #tpu.memory_space<vmem>>, vector<2000x16xf32>,
    return
  }
  func.func @transform_0(%arg0: i32) -> (i32, i32) {
    %c0_i32 = arith.constant 0 : i32
    %c0_i32_0 = arith.constant 0 : i32
    return %arg0, %c0_i32 : i32, i32
  }
  func.func @transform_1(%arg0: i32) -> (i32, i32, i32) {
    %c0_i32 = arith.constant 0 : i32
    %c0_i32_0 = arith.constant 0 : i32
    %c0_i32_1 = arith.constant 0 : i32
    return %c0_i32, %arg0, %c0_i32_0 : i32, i32, i32
  }
  func.func @transform_2(%arg0: i32) -> (i32, i32, i32) {
    %c0_i32 = arith.constant 0 : i32
    %c0_i32_0 = arith.constant 0 : i32
    %c0_i32_1 = arith.constant 0 : i32
    return %c0_i32, %arg0, %c0_i32_0 : i32, i32, i32
  }
  func.func @transform_3(%arg0: i32) -> (i32, i32) {
    %c0_i32 = arith.constant 0 : i32
    %c0_i32_0 = arith.constant 0 : i32
    %c0_i32_1 = arith.constant 0 : i32
    return %c0_i32, %c0_i32_0 : i32, i32
  }
  func.func @transform_4(%arg0: i32) -> (i32, i32) {
    %c0_i32 = arith.constant 0 : i32
    %c0_i32_0 = arith.constant 0 : i32
    %c0_i32_1 = arith.constant 0 : i32
    return %c0_i32, %c0_i32_0 : i32, i32
  }
  func.func @transform_5(%arg0: i32) -> (i32, i32) {
    %c0_i32 = arith.constant 0 : i32
    %c0_i32_0 = arith.constant 0 : i32
    %c0_i32_1 = arith.constant 0 : i32
    return %c0_i32, %c0_i32_0 : i32, i32
  }
  func.func @transform_6(%arg0: i32) -> (i32, i32) {
    %c0_i32 = arith.constant 0 : i32
    %c0_i32_0 = arith.constant 0 : i32
    %c0_i32_1 = arith.constant 0 : i32
    return %c0_i32, %c0_i32_0 : i32, i32
  }
  func.func @transform_7(%arg0: i32) -> (i32, i32) {
    %c0_i32 = arith.constant 0 : i32
    %c0_i32_0 = arith.constant 0 : i32
    %c0_i32_1 = arith.constant 0 : i32
    return %c0_i32, %c0_i32_0 : i32, i32
  }
  func.func @transform_8(%arg0: i32) -> (i32, i32) {
    %c0_i32 = arith.constant 0 : i32
    %c0_i32_0 = arith.constant 0 : i32
    %c0_i32_1 = arith.constant 0 : i32
    return %c0_i32, %c0_i32_0 : i32, i32
  }
  func.func @transform_9(%arg0: i32) -> (i32, i32) {
    %c0_i32 = arith.constant 0 : i32
    %c0_i32_0 = arith.constant 0 : i32
    return %arg0, %c0_i32 : i32, i32
  }
  func.func @transform_10(%arg0: i32) -> (i32, i32) {
    %c0_i32 = arith.constant 0 : i32
    %c0_i32_0 = arith.constant 0 : i32
    return %arg0, %c0_i32 : i32, i32
  }
  func.func @transform_11(%arg0: i32) -> (i32, i32) {
    %c0_i32 = arith.constant 0 : i32
    %c0_i32_0 = arith.constant 0 : i32
    return %arg0, %c0_i32 : i32, i32
  }
  func.func @transform_12(%arg0: i32) -> (i32, i32) {
    %c0_i32 = arith.constant 0 : i32
    %c0_i32_0 = arith.constant 0 : i32
    return %arg0, %c0_i32 : i32, i32
  }
  func.func @transform_13(%arg0: i32) -> (i32, i32) {
    %c0_i32 = arith.constant 0 : i32
    %c0_i32_0 = arith.constant 0 : i32
    return %arg0, %c0_i32 : i32, i32
  }
}

</mosaic_0001>

<sc_bundles>
// kernel: kernel.12.cloned.1.call-start
scs
__scs_entry_jumppad:
0x0: {  	(pc) =	sbr.rel $0x88, $3  }
0x1: {  	(tag) =	ssettag $0x0;
	lr =	simm.s32 $0x1  }
0x2: {  	[smem:$0x3F99] =	sst lr;
	_ =	strace $0xD0000000  }
0x3: {  	_ = 	snop  }
0x4: {  	_ = 	snop  }
0x5: {  	_ = 	snop  }
0x6: {  	_ = 	snop  }
0x7: {  	_ = 	snop  }
__scs_overlays_trampoline_lowered:
0x8: {  	[smem:$0x3FA8] =	sst s0  }
0x9: {  	[smem:$0x3FA9] =	sst s1  }
0xa: {  	[smem:$0x3FAA] =	sst s2  }
0xb: {  	[smem:$0x3FAB] =	sst s3  }
0xc: {  	[smem:$0x3FAC] =	sst s4  }
0xd: {  	[smem:$0x3FAD] =	sst s5  }
0xe: {  	[smem:$0x3FAE] =	sst s6  }
0xf: {  	[smem:$0x3FAF] =	sst s7  }
0x10: {  	[smem:$0x3FB0] =	sst s8  }
0x11: {  	[smem:$0x3FB1] =	sst s9;
	s0 =	simm.s32 @!p0 $0x0  }
0x12: {  	s1 =	sld [smem:$0x3F97];
	s0 =	simm.s32 @p0 $0x1  }
0x13: {  	[smem:$0x3FB2] =	sst s0;
	s0 =	simm.s32 @!p1 $0x0  }
0x14: {  	s2 =	sld [smem:$0x3F96];
	s0 =	simm.s32 @p1 $0x1  }
0x15: {  	[smem:$0x3FB3] =	sst s0;
	s0 =	simm.s32 @!p2 $0x0  }
0x16: {  	s3 =	sld [smem:$0x3FDB];
	s0 =	simm.s32 @p2 $0x1  }
0x17: {  	s4 =	simm.s32 $0x1BF5;
	[smem:$0x3FB5] =	sst s0  }
0x18: {  	s0 =	sld [smem:$0x3F98];
	_ =	swait.ge [sflag:s4], $0x0  }
0x19: {  	s7 =	sld [smem:$0x3F99]  }
0x1a: {  	s8 =	sadd.s32 $0xFFFFE003, lr  }
0x1b: {  	s9 =	sadd.s32 $0xFFFFFEF7, lr;
	s5 =	simm.s32 $0xFFFFFFFF;
	p2 =	slt.u32 s8, $0xFFFFF086  }
0x1c: {  	p1 =	slt.u32 s9, $0xF7A;
	s5 =	simm.s32 @!p2 $0x0  }
0x1d: {  	s5 =	simm.s32 @p1 $0x1;
	p0 =	seq.s32 s7, s2  }
0x1e: {  	s7 =	smul.u32 @!p0 $0xF7A, s2;
	p2 =	seq.s32 @!p0 s5, $0x0  }
0x1f: {  	s9 =	smul.u32 $0xF7A, s1;
	s8 =	simm.s32 @!p0 $0x1BF5;
	p2 =	por !p2, p0  }
0x20: {  	[sflag:s8] =	ssyncset.s32 @!p0 $0xFFFFF086;
	s6 =	sadd.s32 @!p0 s3, s7;
	s7 =	simm.s32 @!p0 $0x108  }
0x21: {  	s3 =	sadd.s32 s3, s9;
	s6 =	sadd.s32 @!p0 $0x88, s6;
	s7 =	simm.s32 @p2 $0x1082  }
0x22: {  	[simem:s7], [sflag:s8] =	dma.local @!p0 [hbm:s6], $0xF7A  }
0x23: {  	s9 =	sor.u32 $0xD0000000, s2;
	s6 =	simm.s32 $0x108;
	_ =	swait.ge @!p0 [sflag:s8], $0x0  }
0x24: {  	s3 =	sadd.s32 $0x88, s3;
	s6 =	simm.s32 @!p1 $0x1082;
	[sflag:s4] =	ssyncset.s32 $0xFFFFF086  }
0x25: {  	[simem:s6], [sflag:s4] =	dma.local [hbm:s3], $0xF7A  }
0x26: {  	[smem:$0x3F99] =	sst s1;
	(tag) =	ssettag s2;
	_ =	strace s9  }
0x27: {  	s1 =	sld [smem:$0x3FA9]  }
0x28: {  	s2 =	sld [smem:$0x3FAA]  }
0x29: {  	s4 =	sld [smem:$0x3FAC]  }
0x2a: {  	p0 =	seq.s32 s5, $0x0;
	s5 =	sld [smem:$0x3FAD]  }
0x2b: {  	s6 =	sld [smem:$0x3FAE]  }
0x2c: {  	s7 =	sld [smem:$0x3FAF]  }
0x2d: {  	s3 =	simm.s32 $0x108;
	s8 =	sld [smem:$0x3FB0]  }
0x2e: {  	s3 =	simm.s32 @!p0 $0x1082;
	s9 =	sld [smem:$0x3FB1]  }
0x2f: {  	lr =	sadd.s32 s0, s3;
	s0 =	sld [smem:$0x3FA8]  }
0x30: {  	s3 =	sld [smem:$0x3FAB]  }
0x31: {  	[smem:$0x3FB4] =	sst s10  }
0x32: {  	s10 =	sld [smem:$0x3FB2];
	_ =	sdelay $0x3  }
0x33: {  	p0 =	seq.s32 s10, $0x1;
	s10 =	sld [smem:$0x3FB4];
	_ =	sdelay $0x3  }
0x34: {  	[smem:$0x3FB4] =	sst s10  }
0x35: {  	s10 =	sld [smem:$0x3FB3];
	_ =	sdelay $0x3  }
0x36: {  	p1 =	seq.s32 s10, $0x1;
	s10 =	sld [smem:$0x3FB4];
	_ =	sdelay $0x3  }
0x37: {  	[smem:$0x3FB4] =	sst s10  }
0x38: {  	s10 =	sld [smem:$0x3FB5]  }
0x39: {  	_ = 	snop;
	(pc) =	sbr.ind lr, $3  }
0x3a: {  	_ = 	snop  }
0x3b: {  	_ = 	snop  }
0x3c: {  	p2 =	seq.s32 s10, $0x1;
	s10 =	sld [smem:$0x3FB4]  }
0x3d: {  	_ =	shalt  }
0x3e: {  	_ =	shalt  }
0x3f: {  	_ =	shalt  }
0x40: {  	_ =	shalt  }
0x41: {  	_ =	shalt  }
0x42: {  	_ =	shalt  }
0x43: {  	_ =	shalt  }
0x44: {  	_ =	shalt  }
0x45: {  	_ =	shalt  }
0x46: {  	_ =	shalt  }
0x47: {  	_ =	shalt  }
0x48: {  	_ =	shalt  }
0x49: {  	_ =	shalt  }
0x4a: {  	_ =	shalt  }
0x4b: {  	_ =	shalt  }
0x4c: {  	_ =	shalt  }
0x4d: {  	_ =	shalt  }
0x4e: {  	_ =	shalt  }
0x4f: {  	_ =	shalt  }
0x50: {  	_ =	shalt  }
0x51: {  	_ =	shalt  }
0x52: {  	_ =	shalt  }
0x53: {  	_ =	shalt  }
0x54: {  	_ =	shalt  }
0x55: {  	_ =	shalt  }
0x56: {  	_ =	shalt  }
0x57: {  	_ =	shalt  }
0x58: {  	_ =	shalt  }
0x59: {  	_ =	shalt  }
0x5a: {  	_ =	shalt  }
0x5b: {  	_ =	shalt  }
0x5c: {  	_ =	shalt  }
0x5d: {  	_ =	shalt  }
0x5e: {  	_ =	shalt  }
0x5f: {  	_ =	shalt  }
0x60: {  	_ =	shalt  }
0x61: {  	_ =	shalt  }
0x62: {  	_ =	shalt  }
0x63: {  	_ =	shalt  }
0x64: {  	_ =	shalt  }
0x65: {  	_ =	shalt  }
0x66: {  	_ =	shalt  }
0x67: {  	_ =	shalt  }
0x68: {  	_ =	shalt  }
0x69: {  	_ =	shalt  }
0x6a: {  	_ =	shalt  }
0x6b: {  	_ =	shalt  }
0x6c: {  	_ =	shalt  }
0x6d: {  	_ =	shalt  }
0x6e: {  	_ =	shalt  }
0x6f: {  	_ =	shalt  }
0x70: {  	_ =	shalt  }
0x71: {  	_ =	shalt  }
0x72: {  	_ =	shalt  }
0x73: {  	_ =	shalt  }
0x74: {  	_ =	shalt  }
0x75: {  	_ =	shalt  }
0x76: {  	_ =	shalt  }
0x77: {  	_ =	shalt  }
0x78: {  	_ =	shalt  }
0x79: {  	_ =	shalt  }
0x7a: {  	_ =	shalt  }
0x7b: {  	_ =	shalt  }
0x7c: {  	_ =	shalt  }
0x7d: {  	_ =	shalt  }
0x7e: {  	_ =	shalt  }
0x7f: {  	_ =	shalt  }
0x80: {  	_ =	shalt  }
0x81: {  	_ =	shalt  }
0x82: {  	_ =	shalt  }
0x83: {  	_ =	shalt  }
0x84: {  	_ =	shalt  }
0x85: {  	_ =	shalt  }
0x86: {  	_ =	shalt  }
0x87: {  	_ =	shalt  }
.Lfunc_end0:
.L_simem_size_0:
called_computation.2_lowered:
.L_overlay_start_0:
0x88: {  	s2 =	sld [smem:$0x3FD9]  }
0x89: {  	s3 =	sld [smem:$0x3FFE];
	_ =	sdelay $0x1  }
0x8a: {  	s1 =	srdreg.scid  }
0x8b: {  	s0 =	sand.u32 $0x1, s1  }
0x8c: {  	s14 =	sshll.u32 s0, $0xA;
	s2 =	sadd.s32 s3, s2  }
0x8d: {  	s2 =	sadd.s32 s2, s14  }
0x8e: {  	[smem:$0x3FC0] =	sst s2  }
0x8f: {  	_ = 	snop  }
0x90: {  	s2 =	sld [smem:$0x3FD0];
	_ =	sdelay $0x2  }
0x91: {  	s15 =	simm.s32 $0xA;
	s4 =	simm.s32 $0x10  }
0x92: {  	[smem:s4], [sflag:s15] =	dma.local [hbm:s2], $0x1  }
0x93: {  	_ =	swait.eq [sflag:s15], $0x1  }
0x94: {  	[sflag:s15] =	ssyncset.done $0x0  }
0x95: {  	[sflag:s15] =	ssyncadd.s32 $0xFFFFFFFF  }
0x96: {  	s16 =	sld [smem:$0x10];
	(tm) =	ssettm $0x1  }
0x97: {  	s17 =	sld [smem:$0x3FFB];
	_ =	sdelay $0x3  }
0x98: {  	_ =	strace s17  }
0x99: {  	s3 =	sld [smem:$0x3FFC];
	_ =	sdelay $0x3  }
0x9a: {  	_ =	strace s3  }
0x9b: {  	s3 =	sld [smem:$0x3FFD];
	_ =	sdelay $0x3  }
0x9c: {  	_ =	strace s3  }
0x9d: {  	_ =	strace $0x8FFFFFFF  }
0x9e: {  	s18 =	sld [smem:$0x3FDB];
	_ =	sdelay $0x1  }
0x9f: {  	s19 =	simm.s32 $_scs_section_size  }
0xa0: {  	s5 =	simm.s32 $_size__tile_overlayer_lowered;
	s6 =	simm.s32 $_tile_overlayer_lowered  }
0xa1: {  	s22 =	simm.s32 $0x1BFF;
	s21 =	sshll.u32 s6, $0x1;
	s3 =	sadd.s32 s19, s18  }
0xa2: {  	s7 =	simm.s32 $0x0;
	s20 =	sshll.u32 s5, $0x1;
	s5 =	sadd.s32 s21, s3  }
0xa3: {  	[timem:s7], [sflag:s22] =	dma.local [hbm:s5], s20  }
0xa4: {  	_ =	swait.ge [sflag:s22], s20  }
0xa5: {  	s4 =	ssub.s32 $0x0, s20;
	[sflag:s22] =	ssyncset.done $0x0  }
0xa6: {  	[sflag:s22] =	ssyncadd.s32 s4;
	_ =	sdelay $0x1  }
0xa7: {  	s23 =	simm.s32 $0x1B8B  }
0xa8: {  	_ =	swait.ge [sflag:s23], $0x1  }
0xa9: {  	[sflag:s23] =	ssyncset.done $0x0  }
0xaa: {  	s25 =	simm.s32 $0x1B8E;
	s24 =	sld [smem:$0x3FFE];
	[sflag:s23] =	ssyncadd.s32 $0xFFFFFFFF  }
0xab: {  	s26 =	simm.s32 $execute0_lowered;
	[smem:$0x3FD2] =	sst s25  }
0xac: {  	s5 =	sshll.u32 s26, $0x1;
	_ =	strace $0x8000004C;
	[dreg:$0x1] =	wrdreg $0xFFFFFFFF  }
0xad: {  	s28 =	simm.s32 $_size_execute0_lowered;
	s3 =	sadd.s32 s3, s5;
	[dreg:$0x0] =	wrdreg $0x0  }
0xae: {  	s5 =	sshll.u32 s28, $0x1;
	[dreg:$0x2] =	wrdreg s3  }
0xaf: {  	[dreg:$0x3] =	wrdreg s5  }
0xb0: {  	[dreg:$0x4] =	wrdreg $0xC0  }
0xb1: {  	_ =	task [dreg:s7], $0x5FFFF  }
0xb2: {  	[dreg:$0x1] =	wrdreg $0xFFFFFFFF  }
0xb3: {  	[dreg:$0x0] =	wrdreg $0x60  }
0xb4: {  	[dreg:$0x2] =	wrdreg s16  }
0xb5: {  	[dreg:$0x3] =	wrdreg s24  }
0xb6: {  	[dreg:$0x4] =	wrdreg $0x9  }
0xb7: {  	_ =	task.clear_ibuf [dreg:s7], $0x5FFFF;
	_ =	strace $0x9000004C  }
0xb8: {  	s29 =	simm.s32 $0x9;
	_ =	strace $0x8000004E  }
0xb9: {  	_ =	swait.ge [sflag:s29], $0x1  }
0xba: {  	[sflag:s29] =	ssyncadd.s32 $0xFFFFFFFF  }
0xbb: {  	_ =	strace $0x9000004E  }
0xbc: {  	_ =	sfence  }
0xbd: {  	s30 =	sld [smem:$0x0];
	_ =	sdelay $0x2  }
0xbe: {  	s31 =	sshll.u32 s1, $0xD;
	s1 =	sshrl.u32 s1, $0x2  }
0xbf: {  	s3 =	sand.u32 $0x4000, s31;
	s1 =	sadd.s32 s1, s30  }
0xc0: {  	s0 =	sor.u32 s3, s0;
	s1 =	sshll.u32 s1, $0x11  }
0xc1: {  	s0 =	sor.u32 s1, s0  }
0xc2: {  	s0 =	sadd.s32 $0x8F2B, s0  }
0xc3: {  	[sflag:s0] =	ssyncadd.remote.s32 $0x1  }
0xc4: {  	_ =	sfence.sel $0xFFFF  }
0xc5: {  	[dreg:$0x0] =	wrdreg $0xFFFFFFFF;
	(pc) =	sbr.abs _section_cstart, $3  }
0xc6: {  	[dreg:$0x1] =	wrdreg $0xFFFFFFFF  }
0xc7: {  	_ =	task.clear_ibuf [dreg:s7], $0x2FFFF;
	_ =	strace $0x9FFFFFFF  }
0xc8: {  	(tm) =	ssettm $0x7FFFFFFF  }
0xc9: {  	_ =	shalt  }
tec
execute0_lowered:
.L_overlay_start_1:
0x0: {  	(tag) =	ssettag $0x1  }
0x1: {  	s0 =	srdreg.scid;
	s7 =	rddreg [dreg:$0x0]  }
0x2: {  	s12 =	rddreg [dreg:$0x1];
	s2 =	simm.s32 $0x0;
	s15 =	simm.s32 $0x1480  }
0x3: {  	s16 =	simm.s32 $0x2900;
	s17 =	simm.s32 $0x3D80;
	s18 =	simm.s32 $0x5200  }
0x4: {  	s19 =	simm.s32 $0x0;
	s3 =	sand.u32 $0x1, s0;
	s0 =	stileid.u32  }
0x5: {  	[smem:$0x7FF] =	sst s2;
	s8 =	sadd.s32 $0x2A200, s12;
	s1 =	sshll.u32 s3, $0x4  }
0x6: {  	s9 =	sadd.s32 $0x20400, s12;
	s3 =	ssub.s32 $0x2, s3;
	s14 =	sor.u32 s0, s1  }
0x7: {  	s10 =	sadd.s32 $0x25300, s12;
	s5 =	sshrl.u32 s3, $0x1;
	s4 =	smul.u32 $0x1380, s14  }
0x8: {  	s1 =	rddreg [dreg:$0x2];
	_ =	strace $0x8000004D;
	s13 =	ssub.s32 s3, s5  }
0x9: {  	p0 =	sne.s32 s14, $0x1F;
	s14 =	simm.s32 $0x1;
	s4 =	sshrl.u32 s4, $0x3  }
0xa: {  	s13 =	smax.u32 s13, $0x1;
	s11 =	sadd.s32 s4, s12;
	s3 =	sadd.s32 s7, s4  }
0xb: {  	s7 =	sadd.s32 $0x4E00, s7;
	s12 =	sadd.s32 $0x6C00, s12;
	s4 =	sadd.s32 $0x25400, s11  }
0xc: {  	s5 =	sadd.s32 $0x1B600, s11;
	s6 =	sadd.s32 $0x20500, s11;
	s11 =	sadd.s32 $0x1E00, s11  }
.LBB2_1:
0xd: {  	[tilespmem:s2], [sflag:$0x1] =	stream.linear.gather [hbm4b:s3+s2], $0x1380, $0x38;
	[tilespmem:$0x6680] =	vst v63  }
0xe: {  	_ =	swait.ge [sflag:s14], $0x1380  }
0xf: {  	[sflag:s14] =	ssyncset.done $0x0  }
0x10: {  	[sflag:s14] =	ssyncadd.s32 $0xFFFFEC80  }
0x11: {  	[tilespmem:s15], [sflag:$0x1] =	stream.linear.gather [hbm4b:s4+s2], $0x1380, $0x38;
	[tilespmem:$0x6680] =	vst v63  }
0x12: {  	_ =	swait.ge [sflag:s14], $0x1380  }
0x13: {  	[sflag:s14] =	ssyncset.done $0x0  }
0x14: {  	[sflag:s14] =	ssyncadd.s32 $0xFFFFEC80  }
0x15: {  	[tilespmem:s16], [sflag:$0x1] =	stream.linear.gather [hbm4b:s5+s2], $0x1380, $0x38;
	[tilespmem:$0x6680] =	vst v63  }
0x16: {  	_ =	swait.ge [sflag:s14], $0x1380  }
0x17: {  	[sflag:s14] =	ssyncset.done $0x0  }
0x18: {  	[sflag:s14] =	ssyncadd.s32 $0xFFFFEC80  }
0x19: {  	[tilespmem:s17], [sflag:$0x1] =	stream.linear.gather [hbm4b:s6+s2], $0x1380, $0x38;
	[tilespmem:$0x6680] =	vst v63  }
0x1a: {  	_ =	swait.ge [sflag:s14], $0x1380  }
0x1b: {  	[sflag:s14] =	ssyncset.done $0x0  }
0x1c: {  	s21 =	simm.s32 @!p0 $0x0;
	s20 =	simm.s32 @!p0 $0x1380;
	[sflag:s14] =	ssyncadd.s32 $0xFFFFEC80  }
0x1d: {  	[tilespmem:s20], [sflag:$0x1] =	stream.linear.gather @!p0 [hbm4b:s7+s21], $0x100, $0x38;
	[tilespmem:$0x6680] =	vst v63  }
0x1e: {  	s20 =	simm.s32 @!p0 $0x1  }
0x1f: {  	_ =	swait.ge @!p0 [sflag:s20], $0x100  }
0x20: {  	[sflag:s20] =	ssyncset.done @!p0 $0x0  }
0x21: {  	s22 =	simm.s32 @!p0 $0x2800;
	[sflag:s20] =	ssyncadd.s32 @!p0 $0xFFFFFF00  }
0x22: {  	[tilespmem:s22], [sflag:$0x1] =	stream.linear.gather @!p0 [hbm4b:s8+s21], $0x100, $0x38;
	[tilespmem:$0x6680] =	vst v63  }
0x23: {  	_ =	swait.ge @!p0 [sflag:s20], $0x100  }
0x24: {  	[sflag:s20] =	ssyncset.done @!p0 $0x0  }
0x25: {  	s22 =	simm.s32 @!p0 $0x3C80;
	[sflag:s20] =	ssyncadd.s32 @!p0 $0xFFFFFF00  }
0x26: {  	[tilespmem:s22], [sflag:$0x1] =	stream.linear.gather @!p0 [hbm4b:s9+s21], $0x100, $0x38;
	[tilespmem:$0x6680] =	vst v63  }
0x27: {  	_ =	swait.ge @!p0 [sflag:s20], $0x100  }
0x28: {  	[sflag:s20] =	ssyncset.done @!p0 $0x0  }
0x29: {  	s22 =	simm.s32 @!p0 $0x5100;
	[sflag:s20] =	ssyncadd.s32 @!p0 $0xFFFFFF00  }
0x2a: {  	[tilespmem:s22], [sflag:$0x1] =	stream.linear.gather @!p0 [hbm4b:s10+s21], $0x100, $0x38;
	[tilespmem:$0x6680] =	vst v63  }
0x2b: {  	s22 =	simm.s32 @!p0 $0x148  }
0x2c: {  	s22 =	simm.s32 @p0 $0x138  }
0x2d: {  	p2 =	sne.s32 s22, $0x1  }
.Ltmp0:
0x2e: {  	_ =	swait.ge @!p0 [sflag:s20], $0x100;
	(pc) =	sbr.rel @!p2 .LBB2_2-.Ltmp0, $4  }
0x2f: {  	[sflag:s20] =	ssyncset.done @!p0 $0x0  }
0x30: {  	[sflag:s20] =	ssyncadd.s32 @!p0 $0xFFFFFF00  }
0x31: {  	v0 =	vld [tilespmem:s16+$0x0]  }
0x32: {  	p1 =	por $0x0, $0x0;
	s22 =	sadd.s32 $0xFFFFFFFF, s22;
	v1 =	vld [tilespmem:s17+$0x0]  }
0x33: {  	_ = 	snop  }
0x34: {  	v2 =	vld [tilespmem:s15+$0x0];
	_ =	sdelay $0x1  }
0x35: {  	v3 =	vld [tilespmem:s2+$0x0]  }
0x36: {  	v0 =	vadd.f32 v1, v0;
	_ =	sdelay $0x1  }
0x37: {  	v0 =	vmul.f32 v2, v0  }
0x38: {  	p2 =	sne.s32 s22, $0x1  }
.Ltmp1:
0x39: {  	v0 =	vadd.f32 v0, v3;
	(pc) =	sbr.rel @!p2 .LBB2_4-.Ltmp1, $4  }
0x3a: {  	_ = 	snop  }
0x3b: {  	s25 =	simm.s32 $0x2910;
	[tilespmem:s18+$0x0] =	vst v0  }
0x3c: {  	s26 =	simm.s32 $0x3D90;
	s28 =	sadd.s32 $0xFFFFFFFF, s22;
	p1 =	por $0x1, $0x1;
	v0 =	vld [tilespmem:s25+$0x0]  }
0x3d: {  	s24 =	simm.s32 $0x1480;
	s23 =	simm.s32 $0x0;
	s22 =	simm.s32 $0x5200;
	v1 =	vld [tilespmem:s26+$0x0]  }
.LBB2_5:
0x3e: {  	p2 =	sne.s32 s28, $0x1;
	s24 =	sadd.s32 $0x10, s24  }
0x3f: {  	v2 =	vld [tilespmem:s24+$0x0]  }
0x40: {  	s23 =	sadd.s32 $0x10, s23  }
0x41: {  	v3 =	vld [tilespmem:s23+$0x0]  }
0x42: {  	v0 =	vadd.f32 v1, v0;
	_ =	sdelay $0x1  }
0x43: {  	v0 =	vmul.f32 v2, v0;
	_ =	sdelay $0x1  }
.Ltmp2:
0x44: {  	v0 =	vadd.f32 v0, v3;
	(pc) =	sbr.rel @p2 .LBB2_5-.Ltmp2, $4  }
0x45: {  	s22 =	sadd.s32 $0x10, s22  }
0x46: {  	s25 =	sadd.s32 $0x10, s25;
	[tilespmem:s22+$0x0] =	vst v0  }
0x47: {  	s26 =	sadd.s32 $0x10, s26;
	v0 =	vld [tilespmem:s25+$0x0]  }
0x48: {  	s28 =	sadd.s32 $0xFFFFFFFF, s28;
	v1 =	vld [tilespmem:s26+$0x0]  }
.LBB2_6:
0x49: {  	s24 =	sadd.s32 @p1 $0x10, s24;
	s25 =	simm.s32 $0x1480  }
0x4a: {  	s25 =	smov.u32 @p1 s24  }
0x4b: {  	s23 =	sadd.s32 @p1 $0x10, s23;
	s24 =	simm.s32 $0x0;
	v2 =	vld [tilespmem:s25+$0x0]  }
0x4c: {  	s24 =	smov.u32 @p1 s23  }
0x4d: {  	v3 =	vld [tilespmem:s24+$0x0]  }
0x4e: {  	v0 =	vadd.f32 v1, v0;
	_ =	sdelay $0x1  }
0x4f: {  	v0 =	vmul.f32 v2, v0;
	_ =	sdelay $0x1  }
0x50: {  	s22 =	sadd.s32 @p1 $0x10, s22;
	s23 =	simm.s32 $0x5200;
	v0 =	vadd.f32 v0, v3  }
0x51: {  	s23 =	smov.u32 @p1 s22  }
0x52: {  	[tilespmem:s23+$0x0] =	vst v0  }
0x53: {  	[hbm4b:s11+s2] =	stream.linear.scatter [tilespmem:s18], [sflag:$0x1], $0x1380, $0x38;
	[tilespmem:$0x6680] =	vst v63  }
0x54: {  	_ =	swait.ge [sflag:s14], $0x1380  }
0x55: {  	s19 =	sadd.s32 $0x1, s19;
	[sflag:s14] =	ssyncset.done $0x0  }
0x56: {  	s22 =	simm.s32 @!p0 $0x6580;
	p1 =	sne.s32 s19, s13;
	[sflag:s14] =	ssyncadd.s32 $0xFFFFEC80  }
0x57: {  	[hbm4b:s12+s21] =	stream.linear.scatter @!p0 [tilespmem:s22], [sflag:$0x1], $0x100, $0x38;
	[tilespmem:$0x6680] =	vst v63  }
.Ltmp3:
0x58: {  	_ = 	snop;
	(pc) =	sbr.rel @p1 .LBB2_1-.Ltmp3, $4  }
.Ltmp4:
0x59: {  	_ = 	snop;
	(pc) =	sbr.rel @!p1 .LBB2_7-.Ltmp4, $4  }
0x5a: {  	_ =	swait.ge @!p0 [sflag:s20], $0x100  }
0x5b: {  	[sflag:s20] =	ssyncset.done @!p0 $0x0  }
0x5c: {  	[sflag:s20] =	ssyncadd.s32 @!p0 $0xFFFFFF00  }
0x5d: {  	_ = 	snop  }
.LBB2_2:
.Ltmp5:
0x5e: {  	(pc) =	sbr.rel .LBB2_6-.Ltmp5, $2  }
0x5f: {  	_ =	sdelay $0x2  }
0x60: {  	s24 =	simm.s32 $0x1480;
	s23 =	simm.s32 $0x0;
	s22 =	simm.s32 $0x5200  }
.LBB2_4:
.Ltmp6:
0x61: {  	(pc) =	sbr.rel .LBB2_6-.Ltmp6, $2  }
0x62: {  	_ =	sdelay $0x2  }
0x63: {  	s24 =	simm.s32 $0x1480;
	s23 =	simm.s32 $0x0;
	s22 =	simm.s32 $0x5200  }
.LBB2_7:
0x64: {  	_ =	sfence.sel $0x180000  }
0x65: {  	[bflag:$0x0] =	sbarrier.arrive $0xFFFF  }
0x66: {  	p0 =	sne.s32 s0, $0x0;
	_ =	strace $0x9000004D  }
0x67: {  	s0 =	sadd.s32 @!p0 $0x100000, s1;
	[bflag:$0x2] =	sbarrier.arrive $0xFFFF  }
0x68: {  	[sflag:s0] =	ssyncadd.tile.s32 @!p0 $0x1;
	_ =	shalt  }
.Lfunc_end2:
_tile_overlayer_lowered:
.L_overlay_start_2:
0x69: {  	(tag) =	ssettag $0x2  }
0x6a: {  	s0 =	rddreg [dreg:$0x0];
	s2 =	stileid.u32  }
0x6b: {  	s1 =	rddreg [dreg:$0x1];
	p0 =	sne.s32 s2, $0x0  }
0x6c: {  	s3 =	rddreg [dreg:$0x2];
	[bflag:$0x3] =	sbarrier.arrive $0xFFFF;
	s2 =	simm.s32 @!p0 $0x1C01  }
0x6d: {  	[timem:s3], [sflag:s2] =	dma.local @!p0 [hbm:s0], s1  }
0x6e: {  	s0 =	simm.s32 @!p0 $0x1  }
0x6f: {  	_ =	swait.ge @!p0 [sflag:s0], s1  }
0x70: {  	s1 =	ssub.s32 @!p0 $0x0, s1;
	[sflag:s0] =	ssyncset.done @!p0 $0x0  }
0x71: {  	[sflag:s0] =	ssyncadd.s32 @!p0 s1  }
0x72: {  	[bflag:$0x3] =	sbarrier.arrive $0xFFFF  }
0x73: {  	_ =	shalt  }

// kernel: kernel.6.cloned.1.call-start
scs
__scs_entry_jumppad:
0x0: {  	(pc) =	sbr.rel $0x88, $3  }
0x1: {  	(tag) =	ssettag $0x0;
	lr =	simm.s32 $0x1  }
0x2: {  	[smem:$0x3F99] =	sst lr;
	_ =	strace $0xD0000000  }
0x3: {  	_ = 	snop  }
0x4: {  	_ = 	snop  }
0x5: {  	_ = 	snop  }
0x6: {  	_ = 	snop  }
0x7: {  	_ = 	snop  }
__scs_overlays_trampoline_lowered:
0x8: {  	[smem:$0x3FA8] =	sst s0  }
0x9: {  	[smem:$0x3FA9] =	sst s1  }
0xa: {  	[smem:$0x3FAA] =	sst s2  }
0xb: {  	[smem:$0x3FAB] =	sst s3  }
0xc: {  	[smem:$0x3FAC] =	sst s4  }
0xd: {  	[smem:$0x3FAD] =	sst s5  }
0xe: {  	[smem:$0x3FAE] =	sst s6  }
0xf: {  	[smem:$0x3FAF] =	sst s7  }
0x10: {  	[smem:$0x3FB0] =	sst s8  }
0x11: {  	[smem:$0x3FB1] =	sst s9;
	s0 =	simm.s32 @!p0 $0x0  }
0x12: {  	s1 =	sld [smem:$0x3F97];
	s0 =	simm.s32 @p0 $0x1  }
0x13: {  	[smem:$0x3FB2] =	sst s0;
	s0 =	simm.s32 @!p1 $0x0  }
0x14: {  	s2 =	sld [smem:$0x3F96];
	s0 =	simm.s32 @p1 $0x1  }
0x15: {  	[smem:$0x3FB3] =	sst s0;
	s0 =	simm.s32 @!p2 $0x0  }
0x16: {  	s3 =	sld [smem:$0x3FDB];
	s0 =	simm.s32 @p2 $0x1  }
0x17: {  	s4 =	simm.s32 $0x1BF5;
	[smem:$0x3FB5] =	sst s0  }
0x18: {  	s0 =	sld [smem:$0x3F98];
	_ =	swait.ge [sflag:s4], $0x0  }
0x19: {  	s7 =	sld [smem:$0x3F99]  }
0x1a: {  	s8 =	sadd.s32 $0xFFFFE003, lr  }
0x1b: {  	s9 =	sadd.s32 $0xFFFFFEF7, lr;
	s5 =	simm.s32 $0xFFFFFFFF;
	p2 =	slt.u32 s8, $0xFFFFF086  }
0x1c: {  	p1 =	slt.u32 s9, $0xF7A;
	s5 =	simm.s32 @!p2 $0x0  }
0x1d: {  	s5 =	simm.s32 @p1 $0x1;
	p0 =	seq.s32 s7, s2  }
0x1e: {  	s7 =	smul.u32 @!p0 $0xF7A, s2;
	p2 =	seq.s32 @!p0 s5, $0x0  }
0x1f: {  	s9 =	smul.u32 $0xF7A, s1;
	s8 =	simm.s32 @!p0 $0x1BF5;
	p2 =	por !p2, p0  }
0x20: {  	[sflag:s8] =	ssyncset.s32 @!p0 $0xFFFFF086;
	s6 =	sadd.s32 @!p0 s3, s7;
	s7 =	simm.s32 @!p0 $0x108  }
0x21: {  	s3 =	sadd.s32 s3, s9;
	s6 =	sadd.s32 @!p0 $0x88, s6;
	s7 =	simm.s32 @p2 $0x1082  }
0x22: {  	[simem:s7], [sflag:s8] =	dma.local @!p0 [hbm:s6], $0xF7A  }
0x23: {  	s9 =	sor.u32 $0xD0000000, s2;
	s6 =	simm.s32 $0x108;
	_ =	swait.ge @!p0 [sflag:s8], $0x0  }
0x24: {  	s3 =	sadd.s32 $0x88, s3;
	s6 =	simm.s32 @!p1 $0x1082;
	[sflag:s4] =	ssyncset.s32 $0xFFFFF086  }
0x25: {  	[simem:s6], [sflag:s4] =	dma.local [hbm:s3], $0xF7A  }
0x26: {  	[smem:$0x3F99] =	sst s1;
	(tag) =	ssettag s2;
	_ =	strace s9  }
0x27: {  	s1 =	sld [smem:$0x3FA9]  }
0x28: {  	s2 =	sld [smem:$0x3FAA]  }
0x29: {  	s4 =	sld [smem:$0x3FAC]  }
0x2a: {  	p0 =	seq.s32 s5, $0x0;
	s5 =	sld [smem:$0x3FAD]  }
0x2b: {  	s6 =	sld [smem:$0x3FAE]  }
0x2c: {  	s7 =	sld [smem:$0x3FAF]  }
0x2d: {  	s3 =	simm.s32 $0x108;
	s8 =	sld [smem:$0x3FB0]  }
0x2e: {  	s3 =	simm.s32 @!p0 $0x1082;
	s9 =	sld [smem:$0x3FB1]  }
0x2f: {  	lr =	sadd.s32 s0, s3;
	s0 =	sld [smem:$0x3FA8]  }
0x30: {  	s3 =	sld [smem:$0x3FAB]  }
0x31: {  	[smem:$0x3FB4] =	sst s10  }
0x32: {  	s10 =	sld [smem:$0x3FB2];
	_ =	sdelay $0x3  }
0x33: {  	p0 =	seq.s32 s10, $0x1;
	s10 =	sld [smem:$0x3FB4];
	_ =	sdelay $0x3  }
0x34: {  	[smem:$0x3FB4] =	sst s10  }
0x35: {  	s10 =	sld [smem:$0x3FB3];
	_ =	sdelay $0x3  }
0x36: {  	p1 =	seq.s32 s10, $0x1;
	s10 =	sld [smem:$0x3FB4];
	_ =	sdelay $0x3  }
0x37: {  	[smem:$0x3FB4] =	sst s10  }
0x38: {  	s10 =	sld [smem:$0x3FB5]  }
0x39: {  	_ = 	snop;
	(pc) =	sbr.ind lr, $3  }
0x3a: {  	_ = 	snop  }
0x3b: {  	_ = 	snop  }
0x3c: {  	p2 =	seq.s32 s10, $0x1;
	s10 =	sld [smem:$0x3FB4]  }
0x3d: {  	_ =	shalt  }
0x3e: {  	_ =	shalt  }
0x3f: {  	_ =	shalt  }
0x40: {  	_ =	shalt  }
0x41: {  	_ =	shalt  }
0x42: {  	_ =	shalt  }
0x43: {  	_ =	shalt  }
0x44: {  	_ =	shalt  }
0x45: {  	_ =	shalt  }
0x46: {  	_ =	shalt  }
0x47: {  	_ =	shalt  }
0x48: {  	_ =	shalt  }
0x49: {  	_ =	shalt  }
0x4a: {  	_ =	shalt  }
0x4b: {  	_ =	shalt  }
0x4c: {  	_ =	shalt  }
0x4d: {  	_ =	shalt  }
0x4e: {  	_ =	shalt  }
0x4f: {  	_ =	shalt  }
0x50: {  	_ =	shalt  }
0x51: {  	_ =	shalt  }
0x52: {  	_ =	shalt  }
0x53: {  	_ =	shalt  }
0x54: {  	_ =	shalt  }
0x55: {  	_ =	shalt  }
0x56: {  	_ =	shalt  }
0x57: {  	_ =	shalt  }
0x58: {  	_ =	shalt  }
0x59: {  	_ =	shalt  }
0x5a: {  	_ =	shalt  }
0x5b: {  	_ =	shalt  }
0x5c: {  	_ =	shalt  }
0x5d: {  	_ =	shalt  }
0x5e: {  	_ =	shalt  }
0x5f: {  	_ =	shalt  }
0x60: {  	_ =	shalt  }
0x61: {  	_ =	shalt  }
0x62: {  	_ =	shalt  }
0x63: {  	_ =	shalt  }
0x64: {  	_ =	shalt  }
0x65: {  	_ =	shalt  }
0x66: {  	_ =	shalt  }
0x67: {  	_ =	shalt  }
0x68: {  	_ =	shalt  }
0x69: {  	_ =	shalt  }
0x6a: {  	_ =	shalt  }
0x6b: {  	_ =	shalt  }
0x6c: {  	_ =	shalt  }
0x6d: {  	_ =	shalt  }
0x6e: {  	_ =	shalt  }
0x6f: {  	_ =	shalt  }
0x70: {  	_ =	shalt  }
0x71: {  	_ =	shalt  }
0x72: {  	_ =	shalt  }
0x73: {  	_ =	shalt  }
0x74: {  	_ =	shalt  }
0x75: {  	_ =	shalt  }
0x76: {  	_ =	shalt  }
0x77: {  	_ =	shalt  }
0x78: {  	_ =	shalt  }
0x79: {  	_ =	shalt  }
0x7a: {  	_ =	shalt  }
0x7b: {  	_ =	shalt  }
0x7c: {  	_ =	shalt  }
0x7d: {  	_ =	shalt  }
0x7e: {  	_ =	shalt  }
0x7f: {  	_ =	shalt  }
0x80: {  	_ =	shalt  }
0x81: {  	_ =	shalt  }
0x82: {  	_ =	shalt  }
0x83: {  	_ =	shalt  }
0x84: {  	_ =	shalt  }
0x85: {  	_ =	shalt  }
0x86: {  	_ =	shalt  }
0x87: {  	_ =	shalt  }
.Lfunc_end0:
.L_simem_size_0:
called_computation_lowered:
.L_overlay_start_0:
0x88: {  	s2 =	sld [smem:$0x3FD9]  }
0x89: {  	s3 =	sld [smem:$0x3FFE];
	_ =	sdelay $0x1  }
0x8a: {  	s1 =	srdreg.scid  }
0x8b: {  	s0 =	sand.u32 $0x1, s1  }
0x8c: {  	s14 =	sshll.u32 s0, $0xA;
	s2 =	sadd.s32 s3, s2  }
0x8d: {  	s2 =	sadd.s32 s2, s14  }
0x8e: {  	[smem:$0x3FC0] =	sst s2  }
0x8f: {  	_ = 	snop  }
0x90: {  	s2 =	sld [smem:$0x3FD0];
	_ =	sdelay $0x2  }
0x91: {  	s4 =	simm.s32 $0xA;
	s5 =	simm.s32 $0x10;
	s15 =	sld [smem:$0x3FC9]  }
0x92: {  	[smem:s5], [sflag:s4] =	dma.local [hbm:s2], $0x1  }
0x93: {  	_ =	swait.eq [sflag:s4], $0x1  }
0x94: {  	[sflag:s4] =	ssyncset.done $0x0  }
0x95: {  	s16 =	sld [smem:$0x10];
	[sflag:s4] =	ssyncadd.s32 $0xFFFFFFFF  }
0x96: {  	s17 =	sld [smem:$0x12];
	(tm) =	ssettm $0x1  }
0x97: {  	s18 =	sld [smem:$0x3FFB];
	_ =	sdelay $0x3  }
0x98: {  	_ =	strace s18  }
0x99: {  	s5 =	sld [smem:$0x3FFC];
	_ =	sdelay $0x3  }
0x9a: {  	_ =	strace s5  }
0x9b: {  	s5 =	sld [smem:$0x3FFD];
	_ =	sdelay $0x3  }
0x9c: {  	_ =	strace s5  }
0x9d: {  	_ =	strace $0x8FFFFFFF  }
0x9e: {  	s19 =	sld [smem:$0x3FDB];
	_ =	sdelay $0x1  }
0x9f: {  	s6 =	simm.s32 $_scs_section_size  }
0xa0: {  	s7 =	simm.s32 $_size__tile_overlayer_lowered;
	s8 =	simm.s32 $_tile_overlayer_lowered  }
0xa1: {  	s22 =	simm.s32 $0x1BFF;
	s21 =	sshll.u32 s8, $0x1;
	s5 =	sadd.s32 s6, s19  }
0xa2: {  	s9 =	simm.s32 $0x0;
	s20 =	sshll.u32 s7, $0x1;
	s7 =	sadd.s32 s21, s5  }
0xa3: {  	[timem:s9], [sflag:s22] =	dma.local [hbm:s7], s20  }
0xa4: {  	_ =	swait.ge [sflag:s22], s20  }
0xa5: {  	s6 =	ssub.s32 $0x0, s20;
	[sflag:s22] =	ssyncset.done $0x0  }
0xa6: {  	[sflag:s22] =	ssyncadd.s32 s6;
	_ =	sdelay $0x1  }
0xa7: {  	s23 =	simm.s32 $0x1B8B  }
0xa8: {  	_ =	swait.ge [sflag:s23], $0x1  }
0xa9: {  	[sflag:s23] =	ssyncset.done $0x0  }
0xaa: {  	s25 =	simm.s32 $0x1B8E;
	s24 =	sld [smem:$0x3FFE];
	[sflag:s23] =	ssyncadd.s32 $0xFFFFFFFF  }
0xab: {  	s26 =	simm.s32 $execute0_lowered;
	[smem:$0x3FD2] =	sst s25  }
0xac: {  	s7 =	sshll.u32 s26, $0x1;
	_ =	strace $0x80000046;
	[dreg:$0x1] =	wrdreg $0xFFFFFFFF  }
0xad: {  	s28 =	simm.s32 $_size_execute0_lowered;
	s5 =	sadd.s32 s5, s7;
	[dreg:$0x0] =	wrdreg $0x0  }
0xae: {  	s7 =	sshll.u32 s28, $0x1;
	[dreg:$0x2] =	wrdreg s5  }
0xaf: {  	[dreg:$0x3] =	wrdreg s7  }
0xb0: {  	[dreg:$0x4] =	wrdreg $0xC0  }
0xb1: {  	_ =	task [dreg:s9], $0x5FFFF  }
0xb2: {  	[dreg:$0x1] =	wrdreg $0xFFFFFFFF  }
0xb3: {  	[dreg:$0x0] =	wrdreg $0x60  }
0xb4: {  	[dreg:$0x2] =	wrdreg s15  }
0xb5: {  	[dreg:$0x3] =	wrdreg s24  }
0xb6: {  	[dreg:$0x4] =	wrdreg s17  }
0xb7: {  	[dreg:$0x5] =	wrdreg s16  }
0xb8: {  	[dreg:$0x6] =	wrdreg $0x9E200  }
0xb9: {  	[dreg:$0x7] =	wrdreg $0x1DCA00  }
0xba: {  	[dreg:$0x8] =	wrdreg $0x9  }
0xbb: {  	_ =	task.clear_ibuf [dreg:s9], $0x9FFFF;
	_ =	strace $0x90000046  }
0xbc: {  	s29 =	simm.s32 $0x9;
	_ =	strace $0x80000048  }
0xbd: {  	_ =	swait.ge [sflag:s29], $0x1  }
0xbe: {  	[sflag:s29] =	ssyncadd.s32 $0xFFFFFFFF  }
0xbf: {  	_ =	strace $0x90000048  }
0xc0: {  	_ =	sfence  }
0xc1: {  	s30 =	sld [smem:$0x0];
	_ =	sdelay $0x2  }
0xc2: {  	s31 =	sshll.u32 s1, $0xD;
	s1 =	sshrl.u32 s1, $0x2  }
0xc3: {  	s3 =	sand.u32 $0x4000, s31;
	s1 =	sadd.s32 s1, s30  }
0xc4: {  	s0 =	sor.u32 s3, s0;
	s1 =	sshll.u32 s1, $0x11  }
0xc5: {  	s0 =	sor.u32 s1, s0  }
0xc6: {  	s0 =	sadd.s32 $0x8F2B, s0  }
0xc7: {  	[sflag:s0] =	ssyncadd.remote.s32 $0x1  }
0xc8: {  	_ =	sfence.sel $0xFFFF  }
0xc9: {  	[dreg:$0x0] =	wrdreg $0xFFFFFFFF;
	(pc) =	sbr.abs _section_cstart, $3  }
0xca: {  	[dreg:$0x1] =	wrdreg $0xFFFFFFFF  }
0xcb: {  	_ =	task.clear_ibuf [dreg:s9], $0x2FFFF;
	_ =	strace $0x9FFFFFFF  }
0xcc: {  	(tm) =	ssettm $0x7FFFFFFF  }
0xcd: {  	_ =	shalt  }
tec
execute0_lowered:
.L_overlay_start_1:
0x0: {  	(tag) =	ssettag $0x1  }
0x1: {  	s0 =	rddreg [dreg:$0x0]  }
0x2: {  	s3 =	rddreg [dreg:$0x1]  }
0x3: {  	s1 =	srdreg.scid;
	s14 =	rddreg [dreg:$0x3]  }
0x4: {  	s26 =	stileid.u32;
	s4 =	rddreg [dreg:$0x4]  }
0x5: {  	s20 =	simm.s32 $0x1;
	s21 =	simm.s32 $0x50;
	s22 =	simm.s32 $0x4E20  }
0x6: {  	s23 =	simm.s32 $0x7620;
	s24 =	simm.s32 $0x4;
	s25 =	simm.s32 $0x2  }
0x7: {  	s28 =	simm.s32 $0x3;
	s29 =	simm.s32 $0x0;
	s12 =	smul.u32 $0x13C00, s26  }
0x8: {  	s9 =	sand.u32 $0x1, s1;
	s8 =	sadd.s32 $0x15E00, s3;
	s16 =	smul.u32 $0x13C0, s26  }
0x9: {  	s5 =	sshll.u32 s9, $0x4;
	s10 =	smul.u32 $0x13C000, s9;
	s13 =	ssub.s32 $0x2, s9  }
0xa: {  	s30 =	smul.u32 $0x13C00, s9;
	s6 =	sor.u32 s26, s5;
	s5 =	rddreg [dreg:$0x5]  }
0xb: {  	s15 =	sshrl.u32 s13, $0x1;
	s17 =	sadd.s32 s12, s4;
	s7 =	smul.u32 $0x4E2, s6  }
0xc: {  	s6 =	simm.s32 $0x0;
	s10 =	sadd.s32 s12, s10;
	s15 =	ssub.s32 s13, s15  }
0xd: {  	s18 =	sadd.s32 s16, s30;
	s19 =	sadd.s32 s16, s5;
	s16 =	simm.s32 $0x2710  }
0xe: {  	s17 =	sshrl.u32 s17, $0x3;
	[smem:$0x7FF] =	sst s6;
	s10 =	sshrl.u32 s10, $0x3  }
0xf: {  	s31 =	sshrl.u32 s18, $0x3;
	s15 =	smax.u32 s15, $0x1;
	s18 =	sshrl.u32 s19, $0x3  }
0x10: {  	s19 =	simm.s32 $0x1DA20;
	_ =	strace $0x80000047;
	s11 =	sadd.s32 s7, s3  }
0x11: {  	s7 =	sadd.s32 $0x15A00, s3;
	s3 =	sadd.s32 s10, s3;
	s14 =	sadd.s32 s14, s31  }
0x12: {  	s9 =	sadd.s32 $0xBC00, s11;
	s10 =	sadd.s32 $0x1E00, s11;
	s11 =	sshll.u32 s26, $0x6  }
0x13: {  	s13 =	sadd.s32 $0x16000, s3;
	s26 =	simm.s32 $0x4DD0;
	s12 =	sor.u32 $0x1C01, s11  }
.LBB2_1:
0x14: {  	[tilespmem:s6], [sflag:$0x1] =	stream.linear.gather [hbm4b:s9+s6], $0x2710, $0x38;
	[tilespmem:$0x1F060] =	vst v63  }
0x15: {  	s1 =	rddreg [dreg:$0x2]  }
0x16: {  	[tilespmem:s16], [sflag:$0x1] =	stream.linear.gather [hbm4b:s10+s6], $0x2710, $0x38;
	[tilespmem:$0x1F060] =	vst v63  }
0x17: {  	[spmem:s17], [sflag:s12] =	dma.local [hbm:s1], $0x2780  }
0x18: {  	[spmem:s18], [sflag:s12] =	dma.local [hbm:s7], $0x278  }
0x19: {  	[tilespmem:s19], [sflag:$0x1] =	stream.linear.gather [hbm4b:s8+s6], $0x280, $0x38;
	[tilespmem:$0x1F060] =	vst v63  }
0x1a: {  	_ =	swait.ge [sflag:s20], $0x2710  }
0x1b: {  	[sflag:s20] =	ssyncset.done $0x0  }
0x1c: {  	[sflag:s20] =	ssyncadd.s32 $0xFFFFD8F0  }
0x1d: {  	_ =	swait.ge [sflag:s20], $0x2710  }
0x1e: {  	[sflag:s20] =	ssyncset.done $0x0  }
0x1f: {  	[sflag:s20] =	ssyncadd.s32 $0xFFFFD8F0  }
0x20: {  	_ =	swait.ge [sflag:s20], $0x2780  }
0x21: {  	[sflag:s20] =	ssyncset.done $0x0  }
0x22: {  	[sflag:s20] =	ssyncadd.s32 $0xFFFFD880  }
0x23: {  	_ =	swait.ge [sflag:s20], $0x278  }
0x24: {  	[sflag:s20] =	ssyncset.done $0x0  }
0x25: {  	[sflag:s20] =	ssyncadd.s32 $0xFFFFFD88  }
0x26: {  	_ =	swait.ge [sflag:s20], $0x280  }
0x27: {  	[sflag:s20] =	ssyncset.done $0x0  }
0x28: {  	[sflag:s20] =	ssyncadd.s32 $0xFFFFFD80  }
0x29: {  	[bflag:$0x0] =	sbarrier.arrive $0xFFFF  }
0x2a: {  	[tilespmem:s22], [sflag:$0x1] =	stream.indirect.gather [hbm4b:s0+s21], $0x80, s6, s21, $0xb8;
	[tilespmem:$0x1F060] =	vst v63  }
0x2b: {  	s3 =	simm.s32 $0x50  }
0x2c: {  	[tilespmem:s23], [sflag:$0x2] =	stream.indirect.gather [hbm4b:s0+s21], $0x80, s3, s21, $0xb8;
	[tilespmem:$0x1F060] =	vst v63  }
0x2d: {  	_ =	swait.ge [sflag:s20], $0x2800  }
0x2e: {  	[sflag:s20] =	ssyncset.done $0x0  }
0x2f: {  	s1 =	simm.s32 $0x2710;
	[sflag:s20] =	ssyncadd.s32 $0xFFFFD800  }
0x30: {  	[spmem:s4] =	stream.indirect.scatter.add.f32 [tilespmem:s22], [sflag:$0x4], $0x80, s1, s21, $0xb8;
	[tilespmem:$0x1F060] =	vst v63  }
0x31: {  	_ =	swait.ge [sflag:s24], $0x2800  }
0x32: {  	[sflag:s24] =	ssyncset.done $0x0  }
0x33: {  	[sflag:s24] =	ssyncadd.s32 $0xFFFFD800  }
0x34: {  	[spmem:s5] =	stream.indirect.scatter.add.f32 [tilespmem:s19], [sflag:$0x3], $0x8, s1, s21, $0xb8;
	[tilespmem:$0x1F060] =	vst v63  }
0x35: {  	s2 =	simm.s32 $0xA0  }
0x36: {  	[tilespmem:s22], [sflag:$0x1] =	stream.indirect.gather [hbm4b:s0+s21], $0x80, s2, s21, $0xb8;
	[tilespmem:$0x1F060] =	vst v63  }
0x37: {  	_ =	swait.ge [sflag:s25], $0x2800  }
0x38: {  	[sflag:s25] =	ssyncset.done $0x0  }
0x39: {  	s31 =	simm.s32 $0x2760;
	[sflag:s25] =	ssyncadd.s32 $0xFFFFD800  }
0x3a: {  	[spmem:s4] =	stream.indirect.scatter.add.f32 [tilespmem:s23], [sflag:$0x4], $0x80, s31, s21, $0xb8;
	[tilespmem:$0x1F060] =	vst v63  }
0x3b: {  	_ =	swait.ge [sflag:s24], $0x2800  }
0x3c: {  	[sflag:s24] =	ssyncset.done $0x0  }
0x3d: {  	s30 =	simm.s32 $0xA0;
	s3 =	simm.s32 $0x500;
	[sflag:s24] =	ssyncadd.s32 $0xFFFFD800  }
.LBB2_2:
0x3e: {  	[spmem:s5] =	stream.indirect.scatter.add.f32 [tilespmem:s19], [sflag:$0x3], $0x8, s31, s21, $0xb8;
	[tilespmem:$0x1F060] =	vst v63  }
0x3f: {  	s31 =	smov.u32 s3  }
0x40: {  	s2 =	sadd.s32 $0x280, s3;
	s1 =	sshra.s32 s31, $0x2;
	s31 =	sadd.s32 $0x50, s30  }
0x41: {  	[tilespmem:s23], [sflag:$0x2] =	stream.indirect.gather [hbm4b:s0+s21], $0x80, s31, s21, $0xb8;
	[tilespmem:$0x1F060] =	vst v63  }
0x42: {  	p0 =	sne.s32 s3, $0x9880;
	_ =	swait.ge [sflag:s20], $0x2800  }
0x43: {  	[sflag:s20] =	ssyncset.done $0x0  }
0x44: {  	s3 =	sadd.s32 $0x2710, s30;
	[sflag:s20] =	ssyncadd.s32 $0xFFFFD800  }
0x45: {  	[spmem:s4] =	stream.indirect.scatter.add.f32 [tilespmem:s22], [sflag:$0x4], $0x80, s3, s21, $0xb8;
	[tilespmem:$0x1F060] =	vst v63  }
0x46: {  	_ =	swait.ge [sflag:s24], $0x2800  }
0x47: {  	[sflag:s24] =	ssyncset.done $0x0  }
0x48: {  	[sflag:s24] =	ssyncadd.s32 $0xFFFFD800  }
0x49: {  	[spmem:s5] =	stream.indirect.scatter.add.f32 [tilespmem:s19], [sflag:$0x3], $0x8, s3, s21, $0xb8;
	[tilespmem:$0x1F060] =	vst v63  }
0x4a: {  	s3 =	sadd.s32 $0xA0, s30  }
0x4b: {  	[tilespmem:s22], [sflag:$0x1] =	stream.indirect.gather [hbm4b:s0+s21], $0x80, s3, s21, $0xb8;
	[tilespmem:$0x1F060] =	vst v63  }
0x4c: {  	_ =	swait.ge [sflag:s25], $0x2800  }
0x4d: {  	[sflag:s25] =	ssyncset.done $0x0  }
.Ltmp0:
0x4e: {  	s31 =	sadd.s32 $0x2760, s30;
	[sflag:s25] =	ssyncadd.s32 $0xFFFFD800;
	(pc) =	sbr.rel @p0 .LBB2_2-.Ltmp0, $4  }
0x4f: {  	[spmem:s4] =	stream.indirect.scatter.add.f32 [tilespmem:s23], [sflag:$0x4], $0x80, s31, s21, $0xb8;
	[tilespmem:$0x1F060] =	vst v63  }
0x50: {  	s30 =	smov.u32 s1;
	_ =	swait.ge [sflag:s24], $0x2800  }
0x51: {  	[sflag:s24] =	ssyncset.done $0x0  }
0x52: {  	s3 =	smov.u32 s2;
	[sflag:s24] =	ssyncadd.s32 $0xFFFFD800  }
0x53: {  	[spmem:s5] =	stream.indirect.scatter.add.f32 [tilespmem:s19], [sflag:$0x3], $0x8, s31, s21, $0xb8;
	[tilespmem:$0x1F060] =	vst v63  }
0x54: {  	s1 =	sadd.s32 $0x50, s30  }
0x55: {  	[tilespmem:s23], [sflag:$0x2] =	stream.indirect.gather [hbm4b:s0+s21], $0x80, s1, s21, $0xb8;
	[tilespmem:$0x1F060] =	vst v63  }
0x56: {  	_ =	swait.ge [sflag:s20], $0x2800  }
0x57: {  	[sflag:s20] =	ssyncset.done $0x0  }
0x58: {  	s2 =	sadd.s32 $0x2710, s30;
	[sflag:s20] =	ssyncadd.s32 $0xFFFFD800  }
0x59: {  	[spmem:s4] =	stream.indirect.scatter.add.f32 [tilespmem:s22], [sflag:$0x4], $0x80, s2, s21, $0xb8;
	[tilespmem:$0x1F060] =	vst v63  }
0x5a: {  	_ =	swait.ge [sflag:s24], $0x2800  }
0x5b: {  	[sflag:s24] =	ssyncset.done $0x0  }
0x5c: {  	[sflag:s24] =	ssyncadd.s32 $0xFFFFD800  }
0x5d: {  	[spmem:s5] =	stream.indirect.scatter.add.f32 [tilespmem:s19], [sflag:$0x3], $0x8, s2, s21, $0xb8;
	[tilespmem:$0x1F060] =	vst v63  }
0x5e: {  	s3 =	sadd.s32 $0xA0, s30  }
0x5f: {  	[tilespmem:s22], [sflag:$0x1] =	stream.indirect.gather [hbm4b:s0+s21], $0x80, s3, s21, $0xb8;
	[tilespmem:$0x1F060] =	vst v63  }
0x60: {  	_ =	swait.ge [sflag:s25], $0x2800  }
0x61: {  	[sflag:s25] =	ssyncset.done $0x0  }
0x62: {  	s31 =	sadd.s32 $0x2760, s30;
	[sflag:s25] =	ssyncadd.s32 $0xFFFFD800  }
0x63: {  	[spmem:s4] =	stream.indirect.scatter.add.f32 [tilespmem:s23], [sflag:$0x4], $0x80, s31, s21, $0xb8;
	[tilespmem:$0x1F060] =	vst v63  }
0x64: {  	_ =	swait.ge [sflag:s24], $0x2800  }
0x65: {  	[sflag:s24] =	ssyncset.done $0x0  }
0x66: {  	[sflag:s24] =	ssyncadd.s32 $0xFFFFD800  }
0x67: {  	[spmem:s5] =	stream.indirect.scatter.add.f32 [tilespmem:s19], [sflag:$0x3], $0x8, s31, s21, $0xb8;
	[tilespmem:$0x1F060] =	vst v63  }
0x68: {  	_ =	swait.ge [sflag:s20], $0x2800  }
0x69: {  	[sflag:s20] =	ssyncset.done $0x0  }
0x6a: {  	[sflag:s20] =	ssyncadd.s32 $0xFFFFD800  }
0x6b: {  	[spmem:s4] =	stream.indirect.scatter.add.f32 [tilespmem:s22], [sflag:$0x4], $0x80, s26, s21, $0xb8;
	[tilespmem:$0x1F060] =	vst v63  }
0x6c: {  	_ =	swait.ge [sflag:s24], $0x2800  }
0x6d: {  	[sflag:s24] =	ssyncset.done $0x0  }
0x6e: {  	[sflag:s24] =	ssyncadd.s32 $0xFFFFD800  }
0x6f: {  	[spmem:s5] =	stream.indirect.scatter.add.f32 [tilespmem:s19], [sflag:$0x3], $0x8, s26, s21, $0xb8;
	[tilespmem:$0x1F060] =	vst v63  }
0x70: {  	_ =	swait.ge [sflag:s28], $0x280  }
0x71: {  	s3 =	simm.s32 $0x7C;
	[sflag:s28] =	ssyncset.done $0x0  }
.LBB2_4:
0x72: {  	p0 =	sne.s32 s3, $0x1;
	s3 =	sadd.s32 $0xFFFFFFFF, s3;
	[sflag:s28] =	ssyncadd.s32 $0xFFFFFD80  }
.Ltmp1:
0x73: {  	(pc) =	sbr.rel @p0 .LBB2_4-.Ltmp1, $3  }
0x74: {  	_ =	sdelay $0x1  }
0x75: {  	_ =	swait.ge [sflag:s28], $0x280  }
0x76: {  	[sflag:s28] =	ssyncset.done $0x0  }
0x77: {  	[sflag:s28] =	ssyncadd.s32 $0xFFFFFD80  }
0x78: {  	s1 =	sor.u32 $0x1C04, s11;
	[bflag:$0x0] =	sbarrier.arrive $0xFFFF  }
0x79: {  	[hbm:s13], [sflag:s1] =	dma.local [spmem:s17], $0x2780  }
0x7a: {  	s29 =	sadd.s32 $0x1, s29;
	_ =	swait.ge [sflag:s24], $0x2780  }
0x7b: {  	p0 =	sne.s32 s29, s15;
	[sflag:s24] =	ssyncset.done $0x0  }
.Ltmp2:
0x7c: {  	[sflag:s24] =	ssyncadd.s32 $0xFFFFD880;
	(pc) =	sbr.rel @p0 .LBB2_1-.Ltmp2, $4  }
0x7d: {  	[hbm:s14], [sflag:s1] =	dma.local [spmem:s18], $0x278  }
0x7e: {  	_ =	swait.ge [sflag:s24], $0x278  }
0x7f: {  	[sflag:s24] =	ssyncset.done $0x0  }
0x80: {  	[sflag:s24] =	ssyncadd.s32 $0xFFFFFD88  }
0x81: {  	_ =	sfence.sel $0x180000  }
0x82: {  	[bflag:$0x0] =	sbarrier.arrive $0xFFFF  }
0x83: {  	_ =	strace $0x90000047  }
0x84: {  	s0 =	stileid.u32;
	[bflag:$0x2] =	sbarrier.arrive $0xFFFF  }
0x85: {  	p0 =	sne.s32 s0, $0x0;
	s0 =	rddreg [dreg:$0x6]  }
0x86: {  	s0 =	sadd.s32 @!p0 $0x100000, s0  }
0x87: {  	[sflag:s0] =	ssyncadd.tile.s32 @!p0 $0x1;
	_ =	shalt  }
.Lfunc_end2:
_tile_overlayer_lowered:
.L_overlay_start_2:
0x88: {  	(tag) =	ssettag $0x2  }
0x89: {  	s0 =	rddreg [dreg:$0x0];
	s2 =	stileid.u32  }
0x8a: {  	s1 =	rddreg [dreg:$0x1];
	p0 =	sne.s32 s2, $0x0  }
0x8b: {  	s3 =	rddreg [dreg:$0x2];
	[bflag:$0x3] =	sbarrier.arrive $0xFFFF;
	s2 =	simm.s32 @!p0 $0x1C04  }
0x8c: {  	[timem:s3], [sflag:s2] =	dma.local @!p0 [hbm:s0], s1  }
0x8d: {  	s0 =	simm.s32 @!p0 $0x4  }
0x8e: {  	_ =	swait.ge @!p0 [sflag:s0], s1  }
0x8f: {  	s1 =	ssub.s32 @!p0 $0x0, s1;
	[sflag:s0] =	ssyncset.done @!p0 $0x0  }
0x90: {  	[sflag:s0] =	ssyncadd.s32 @!p0 s1  }
0x91: {  	[bflag:$0x3] =	sbarrier.arrive $0xFFFF  }
0x92: {  	_ =	shalt  }

// kernel: kernel.9.cloned.1.call-start
scs
__scs_entry_jumppad:
0x0: {  	(pc) =	sbr.rel $0x88, $3  }
0x1: {  	(tag) =	ssettag $0x0;
	lr =	simm.s32 $0x1  }
0x2: {  	[smem:$0x3F99] =	sst lr;
	_ =	strace $0xD0000000  }
0x3: {  	_ = 	snop  }
0x4: {  	_ = 	snop  }
0x5: {  	_ = 	snop  }
0x6: {  	_ = 	snop  }
0x7: {  	_ = 	snop  }
__scs_overlays_trampoline_lowered:
0x8: {  	[smem:$0x3FA8] =	sst s0  }
0x9: {  	[smem:$0x3FA9] =	sst s1  }
0xa: {  	[smem:$0x3FAA] =	sst s2  }
0xb: {  	[smem:$0x3FAB] =	sst s3  }
0xc: {  	[smem:$0x3FAC] =	sst s4  }
0xd: {  	[smem:$0x3FAD] =	sst s5  }
0xe: {  	[smem:$0x3FAE] =	sst s6  }
0xf: {  	[smem:$0x3FAF] =	sst s7  }
0x10: {  	[smem:$0x3FB0] =	sst s8  }
0x11: {  	[smem:$0x3FB1] =	sst s9;
	s0 =	simm.s32 @!p0 $0x0  }
0x12: {  	s1 =	sld [smem:$0x3F97];
	s0 =	simm.s32 @p0 $0x1  }
0x13: {  	[smem:$0x3FB2] =	sst s0;
	s0 =	simm.s32 @!p1 $0x0  }
0x14: {  	s2 =	sld [smem:$0x3F96];
	s0 =	simm.s32 @p1 $0x1  }
0x15: {  	[smem:$0x3FB3] =	sst s0;
	s0 =	simm.s32 @!p2 $0x0  }
0x16: {  	s3 =	sld [smem:$0x3FDB];
	s0 =	simm.s32 @p2 $0x1  }
0x17: {  	s4 =	simm.s32 $0x1BF5;
	[smem:$0x3FB5] =	sst s0  }
0x18: {  	s0 =	sld [smem:$0x3F98];
	_ =	swait.ge [sflag:s4], $0x0  }
0x19: {  	s7 =	sld [smem:$0x3F99]  }
0x1a: {  	s8 =	sadd.s32 $0xFFFFE003, lr  }
0x1b: {  	s9 =	sadd.s32 $0xFFFFFEF7, lr;
	s5 =	simm.s32 $0xFFFFFFFF;
	p2 =	slt.u32 s8, $0xFFFFF086  }
0x1c: {  	p1 =	slt.u32 s9, $0xF7A;
	s5 =	simm.s32 @!p2 $0x0  }
0x1d: {  	s5 =	simm.s32 @p1 $0x1;
	p0 =	seq.s32 s7, s2  }
0x1e: {  	s7 =	smul.u32 @!p0 $0xF7A, s2;
	p2 =	seq.s32 @!p0 s5, $0x0  }
0x1f: {  	s9 =	smul.u32 $0xF7A, s1;
	s8 =	simm.s32 @!p0 $0x1BF5;
	p2 =	por !p2, p0  }
0x20: {  	[sflag:s8] =	ssyncset.s32 @!p0 $0xFFFFF086;
	s6 =	sadd.s32 @!p0 s3, s7;
	s7 =	simm.s32 @!p0 $0x108  }
0x21: {  	s3 =	sadd.s32 s3, s9;
	s6 =	sadd.s32 @!p0 $0x88, s6;
	s7 =	simm.s32 @p2 $0x1082  }
0x22: {  	[simem:s7], [sflag:s8] =	dma.local @!p0 [hbm:s6], $0xF7A  }
0x23: {  	s9 =	sor.u32 $0xD0000000, s2;
	s6 =	simm.s32 $0x108;
	_ =	swait.ge @!p0 [sflag:s8], $0x0  }
0x24: {  	s3 =	sadd.s32 $0x88, s3;
	s6 =	simm.s32 @!p1 $0x1082;
	[sflag:s4] =	ssyncset.s32 $0xFFFFF086  }
0x25: {  	[simem:s6], [sflag:s4] =	dma.local [hbm:s3], $0xF7A  }
0x26: {  	[smem:$0x3F99] =	sst s1;
	(tag) =	ssettag s2;
	_ =	strace s9  }
0x27: {  	s1 =	sld [smem:$0x3FA9]  }
0x28: {  	s2 =	sld [smem:$0x3FAA]  }
0x29: {  	s4 =	sld [smem:$0x3FAC]  }
0x2a: {  	p0 =	seq.s32 s5, $0x0;
	s5 =	sld [smem:$0x3FAD]  }
0x2b: {  	s6 =	sld [smem:$0x3FAE]  }
0x2c: {  	s7 =	sld [smem:$0x3FAF]  }
0x2d: {  	s3 =	simm.s32 $0x108;
	s8 =	sld [smem:$0x3FB0]  }
0x2e: {  	s3 =	simm.s32 @!p0 $0x1082;
	s9 =	sld [smem:$0x3FB1]  }
0x2f: {  	lr =	sadd.s32 s0, s3;
	s0 =	sld [smem:$0x3FA8]  }
0x30: {  	s3 =	sld [smem:$0x3FAB]  }
0x31: {  	[smem:$0x3FB4] =	sst s10  }
0x32: {  	s10 =	sld [smem:$0x3FB2];
	_ =	sdelay $0x3  }
0x33: {  	p0 =	seq.s32 s10, $0x1;
	s10 =	sld [smem:$0x3FB4];
	_ =	sdelay $0x3  }
0x34: {  	[smem:$0x3FB4] =	sst s10  }
0x35: {  	s10 =	sld [smem:$0x3FB3];
	_ =	sdelay $0x3  }
0x36: {  	p1 =	seq.s32 s10, $0x1;
	s10 =	sld [smem:$0x3FB4];
	_ =	sdelay $0x3  }
0x37: {  	[smem:$0x3FB4] =	sst s10  }
0x38: {  	s10 =	sld [smem:$0x3FB5]  }
0x39: {  	_ = 	snop;
	(pc) =	sbr.ind lr, $3  }
0x3a: {  	_ = 	snop  }
0x3b: {  	_ = 	snop  }
0x3c: {  	p2 =	seq.s32 s10, $0x1;
	s10 =	sld [smem:$0x3FB4]  }
0x3d: {  	_ =	shalt  }
0x3e: {  	_ =	shalt  }
0x3f: {  	_ =	shalt  }
0x40: {  	_ =	shalt  }
0x41: {  	_ =	shalt  }
0x42: {  	_ =	shalt  }
0x43: {  	_ =	shalt  }
0x44: {  	_ =	shalt  }
0x45: {  	_ =	shalt  }
0x46: {  	_ =	shalt  }
0x47: {  	_ =	shalt  }
0x48: {  	_ =	shalt  }
0x49: {  	_ =	shalt  }
0x4a: {  	_ =	shalt  }
0x4b: {  	_ =	shalt  }
0x4c: {  	_ =	shalt  }
0x4d: {  	_ =	shalt  }
0x4e: {  	_ =	shalt  }
0x4f: {  	_ =	shalt  }
0x50: {  	_ =	shalt  }
0x51: {  	_ =	shalt  }
0x52: {  	_ =	shalt  }
0x53: {  	_ =	shalt  }
0x54: {  	_ =	shalt  }
0x55: {  	_ =	shalt  }
0x56: {  	_ =	shalt  }
0x57: {  	_ =	shalt  }
0x58: {  	_ =	shalt  }
0x59: {  	_ =	shalt  }
0x5a: {  	_ =	shalt  }
0x5b: {  	_ =	shalt  }
0x5c: {  	_ =	shalt  }
0x5d: {  	_ =	shalt  }
0x5e: {  	_ =	shalt  }
0x5f: {  	_ =	shalt  }
0x60: {  	_ =	shalt  }
0x61: {  	_ =	shalt  }
0x62: {  	_ =	shalt  }
0x63: {  	_ =	shalt  }
0x64: {  	_ =	shalt  }
0x65: {  	_ =	shalt  }
0x66: {  	_ =	shalt  }
0x67: {  	_ =	shalt  }
0x68: {  	_ =	shalt  }
0x69: {  	_ =	shalt  }
0x6a: {  	_ =	shalt  }
0x6b: {  	_ =	shalt  }
0x6c: {  	_ =	shalt  }
0x6d: {  	_ =	shalt  }
0x6e: {  	_ =	shalt  }
0x6f: {  	_ =	shalt  }
0x70: {  	_ =	shalt  }
0x71: {  	_ =	shalt  }
0x72: {  	_ =	shalt  }
0x73: {  	_ =	shalt  }
0x74: {  	_ =	shalt  }
0x75: {  	_ =	shalt  }
0x76: {  	_ =	shalt  }
0x77: {  	_ =	shalt  }
0x78: {  	_ =	shalt  }
0x79: {  	_ =	shalt  }
0x7a: {  	_ =	shalt  }
0x7b: {  	_ =	shalt  }
0x7c: {  	_ =	shalt  }
0x7d: {  	_ =	shalt  }
0x7e: {  	_ =	shalt  }
0x7f: {  	_ =	shalt  }
0x80: {  	_ =	shalt  }
0x81: {  	_ =	shalt  }
0x82: {  	_ =	shalt  }
0x83: {  	_ =	shalt  }
0x84: {  	_ =	shalt  }
0x85: {  	_ =	shalt  }
0x86: {  	_ =	shalt  }
0x87: {  	_ =	shalt  }
.Lfunc_end0:
.L_simem_size_0:
called_computation.1_lowered:
.L_overlay_start_0:
0x88: {  	s2 =	sld [smem:$0x3FD9]  }
0x89: {  	s3 =	sld [smem:$0x3FFE];
	_ =	sdelay $0x1  }
0x8a: {  	s1 =	srdreg.scid  }
0x8b: {  	s0 =	sand.u32 $0x1, s1  }
0x8c: {  	s16 =	sshll.u32 s0, $0xA;
	s2 =	sadd.s32 s3, s2  }
0x8d: {  	s2 =	sadd.s32 s2, s16  }
0x8e: {  	[smem:$0x3FC0] =	sst s2  }
0x8f: {  	_ = 	snop  }
0x90: {  	(tm) =	ssettm $0x1  }
0x91: {  	s17 =	sld [smem:$0x3FFB];
	_ =	sdelay $0x3  }
0x92: {  	_ =	strace s17  }
0x93: {  	s2 =	sld [smem:$0x3FFC];
	_ =	sdelay $0x3  }
0x94: {  	_ =	strace s2  }
0x95: {  	s2 =	sld [smem:$0x3FFD];
	_ =	sdelay $0x3  }
0x96: {  	_ =	strace s2  }
0x97: {  	_ =	strace $0x8FFFFFFF  }
0x98: {  	s18 =	sld [smem:$0x3FDB];
	_ =	sdelay $0x1  }
0x99: {  	s19 =	simm.s32 $_scs_section_size  }
0x9a: {  	s4 =	simm.s32 $_size__tile_overlayer_lowered;
	s5 =	simm.s32 $_tile_overlayer_lowered  }
0x9b: {  	s22 =	simm.s32 $0x1BFF;
	s21 =	sshll.u32 s5, $0x1;
	s2 =	sadd.s32 s19, s18  }
0x9c: {  	s6 =	simm.s32 $0x0;
	s20 =	sshll.u32 s4, $0x1;
	s4 =	sadd.s32 s21, s2  }
0x9d: {  	[timem:s6], [sflag:s22] =	dma.local [hbm:s4], s20  }
0x9e: {  	_ =	swait.ge [sflag:s22], s20  }
0x9f: {  	s3 =	ssub.s32 $0x0, s20;
	[sflag:s22] =	ssyncset.done $0x0  }
0xa0: {  	[sflag:s22] =	ssyncadd.s32 s3;
	_ =	sdelay $0x1  }
0xa1: {  	s23 =	simm.s32 $0x1B8B  }
0xa2: {  	_ =	swait.ge [sflag:s23], $0x1  }
0xa3: {  	[sflag:s23] =	ssyncset.done $0x0  }
0xa4: {  	s25 =	simm.s32 $0x1B8E;
	s24 =	sld [smem:$0x3FFE];
	[sflag:s23] =	ssyncadd.s32 $0xFFFFFFFF  }
0xa5: {  	s26 =	simm.s32 $execute0_lowered;
	[smem:$0x3FD2] =	sst s25  }
0xa6: {  	s4 =	sshll.u32 s26, $0x1;
	_ =	strace $0x80000049;
	[dreg:$0x1] =	wrdreg $0xFFFFFFFF  }
0xa7: {  	s28 =	simm.s32 $_size_execute0_lowered;
	s2 =	sadd.s32 s2, s4;
	[dreg:$0x0] =	wrdreg $0x0  }
0xa8: {  	s4 =	sshll.u32 s28, $0x1;
	[dreg:$0x2] =	wrdreg s2  }
0xa9: {  	[dreg:$0x3] =	wrdreg s4  }
0xaa: {  	[dreg:$0x4] =	wrdreg $0xC0  }
0xab: {  	_ =	task [dreg:s6], $0x5FFFF  }
0xac: {  	[dreg:$0x1] =	wrdreg $0xFFFFFFFF  }
0xad: {  	[dreg:$0x0] =	wrdreg $0x60  }
0xae: {  	[dreg:$0x2] =	wrdreg s24  }
0xaf: {  	[dreg:$0x3] =	wrdreg $0x148200  }
0xb0: {  	[dreg:$0x4] =	wrdreg $0x9  }
0xb1: {  	_ =	task.clear_ibuf [dreg:s6], $0x5FFFF;
	_ =	strace $0x90000049  }
0xb2: {  	s29 =	simm.s32 $0x9;
	_ =	strace $0x8000004B  }
0xb3: {  	_ =	swait.ge [sflag:s29], $0x1  }
0xb4: {  	[sflag:s29] =	ssyncadd.s32 $0xFFFFFFFF  }
0xb5: {  	_ =	strace $0x9000004B  }
0xb6: {  	_ =	sfence  }
0xb7: {  	s30 =	sld [smem:$0x0];
	_ =	sdelay $0x2  }
0xb8: {  	s31 =	sshll.u32 s1, $0xD;
	s1 =	sshrl.u32 s1, $0x2  }
0xb9: {  	s3 =	sand.u32 $0x4000, s31;
	s1 =	sadd.s32 s1, s30  }
0xba: {  	s0 =	sor.u32 s3, s0;
	s1 =	sshll.u32 s1, $0x11  }
0xbb: {  	s0 =	sor.u32 s1, s0  }
0xbc: {  	s0 =	sadd.s32 $0x8F2B, s0  }
0xbd: {  	[sflag:s0] =	ssyncadd.remote.s32 $0x1  }
0xbe: {  	_ =	sfence.sel $0xFFFF  }
0xbf: {  	[dreg:$0x0] =	wrdreg $0xFFFFFFFF;
	(pc) =	sbr.abs _section_cstart, $3  }
0xc0: {  	[dreg:$0x1] =	wrdreg $0xFFFFFFFF  }
0xc1: {  	_ =	task.clear_ibuf [dreg:s6], $0x2FFFF;
	_ =	strace $0x9FFFFFFF  }
0xc2: {  	(tm) =	ssettm $0x7FFFFFFF  }
0xc3: {  	_ =	shalt  }
tec
execute0_lowered:
.L_overlay_start_1:
0x0: {  	(tag) =	ssettag $0x1  }
0x1: {  	s0 =	rddreg [dreg:$0x0]  }
0x2: {  	s2 =	rddreg [dreg:$0x1]  }
0x3: {  	s1 =	srdreg.scid;
	s8 =	stileid.u32  }
0x4: {  	s4 =	simm.s32 $0x0;
	s14 =	simm.s32 $0x1;
	s15 =	simm.s32 $0x7D0  }
0x5: {  	s16 =	simm.s32 $0x4E20;
	s17 =	simm.s32 $0xCB20;
	s18 =	simm.s32 $0x50  }
0x6: {  	s19 =	simm.s32 $0x3;
	s21 =	simm.s32 $0x2;
	s12 =	simm.s32 $0xFD20  }
0x7: {  	s20 =	simm.s32 $0x10720;
	s13 =	simm.s32 $0x11120;
	s23 =	simm.s32 $0x11620  }
0x8: {  	s30 =	simm.s32 $0x13420;
	s29 =	simm.s32 $0x13E20;
	s1 =	sand.u32 $0x1, s1  }
0x9: {  	s5 =	smul.u32 $0x2780, s8;
	[smem:$0x7FF] =	sst s4;
	s4 =	sadd.s32 $0x16000, s0  }
0xa: {  	s9 =	sadd.s32 $0x1B000, s0;
	s25 =	sshll.u32 s8, $0x6;
	s3 =	sshll.u32 s1, $0x4  }
0xb: {  	s6 =	smul.u32 $0x27800, s1;
	_ =	strace $0x8000004A;
	[dreg:$0x3] =	wrdreg s9  }
0xc: {  	s1 =	ssub.s32 $0x2, s1;
	[dreg:$0x6] =	wrdreg s25;
	s28 =	sor.u32 $0x1C01, s25  }
0xd: {  	s25 =	simm.s32 $0xF820;
	s9 =	simm.s32 $0x13920;
	s3 =	sor.u32 s8, s3  }
0xe: {  	s7 =	sshrl.u32 s1, $0x1;
	s26 =	sadd.s32 s5, s2;
	[dreg:$0x7] =	wrdreg s28  }
0xf: {  	s8 =	simm.s32 $0x12520;
	s3 =	smul.u32 $0x4E2, s3;
	s6 =	sadd.s32 s5, s6  }
0x10: {  	s1 =	ssub.s32 s1, s7;
	s22 =	sshrl.u32 s26, $0x3;
	s26 =	simm.s32 $0xEE20  }
0x11: {  	s31 =	smax.u32 s1, $0x1;
	[dreg:$0xa] =	wrdreg s22;
	s3 =	sadd.s32 s3, s0  }
0x12: {  	s6 =	sshrl.u32 s6, $0x3;
	[dreg:$0x9] =	wrdreg s31;
	s24 =	sadd.s32 $0xBC00, s3  }
0x13: {  	s0 =	sadd.s32 s6, s0;
	s3 =	sadd.s32 $0x1E00, s3;
	[dreg:$0x4] =	wrdreg s24  }
0x14: {  	s5 =	simm.s32 $0xF320;
	s0 =	sadd.s32 $0x1B600, s0;
	[dreg:$0x5] =	wrdreg s3  }
0x15: {  	s7 =	simm.s32 $0x14320;
	s6 =	simm.s32 $0xE920;
	[dreg:$0x8] =	wrdreg s0  }
0x16: {  	s0 =	simm.s32 $0x0;
	s24 =	simm.s32 $0x10220;
	s3 =	simm.s32 $0x11B20  }
.LBB2_1:
0x17: {  	[dreg:$0xb] =	wrdreg s0  }
0x18: {  	s31 =	rddreg [dreg:$0x4]  }
0x19: {  	s10 =	simm.s32 $0x0;
	s1 =	rddreg [dreg:$0x5]  }
0x1a: {  	[tilespmem:s10], [sflag:$0x1] =	stream.linear.gather [hbm4b:s31+s10], $0x2710, $0x38;
	[tilespmem:$0x16FA0] =	vst v63  }
0x1b: {  	s11 =	simm.s32 $0x2710;
	s28 =	rddreg [dreg:$0x7]  }
0x1c: {  	[tilespmem:s11], [sflag:$0x1] =	stream.linear.gather [hbm4b:s1+s10], $0x2710, $0x38;
	[tilespmem:$0x16FA0] =	vst v63  }
0x1d: {  	s11 =	rddreg [dreg:$0x3]  }
0x1e: {  	[spmem:s22], [sflag:s28] =	dma.local [hbm:s11], $0x4F0  }
0x1f: {  	_ =	swait.ge [sflag:s14], $0x2710  }
0x20: {  	[sflag:s14] =	ssyncset.done $0x0  }
0x21: {  	[sflag:s14] =	ssyncadd.s32 $0xFFFFD8F0  }
0x22: {  	_ =	swait.ge [sflag:s14], $0x2710  }
0x23: {  	[sflag:s14] =	ssyncset.done $0x0  }
0x24: {  	[sflag:s14] =	ssyncadd.s32 $0xFFFFD8F0  }
0x25: {  	_ =	swait.ge [sflag:s14], $0x4F0  }
0x26: {  	[sflag:s14] =	ssyncset.done $0x0  }
0x27: {  	p0 =	por $0x1, $0x1;
	[sflag:s14] =	ssyncadd.s32 $0xFFFFFB10  }
0x28: {  	s0 =	simm.s32 $0x12020;
	s1 =	simm.s32 $0x10C20;
	[bflag:$0x0] =	sbarrier.arrive $0xFFFF  }
0x29: {  	[tilespmem:s16], [sflag:$0x1] =	stream.indirect.gather [hbm4b:s4+s15], $0x10, s10, s15, $0xb8;
	[tilespmem:$0x16FA0] =	vst v63  }
0x2a: {  	s22 =	simm.s32 $0x12A20;
	s11 =	simm.s32 $0x12F20;
	s10 =	simm.s32 $0x0  }
.LBB2_2:
0x2b: {  	s10 =	sshra.s32 s10, $0x2  }
0x2c: {  	s31 =	sadd.s32 $0x7D0, s10  }
0x2d: {  	[tilespmem:s17], [sflag:$0x2] =	stream.indirect.gather [hbm4b:s4+s15], $0x10, s31, s15, $0xb8;
	[tilespmem:$0x16FA0] =	vst v63  }
0x2e: {  	_ =	swait.ge [sflag:s14], $0x7D00  }
0x2f: {  	[sflag:s14] =	ssyncset.done $0x0  }
0x30: {  	s28 =	sadd.s32 $0x2710, s10;
	[sflag:s14] =	ssyncadd.s32 $0xFFFF8300  }
0x31: {  	[spmem:s2] =	stream.indirect.scatter.add.f32 [tilespmem:s16], [sflag:$0x3], $0x10, s28, s18, $0xb8;
	[tilespmem:$0x16FA0] =	vst v63  }
0x32: {  	_ =	swait.ge [sflag:s19], $0x500  }
0x33: {  	[sflag:s19] =	ssyncset.done $0x0  }
0x34: {  	s31 =	sadd.s32 $0x2760, s10;
	s28 =	simm.s32 $0x5320;
	[sflag:s19] =	ssyncadd.s32 $0xFFFFFB00  }
0x35: {  	[spmem:s2] =	stream.indirect.scatter.add.f32 [tilespmem:s28], [sflag:$0x3], $0x10, s31, s18, $0xb8;
	[tilespmem:$0x16FA0] =	vst v63  }
0x36: {  	_ =	swait.ge [sflag:s19], $0x500  }
0x37: {  	[sflag:s19] =	ssyncset.done $0x0  }
0x38: {  	s31 =	sadd.s32 $0x27B0, s10;
	s28 =	simm.s32 $0x5820;
	[sflag:s19] =	ssyncadd.s32 $0xFFFFFB00  }
0x39: {  	[spmem:s2] =	stream.indirect.scatter.add.f32 [tilespmem:s28], [sflag:$0x3], $0x10, s31, s18, $0xb8;
	[tilespmem:$0x16FA0] =	vst v63  }
0x3a: {  	_ =	swait.ge [sflag:s19], $0x500  }
0x3b: {  	[sflag:s19] =	ssyncset.done $0x0  }
0x3c: {  	s31 =	sadd.s32 $0x2800, s10;
	s28 =	simm.s32 $0x5D20;
	[sflag:s19] =	ssyncadd.s32 $0xFFFFFB00  }
0x3d: {  	[spmem:s2] =	stream.indirect.scatter.add.f32 [tilespmem:s28], [sflag:$0x3], $0x10, s31, s18, $0xb8;
	[tilespmem:$0x16FA0] =	vst v63  }
0x3e: {  	_ =	swait.ge [sflag:s19], $0x500  }
0x3f: {  	[sflag:s19] =	ssyncset.done $0x0  }
0x40: {  	s31 =	sadd.s32 $0x2850, s10;
	s28 =	simm.s32 $0x6220;
	[sflag:s19] =	ssyncadd.s32 $0xFFFFFB00  }
0x41: {  	[spmem:s2] =	stream.indirect.scatter.add.f32 [tilespmem:s28], [sflag:$0x3], $0x10, s31, s18, $0xb8;
	[tilespmem:$0x16FA0] =	vst v63  }
0x42: {  	_ =	swait.ge [sflag:s19], $0x500  }
0x43: {  	[sflag:s19] =	ssyncset.done $0x0  }
0x44: {  	s31 =	sadd.s32 $0x28A0, s10;
	s28 =	simm.s32 $0x6720;
	[sflag:s19] =	ssyncadd.s32 $0xFFFFFB00  }
0x45: {  	[spmem:s2] =	stream.indirect.scatter.add.f32 [tilespmem:s28], [sflag:$0x3], $0x10, s31, s18, $0xb8;
	[tilespmem:$0x16FA0] =	vst v63  }
0x46: {  	_ =	swait.ge [sflag:s19], $0x500  }
0x47: {  	[sflag:s19] =	ssyncset.done $0x0  }
0x48: {  	s31 =	sadd.s32 $0x28F0, s10;
	s28 =	simm.s32 $0x6C20;
	[sflag:s19] =	ssyncadd.s32 $0xFFFFFB00  }
0x49: {  	[spmem:s2] =	stream.indirect.scatter.add.f32 [tilespmem:s28], [sflag:$0x3], $0x10, s31, s18, $0xb8;
	[tilespmem:$0x16FA0] =	vst v63  }
0x4a: {  	_ =	swait.ge [sflag:s19], $0x500  }
0x4b: {  	[sflag:s19] =	ssyncset.done $0x0  }
0x4c: {  	s31 =	sadd.s32 $0x2940, s10;
	s28 =	simm.s32 $0x7120;
	[sflag:s19] =	ssyncadd.s32 $0xFFFFFB00  }
0x4d: {  	[spmem:s2] =	stream.indirect.scatter.add.f32 [tilespmem:s28], [sflag:$0x3], $0x10, s31, s18, $0xb8;
	[tilespmem:$0x16FA0] =	vst v63  }
0x4e: {  	_ =	swait.ge [sflag:s19], $0x500  }
0x4f: {  	[sflag:s19] =	ssyncset.done $0x0  }
0x50: {  	s31 =	sadd.s32 $0x2990, s10;
	s28 =	simm.s32 $0x7620;
	[sflag:s19] =	ssyncadd.s32 $0xFFFFFB00  }
0x51: {  	[spmem:s2] =	stream.indirect.scatter.add.f32 [tilespmem:s28], [sflag:$0x3], $0x10, s31, s18, $0xb8;
	[tilespmem:$0x16FA0] =	vst v63  }
0x52: {  	_ =	swait.ge [sflag:s19], $0x500  }
0x53: {  	[sflag:s19] =	ssyncset.done $0x0  }
0x54: {  	s31 =	sadd.s32 $0x29E0, s10;
	s28 =	simm.s32 $0x7B20;
	[sflag:s19] =	ssyncadd.s32 $0xFFFFFB00  }
0x55: {  	[spmem:s2] =	stream.indirect.scatter.add.f32 [tilespmem:s28], [sflag:$0x3], $0x10, s31, s18, $0xb8;
	[tilespmem:$0x16FA0] =	vst v63  }
0x56: {  	_ =	swait.ge [sflag:s19], $0x500  }
0x57: {  	[sflag:s19] =	ssyncset.done $0x0  }
0x58: {  	s31 =	sadd.s32 $0x2A30, s10;
	s28 =	simm.s32 $0x8020;
	[sflag:s19] =	ssyncadd.s32 $0xFFFFFB00  }
0x59: {  	[spmem:s2] =	stream.indirect.scatter.add.f32 [tilespmem:s28], [sflag:$0x3], $0x10, s31, s18, $0xb8;
	[tilespmem:$0x16FA0] =	vst v63  }
0x5a: {  	_ =	swait.ge [sflag:s19], $0x500  }
0x5b: {  	[sflag:s19] =	ssyncset.done $0x0  }
0x5c: {  	s31 =	sadd.s32 $0x2A80, s10;
	s28 =	simm.s32 $0x8520;
	[sflag:s19] =	ssyncadd.s32 $0xFFFFFB00  }
0x5d: {  	[spmem:s2] =	stream.indirect.scatter.add.f32 [tilespmem:s28], [sflag:$0x3], $0x10, s31, s18, $0xb8;
	[tilespmem:$0x16FA0] =	vst v63  }
0x5e: {  	_ =	swait.ge [sflag:s19], $0x500  }
0x5f: {  	[sflag:s19] =	ssyncset.done $0x0  }
0x60: {  	s31 =	sadd.s32 $0x2AD0, s10;
	s28 =	simm.s32 $0x8A20;
	[sflag:s19] =	ssyncadd.s32 $0xFFFFFB00  }
0x61: {  	[spmem:s2] =	stream.indirect.scatter.add.f32 [tilespmem:s28], [sflag:$0x3], $0x10, s31, s18, $0xb8;
	[tilespmem:$0x16FA0] =	vst v63  }
0x62: {  	_ =	swait.ge [sflag:s19], $0x500  }
0x63: {  	[sflag:s19] =	ssyncset.done $0x0  }
0x64: {  	s31 =	sadd.s32 $0x2B20, s10;
	s28 =	simm.s32 $0x8F20;
	[sflag:s19] =	ssyncadd.s32 $0xFFFFFB00  }
0x65: {  	[spmem:s2] =	stream.indirect.scatter.add.f32 [tilespmem:s28], [sflag:$0x3], $0x10, s31, s18, $0xb8;
	[tilespmem:$0x16FA0] =	vst v63  }
0x66: {  	_ =	swait.ge [sflag:s19], $0x500  }
0x67: {  	[sflag:s19] =	ssyncset.done $0x0  }
0x68: {  	s31 =	sadd.s32 $0x2B70, s10;
	s28 =	simm.s32 $0x9420;
	[sflag:s19] =	ssyncadd.s32 $0xFFFFFB00  }
0x69: {  	[spmem:s2] =	stream.indirect.scatter.add.f32 [tilespmem:s28], [sflag:$0x3], $0x10, s31, s18, $0xb8;
	[tilespmem:$0x16FA0] =	vst v63  }
0x6a: {  	_ =	swait.ge [sflag:s19], $0x500  }
0x6b: {  	[sflag:s19] =	ssyncset.done $0x0  }
0x6c: {  	s31 =	sadd.s32 $0x2BC0, s10;
	s28 =	simm.s32 $0x9920;
	[sflag:s19] =	ssyncadd.s32 $0xFFFFFB00  }
0x6d: {  	[spmem:s2] =	stream.indirect.scatter.add.f32 [tilespmem:s28], [sflag:$0x3], $0x10, s31, s18, $0xb8;
	[tilespmem:$0x16FA0] =	vst v63  }
0x6e: {  	_ =	swait.ge [sflag:s19], $0x500  }
0x6f: {  	[sflag:s19] =	ssyncset.done $0x0  }
0x70: {  	s31 =	sadd.s32 $0x2C10, s10;
	s28 =	simm.s32 $0x9E20;
	[sflag:s19] =	ssyncadd.s32 $0xFFFFFB00  }
0x71: {  	[spmem:s2] =	stream.indirect.scatter.add.f32 [tilespmem:s28], [sflag:$0x3], $0x10, s31, s18, $0xb8;
	[tilespmem:$0x16FA0] =	vst v63  }
0x72: {  	_ =	swait.ge [sflag:s19], $0x500  }
0x73: {  	[sflag:s19] =	ssyncset.done $0x0  }
0x74: {  	s31 =	sadd.s32 $0x2C60, s10;
	s28 =	simm.s32 $0xA320;
	[sflag:s19] =	ssyncadd.s32 $0xFFFFFB00  }
0x75: {  	[spmem:s2] =	stream.indirect.scatter.add.f32 [tilespmem:s28], [sflag:$0x3], $0x10, s31, s18, $0xb8;
	[tilespmem:$0x16FA0] =	vst v63  }
0x76: {  	_ =	swait.ge [sflag:s19], $0x500  }
0x77: {  	[sflag:s19] =	ssyncset.done $0x0  }
0x78: {  	s31 =	sadd.s32 $0x2CB0, s10;
	s28 =	simm.s32 $0xA820;
	[sflag:s19] =	ssyncadd.s32 $0xFFFFFB00  }
0x79: {  	[spmem:s2] =	stream.indirect.scatter.add.f32 [tilespmem:s28], [sflag:$0x3], $0x10, s31, s18, $0xb8;
	[tilespmem:$0x16FA0] =	vst v63  }
0x7a: {  	_ =	swait.ge [sflag:s19], $0x500  }
0x7b: {  	[sflag:s19] =	ssyncset.done $0x0  }
0x7c: {  	s31 =	sadd.s32 $0x2D00, s10;
	s28 =	simm.s32 $0xAD20;
	[sflag:s19] =	ssyncadd.s32 $0xFFFFFB00  }
0x7d: {  	[spmem:s2] =	stream.indirect.scatter.add.f32 [tilespmem:s28], [sflag:$0x3], $0x10, s31, s18, $0xb8;
	[tilespmem:$0x16FA0] =	vst v63  }
0x7e: {  	_ =	swait.ge [sflag:s19], $0x500  }
0x7f: {  	[sflag:s19] =	ssyncset.done $0x0  }
0x80: {  	s31 =	sadd.s32 $0x2D50, s10;
	s28 =	simm.s32 $0xB220;
	[sflag:s19] =	ssyncadd.s32 $0xFFFFFB00  }
0x81: {  	[spmem:s2] =	stream.indirect.scatter.add.f32 [tilespmem:s28], [sflag:$0x3], $0x10, s31, s18, $0xb8;
	[tilespmem:$0x16FA0] =	vst v63  }
0x82: {  	_ =	swait.ge [sflag:s19], $0x500  }
0x83: {  	[sflag:s19] =	ssyncset.done $0x0  }
0x84: {  	s31 =	sadd.s32 $0x2DA0, s10;
	s28 =	simm.s32 $0xB720;
	[sflag:s19] =	ssyncadd.s32 $0xFFFFFB00  }
0x85: {  	[spmem:s2] =	stream.indirect.scatter.add.f32 [tilespmem:s28], [sflag:$0x3], $0x10, s31, s18, $0xb8;
	[tilespmem:$0x16FA0] =	vst v63  }
0x86: {  	_ =	swait.ge [sflag:s19], $0x500  }
0x87: {  	[sflag:s19] =	ssyncset.done $0x0  }
0x88: {  	s31 =	sadd.s32 $0x2DF0, s10;
	s28 =	simm.s32 $0xBC20;
	[sflag:s19] =	ssyncadd.s32 $0xFFFFFB00  }
0x89: {  	[spmem:s2] =	stream.indirect.scatter.add.f32 [tilespmem:s28], [sflag:$0x3], $0x10, s31, s18, $0xb8;
	[tilespmem:$0x16FA0] =	vst v63  }
0x8a: {  	_ =	swait.ge [sflag:s19], $0x500  }
0x8b: {  	[sflag:s19] =	ssyncset.done $0x0  }
0x8c: {  	s31 =	sadd.s32 $0x2E40, s10;
	s28 =	simm.s32 $0xC120;
	[sflag:s19] =	ssyncadd.s32 $0xFFFFFB00  }
0x8d: {  	[spmem:s2] =	stream.indirect.scatter.add.f32 [tilespmem:s28], [sflag:$0x3], $0x10, s31, s18, $0xb8;
	[tilespmem:$0x16FA0] =	vst v63  }
0x8e: {  	_ =	swait.ge [sflag:s19], $0x500  }
0x8f: {  	[sflag:s19] =	ssyncset.done $0x0  }
0x90: {  	s31 =	sadd.s32 $0x2E90, s10;
	s28 =	simm.s32 $0xC620;
	[sflag:s19] =	ssyncadd.s32 $0xFFFFFB00  }
0x91: {  	[spmem:s2] =	stream.indirect.scatter.add.f32 [tilespmem:s28], [sflag:$0x3], $0x10, s31, s18, $0xb8;
	[tilespmem:$0x16FA0] =	vst v63  }
0x92: {  	_ =	swait.ge [sflag:s19], $0x500  }
0x93: {  	[sflag:s19] =	ssyncset.done $0x0  }
0x94: {  	s28 =	sadd.s32 $0xFA0, s10;
	[sflag:s19] =	ssyncadd.s32 $0xFFFFFB00  }
0x95: {  	[tilespmem:s16], [sflag:$0x1] =	stream.indirect.gather [hbm4b:s4+s15], $0x10, s28, s15, $0xb8;
	[tilespmem:$0x16FA0] =	vst v63  }
0x96: {  	_ =	swait.ge [sflag:s21], $0x7D00  }
0x97: {  	[sflag:s21] =	ssyncset.done $0x0  }
0x98: {  	s28 =	sadd.s32 $0x2EE0, s10;
	[sflag:s21] =	ssyncadd.s32 $0xFFFF8300  }
0x99: {  	[spmem:s2] =	stream.indirect.scatter.add.f32 [tilespmem:s17], [sflag:$0x3], $0x10, s28, s18, $0xb8;
	[tilespmem:$0x16FA0] =	vst v63  }
0x9a: {  	_ =	swait.ge [sflag:s19], $0x500  }
0x9b: {  	[sflag:s19] =	ssyncset.done $0x0  }
0x9c: {  	s31 =	sadd.s32 $0x2F30, s10;
	s28 =	simm.s32 $0xD020;
	[sflag:s19] =	ssyncadd.s32 $0xFFFFFB00  }
0x9d: {  	[spmem:s2] =	stream.indirect.scatter.add.f32 [tilespmem:s28], [sflag:$0x3], $0x10, s31, s18, $0xb8;
	[tilespmem:$0x16FA0] =	vst v63  }
0x9e: {  	_ =	swait.ge [sflag:s19], $0x500  }
0x9f: {  	[sflag:s19] =	ssyncset.done $0x0  }
0xa0: {  	s31 =	sadd.s32 $0x2F80, s10;
	s28 =	simm.s32 $0xD520;
	[sflag:s19] =	ssyncadd.s32 $0xFFFFFB00  }
0xa1: {  	[spmem:s2] =	stream.indirect.scatter.add.f32 [tilespmem:s28], [sflag:$0x3], $0x10, s31, s18, $0xb8;
	[tilespmem:$0x16FA0] =	vst v63  }
0xa2: {  	_ =	swait.ge [sflag:s19], $0x500  }
0xa3: {  	[sflag:s19] =	ssyncset.done $0x0  }
0xa4: {  	s31 =	sadd.s32 $0x2FD0, s10;
	s28 =	simm.s32 $0xDA20;
	[sflag:s19] =	ssyncadd.s32 $0xFFFFFB00  }
0xa5: {  	[spmem:s2] =	stream.indirect.scatter.add.f32 [tilespmem:s28], [sflag:$0x3], $0x10, s31, s18, $0xb8;
	[tilespmem:$0x16FA0] =	vst v63  }
0xa6: {  	_ =	swait.ge [sflag:s19], $0x500  }
0xa7: {  	[sflag:s19] =	ssyncset.done $0x0  }
0xa8: {  	s31 =	sadd.s32 $0x3020, s10;
	s28 =	simm.s32 $0xDF20;
	[sflag:s19] =	ssyncadd.s32 $0xFFFFFB00  }
0xa9: {  	[spmem:s2] =	stream.indirect.scatter.add.f32 [tilespmem:s28], [sflag:$0x3], $0x10, s31, s18, $0xb8;
	[tilespmem:$0x16FA0] =	vst v63  }
0xaa: {  	_ =	swait.ge [sflag:s19], $0x500  }
0xab: {  	[sflag:s19] =	ssyncset.done $0x0  }
0xac: {  	s31 =	sadd.s32 $0x3070, s10;
	s28 =	simm.s32 $0xE420;
	[sflag:s19] =	ssyncadd.s32 $0xFFFFFB00  }
0xad: {  	[spmem:s2] =	stream.indirect.scatter.add.f32 [tilespmem:s28], [sflag:$0x3], $0x10, s31, s18, $0xb8;
	[tilespmem:$0x16FA0] =	vst v63  }
0xae: {  	_ =	swait.ge [sflag:s19], $0x500  }
0xaf: {  	[sflag:s19] =	ssyncset.done $0x0  }
0xb0: {  	s28 =	sadd.s32 $0x30C0, s10;
	[sflag:s19] =	ssyncadd.s32 $0xFFFFFB00  }
0xb1: {  	[spmem:s2] =	stream.indirect.scatter.add.f32 [tilespmem:s6], [sflag:$0x3], $0x10, s28, s18, $0xb8;
	[tilespmem:$0x16FA0] =	vst v63  }
0xb2: {  	_ =	swait.ge [sflag:s19], $0x500  }
0xb3: {  	[sflag:s19] =	ssyncset.done $0x0  }
0xb4: {  	s28 =	sadd.s32 $0x3110, s10;
	[sflag:s19] =	ssyncadd.s32 $0xFFFFFB00  }
0xb5: {  	[spmem:s2] =	stream.indirect.scatter.add.f32 [tilespmem:s26], [sflag:$0x3], $0x10, s28, s18, $0xb8;
	[tilespmem:$0x16FA0] =	vst v63  }
0xb6: {  	_ =	swait.ge [sflag:s19], $0x500  }
0xb7: {  	[sflag:s19] =	ssyncset.done $0x0  }
0xb8: {  	s28 =	sadd.s32 $0x3160, s10;
	[sflag:s19] =	ssyncadd.s32 $0xFFFFFB00  }
0xb9: {  	[spmem:s2] =	stream.indirect.scatter.add.f32 [tilespmem:s5], [sflag:$0x3], $0x10, s28, s18, $0xb8;
	[tilespmem:$0x16FA0] =	vst v63  }
0xba: {  	_ =	swait.ge [sflag:s19], $0x500  }
0xbb: {  	[sflag:s19] =	ssyncset.done $0x0  }
0xbc: {  	s28 =	sadd.s32 $0x31B0, s10;
	[sflag:s19] =	ssyncadd.s32 $0xFFFFFB00  }
0xbd: {  	[spmem:s2] =	stream.indirect.scatter.add.f32 [tilespmem:s25], [sflag:$0x3], $0x10, s28, s18, $0xb8;
	[tilespmem:$0x16FA0] =	vst v63  }
0xbe: {  	_ =	swait.ge [sflag:s19], $0x500  }
0xbf: {  	[sflag:s19] =	ssyncset.done $0x0  }
0xc0: {  	s28 =	sadd.s32 $0x3200, s10;
	[sflag:s19] =	ssyncadd.s32 $0xFFFFFB00  }
0xc1: {  	[spmem:s2] =	stream.indirect.scatter.add.f32 [tilespmem:s12], [sflag:$0x3], $0x10, s28, s18, $0xb8;
	[tilespmem:$0x16FA0] =	vst v63  }
0xc2: {  	_ =	swait.ge [sflag:s19], $0x500  }
0xc3: {  	[sflag:s19] =	ssyncset.done $0x0  }
0xc4: {  	s28 =	sadd.s32 $0x3250, s10;
	[sflag:s19] =	ssyncadd.s32 $0xFFFFFB00  }
0xc5: {  	[spmem:s2] =	stream.indirect.scatter.add.f32 [tilespmem:s24], [sflag:$0x3], $0x10, s28, s18, $0xb8;
	[tilespmem:$0x16FA0] =	vst v63  }
0xc6: {  	_ =	swait.ge [sflag:s19], $0x500  }
0xc7: {  	[sflag:s19] =	ssyncset.done $0x0  }
0xc8: {  	s28 =	sadd.s32 $0x32A0, s10;
	[sflag:s19] =	ssyncadd.s32 $0xFFFFFB00  }
0xc9: {  	[spmem:s2] =	stream.indirect.scatter.add.f32 [tilespmem:s20], [sflag:$0x3], $0x10, s28, s18, $0xb8;
	[tilespmem:$0x16FA0] =	vst v63  }
0xca: {  	_ =	swait.ge [sflag:s19], $0x500  }
0xcb: {  	[sflag:s19] =	ssyncset.done $0x0  }
0xcc: {  	s28 =	sadd.s32 $0x32F0, s10;
	[sflag:s19] =	ssyncadd.s32 $0xFFFFFB00  }
0xcd: {  	[spmem:s2] =	stream.indirect.scatter.add.f32 [tilespmem:s1], [sflag:$0x3], $0x10, s28, s18, $0xb8;
	[tilespmem:$0x16FA0] =	vst v63  }
0xce: {  	_ =	swait.ge [sflag:s19], $0x500  }
0xcf: {  	[sflag:s19] =	ssyncset.done $0x0  }
0xd0: {  	s28 =	sadd.s32 $0x3340, s10;
	[sflag:s19] =	ssyncadd.s32 $0xFFFFFB00  }
0xd1: {  	[spmem:s2] =	stream.indirect.scatter.add.f32 [tilespmem:s13], [sflag:$0x3], $0x10, s28, s18, $0xb8;
	[tilespmem:$0x16FA0] =	vst v63  }
0xd2: {  	_ =	swait.ge [sflag:s19], $0x500  }
0xd3: {  	[sflag:s19] =	ssyncset.done $0x0  }
0xd4: {  	s28 =	sadd.s32 $0x3390, s10;
	[sflag:s19] =	ssyncadd.s32 $0xFFFFFB00  }
0xd5: {  	[spmem:s2] =	stream.indirect.scatter.add.f32 [tilespmem:s23], [sflag:$0x3], $0x10, s28, s18, $0xb8;
	[tilespmem:$0x16FA0] =	vst v63  }
0xd6: {  	_ =	swait.ge [sflag:s19], $0x500  }
0xd7: {  	[sflag:s19] =	ssyncset.done $0x0  }
0xd8: {  	s28 =	sadd.s32 $0x33E0, s10;
	[sflag:s19] =	ssyncadd.s32 $0xFFFFFB00  }
0xd9: {  	[spmem:s2] =	stream.indirect.scatter.add.f32 [tilespmem:s3], [sflag:$0x3], $0x10, s28, s18, $0xb8;
	[tilespmem:$0x16FA0] =	vst v63  }
0xda: {  	_ =	swait.ge [sflag:s19], $0x500  }
0xdb: {  	[sflag:s19] =	ssyncset.done $0x0  }
0xdc: {  	s28 =	sadd.s32 $0x3430, s10;
	[sflag:s19] =	ssyncadd.s32 $0xFFFFFB00  }
0xdd: {  	[spmem:s2] =	stream.indirect.scatter.add.f32 [tilespmem:s0], [sflag:$0x3], $0x10, s28, s18, $0xb8;
	[tilespmem:$0x16FA0] =	vst v63  }
0xde: {  	_ =	swait.ge [sflag:s19], $0x500  }
0xdf: {  	[sflag:s19] =	ssyncset.done $0x0  }
0xe0: {  	s28 =	sadd.s32 $0x3480, s10;
	[sflag:s19] =	ssyncadd.s32 $0xFFFFFB00  }
0xe1: {  	[spmem:s2] =	stream.indirect.scatter.add.f32 [tilespmem:s8], [sflag:$0x3], $0x10, s28, s18, $0xb8;
	[tilespmem:$0x16FA0] =	vst v63  }
0xe2: {  	_ =	swait.ge [sflag:s19], $0x500  }
0xe3: {  	[sflag:s19] =	ssyncset.done $0x0  }
0xe4: {  	s28 =	sadd.s32 $0x34D0, s10;
	[sflag:s19] =	ssyncadd.s32 $0xFFFFFB00  }
0xe5: {  	[spmem:s2] =	stream.indirect.scatter.add.f32 [tilespmem:s22], [sflag:$0x3], $0x10, s28, s18, $0xb8;
	[tilespmem:$0x16FA0] =	vst v63  }
0xe6: {  	_ =	swait.ge [sflag:s19], $0x500  }
0xe7: {  	[sflag:s19] =	ssyncset.done $0x0  }
0xe8: {  	s28 =	sadd.s32 $0x3520, s10;
	[sflag:s19] =	ssyncadd.s32 $0xFFFFFB00  }
0xe9: {  	[spmem:s2] =	stream.indirect.scatter.add.f32 [tilespmem:s11], [sflag:$0x3], $0x10, s28, s18, $0xb8;
	[tilespmem:$0x16FA0] =	vst v63  }
0xea: {  	_ =	swait.ge [sflag:s19], $0x500  }
0xeb: {  	[sflag:s19] =	ssyncset.done $0x0  }
0xec: {  	s28 =	sadd.s32 $0x3570, s10;
	[sflag:s19] =	ssyncadd.s32 $0xFFFFFB00  }
0xed: {  	[spmem:s2] =	stream.indirect.scatter.add.f32 [tilespmem:s30], [sflag:$0x3], $0x10, s28, s18, $0xb8;
	[tilespmem:$0x16FA0] =	vst v63  }
0xee: {  	_ =	swait.ge [sflag:s19], $0x500  }
0xef: {  	[sflag:s19] =	ssyncset.done $0x0  }
0xf0: {  	s28 =	sadd.s32 $0x35C0, s10;
	[sflag:s19] =	ssyncadd.s32 $0xFFFFFB00  }
0xf1: {  	[spmem:s2] =	stream.indirect.scatter.add.f32 [tilespmem:s9], [sflag:$0x3], $0x10, s28, s18, $0xb8;
	[tilespmem:$0x16FA0] =	vst v63  }
0xf2: {  	_ =	swait.ge [sflag:s19], $0x500  }
0xf3: {  	[sflag:s19] =	ssyncset.done $0x0  }
0xf4: {  	s28 =	sadd.s32 $0x3610, s10;
	[sflag:s19] =	ssyncadd.s32 $0xFFFFFB00  }
0xf5: {  	[spmem:s2] =	stream.indirect.scatter.add.f32 [tilespmem:s29], [sflag:$0x3], $0x10, s28, s18, $0xb8;
	[tilespmem:$0x16FA0] =	vst v63  }
0xf6: {  	_ =	swait.ge [sflag:s19], $0x500  }
0xf7: {  	p1 =	por p0, p0;
	[sflag:s19] =	ssyncset.done $0x0  }
.Ltmp0:
0xf8: {  	s10 =	sadd.s32 $0x3660, s10;
	[sflag:s19] =	ssyncadd.s32 $0xFFFFFB00;
	(pc) =	sbr.rel @p1 .LBB2_2-.Ltmp0, $4  }
0xf9: {  	[spmem:s2] =	stream.indirect.scatter.add.f32 [tilespmem:s7], [sflag:$0x3], $0x10, s10, s18, $0xb8;
	[tilespmem:$0x16FA0] =	vst v63  }
0xfa: {  	_ =	swait.ge [sflag:s19], $0x500  }
0xfb: {  	[sflag:s19] =	ssyncset.done $0x0  }
0xfc: {  	p0 =	por $0x0, $0x0;
	s10 =	simm.s32 $0x3E80;
	[sflag:s19] =	ssyncadd.s32 $0xFFFFFB00  }
0xfd: {  	_ =	swait.ge [sflag:s14], $0x7D00  }
0xfe: {  	[sflag:s14] =	ssyncset.done $0x0  }
0xff: {  	s0 =	simm.s32 $0x4650;
	[sflag:s14] =	ssyncadd.s32 $0xFFFF8300  }
0x100: {  	[spmem:s2] =	stream.indirect.scatter.add.f32 [tilespmem:s16], [sflag:$0x3], $0x10, s0, s18, $0xb8;
	[tilespmem:$0x16FA0] =	vst v63  }
0x101: {  	_ =	swait.ge [sflag:s19], $0x500  }
0x102: {  	[sflag:s19] =	ssyncset.done $0x0  }
0x103: {  	s31 =	simm.s32 $0x46A0;
	s1 =	simm.s32 $0x5320;
	[sflag:s19] =	ssyncadd.s32 $0xFFFFFB00  }
0x104: {  	[spmem:s2] =	stream.indirect.scatter.add.f32 [tilespmem:s1], [sflag:$0x3], $0x10, s31, s18, $0xb8;
	[tilespmem:$0x16FA0] =	vst v63  }
0x105: {  	_ =	swait.ge [sflag:s19], $0x500  }
0x106: {  	[sflag:s19] =	ssyncset.done $0x0  }
0x107: {  	s10 =	simm.s32 $0x5820;
	s1 =	simm.s32 $0x46F0;
	[sflag:s19] =	ssyncadd.s32 $0xFFFFFB00  }
0x108: {  	[spmem:s2] =	stream.indirect.scatter.add.f32 [tilespmem:s10], [sflag:$0x3], $0x10, s1, s18, $0xb8;
	[tilespmem:$0x16FA0] =	vst v63  }
0x109: {  	_ =	swait.ge [sflag:s19], $0x500  }
0x10a: {  	[sflag:s19] =	ssyncset.done $0x0  }
0x10b: {  	s11 =	simm.s32 $0x4740;
	s22 =	simm.s32 $0x5D20;
	[sflag:s19] =	ssyncadd.s32 $0xFFFFFB00  }
0x10c: {  	[spmem:s2] =	stream.indirect.scatter.add.f32 [tilespmem:s22], [sflag:$0x3], $0x10, s11, s18, $0xb8;
	[tilespmem:$0x16FA0] =	vst v63  }
0x10d: {  	_ =	swait.ge [sflag:s19], $0x500  }
0x10e: {  	[sflag:s19] =	ssyncset.done $0x0  }
0x10f: {  	s28 =	simm.s32 $0x4790;
	s31 =	simm.s32 $0x6220;
	[sflag:s19] =	ssyncadd.s32 $0xFFFFFB00  }
0x110: {  	[spmem:s2] =	stream.indirect.scatter.add.f32 [tilespmem:s31], [sflag:$0x3], $0x10, s28, s18, $0xb8;
	[tilespmem:$0x16FA0] =	vst v63  }
0x111: {  	_ =	swait.ge [sflag:s19], $0x500  }
0x112: {  	[sflag:s19] =	ssyncset.done $0x0  }
0x113: {  	s1 =	simm.s32 $0x47E0;
	s10 =	simm.s32 $0x6720;
	[sflag:s19] =	ssyncadd.s32 $0xFFFFFB00  }
0x114: {  	[spmem:s2] =	stream.indirect.scatter.add.f32 [tilespmem:s10], [sflag:$0x3], $0x10, s1, s18, $0xb8;
	[tilespmem:$0x16FA0] =	vst v63  }
0x115: {  	_ =	swait.ge [sflag:s19], $0x500  }
0x116: {  	[sflag:s19] =	ssyncset.done $0x0  }
0x117: {  	s11 =	simm.s32 $0x4830;
	s22 =	simm.s32 $0x6C20;
	[sflag:s19] =	ssyncadd.s32 $0xFFFFFB00  }
0x118: {  	[spmem:s2] =	stream.indirect.scatter.add.f32 [tilespmem:s22], [sflag:$0x3], $0x10, s11, s18, $0xb8;
	[tilespmem:$0x16FA0] =	vst v63  }
0x119: {  	_ =	swait.ge [sflag:s19], $0x500  }
0x11a: {  	[sflag:s19] =	ssyncset.done $0x0  }
0x11b: {  	s28 =	simm.s32 $0x4880;
	s31 =	simm.s32 $0x7120;
	[sflag:s19] =	ssyncadd.s32 $0xFFFFFB00  }
0x11c: {  	[spmem:s2] =	stream.indirect.scatter.add.f32 [tilespmem:s31], [sflag:$0x3], $0x10, s28, s18, $0xb8;
	[tilespmem:$0x16FA0] =	vst v63  }
0x11d: {  	_ =	swait.ge [sflag:s19], $0x500  }
0x11e: {  	[sflag:s19] =	ssyncset.done $0x0  }
0x11f: {  	s1 =	simm.s32 $0x48D0;
	s10 =	simm.s32 $0x7620;
	[sflag:s19] =	ssyncadd.s32 $0xFFFFFB00  }
0x120: {  	[spmem:s2] =	stream.indirect.scatter.add.f32 [tilespmem:s10], [sflag:$0x3], $0x10, s1, s18, $0xb8;
	[tilespmem:$0x16FA0] =	vst v63  }
0x121: {  	_ =	swait.ge [sflag:s19], $0x500  }
0x122: {  	[sflag:s19] =	ssyncset.done $0x0  }
0x123: {  	s11 =	simm.s32 $0x4920;
	s22 =	simm.s32 $0x7B20;
	[sflag:s19] =	ssyncadd.s32 $0xFFFFFB00  }
0x124: {  	[spmem:s2] =	stream.indirect.scatter.add.f32 [tilespmem:s22], [sflag:$0x3], $0x10, s11, s18, $0xb8;
	[tilespmem:$0x16FA0] =	vst v63  }
0x125: {  	_ =	swait.ge [sflag:s19], $0x500  }
0x126: {  	[sflag:s19] =	ssyncset.done $0x0  }
0x127: {  	s28 =	simm.s32 $0x4970;
	s31 =	simm.s32 $0x8020;
	[sflag:s19] =	ssyncadd.s32 $0xFFFFFB00  }
0x128: {  	[spmem:s2] =	stream.indirect.scatter.add.f32 [tilespmem:s31], [sflag:$0x3], $0x10, s28, s18, $0xb8;
	[tilespmem:$0x16FA0] =	vst v63  }
0x129: {  	_ =	swait.ge [sflag:s19], $0x500  }
0x12a: {  	[sflag:s19] =	ssyncset.done $0x0  }
0x12b: {  	s1 =	simm.s32 $0x49C0;
	s10 =	simm.s32 $0x8520;
	[sflag:s19] =	ssyncadd.s32 $0xFFFFFB00  }
0x12c: {  	[spmem:s2] =	stream.indirect.scatter.add.f32 [tilespmem:s10], [sflag:$0x3], $0x10, s1, s18, $0xb8;
	[tilespmem:$0x16FA0] =	vst v63  }
0x12d: {  	_ =	swait.ge [sflag:s19], $0x500  }
0x12e: {  	[sflag:s19] =	ssyncset.done $0x0  }
0x12f: {  	s11 =	simm.s32 $0x4A10;
	s22 =	simm.s32 $0x8A20;
	[sflag:s19] =	ssyncadd.s32 $0xFFFFFB00  }
0x130: {  	[spmem:s2] =	stream.indirect.scatter.add.f32 [tilespmem:s22], [sflag:$0x3], $0x10, s11, s18, $0xb8;
	[tilespmem:$0x16FA0] =	vst v63  }
0x131: {  	_ =	swait.ge [sflag:s19], $0x500  }
0x132: {  	[sflag:s19] =	ssyncset.done $0x0  }
0x133: {  	s28 =	simm.s32 $0x4A60;
	s31 =	simm.s32 $0x8F20;
	[sflag:s19] =	ssyncadd.s32 $0xFFFFFB00  }
0x134: {  	[spmem:s2] =	stream.indirect.scatter.add.f32 [tilespmem:s31], [sflag:$0x3], $0x10, s28, s18, $0xb8;
	[tilespmem:$0x16FA0] =	vst v63  }
0x135: {  	_ =	swait.ge [sflag:s19], $0x500  }
0x136: {  	[sflag:s19] =	ssyncset.done $0x0  }
0x137: {  	s1 =	simm.s32 $0x4AB0;
	s10 =	simm.s32 $0x9420;
	[sflag:s19] =	ssyncadd.s32 $0xFFFFFB00  }
0x138: {  	[spmem:s2] =	stream.indirect.scatter.add.f32 [tilespmem:s10], [sflag:$0x3], $0x10, s1, s18, $0xb8;
	[tilespmem:$0x16FA0] =	vst v63  }
0x139: {  	_ =	swait.ge [sflag:s19], $0x500  }
0x13a: {  	[sflag:s19] =	ssyncset.done $0x0  }
0x13b: {  	s11 =	simm.s32 $0x4B00;
	s22 =	simm.s32 $0x9920;
	[sflag:s19] =	ssyncadd.s32 $0xFFFFFB00  }
0x13c: {  	[spmem:s2] =	stream.indirect.scatter.add.f32 [tilespmem:s22], [sflag:$0x3], $0x10, s11, s18, $0xb8;
	[tilespmem:$0x16FA0] =	vst v63  }
0x13d: {  	_ =	swait.ge [sflag:s19], $0x500  }
0x13e: {  	[sflag:s19] =	ssyncset.done $0x0  }
0x13f: {  	s28 =	simm.s32 $0x4B50;
	s31 =	simm.s32 $0x9E20;
	[sflag:s19] =	ssyncadd.s32 $0xFFFFFB00  }
0x140: {  	[spmem:s2] =	stream.indirect.scatter.add.f32 [tilespmem:s31], [sflag:$0x3], $0x10, s28, s18, $0xb8;
	[tilespmem:$0x16FA0] =	vst v63  }
0x141: {  	_ =	swait.ge [sflag:s19], $0x500  }
0x142: {  	[sflag:s19] =	ssyncset.done $0x0  }
0x143: {  	s1 =	simm.s32 $0x4BA0;
	s10 =	simm.s32 $0xA320;
	[sflag:s19] =	ssyncadd.s32 $0xFFFFFB00  }
0x144: {  	[spmem:s2] =	stream.indirect.scatter.add.f32 [tilespmem:s10], [sflag:$0x3], $0x10, s1, s18, $0xb8;
	[tilespmem:$0x16FA0] =	vst v63  }
0x145: {  	_ =	swait.ge [sflag:s19], $0x500  }
0x146: {  	[sflag:s19] =	ssyncset.done $0x0  }
0x147: {  	s11 =	simm.s32 $0x4BF0;
	s22 =	simm.s32 $0xA820;
	[sflag:s19] =	ssyncadd.s32 $0xFFFFFB00  }
0x148: {  	[spmem:s2] =	stream.indirect.scatter.add.f32 [tilespmem:s22], [sflag:$0x3], $0x10, s11, s18, $0xb8;
	[tilespmem:$0x16FA0] =	vst v63  }
0x149: {  	_ =	swait.ge [sflag:s19], $0x500  }
0x14a: {  	[sflag:s19] =	ssyncset.done $0x0  }
0x14b: {  	s28 =	simm.s32 $0x4C40;
	s31 =	simm.s32 $0xAD20;
	[sflag:s19] =	ssyncadd.s32 $0xFFFFFB00  }
0x14c: {  	[spmem:s2] =	stream.indirect.scatter.add.f32 [tilespmem:s31], [sflag:$0x3], $0x10, s28, s18, $0xb8;
	[tilespmem:$0x16FA0] =	vst v63  }
0x14d: {  	_ =	swait.ge [sflag:s19], $0x500  }
0x14e: {  	[sflag:s19] =	ssyncset.done $0x0  }
0x14f: {  	s1 =	simm.s32 $0x4C90;
	s10 =	simm.s32 $0xB220;
	[sflag:s19] =	ssyncadd.s32 $0xFFFFFB00  }
0x150: {  	[spmem:s2] =	stream.indirect.scatter.add.f32 [tilespmem:s10], [sflag:$0x3], $0x10, s1, s18, $0xb8;
	[tilespmem:$0x16FA0] =	vst v63  }
0x151: {  	_ =	swait.ge [sflag:s19], $0x500  }
0x152: {  	[sflag:s19] =	ssyncset.done $0x0  }
0x153: {  	s11 =	simm.s32 $0x4CE0;
	s22 =	simm.s32 $0xB720;
	[sflag:s19] =	ssyncadd.s32 $0xFFFFFB00  }
0x154: {  	[spmem:s2] =	stream.indirect.scatter.add.f32 [tilespmem:s22], [sflag:$0x3], $0x10, s11, s18, $0xb8;
	[tilespmem:$0x16FA0] =	vst v63  }
0x155: {  	_ =	swait.ge [sflag:s19], $0x500  }
0x156: {  	[sflag:s19] =	ssyncset.done $0x0  }
0x157: {  	s28 =	simm.s32 $0x4D30;
	s31 =	simm.s32 $0xBC20;
	[sflag:s19] =	ssyncadd.s32 $0xFFFFFB00  }
0x158: {  	[spmem:s2] =	stream.indirect.scatter.add.f32 [tilespmem:s31], [sflag:$0x3], $0x10, s28, s18, $0xb8;
	[tilespmem:$0x16FA0] =	vst v63  }
0x159: {  	_ =	swait.ge [sflag:s19], $0x500  }
0x15a: {  	[sflag:s19] =	ssyncset.done $0x0  }
0x15b: {  	s1 =	simm.s32 $0x4D80;
	s10 =	simm.s32 $0xC120;
	[sflag:s19] =	ssyncadd.s32 $0xFFFFFB00  }
0x15c: {  	[spmem:s2] =	stream.indirect.scatter.add.f32 [tilespmem:s10], [sflag:$0x3], $0x10, s1, s18, $0xb8;
	[tilespmem:$0x16FA0] =	vst v63  }
0x15d: {  	_ =	swait.ge [sflag:s19], $0x500  }
0x15e: {  	[sflag:s19] =	ssyncset.done $0x0  }
0x15f: {  	s11 =	simm.s32 $0x4DD0;
	s22 =	simm.s32 $0xC620;
	[sflag:s19] =	ssyncadd.s32 $0xFFFFFB00  }
0x160: {  	[spmem:s2] =	stream.indirect.scatter.add.f32 [tilespmem:s22], [sflag:$0x3], $0x10, s11, s18, $0xb8;
	[tilespmem:$0x16FA0] =	vst v63  }
0x161: {  	_ =	swait.ge [sflag:s19], $0x500  }
0x162: {  	[sflag:s19] =	ssyncset.done $0x0  }
0x163: {  	[sflag:s19] =	ssyncadd.s32 $0xFFFFFB00  }
0x164: {  	[bflag:$0x0] =	sbarrier.arrive $0xFFFF  }
0x165: {  	s10 =	rddreg [dreg:$0x6]  }
0x166: {  	s11 =	rddreg [dreg:$0x8]  }
0x167: {  	s22 =	rddreg [dreg:$0xa];
	s10 =	sor.u32 $0x1C03, s10  }
0x168: {  	[hbm:s11], [sflag:s10] =	dma.local [spmem:s22], $0x4F0  }
0x169: {  	_ =	swait.ge [sflag:s19], $0x4F0  }
0x16a: {  	s28 =	rddreg [dreg:$0xb]  }
0x16b: {  	s31 =	rddreg [dreg:$0x9];
	s0 =	sadd.s32 $0x1, s28  }
0x16c: {  	p0 =	sne.s32 s0, s31  }
.Ltmp1:
0x16d: {  	_ = 	snop;
	(pc) =	sbr.rel @p0 .LBB2_1-.Ltmp1, $3  }
0x16e: {  	_ =	sdelay $0x1  }
0x16f: {  	[sflag:s19] =	ssyncset.done $0x0  }
0x170: {  	[sflag:s19] =	ssyncadd.s32 $0xFFFFFB10  }
0x171: {  	_ =	sfence.sel $0x180000  }
0x172: {  	[bflag:$0x0] =	sbarrier.arrive $0xFFFF  }
0x173: {  	_ =	strace $0x9000004A  }
0x174: {  	s0 =	stileid.u32;
	[bflag:$0x2] =	sbarrier.arrive $0xFFFF  }
0x175: {  	p0 =	sne.s32 s0, $0x0;
	s0 =	rddreg [dreg:$0x2]  }
0x176: {  	s0 =	sadd.s32 @!p0 $0x100000, s0  }
0x177: {  	[sflag:s0] =	ssyncadd.tile.s32 @!p0 $0x1;
	_ =	shalt  }
.Lfunc_end2:
_tile_overlayer_lowered:
.L_overlay_start_2:
0x178: {  	(tag) =	ssettag $0x2  }
0x179: {  	s0 =	rddreg [dreg:$0x0];
	s2 =	stileid.u32  }
0x17a: {  	s1 =	rddreg [dreg:$0x1];
	p0 =	sne.s32 s2, $0x0  }
0x17b: {  	s3 =	rddreg [dreg:$0x2];
	[bflag:$0x3] =	sbarrier.arrive $0xFFFF;
	s2 =	simm.s32 @!p0 $0x1C03  }
0x17c: {  	[timem:s3], [sflag:s2] =	dma.local @!p0 [hbm:s0], s1  }
0x17d: {  	s0 =	simm.s32 @!p0 $0x3  }
0x17e: {  	_ =	swait.ge @!p0 [sflag:s0], s1  }
0x17f: {  	s1 =	ssub.s32 @!p0 $0x0, s1;
	[sflag:s0] =	ssyncset.done @!p0 $0x0  }
0x180: {  	[sflag:s0] =	ssyncadd.s32 @!p0 s1  }
0x181: {  	[bflag:$0x3] =	sbarrier.arrive $0xFFFF  }
0x182: {  	_ =	shalt  }

</sc_bundles>
